<compile_context>
chip_gen: v7x
topology: tpu7x:2x2x1
jax: 0.10.2.dev20260603
libtpu: 0.0.44.dev20260713+nightly
codegen_flags: <defaults>
</compile_context>

<pallas_src>
import functools

import jax
import jax.numpy as jnp
from jax import lax
from jax.experimental import pallas as pl
from jax.experimental.pallas import tpu as pltpu
from jax.experimental.pallas import tpu_sc as plsc

NC = 2
NS = 16
LANES = 16
NW = NC * NS

KC = 80
ROWS_PT = 128
N_PAD = 10112
R0_ROWS = 128
_PIECES = [(0, 80), (80, 80), (160, 80), (240, 80), (320, 80),
           (400, 80), (480, 80), (560, 72)]


def _sc_prep_body(n_nodes, row_ref, col_ref, degp_ref, colp_ref,
                  ridx, cidx, cout, hist):
    c = lax.axis_index("c")
    s = lax.axis_index("s")
    tile = c * NS + s
    rbase = tile * ROWS_PT

    def _zero(t, _):
        hist[pl.ds(t * LANES, LANES)] = jnp.zeros((LANES,), jnp.float32)
        return 0
    lax.fori_loop(0, n_nodes // LANES, _zero, 0)

    nvec = KC // LANES
    rpc = ridx.shape[0]
    n_chunks = ROWS_PT // rpc
    ones = jnp.ones((LANES,), jnp.float32)
    trash = jnp.full((LANES,), n_nodes, jnp.int32)

    for ch in range(n_chunks):
        cb = rbase + ch * rpc
        pltpu.sync_copy(row_ref.at[pl.ds(cb, rpc)], ridx)
        pltpu.sync_copy(col_ref.at[pl.ds(cb, rpc)], cidx)

        def _edge(t, _):
            i = t // nvec
            j = (t % nvec) * LANES
            r = ridx[i, pl.ds(j, LANES)]
            cc = cidx[i, pl.ds(j, LANES)]
            m = r != cc
            plsc.addupdate_scatter(hist, [r], ones, mask=m)
            cout[i, pl.ds(j, LANES)] = jnp.where(m, cc, trash)
            return 0
        lax.fori_loop(0, rpc * nvec, _edge, 0)
        pltpu.sync_copy(cout, colp_ref.at[pl.ds(cb, rpc)])

    pltpu.sync_copy(hist, degp_ref.at[pl.ds(tile * n_nodes, n_nodes)])


def _sc_matvec_body(r0, u_ref, row_ref, colp_ref, out_ref,
                    ridx, cidx, gba, gbb, acc,
                    gsa, gsb, ssa, ssb):
    c = lax.axis_index("c")
    s = lax.axis_index("s")
    stripe = s * (N_PAD // NS)

    def _zbuf(t, _):
        gba[t // 8, pl.ds((t % 8) * LANES, LANES)] = jnp.zeros((LANES,), jnp.float32)
        return 0
    lax.fori_loop(0, gba.shape[0] * 8, _zbuf, 0)
    for off, sz in _PIECES:
        pltpu.sync_copy(gba.at[pl.ds(0, sz)], acc.at[pl.ds(stripe + off, sz)])
    plsc.subcore_barrier()

    def _gather(j, buf, sem):
        return pltpu.async_copy(u_ref.at[ridx.at[j]], buf, sem)

    def _scatter(j, buf, sem):
        return pltpu.async_copy(buf, acc.at[cidx.at[j]], sem, add=True)

    qrows = ridx.shape[0]
    blk = 2 * ROWS_PT
    rbase = s * blk + c * r0
    nq = jnp.where(c == 0, r0 // qrows, (blk - r0) // qrows)

    def _quarter(q, _):
        qb = rbase + q * qrows
        pltpu.sync_copy(row_ref.at[pl.ds(qb, qrows)], ridx)
        pltpu.sync_copy(colp_ref.at[pl.ds(qb, qrows)], cidx)

        _gather(0, gba, gsa)
        _gather(1, gbb, gsb)

        def _pair(t, _):
            c0 = 2 * t
            c1 = c0 + 1
            pltpu.make_async_copy(u_ref.at[ridx.at[c0]], gba, gsa).wait()
            sa = _scatter(c0, gba, ssa)
            pltpu.make_async_copy(u_ref.at[ridx.at[c1]], gbb, gsb).wait()
            sa.wait()
            _gather(c0 + 2, gba, gsa)
            sb = _scatter(c1, gbb, ssb)
            sb.wait()
            _gather(c1 + 2, gbb, gsb)
            return 0
        lax.fori_loop(0, qrows // 2 - 1, _pair, 0)

        c0 = qrows - 2
        pltpu.make_async_copy(u_ref.at[ridx.at[c0]], gba, gsa).wait()
        sa = _scatter(c0, gba, ssa)
        pltpu.make_async_copy(u_ref.at[ridx.at[c0 + 1]], gbb, gsb).wait()
        sa.wait()
        _scatter(c0 + 1, gbb, ssb).wait()
        return 0
    lax.fori_loop(0, nq, _quarter, 0)
    plsc.subcore_barrier()

    for off, sz in _PIECES:
        pltpu.sync_copy(acc.at[pl.ds(stripe + off, sz)], gba.at[pl.ds(0, sz)])
        pltpu.sync_copy(gba.at[pl.ds(0, sz)], out_ref.at[c, pl.ds(stripe + off, sz)])


def _make_sc_prep(n_nodes, rows_total):
    mesh = plsc.VectorSubcoreMesh(core_axis_name="c", subcore_axis_name="s")
    rpc = 32
    return pl.kernel(
        functools.partial(_sc_prep_body, n_nodes),
        out_type=(
            jax.ShapeDtypeStruct((NW * n_nodes,), jnp.float32),
            jax.ShapeDtypeStruct((rows_total, KC), jnp.int32),
        ),
        mesh=mesh,
        scratch_types=[
            pltpu.VMEM((rpc, KC), jnp.int32),
            pltpu.VMEM((rpc, KC), jnp.int32),
            pltpu.VMEM((rpc, KC), jnp.int32),
            pltpu.VMEM((n_nodes,), jnp.float32),
        ],
        compiler_params=pltpu.CompilerParams(needs_layout_passes=False),
    )


def _make_sc_matvec(r0, d):
    mesh = plsc.VectorSubcoreMesh(core_axis_name="c", subcore_axis_name="s")
    return pl.kernel(
        functools.partial(_sc_matvec_body, r0),
        out_type=jax.ShapeDtypeStruct((NC, N_PAD, d), jnp.float32),
        mesh=mesh,
        scratch_types=[
            pltpu.VMEM((64, KC), jnp.int32),
            pltpu.VMEM((64, KC), jnp.int32),
            pltpu.VMEM((KC, d), jnp.float32),
            pltpu.VMEM((KC, d), jnp.float32),
            pltpu.VMEM_SHARED((N_PAD, d), jnp.float32),
            pltpu.SemaphoreType.DMA,
            pltpu.SemaphoreType.DMA,
            pltpu.SemaphoreType.DMA,
            pltpu.SemaphoreType.DMA,
        ],
        compiler_params=pltpu.CompilerParams(needs_layout_passes=False),
    )


def _tc_scale_body(degp_ref, x_ref, dis_ref, u_ref):
    deg = jnp.sum(degp_ref[...], axis=1, keepdims=True)
    dis = jnp.where(deg > 0.0, lax.rsqrt(jnp.maximum(deg, 1e-30)), 0.0)
    dis_ref[...] = dis
    u_ref[...] = dis * x_ref[...]


def _tc_layer_body(final, v_ref, p_ref, dis_ref, w_ref, b_ref, r_ref, h_ref,
                   u_ref=None):
    dis = dis_ref[...]
    t = -dis * (p_ref[0] + p_ref[1])
    acc = (jnp.dot(v_ref[...], w_ref[0], preferred_element_type=jnp.float32)
           + jnp.dot(t, w_ref[1], preferred_element_type=jnp.float32)
           + b_ref[...])
    if final:
        h_ref[...] = acc + r_ref[...]
    else:
        h = jnp.maximum(acc, 0.0)
        h_ref[...] = h
        u_ref[...] = dis * h


def _tc_scale(degp_t, x):
    n, d = x.shape
    nb = 400
    grid = n // nb
    return pl.pallas_call(
        _tc_scale_body,
        grid=(grid,),
        in_specs=[
            pl.BlockSpec((nb, NW), lambda i: (i, 0)),
            pl.BlockSpec((nb, d), lambda i: (i, 0)),
        ],
        out_specs=[
            pl.BlockSpec((nb, 1), lambda i: (i, 0)),
            pl.BlockSpec((nb, d), lambda i: (i, 0)),
        ],
        out_shape=[
            jax.ShapeDtypeStruct((n, 1), jnp.float32),
            jax.ShapeDtypeStruct((n, d), jnp.float32),
        ],
    )(degp_t, x)


def _tc_layer(v, p, dis, w, b, r, final):
    n, d = v.shape
    nb = 400
    grid = n // nb
    in_specs = [
        pl.BlockSpec((nb, d), lambda i: (i, 0)),
        pl.BlockSpec((NC, nb, d), lambda i: (0, i, 0)),
        pl.BlockSpec((nb, 1), lambda i: (i, 0)),
        pl.BlockSpec(w.shape, lambda i: (0, 0, 0)),
        pl.BlockSpec((1, d), lambda i: (0, 0)),
        pl.BlockSpec((nb, d), lambda i: (i, 0)),
    ]
    if final:
        out_specs = pl.BlockSpec((nb, d), lambda i: (i, 0))
        out_shape = jax.ShapeDtypeStruct((n, d), jnp.float32)
    else:
        out_specs = [pl.BlockSpec((nb, d), lambda i: (i, 0))] * 2
        out_shape = [jax.ShapeDtypeStruct((n, d), jnp.float32)] * 2
    return pl.pallas_call(
        functools.partial(_tc_layer_body, final),
        grid=(grid,),
        in_specs=in_specs,
        out_specs=out_specs,
        out_shape=out_shape,
    )(v, p, dis, w, b, r)


def kernel(x, edge_index, W1, b1, W2, b2):
    n, d = x.shape
    e = edge_index.shape[1]
    rows_total = NW * ROWS_PT
    e_pad = rows_total * KC
    pad = jnp.zeros((e_pad - e,), jnp.int32)
    row2 = jnp.concatenate([edge_index[0], pad]).reshape(rows_total, KC)
    col2 = jnp.concatenate([edge_index[1], pad]).reshape(rows_total, KC)

    degp, colp = _make_sc_prep(n, rows_total)(row2, col2)
    dis, u1 = _tc_scale(degp.reshape(NW, n).T, x)

    mv = _make_sc_matvec(R0_ROWS, d)
    p1 = mv(u1, row2, colp)
    h, u2 = _tc_layer(x, p1, dis, W1, b1.reshape(1, d), x, final=False)
    p2 = mv(u2, row2, colp)
    out = _tc_layer(h, p2, dis, W2, b2.reshape(1, d), x, final=True)
    return out

# --- scband reference (transcript-rebuilt; emitter-appended) ---
"""Pipeline reference for scband-chebconv-rez-53403623358893 (READ-ONLY COPY).

The authoritative reference and input builder live on the scoring server;
editing this copy changes nothing except your own understanding.
"""

import jax, jax.numpy as jnp
import numpy as np

N = 10000
E = 320000
D = 128
K = 2  # Chebyshev order


def setup_inputs(seed: int = 0) -> dict:
    key = jax.random.key(seed)
    k1, k2, k3, k4, k5, k6 = jax.random.split(key, 6)
    x = jax.random.normal(k1, (N, D), dtype=jnp.float32)
    edge_index = jax.random.randint(k2, (2, E), 0, N, dtype=jnp.int32)
    s = 1.0 / np.sqrt(D)
    W1 = jax.random.uniform(k3, (K, D, D), minval=-s, maxval=s, dtype=jnp.float32)
    b1 = jax.random.uniform(k4, (D,), minval=-s, maxval=s, dtype=jnp.float32)
    W2 = jax.random.uniform(k5, (K, D, D), minval=-s, maxval=s, dtype=jnp.float32)
    b2 = jax.random.uniform(k6, (D,), minval=-s, maxval=s, dtype=jnp.float32)
    return {"x": x, "edge_index": edge_index, "W1": W1, "b1": b1, "W2": W2, "b2": b2}


def _cheb_conv(x, edge_index, W, b):
    # PyG ChebConv with normalization='sym', lambda_max=2.0:
    # L_hat = -D^{-1/2} A D^{-1/2} on off-diagonal, 0 on diagonal.
    row = edge_index[0]
    col = edge_index[1]
    # remove self loops by zeroing their weight (keeps static shapes)
    w = jnp.where(row != col, 1.0, 0.0).astype(x.dtype)
    deg = jnp.zeros((x.shape[0],), dtype=x.dtype).at[row].add(w)
    deg_inv_sqrt = jnp.where(deg > 0, deg ** -0.5, 0.0)
    norm = -(deg_inv_sqrt[row] * w * deg_inv_sqrt[col])

    def matvec(v):
        # message: norm * v[src]; aggregate (scatter-add) at dst
        return jnp.zeros_like(v).at[col].add(norm[:, None] * v[row])

    Tx0 = x
    out = Tx0 @ W[0]
    Tx1 = matvec(x)
    out = out + Tx1 @ W[1]
    Txp, Txc = Tx0, Tx1
    for k in range(2, W.shape[0]):
        Txn = 2.0 * matvec(Txc) - Txp
        out = out + Txn @ W[k]
        Txp, Txc = Txc, Txn
    return out + b


def reference(x, edge_index, W1, b1, W2, b2):
    x0 = x
    h = jax.nn.relu(_cheb_conv(x, edge_index, W1, b1))
    h = _cheb_conv(h, edge_index, W2, b2)
    return h + x0

if __name__ == "__main__":
    import jax
    _d = setup_inputs()
    print(jax.jit(kernel)(*tuple(_d.values())))

</pallas_src>

<mosaic_0001>
#map = affine_map<(d0, d1) -> (0, 0)>
#map1 = affine_map<(d0, d1) -> (0, 0, 0)>
module attributes {stable_mosaic.version = 14 : i64} {
  func.func @_sc_matvec_body(%arg0: i32, %arg1: i32, %arg2: memref<10000x128xf32, #tpu.memory_space<hbm>>, %arg3: memref<4096x80xi32, #tpu.memory_space<hbm>>, %arg4: memref<4096x80xi32, #tpu.memory_space<hbm>>, %arg5: memref<2x10112x128xf32, #tpu.memory_space<hbm>>, %arg6: memref<64x80xi32, #tpu.memory_space<vmem>>, %arg7: memref<64x80xi32, #tpu.memory_space<vmem>>, %arg8: memref<80x128xf32, #tpu.memory_space<vmem>>, %arg9: memref<80x128xf32, #tpu.memory_space<vmem>>, %arg10: memref<10112x128xf32, #tpu.memory_space<vmem_shared>>, %arg11: memref<!tpu.dma_semaphore, #tpu.memory_space<semaphore_mem>>, %arg12: memref<!tpu.dma_semaphore, #tpu.memory_space<semaphore_mem>>, %arg13: memref<!tpu.dma_semaphore, #tpu.memory_space<semaphore_mem>>, %arg14: memref<!tpu.dma_semaphore, #tpu.memory_space<semaphore_mem>>) attributes {dimension_semantics = [#tpu.dimension_semantics<core_parallel>, #tpu.dimension_semantics<subcore_parallel>], iteration_bounds = array<i64: 2, 16>, scalar_prefetch = 0 : i64, scratch_operands = 9 : i64, tpu.core_type = #tpu.core_type<sc_vector_subcore>, window_params = [{transform_indices = #map}, {transform_indices = #map}, {transform_indices = #map}, {transform_indices = #map1}]} {
    %mul3A = arith.constant 632 : i32
    %mul3A_0 = arith.muli %arg1, %mul3A : i32
    %scan3A = arith.constant 0 : i32
    %scan3A_1 = arith.constant 0 : i32
    %scan3A_2 = arith.constant 640 : i32
    %scan3A_3 = arith.addi %scan3A_1, %scan3A_2 : i32
    %scan3A_4 = arith.constant 1 : i32
    %scan3A_5 = scf.for %scan3A_73 = %scan3A_1 to %scan3A_3 step %scan3A_4 iter_args(%scan3A_74 = %scan3A) -> (i32)  : i32 {
      %broadcast_in_dim3A = arith.constant 0.000000e+00 : f32
      %broadcast_in_dim3A_75 = vector.broadcast %broadcast_in_dim3A : f32 to vector<16xf32>
      %jit3A_76 = arith.constant 8 : i32
      %div3A = arith.divsi %scan3A_73, %jit3A_76 : i32
      %sign3A = arith.constant 0 : i32
      %sign3A_77 = arith.cmpi sgt, %scan3A_73, %sign3A : i32
      %sign3A_78 = arith.extui %sign3A_77 : i1 to i32
      %sign3A_79 = arith.constant 0 : i32
      %sign3A_80 = arith.cmpi slt, %scan3A_73, %sign3A_79 : i32
      %sign3A_81 = arith.extui %sign3A_80 : i1 to i32
      %sign3A_82 = arith.subi %sign3A_78, %sign3A_81 : i32
      %sign3A_83 = arith.constant 0 : i32
      %sign3A_84 = arith.cmpi sgt, %jit3A_76, %sign3A_83 : i32
      %sign3A_85 = arith.extui %sign3A_84 : i1 to i32
      %sign3A_86 = arith.constant 0 : i32
      %sign3A_87 = arith.cmpi slt, %jit3A_76, %sign3A_86 : i32
      %sign3A_88 = arith.extui %sign3A_87 : i1 to i32
      %sign3A_89 = arith.subi %sign3A_85, %sign3A_88 : i32
      %ne3A = arith.cmpi ne, %sign3A_82, %sign3A_89 : i32
      %rem3A = arith.remsi %scan3A_73, %jit3A_76 : i32
      %ne3A_90 = arith.constant 0 : i32
      %ne3A_91 = arith.cmpi ne, %rem3A, %ne3A_90 : i32
      %and3A = arith.andi %ne3A, %ne3A_91 : i1
      %sub3A = arith.constant 1 : i32
      %sub3A_92 = arith.subi %div3A, %sub3A : i32
      %select_n3A_93 = arith.select %and3A, %sub3A_92, %div3A : i32
      %jit3A_94 = arith.constant 8 : i32
      %eq3A_95 = arith.constant 0 : i32
      %eq3A_96 = arith.cmpi eq, %jit3A_94, %eq3A_95 : i32
      %jit3A_97 = arith.constant 1 : i32
      %select_n3A_98 = arith.select %eq3A_96, %jit3A_97, %jit3A_94 : i32
      %rem3A_99 = arith.remsi %scan3A_73, %select_n3A_98 : i32
      %ne3A_100 = arith.constant 0 : i32
      %ne3A_101 = arith.cmpi ne, %rem3A_99, %ne3A_100 : i32
      %lt3A = arith.constant 0 : i32
      %lt3A_102 = arith.cmpi slt, %rem3A_99, %lt3A : i32
      %lt3A_103 = arith.constant 0 : i32
      %lt3A_104 = arith.cmpi slt, %select_n3A_98, %lt3A_103 : i32
      %ne3A_105 = arith.xori %lt3A_102, %lt3A_104 : i1
      %and3A_106 = arith.andi %ne3A_105, %ne3A_101 : i1
      %add3A_107 = arith.addi %rem3A_99, %select_n3A_98 : i32
      %select_n3A_108 = arith.select %and3A_106, %add3A_107, %rem3A_99 : i32
      %mul3A_109 = arith.constant 16 : i32
      %mul3A_110 = arith.muli %select_n3A_108, %mul3A_109 : i32
      %swap3A = arith.index_cast %select_n3A_93 : i32 to index
      %swap3A_111 = arith.index_cast %mul3A_110 : i32 to index
      %swap3A_112 = tpu.vector_load %arg8[%swap3A, %swap3A_111] {strides = array<i32>} : memref<80x128xf32, #tpu.memory_space<vmem>>, vector<16xf32>,
      tpu.vector_store %arg8[%swap3A, %swap3A_111], %broadcast_in_dim3A_75 {strides = array<i32>} : memref<80x128xf32, #tpu.memory_space<vmem>>, vector<16xf32>,
      %scan3A_113 = arith.constant 0 : i32
      scf.yield %scan3A_113 : i32
    }
    %scan3A_6 = arith.constant 640 : i32
    %add3A = arith.constant 0 : i32
    %add3A_7 = arith.addi %mul3A_0, %add3A : i32
    "tpu.region"() ({
      %run_scoped3A = tpu.sem_alloc : memref<!tpu.dma_semaphore, #tpu.memory_space<semaphore_mem>>
      %dma_start3A = arith.constant 0 : i32
      %dma_start3A_73 = arith.constant 0 : i32
      %dma_start3A_74 = tpu.memref_slice %arg8[%dma_start3A, %dma_start3A_73] : memref<80x128xf32, #tpu.memory_space<vmem>> -> memref<80x128xf32, #tpu.memory_space<vmem>>
      %dma_start3A_75 = arith.constant 0 : i32
      %dma_start3A_76 = tpu.memref_slice %arg10[%add3A_7, %dma_start3A_75] : memref<10112x128xf32, #tpu.memory_space<vmem_shared>> -> memref<80x128xf32, #tpu.memory_space<vmem_shared>>
      %dma_start3A_77 = arith.constant 0 : i32
      %dma_start3A_78 = tpu.memref_slice %arg10[%add3A_7, %dma_start3A_77] : memref<10112x128xf32, #tpu.memory_space<vmem_shared>> -> memref<80x128xf32, #tpu.memory_space<vmem_shared>>
      %dma_start3A_79 = arith.constant 0 : i32
      %dma_start3A_80 = arith.constant 0 : i32
      %dma_start3A_81 = tpu.memref_slice %arg8[%dma_start3A_79, %dma_start3A_80] : memref<80x128xf32, #tpu.memory_space<vmem>> -> memref<80x128xf32, #tpu.memory_space<vmem>>
      tpu.enqueue_dma source(%dma_start3A_81 : memref<80x128xf32, #tpu.memory_space<vmem>>) target(%dma_start3A_78 : memref<80x128xf32, #tpu.memory_space<vmem_shared>>) target_semaphore(%run_scoped3A : memref<!tpu.dma_semaphore, #tpu.memory_space<semaphore_mem>>)
      %dma_wait3A = arith.constant 0 : i32
      %dma_wait3A_82 = arith.constant 0 : i32
      %dma_wait3A_83 = tpu.memref_slice %arg8[%dma_wait3A, %dma_wait3A_82] : memref<80x128xf32, #tpu.memory_space<vmem>> -> memref<80x128xf32, #tpu.memory_space<vmem>>
      %dma_wait3A_84 = arith.constant 0 : i32
      %dma_wait3A_85 = tpu.memref_slice %arg10[%add3A_7, %dma_wait3A_84] : memref<10112x128xf32, #tpu.memory_space<vmem_shared>> -> memref<80x128xf32, #tpu.memory_space<vmem_shared>>
      %dma_wait3A_86 = arith.constant 0 : i32
      %dma_wait3A_87 = tpu.memref_slice %arg10[%add3A_7, %dma_wait3A_86] : memref<10112x128xf32, #tpu.memory_space<vmem_shared>> -> memref<80x128xf32, #tpu.memory_space<vmem_shared>>
      %dma_wait3A_88 = arith.constant 0 : i32
      %dma_wait3A_89 = arith.constant 0 : i32
      %dma_wait3A_90 = tpu.memref_slice %arg8[%dma_wait3A_88, %dma_wait3A_89] : memref<80x128xf32, #tpu.memory_space<vmem>> -> memref<80x128xf32, #tpu.memory_space<vmem>>
      tpu.wait_dma2 semaphore(%run_scoped3A : memref<!tpu.dma_semaphore, #tpu.memory_space<semaphore_mem>>) src(%dma_wait3A_90 : memref<80x128xf32, #tpu.memory_space<vmem>>) dst(%dma_wait3A_87 : memref<80x128xf32, #tpu.memory_space<vmem_shared>>)
      tpu.yield
    }) : () -> ()
    %add3A_8 = arith.constant 80 : i32
    %add3A_9 = arith.addi %mul3A_0, %add3A_8 : i32
    "tpu.region"() ({
      %run_scoped3A = tpu.sem_alloc : memref<!tpu.dma_semaphore, #tpu.memory_space<semaphore_mem>>
      %dma_start3A = arith.constant 0 : i32
      %dma_start3A_73 = arith.constant 0 : i32
      %dma_start3A_74 = tpu.memref_slice %arg8[%dma_start3A, %dma_start3A_73] : memref<80x128xf32, #tpu.memory_space<vmem>> -> memref<80x128xf32, #tpu.memory_space<vmem>>
      %dma_start3A_75 = arith.constant 0 : i32
      %dma_start3A_76 = tpu.memref_slice %arg10[%add3A_9, %dma_start3A_75] : memref<10112x128xf32, #tpu.memory_space<vmem_shared>> -> memref<80x128xf32, #tpu.memory_space<vmem_shared>>
      %dma_start3A_77 = arith.constant 0 : i32
      %dma_start3A_78 = tpu.memref_slice %arg10[%add3A_9, %dma_start3A_77] : memref<10112x128xf32, #tpu.memory_space<vmem_shared>> -> memref<80x128xf32, #tpu.memory_space<vmem_shared>>
      %dma_start3A_79 = arith.constant 0 : i32
      %dma_start3A_80 = arith.constant 0 : i32
      %dma_start3A_81 = tpu.memref_slice %arg8[%dma_start3A_79, %dma_start3A_80] : memref<80x128xf32, #tpu.memory_space<vmem>> -> memref<80x128xf32, #tpu.memory_space<vmem>>
      tpu.enqueue_dma source(%dma_start3A_81 : memref<80x128xf32, #tpu.memory_space<vmem>>) target(%dma_start3A_78 : memref<80x128xf32, #tpu.memory_space<vmem_shared>>) target_semaphore(%run_scoped3A : memref<!tpu.dma_semaphore, #tpu.memory_space<semaphore_mem>>)
      %dma_wait3A = arith.constant 0 : i32
      %dma_wait3A_82 = arith.constant 0 : i32
      %dma_wait3A_83 = tpu.memref_slice %arg8[%dma_wait3A, %dma_wait3A_82] : memref<80x128xf32, #tpu.memory_space<vmem>> -> memref<80x128xf32, #tpu.memory_space<vmem>>
      %dma_wait3A_84 = arith.constant 0 : i32
      %dma_wait3A_85 = tpu.memref_slice %arg10[%add3A_9, %dma_wait3A_84] : memref<10112x128xf32, #tpu.memory_space<vmem_shared>> -> memref<80x128xf32, #tpu.memory_space<vmem_shared>>
      %dma_wait3A_86 = arith.constant 0 : i32
      %dma_wait3A_87 = tpu.memref_slice %arg10[%add3A_9, %dma_wait3A_86] : memref<10112x128xf32, #tpu.memory_space<vmem_shared>> -> memref<80x128xf32, #tpu.memory_space<vmem_shared>>
      %dma_wait3A_88 = arith.constant 0 : i32
      %dma_wait3A_89 = arith.constant 0 : i32
      %dma_wait3A_90 = tpu.memref_slice %arg8[%dma_wait3A_88, %dma_wait3A_89] : memref<80x128xf32, #tpu.memory_space<vmem>> -> memref<80x128xf32, #tpu.memory_space<vmem>>
      tpu.wait_dma2 semaphore(%run_scoped3A : memref<!tpu.dma_semaphore, #tpu.memory_space<semaphore_mem>>) src(%dma_wait3A_90 : memref<80x128xf32, #tpu.memory_space<vmem>>) dst(%dma_wait3A_87 : memref<80x128xf32, #tpu.memory_space<vmem_shared>>)
      tpu.yield
    }) : () -> ()
    %add3A_10 = arith.constant 160 : i32
    %add3A_11 = arith.addi %mul3A_0, %add3A_10 : i32
    "tpu.region"() ({
      %run_scoped3A = tpu.sem_alloc : memref<!tpu.dma_semaphore, #tpu.memory_space<semaphore_mem>>
      %dma_start3A = arith.constant 0 : i32
      %dma_start3A_73 = arith.constant 0 : i32
      %dma_start3A_74 = tpu.memref_slice %arg8[%dma_start3A, %dma_start3A_73] : memref<80x128xf32, #tpu.memory_space<vmem>> -> memref<80x128xf32, #tpu.memory_space<vmem>>
      %dma_start3A_75 = arith.constant 0 : i32
      %dma_start3A_76 = tpu.memref_slice %arg10[%add3A_11, %dma_start3A_75] : memref<10112x128xf32, #tpu.memory_space<vmem_shared>> -> memref<80x128xf32, #tpu.memory_space<vmem_shared>>
      %dma_start3A_77 = arith.constant 0 : i32
      %dma_start3A_78 = tpu.memref_slice %arg10[%add3A_11, %dma_start3A_77] : memref<10112x128xf32, #tpu.memory_space<vmem_shared>> -> memref<80x128xf32, #tpu.memory_space<vmem_shared>>
      %dma_start3A_79 = arith.constant 0 : i32
      %dma_start3A_80 = arith.constant 0 : i32
      %dma_start3A_81 = tpu.memref_slice %arg8[%dma_start3A_79, %dma_start3A_80] : memref<80x128xf32, #tpu.memory_space<vmem>> -> memref<80x128xf32, #tpu.memory_space<vmem>>
      tpu.enqueue_dma source(%dma_start3A_81 : memref<80x128xf32, #tpu.memory_space<vmem>>) target(%dma_start3A_78 : memref<80x128xf32, #tpu.memory_space<vmem_shared>>) target_semaphore(%run_scoped3A : memref<!tpu.dma_semaphore, #tpu.memory_space<semaphore_mem>>)
      %dma_wait3A = arith.constant 0 : i32
      %dma_wait3A_82 = arith.constant 0 : i32
      %dma_wait3A_83 = tpu.memref_slice %arg8[%dma_wait3A, %dma_wait3A_82] : memref<80x128xf32, #tpu.memory_space<vmem>> -> memref<80x128xf32, #tpu.memory_space<vmem>>
      %dma_wait3A_84 = arith.constant 0 : i32
      %dma_wait3A_85 = tpu.memref_slice %arg10[%add3A_11, %dma_wait3A_84] : memref<10112x128xf32, #tpu.memory_space<vmem_shared>> -> memref<80x128xf32, #tpu.memory_space<vmem_shared>>
      %dma_wait3A_86 = arith.constant 0 : i32
      %dma_wait3A_87 = tpu.memref_slice %arg10[%add3A_11, %dma_wait3A_86] : memref<10112x128xf32, #tpu.memory_space<vmem_shared>> -> memref<80x128xf32, #tpu.memory_space<vmem_shared>>
      %dma_wait3A_88 = arith.constant 0 : i32
      %dma_wait3A_89 = arith.constant 0 : i32
      %dma_wait3A_90 = tpu.memref_slice %arg8[%dma_wait3A_88, %dma_wait3A_89] : memref<80x128xf32, #tpu.memory_space<vmem>> -> memref<80x128xf32, #tpu.memory_space<vmem>>
      tpu.wait_dma2 semaphore(%run_scoped3A : memref<!tpu.dma_semaphore, #tpu.memory_space<semaphore_mem>>) src(%dma_wait3A_90 : memref<80x128xf32, #tpu.memory_space<vmem>>) dst(%dma_wait3A_87 : memref<80x128xf32, #tpu.memory_space<vmem_shared>>)
      tpu.yield
    }) : () -> ()
    %add3A_12 = arith.constant 240 : i32
    %add3A_13 = arith.addi %mul3A_0, %add3A_12 : i32
    "tpu.region"() ({
      %run_scoped3A = tpu.sem_alloc : memref<!tpu.dma_semaphore, #tpu.memory_space<semaphore_mem>>
      %dma_start3A = arith.constant 0 : i32
      %dma_start3A_73 = arith.constant 0 : i32
      %dma_start3A_74 = tpu.memref_slice %arg8[%dma_start3A, %dma_start3A_73] : memref<80x128xf32, #tpu.memory_space<vmem>> -> memref<80x128xf32, #tpu.memory_space<vmem>>
      %dma_start3A_75 = arith.constant 0 : i32
      %dma_start3A_76 = tpu.memref_slice %arg10[%add3A_13, %dma_start3A_75] : memref<10112x128xf32, #tpu.memory_space<vmem_shared>> -> memref<80x128xf32, #tpu.memory_space<vmem_shared>>
      %dma_start3A_77 = arith.constant 0 : i32
      %dma_start3A_78 = tpu.memref_slice %arg10[%add3A_13, %dma_start3A_77] : memref<10112x128xf32, #tpu.memory_space<vmem_shared>> -> memref<80x128xf32, #tpu.memory_space<vmem_shared>>
      %dma_start3A_79 = arith.constant 0 : i32
      %dma_start3A_80 = arith.constant 0 : i32
      %dma_start3A_81 = tpu.memref_slice %arg8[%dma_start3A_79, %dma_start3A_80] : memref<80x128xf32, #tpu.memory_space<vmem>> -> memref<80x128xf32, #tpu.memory_space<vmem>>
      tpu.enqueue_dma source(%dma_start3A_81 : memref<80x128xf32, #tpu.memory_space<vmem>>) target(%dma_start3A_78 : memref<80x128xf32, #tpu.memory_space<vmem_shared>>) target_semaphore(%run_scoped3A : memref<!tpu.dma_semaphore, #tpu.memory_space<semaphore_mem>>)
      %dma_wait3A = arith.constant 0 : i32
      %dma_wait3A_82 = arith.constant 0 : i32
      %dma_wait3A_83 = tpu.memref_slice %arg8[%dma_wait3A, %dma_wait3A_82] : memref<80x128xf32, #tpu.memory_space<vmem>> -> memref<80x128xf32, #tpu.memory_space<vmem>>
      %dma_wait3A_84 = arith.constant 0 : i32
      %dma_wait3A_85 = tpu.memref_slice %arg10[%add3A_13, %dma_wait3A_84] : memref<10112x128xf32, #tpu.memory_space<vmem_shared>> -> memref<80x128xf32, #tpu.memory_space<vmem_shared>>
      %dma_wait3A_86 = arith.constant 0 : i32
      %dma_wait3A_87 = tpu.memref_slice %arg10[%add3A_13, %dma_wait3A_86] : memref<10112x128xf32, #tpu.memory_space<vmem_shared>> -> memref<80x128xf32, #tpu.memory_space<vmem_shared>>
      %dma_wait3A_88 = arith.constant 0 : i32
      %dma_wait3A_89 = arith.constant 0 : i32
      %dma_wait3A_90 = tpu.memref_slice %arg8[%dma_wait3A_88, %dma_wait3A_89] : memref<80x128xf32, #tpu.memory_space<vmem>> -> memref<80x128xf32, #tpu.memory_space<vmem>>
      tpu.wait_dma2 semaphore(%run_scoped3A : memref<!tpu.dma_semaphore, #tpu.memory_space<semaphore_mem>>) src(%dma_wait3A_90 : memref<80x128xf32, #tpu.memory_space<vmem>>) dst(%dma_wait3A_87 : memref<80x128xf32, #tpu.memory_space<vmem_shared>>)
      tpu.yield
    }) : () -> ()
    %add3A_14 = arith.constant 320 : i32
    %add3A_15 = arith.addi %mul3A_0, %add3A_14 : i32
    "tpu.region"() ({
      %run_scoped3A = tpu.sem_alloc : memref<!tpu.dma_semaphore, #tpu.memory_space<semaphore_mem>>
      %dma_start3A = arith.constant 0 : i32
      %dma_start3A_73 = arith.constant 0 : i32
      %dma_start3A_74 = tpu.memref_slice %arg8[%dma_start3A, %dma_start3A_73] : memref<80x128xf32, #tpu.memory_space<vmem>> -> memref<80x128xf32, #tpu.memory_space<vmem>>
      %dma_start3A_75 = arith.constant 0 : i32
      %dma_start3A_76 = tpu.memref_slice %arg10[%add3A_15, %dma_start3A_75] : memref<10112x128xf32, #tpu.memory_space<vmem_shared>> -> memref<80x128xf32, #tpu.memory_space<vmem_shared>>
      %dma_start3A_77 = arith.constant 0 : i32
      %dma_start3A_78 = tpu.memref_slice %arg10[%add3A_15, %dma_start3A_77] : memref<10112x128xf32, #tpu.memory_space<vmem_shared>> -> memref<80x128xf32, #tpu.memory_space<vmem_shared>>
      %dma_start3A_79 = arith.constant 0 : i32
      %dma_start3A_80 = arith.constant 0 : i32
      %dma_start3A_81 = tpu.memref_slice %arg8[%dma_start3A_79, %dma_start3A_80] : memref<80x128xf32, #tpu.memory_space<vmem>> -> memref<80x128xf32, #tpu.memory_space<vmem>>
      tpu.enqueue_dma source(%dma_start3A_81 : memref<80x128xf32, #tpu.memory_space<vmem>>) target(%dma_start3A_78 : memref<80x128xf32, #tpu.memory_space<vmem_shared>>) target_semaphore(%run_scoped3A : memref<!tpu.dma_semaphore, #tpu.memory_space<semaphore_mem>>)
      %dma_wait3A = arith.constant 0 : i32
      %dma_wait3A_82 = arith.constant 0 : i32
      %dma_wait3A_83 = tpu.memref_slice %arg8[%dma_wait3A, %dma_wait3A_82] : memref<80x128xf32, #tpu.memory_space<vmem>> -> memref<80x128xf32, #tpu.memory_space<vmem>>
      %dma_wait3A_84 = arith.constant 0 : i32
      %dma_wait3A_85 = tpu.memref_slice %arg10[%add3A_15, %dma_wait3A_84] : memref<10112x128xf32, #tpu.memory_space<vmem_shared>> -> memref<80x128xf32, #tpu.memory_space<vmem_shared>>
      %dma_wait3A_86 = arith.constant 0 : i32
      %dma_wait3A_87 = tpu.memref_slice %arg10[%add3A_15, %dma_wait3A_86] : memref<10112x128xf32, #tpu.memory_space<vmem_shared>> -> memref<80x128xf32, #tpu.memory_space<vmem_shared>>
      %dma_wait3A_88 = arith.constant 0 : i32
      %dma_wait3A_89 = arith.constant 0 : i32
      %dma_wait3A_90 = tpu.memref_slice %arg8[%dma_wait3A_88, %dma_wait3A_89] : memref<80x128xf32, #tpu.memory_space<vmem>> -> memref<80x128xf32, #tpu.memory_space<vmem>>
      tpu.wait_dma2 semaphore(%run_scoped3A : memref<!tpu.dma_semaphore, #tpu.memory_space<semaphore_mem>>) src(%dma_wait3A_90 : memref<80x128xf32, #tpu.memory_space<vmem>>) dst(%dma_wait3A_87 : memref<80x128xf32, #tpu.memory_space<vmem_shared>>)
      tpu.yield
    }) : () -> ()
    %add3A_16 = arith.constant 400 : i32
    %add3A_17 = arith.addi %mul3A_0, %add3A_16 : i32
    "tpu.region"() ({
      %run_scoped3A = tpu.sem_alloc : memref<!tpu.dma_semaphore, #tpu.memory_space<semaphore_mem>>
      %dma_start3A = arith.constant 0 : i32
      %dma_start3A_73 = arith.constant 0 : i32
      %dma_start3A_74 = tpu.memref_slice %arg8[%dma_start3A, %dma_start3A_73] : memref<80x128xf32, #tpu.memory_space<vmem>> -> memref<80x128xf32, #tpu.memory_space<vmem>>
      %dma_start3A_75 = arith.constant 0 : i32
      %dma_start3A_76 = tpu.memref_slice %arg10[%add3A_17, %dma_start3A_75] : memref<10112x128xf32, #tpu.memory_space<vmem_shared>> -> memref<80x128xf32, #tpu.memory_space<vmem_shared>>
      %dma_start3A_77 = arith.constant 0 : i32
      %dma_start3A_78 = tpu.memref_slice %arg10[%add3A_17, %dma_start3A_77] : memref<10112x128xf32, #tpu.memory_space<vmem_shared>> -> memref<80x128xf32, #tpu.memory_space<vmem_shared>>
      %dma_start3A_79 = arith.constant 0 : i32
      %dma_start3A_80 = arith.constant 0 : i32
      %dma_start3A_81 = tpu.memref_slice %arg8[%dma_start3A_79, %dma_start3A_80] : memref<80x128xf32, #tpu.memory_space<vmem>> -> memref<80x128xf32, #tpu.memory_space<vmem>>
      tpu.enqueue_dma source(%dma_start3A_81 : memref<80x128xf32, #tpu.memory_space<vmem>>) target(%dma_start3A_78 : memref<80x128xf32, #tpu.memory_space<vmem_shared>>) target_semaphore(%run_scoped3A : memref<!tpu.dma_semaphore, #tpu.memory_space<semaphore_mem>>)
      %dma_wait3A = arith.constant 0 : i32
      %dma_wait3A_82 = arith.constant 0 : i32
      %dma_wait3A_83 = tpu.memref_slice %arg8[%dma_wait3A, %dma_wait3A_82] : memref<80x128xf32, #tpu.memory_space<vmem>> -> memref<80x128xf32, #tpu.memory_space<vmem>>
      %dma_wait3A_84 = arith.constant 0 : i32
      %dma_wait3A_85 = tpu.memref_slice %arg10[%add3A_17, %dma_wait3A_84] : memref<10112x128xf32, #tpu.memory_space<vmem_shared>> -> memref<80x128xf32, #tpu.memory_space<vmem_shared>>
      %dma_wait3A_86 = arith.constant 0 : i32
      %dma_wait3A_87 = tpu.memref_slice %arg10[%add3A_17, %dma_wait3A_86] : memref<10112x128xf32, #tpu.memory_space<vmem_shared>> -> memref<80x128xf32, #tpu.memory_space<vmem_shared>>
      %dma_wait3A_88 = arith.constant 0 : i32
      %dma_wait3A_89 = arith.constant 0 : i32
      %dma_wait3A_90 = tpu.memref_slice %arg8[%dma_wait3A_88, %dma_wait3A_89] : memref<80x128xf32, #tpu.memory_space<vmem>> -> memref<80x128xf32, #tpu.memory_space<vmem>>
      tpu.wait_dma2 semaphore(%run_scoped3A : memref<!tpu.dma_semaphore, #tpu.memory_space<semaphore_mem>>) src(%dma_wait3A_90 : memref<80x128xf32, #tpu.memory_space<vmem>>) dst(%dma_wait3A_87 : memref<80x128xf32, #tpu.memory_space<vmem_shared>>)
      tpu.yield
    }) : () -> ()
    %add3A_18 = arith.constant 480 : i32
    %add3A_19 = arith.addi %mul3A_0, %add3A_18 : i32
    "tpu.region"() ({
      %run_scoped3A = tpu.sem_alloc : memref<!tpu.dma_semaphore, #tpu.memory_space<semaphore_mem>>
      %dma_start3A = arith.constant 0 : i32
      %dma_start3A_73 = arith.constant 0 : i32
      %dma_start3A_74 = tpu.memref_slice %arg8[%dma_start3A, %dma_start3A_73] : memref<80x128xf32, #tpu.memory_space<vmem>> -> memref<80x128xf32, #tpu.memory_space<vmem>>
      %dma_start3A_75 = arith.constant 0 : i32
      %dma_start3A_76 = tpu.memref_slice %arg10[%add3A_19, %dma_start3A_75] : memref<10112x128xf32, #tpu.memory_space<vmem_shared>> -> memref<80x128xf32, #tpu.memory_space<vmem_shared>>
      %dma_start3A_77 = arith.constant 0 : i32
      %dma_start3A_78 = tpu.memref_slice %arg10[%add3A_19, %dma_start3A_77] : memref<10112x128xf32, #tpu.memory_space<vmem_shared>> -> memref<80x128xf32, #tpu.memory_space<vmem_shared>>
      %dma_start3A_79 = arith.constant 0 : i32
      %dma_start3A_80 = arith.constant 0 : i32
      %dma_start3A_81 = tpu.memref_slice %arg8[%dma_start3A_79, %dma_start3A_80] : memref<80x128xf32, #tpu.memory_space<vmem>> -> memref<80x128xf32, #tpu.memory_space<vmem>>
      tpu.enqueue_dma source(%dma_start3A_81 : memref<80x128xf32, #tpu.memory_space<vmem>>) target(%dma_start3A_78 : memref<80x128xf32, #tpu.memory_space<vmem_shared>>) target_semaphore(%run_scoped3A : memref<!tpu.dma_semaphore, #tpu.memory_space<semaphore_mem>>)
      %dma_wait3A = arith.constant 0 : i32
      %dma_wait3A_82 = arith.constant 0 : i32
      %dma_wait3A_83 = tpu.memref_slice %arg8[%dma_wait3A, %dma_wait3A_82] : memref<80x128xf32, #tpu.memory_space<vmem>> -> memref<80x128xf32, #tpu.memory_space<vmem>>
      %dma_wait3A_84 = arith.constant 0 : i32
      %dma_wait3A_85 = tpu.memref_slice %arg10[%add3A_19, %dma_wait3A_84] : memref<10112x128xf32, #tpu.memory_space<vmem_shared>> -> memref<80x128xf32, #tpu.memory_space<vmem_shared>>
      %dma_wait3A_86 = arith.constant 0 : i32
      %dma_wait3A_87 = tpu.memref_slice %arg10[%add3A_19, %dma_wait3A_86] : memref<10112x128xf32, #tpu.memory_space<vmem_shared>> -> memref<80x128xf32, #tpu.memory_space<vmem_shared>>
      %dma_wait3A_88 = arith.constant 0 : i32
      %dma_wait3A_89 = arith.constant 0 : i32
      %dma_wait3A_90 = tpu.memref_slice %arg8[%dma_wait3A_88, %dma_wait3A_89] : memref<80x128xf32, #tpu.memory_space<vmem>> -> memref<80x128xf32, #tpu.memory_space<vmem>>
      tpu.wait_dma2 semaphore(%run_scoped3A : memref<!tpu.dma_semaphore, #tpu.memory_space<semaphore_mem>>) src(%dma_wait3A_90 : memref<80x128xf32, #tpu.memory_space<vmem>>) dst(%dma_wait3A_87 : memref<80x128xf32, #tpu.memory_space<vmem_shared>>)
      tpu.yield
    }) : () -> ()
    %add3A_20 = arith.constant 560 : i32
    %add3A_21 = arith.addi %mul3A_0, %add3A_20 : i32
    "tpu.region"() ({
      %run_scoped3A = tpu.sem_alloc : memref<!tpu.dma_semaphore, #tpu.memory_space<semaphore_mem>>
      %dma_start3A = arith.constant 0 : i32
      %dma_start3A_73 = arith.constant 0 : i32
      %dma_start3A_74 = tpu.memref_slice %arg8[%dma_start3A, %dma_start3A_73] : memref<80x128xf32, #tpu.memory_space<vmem>> -> memref<72x128xf32, #tpu.memory_space<vmem>>
      %dma_start3A_75 = arith.constant 0 : i32
      %dma_start3A_76 = tpu.memref_slice %arg10[%add3A_21, %dma_start3A_75] : memref<10112x128xf32, #tpu.memory_space<vmem_shared>> -> memref<72x128xf32, #tpu.memory_space<vmem_shared>>
      %dma_start3A_77 = arith.constant 0 : i32
      %dma_start3A_78 = tpu.memref_slice %arg10[%add3A_21, %dma_start3A_77] : memref<10112x128xf32, #tpu.memory_space<vmem_shared>> -> memref<72x128xf32, #tpu.memory_space<vmem_shared>>
      %dma_start3A_79 = arith.constant 0 : i32
      %dma_start3A_80 = arith.constant 0 : i32
      %dma_start3A_81 = tpu.memref_slice %arg8[%dma_start3A_79, %dma_start3A_80] : memref<80x128xf32, #tpu.memory_space<vmem>> -> memref<72x128xf32, #tpu.memory_space<vmem>>
      tpu.enqueue_dma source(%dma_start3A_81 : memref<72x128xf32, #tpu.memory_space<vmem>>) target(%dma_start3A_78 : memref<72x128xf32, #tpu.memory_space<vmem_shared>>) target_semaphore(%run_scoped3A : memref<!tpu.dma_semaphore, #tpu.memory_space<semaphore_mem>>)
      %dma_wait3A = arith.constant 0 : i32
      %dma_wait3A_82 = arith.constant 0 : i32
      %dma_wait3A_83 = tpu.memref_slice %arg8[%dma_wait3A, %dma_wait3A_82] : memref<80x128xf32, #tpu.memory_space<vmem>> -> memref<72x128xf32, #tpu.memory_space<vmem>>
      %dma_wait3A_84 = arith.constant 0 : i32
      %dma_wait3A_85 = tpu.memref_slice %arg10[%add3A_21, %dma_wait3A_84] : memref<10112x128xf32, #tpu.memory_space<vmem_shared>> -> memref<72x128xf32, #tpu.memory_space<vmem_shared>>
      %dma_wait3A_86 = arith.constant 0 : i32
      %dma_wait3A_87 = tpu.memref_slice %arg10[%add3A_21, %dma_wait3A_86] : memref<10112x128xf32, #tpu.memory_space<vmem_shared>> -> memref<72x128xf32, #tpu.memory_space<vmem_shared>>
      %dma_wait3A_88 = arith.constant 0 : i32
      %dma_wait3A_89 = arith.constant 0 : i32
      %dma_wait3A_90 = tpu.memref_slice %arg8[%dma_wait3A_88, %dma_wait3A_89] : memref<80x128xf32, #tpu.memory_space<vmem>> -> memref<72x128xf32, #tpu.memory_space<vmem>>
      tpu.wait_dma2 semaphore(%run_scoped3A : memref<!tpu.dma_semaphore, #tpu.memory_space<semaphore_mem>>) src(%dma_wait3A_90 : memref<72x128xf32, #tpu.memory_space<vmem>>) dst(%dma_wait3A_87 : memref<72x128xf32, #tpu.memory_space<vmem_shared>>)
      tpu.yield
    }) : () -> ()
    %barrier3A = arith.constant 0 : index
    tpu.barrier barrier_id(%barrier3A)
    %mul3A_22 = arith.constant 256 : i32
    %mul3A_23 = arith.muli %arg1, %mul3A_22 : i32
    %mul3A_24 = arith.constant 128 : i32
    %mul3A_25 = arith.muli %arg0, %mul3A_24 : i32
    %add3A_26 = arith.addi %mul3A_23, %mul3A_25 : i32
    %eq3A = arith.constant 0 : i32
    %eq3A_27 = arith.cmpi eq, %arg0, %eq3A : i32
    %jit3A = arith.constant 2 : i32
    %jit3A_28 = arith.constant 2 : i32
    %select_n3A = arith.select %eq3A_27, %jit3A, %jit3A_28 : i32
    %while3A = arith.constant 0 : i32
    %while3A_29 = arith.constant 0 : i32
    %while3A_30 = arith.subi %select_n3A, %while3A : i32
    %while3A_31 = arith.addi %while3A, %while3A_30 : i32
    %while3A_32 = arith.constant 1 : i32
    %while3A_33 = arith.divsi %while3A_30, %while3A_32 : i32
    %while3A_34 = arith.muli %while3A_33, %while3A_32 : i32
    %while3A_35 = arith.addi %while3A, %while3A_34 : i32
    %while3A_36 = arith.constant 1 : i32
    %while3A_37 = scf.for %while3A_73 = %while3A to %while3A_35 step %while3A_36 iter_args(%while3A_74 = %while3A_29) -> (i32)  : i32 {
      %mul3A_75 = arith.constant 64 : i32
      %mul3A_76 = arith.muli %while3A_73, %mul3A_75 : i32
      %add3A_77 = arith.addi %add3A_26, %mul3A_76 : i32
      "tpu.region"() ({
        %run_scoped3A = tpu.sem_alloc : memref<!tpu.dma_semaphore, #tpu.memory_space<semaphore_mem>>
        %dma_start3A_140 = arith.constant 0 : i32
        %dma_start3A_141 = tpu.memref_slice %arg3[%add3A_77, %dma_start3A_140] : memref<4096x80xi32, #tpu.memory_space<hbm>> -> memref<64x80xi32, #tpu.memory_space<hbm>>
        %dma_start3A_142 = arith.constant 0 : i32
        %dma_start3A_143 = tpu.memref_slice %arg3[%add3A_77, %dma_start3A_142] : memref<4096x80xi32, #tpu.memory_space<hbm>> -> memref<64x80xi32, #tpu.memory_space<hbm>>
        tpu.enqueue_dma source(%dma_start3A_143 : memref<64x80xi32, #tpu.memory_space<hbm>>) target(%arg6 : memref<64x80xi32, #tpu.memory_space<vmem>>) target_semaphore(%run_scoped3A : memref<!tpu.dma_semaphore, #tpu.memory_space<semaphore_mem>>)
        %dma_wait3A_144 = arith.constant 0 : i32
        %dma_wait3A_145 = tpu.memref_slice %arg3[%add3A_77, %dma_wait3A_144] : memref<4096x80xi32, #tpu.memory_space<hbm>> -> memref<64x80xi32, #tpu.memory_space<hbm>>
        %dma_wait3A_146 = arith.constant 0 : i32
        %dma_wait3A_147 = tpu.memref_slice %arg3[%add3A_77, %dma_wait3A_146] : memref<4096x80xi32, #tpu.memory_space<hbm>> -> memref<64x80xi32, #tpu.memory_space<hbm>>
        tpu.wait_dma2 semaphore(%run_scoped3A : memref<!tpu.dma_semaphore, #tpu.memory_space<semaphore_mem>>) src(%dma_wait3A_147 : memref<64x80xi32, #tpu.memory_space<hbm>>) dst(%arg6 : memref<64x80xi32, #tpu.memory_space<vmem>>)
        tpu.yield
      }) : () -> ()
      "tpu.region"() ({
        %run_scoped3A = tpu.sem_alloc : memref<!tpu.dma_semaphore, #tpu.memory_space<semaphore_mem>>
        %dma_start3A_140 = arith.constant 0 : i32
        %dma_start3A_141 = tpu.memref_slice %arg4[%add3A_77, %dma_start3A_140] : memref<4096x80xi32, #tpu.memory_space<hbm>> -> memref<64x80xi32, #tpu.memory_space<hbm>>
        %dma_start3A_142 = arith.constant 0 : i32
        %dma_start3A_143 = tpu.memref_slice %arg4[%add3A_77, %dma_start3A_142] : memref<4096x80xi32, #tpu.memory_space<hbm>> -> memref<64x80xi32, #tpu.memory_space<hbm>>
        tpu.enqueue_dma source(%dma_start3A_143 : memref<64x80xi32, #tpu.memory_space<hbm>>) target(%arg7 : memref<64x80xi32, #tpu.memory_space<vmem>>) target_semaphore(%run_scoped3A : memref<!tpu.dma_semaphore, #tpu.memory_space<semaphore_mem>>)
        %dma_wait3A_144 = arith.constant 0 : i32
        %dma_wait3A_145 = tpu.memref_slice %arg4[%add3A_77, %dma_wait3A_144] : memref<4096x80xi32, #tpu.memory_space<hbm>> -> memref<64x80xi32, #tpu.memory_space<hbm>>
        %dma_wait3A_146 = arith.constant 0 : i32
        %dma_wait3A_147 = tpu.memref_slice %arg4[%add3A_77, %dma_wait3A_146] : memref<4096x80xi32, #tpu.memory_space<hbm>> -> memref<64x80xi32, #tpu.memory_space<hbm>>
        tpu.wait_dma2 semaphore(%run_scoped3A : memref<!tpu.dma_semaphore, #tpu.memory_space<semaphore_mem>>) src(%dma_wait3A_147 : memref<64x80xi32, #tpu.memory_space<hbm>>) dst(%arg7 : memref<64x80xi32, #tpu.memory_space<vmem>>)
        tpu.yield
      }) : () -> ()
      %dma_start3A = arith.constant 0 : i32
      %dma_start3A_78 = arith.constant 0 : i32
      %dma_start3A_79 = tpu.memref_slice %arg6[%dma_start3A, %dma_start3A_78] : memref<64x80xi32, #tpu.memory_space<vmem>> -> memref<1x80xi32, #tpu.memory_space<vmem>>
      %dma_start3A_80 = tpu.memref_squeeze %dma_start3A_79 : memref<1x80xi32, #tpu.memory_space<vmem>> -> memref<80xi32, #tpu.memory_space<vmem>>
      %dma_start3A_81 = arith.constant 0 : i32
      %dma_start3A_82 = arith.constant 0 : i32
      %dma_start3A_83 = tpu.memref_slice %arg2[%dma_start3A_81, %dma_start3A_82] : memref<10000x128xf32, #tpu.memory_space<hbm>> -> memref<10000x128xf32, #tpu.memory_space<hbm>>
      tpu.enqueue_indirect_dma source(%dma_start3A_83 : memref<10000x128xf32, #tpu.memory_space<hbm>>) target(%arg8 : memref<80x128xf32, #tpu.memory_space<vmem>>) offsets(%dma_start3A_80 : memref<80xi32, #tpu.memory_space<vmem>>) semaphore(%arg11 : memref<!tpu.dma_semaphore, #tpu.memory_space<semaphore_mem>>)
      %dma_start3A_84 = arith.constant 1 : i32
      %dma_start3A_85 = arith.constant 0 : i32
      %dma_start3A_86 = tpu.memref_slice %arg6[%dma_start3A_84, %dma_start3A_85] : memref<64x80xi32, #tpu.memory_space<vmem>> -> memref<1x80xi32, #tpu.memory_space<vmem>>
      %dma_start3A_87 = tpu.memref_squeeze %dma_start3A_86 : memref<1x80xi32, #tpu.memory_space<vmem>> -> memref<80xi32, #tpu.memory_space<vmem>>
      %dma_start3A_88 = arith.constant 0 : i32
      %dma_start3A_89 = arith.constant 0 : i32
      %dma_start3A_90 = tpu.memref_slice %arg2[%dma_start3A_88, %dma_start3A_89] : memref<10000x128xf32, #tpu.memory_space<hbm>> -> memref<10000x128xf32, #tpu.memory_space<hbm>>
      tpu.enqueue_indirect_dma source(%dma_start3A_90 : memref<10000x128xf32, #tpu.memory_space<hbm>>) target(%arg9 : memref<80x128xf32, #tpu.memory_space<vmem>>) offsets(%dma_start3A_87 : memref<80xi32, #tpu.memory_space<vmem>>) semaphore(%arg12 : memref<!tpu.dma_semaphore, #tpu.memory_space<semaphore_mem>>)
      %scan3A_91 = arith.constant 0 : i32
      %scan3A_92 = arith.constant 0 : i32
      %scan3A_93 = arith.constant 31 : i32
      %scan3A_94 = arith.addi %scan3A_92, %scan3A_93 : i32
      %scan3A_95 = arith.constant 1 : i32
      %scan3A_96 = scf.for %scan3A_140 = %scan3A_92 to %scan3A_94 step %scan3A_95 iter_args(%scan3A_141 = %scan3A_91) -> (i32)  : i32 {
        %mul3A_142 = arith.constant 2 : i32
        %mul3A_143 = arith.muli %mul3A_142, %scan3A_140 : i32
        %add3A_144 = arith.constant 1 : i32
        %add3A_145 = arith.addi %mul3A_143, %add3A_144 : i32
        %dma_wait3A_146 = arith.constant 0 : i32
        %dma_wait3A_147 = tpu.memref_slice %arg6[%mul3A_143, %dma_wait3A_146] : memref<64x80xi32, #tpu.memory_space<vmem>> -> memref<1x80xi32, #tpu.memory_space<vmem>>
        %dma_wait3A_148 = tpu.memref_squeeze %dma_wait3A_147 : memref<1x80xi32, #tpu.memory_space<vmem>> -> memref<80xi32, #tpu.memory_space<vmem>>
        %dma_wait3A_149 = arith.constant 0 : i32
        %dma_wait3A_150 = arith.constant 0 : i32
        %dma_wait3A_151 = tpu.memref_slice %arg2[%dma_wait3A_149, %dma_wait3A_150] : memref<10000x128xf32, #tpu.memory_space<hbm>> -> memref<10000x128xf32, #tpu.memory_space<hbm>>
        tpu.wait_indirect_dma semaphore(%arg11 : memref<!tpu.dma_semaphore, #tpu.memory_space<semaphore_mem>>) src(%dma_wait3A_151 : memref<10000x128xf32, #tpu.memory_space<hbm>>) dst(%arg8 : memref<80x128xf32, #tpu.memory_space<vmem>>)
        %dma_start3A_152 = arith.constant 0 : i32
        %dma_start3A_153 = tpu.memref_slice %arg7[%mul3A_143, %dma_start3A_152] : memref<64x80xi32, #tpu.memory_space<vmem>> -> memref<1x80xi32, #tpu.memory_space<vmem>>
        %dma_start3A_154 = tpu.memref_squeeze %dma_start3A_153 : memref<1x80xi32, #tpu.memory_space<vmem>> -> memref<80xi32, #tpu.memory_space<vmem>>
        %dma_start3A_155 = arith.constant 0 : i32
        %dma_start3A_156 = arith.constant 0 : i32
        %dma_start3A_157 = tpu.memref_slice %arg10[%dma_start3A_155, %dma_start3A_156] : memref<10112x128xf32, #tpu.memory_space<vmem_shared>> -> memref<10112x128xf32, #tpu.memory_space<vmem_shared>>
        tpu.enqueue_indirect_dma source(%arg8 : memref<80x128xf32, #tpu.memory_space<vmem>>) target(%dma_start3A_157 : memref<10112x128xf32, #tpu.memory_space<vmem_shared>>) offsets(%dma_start3A_154 : memref<80xi32, #tpu.memory_space<vmem>>) semaphore(%arg13 : memref<!tpu.dma_semaphore, #tpu.memory_space<semaphore_mem>>) {add = true}
        %dma_wait3A_158 = arith.constant 0 : i32
        %dma_wait3A_159 = tpu.memref_slice %arg6[%add3A_145, %dma_wait3A_158] : memref<64x80xi32, #tpu.memory_space<vmem>> -> memref<1x80xi32, #tpu.memory_space<vmem>>
        %dma_wait3A_160 = tpu.memref_squeeze %dma_wait3A_159 : memref<1x80xi32, #tpu.memory_space<vmem>> -> memref<80xi32, #tpu.memory_space<vmem>>
        %dma_wait3A_161 = arith.constant 0 : i32
        %dma_wait3A_162 = arith.constant 0 : i32
        %dma_wait3A_163 = tpu.memref_slice %arg2[%dma_wait3A_161, %dma_wait3A_162] : memref<10000x128xf32, #tpu.memory_space<hbm>> -> memref<10000x128xf32, #tpu.memory_space<hbm>>
        tpu.wait_indirect_dma semaphore(%arg12 : memref<!tpu.dma_semaphore, #tpu.memory_space<semaphore_mem>>) src(%dma_wait3A_163 : memref<10000x128xf32, #tpu.memory_space<hbm>>) dst(%arg9 : memref<80x128xf32, #tpu.memory_space<vmem>>)
        %dma_wait3A_164 = arith.constant 0 : i32
        %dma_wait3A_165 = tpu.memref_slice %arg7[%mul3A_143, %dma_wait3A_164] : memref<64x80xi32, #tpu.memory_space<vmem>> -> memref<1x80xi32, #tpu.memory_space<vmem>>
        %dma_wait3A_166 = tpu.memref_squeeze %dma_wait3A_165 : memref<1x80xi32, #tpu.memory_space<vmem>> -> memref<80xi32, #tpu.memory_space<vmem>>
        %dma_wait3A_167 = arith.constant 0 : i32
        %dma_wait3A_168 = arith.constant 0 : i32
        %dma_wait3A_169 = tpu.memref_slice %arg10[%dma_wait3A_167, %dma_wait3A_168] : memref<10112x128xf32, #tpu.memory_space<vmem_shared>> -> memref<10112x128xf32, #tpu.memory_space<vmem_shared>>
        tpu.wait_indirect_dma semaphore(%arg13 : memref<!tpu.dma_semaphore, #tpu.memory_space<semaphore_mem>>) src(%arg8 : memref<80x128xf32, #tpu.memory_space<vmem>>) dst(%dma_wait3A_169 : memref<10112x128xf32, #tpu.memory_space<vmem_shared>>)
        %add3A_170 = arith.constant 2 : i32
        %add3A_171 = arith.addi %mul3A_143, %add3A_170 : i32
        %dma_start3A_172 = arith.constant 0 : i32
        %dma_start3A_173 = tpu.memref_slice %arg6[%add3A_171, %dma_start3A_172] : memref<64x80xi32, #tpu.memory_space<vmem>> -> memref<1x80xi32, #tpu.memory_space<vmem>>
        %dma_start3A_174 = tpu.memref_squeeze %dma_start3A_173 : memref<1x80xi32, #tpu.memory_space<vmem>> -> memref<80xi32, #tpu.memory_space<vmem>>
        %dma_start3A_175 = arith.constant 0 : i32
        %dma_start3A_176 = arith.constant 0 : i32
        %dma_start3A_177 = tpu.memref_slice %arg2[%dma_start3A_175, %dma_start3A_176] : memref<10000x128xf32, #tpu.memory_space<hbm>> -> memref<10000x128xf32, #tpu.memory_space<hbm>>
        tpu.enqueue_indirect_dma source(%dma_start3A_177 : memref<10000x128xf32, #tpu.memory_space<hbm>>) target(%arg8 : memref<80x128xf32, #tpu.memory_space<vmem>>) offsets(%dma_start3A_174 : memref<80xi32, #tpu.memory_space<vmem>>) semaphore(%arg11 : memref<!tpu.dma_semaphore, #tpu.memory_space<semaphore_mem>>)
        %dma_start3A_178 = arith.constant 0 : i32
        %dma_start3A_179 = tpu.memref_slice %arg7[%add3A_145, %dma_start3A_178] : memref<64x80xi32, #tpu.memory_space<vmem>> -> memref<1x80xi32, #tpu.memory_space<vmem>>
        %dma_start3A_180 = tpu.memref_squeeze %dma_start3A_179 : memref<1x80xi32, #tpu.memory_space<vmem>> -> memref<80xi32, #tpu.memory_space<vmem>>
        %dma_start3A_181 = arith.constant 0 : i32
        %dma_start3A_182 = arith.constant 0 : i32
        %dma_start3A_183 = tpu.memref_slice %arg10[%dma_start3A_181, %dma_start3A_182] : memref<10112x128xf32, #tpu.memory_space<vmem_shared>> -> memref<10112x128xf32, #tpu.memory_space<vmem_shared>>
        tpu.enqueue_indirect_dma source(%arg9 : memref<80x128xf32, #tpu.memory_space<vmem>>) target(%dma_start3A_183 : memref<10112x128xf32, #tpu.memory_space<vmem_shared>>) offsets(%dma_start3A_180 : memref<80xi32, #tpu.memory_space<vmem>>) semaphore(%arg14 : memref<!tpu.dma_semaphore, #tpu.memory_space<semaphore_mem>>) {add = true}
        %dma_wait3A_184 = arith.constant 0 : i32
        %dma_wait3A_185 = tpu.memref_slice %arg7[%add3A_145, %dma_wait3A_184] : memref<64x80xi32, #tpu.memory_space<vmem>> -> memref<1x80xi32, #tpu.memory_space<vmem>>
        %dma_wait3A_186 = tpu.memref_squeeze %dma_wait3A_185 : memref<1x80xi32, #tpu.memory_space<vmem>> -> memref<80xi32, #tpu.memory_space<vmem>>
        %dma_wait3A_187 = arith.constant 0 : i32
        %dma_wait3A_188 = arith.constant 0 : i32
        %dma_wait3A_189 = tpu.memref_slice %arg10[%dma_wait3A_187, %dma_wait3A_188] : memref<10112x128xf32, #tpu.memory_space<vmem_shared>> -> memref<10112x128xf32, #tpu.memory_space<vmem_shared>>
        tpu.wait_indirect_dma semaphore(%arg14 : memref<!tpu.dma_semaphore, #tpu.memory_space<semaphore_mem>>) src(%arg9 : memref<80x128xf32, #tpu.memory_space<vmem>>) dst(%dma_wait3A_189 : memref<10112x128xf32, #tpu.memory_space<vmem_shared>>)
        %add3A_190 = arith.constant 2 : i32
        %add3A_191 = arith.addi %add3A_145, %add3A_190 : i32
        %dma_start3A_192 = arith.constant 0 : i32
        %dma_start3A_193 = tpu.memref_slice %arg6[%add3A_191, %dma_start3A_192] : memref<64x80xi32, #tpu.memory_space<vmem>> -> memref<1x80xi32, #tpu.memory_space<vmem>>
        %dma_start3A_194 = tpu.memref_squeeze %dma_start3A_193 : memref<1x80xi32, #tpu.memory_space<vmem>> -> memref<80xi32, #tpu.memory_space<vmem>>
        %dma_start3A_195 = arith.constant 0 : i32
        %dma_start3A_196 = arith.constant 0 : i32
        %dma_start3A_197 = tpu.memref_slice %arg2[%dma_start3A_195, %dma_start3A_196] : memref<10000x128xf32, #tpu.memory_space<hbm>> -> memref<10000x128xf32, #tpu.memory_space<hbm>>
        tpu.enqueue_indirect_dma source(%dma_start3A_197 : memref<10000x128xf32, #tpu.memory_space<hbm>>) target(%arg9 : memref<80x128xf32, #tpu.memory_space<vmem>>) offsets(%dma_start3A_194 : memref<80xi32, #tpu.memory_space<vmem>>) semaphore(%arg12 : memref<!tpu.dma_semaphore, #tpu.memory_space<semaphore_mem>>)
        %scan3A_198 = arith.constant 0 : i32
        scf.yield %scan3A_198 : i32
      }
      %scan3A_97 = arith.constant 31 : i32
      %dma_wait3A = arith.constant 62 : i32
      %dma_wait3A_98 = arith.constant 0 : i32
      %dma_wait3A_99 = tpu.memref_slice %arg6[%dma_wait3A, %dma_wait3A_98] : memref<64x80xi32, #tpu.memory_space<vmem>> -> memref<1x80xi32, #tpu.memory_space<vmem>>
      %dma_wait3A_100 = tpu.memref_squeeze %dma_wait3A_99 : memref<1x80xi32, #tpu.memory_space<vmem>> -> memref<80xi32, #tpu.memory_space<vmem>>
      %dma_wait3A_101 = arith.constant 0 : i32
      %dma_wait3A_102 = arith.constant 0 : i32
      %dma_wait3A_103 = tpu.memref_slice %arg2[%dma_wait3A_101, %dma_wait3A_102] : memref<10000x128xf32, #tpu.memory_space<hbm>> -> memref<10000x128xf32, #tpu.memory_space<hbm>>
      tpu.wait_indirect_dma semaphore(%arg11 : memref<!tpu.dma_semaphore, #tpu.memory_space<semaphore_mem>>) src(%dma_wait3A_103 : memref<10000x128xf32, #tpu.memory_space<hbm>>) dst(%arg8 : memref<80x128xf32, #tpu.memory_space<vmem>>)
      %dma_start3A_104 = arith.constant 62 : i32
      %dma_start3A_105 = arith.constant 0 : i32
      %dma_start3A_106 = tpu.memref_slice %arg7[%dma_start3A_104, %dma_start3A_105] : memref<64x80xi32, #tpu.memory_space<vmem>> -> memref<1x80xi32, #tpu.memory_space<vmem>>
      %dma_start3A_107 = tpu.memref_squeeze %dma_start3A_106 : memref<1x80xi32, #tpu.memory_space<vmem>> -> memref<80xi32, #tpu.memory_space<vmem>>
      %dma_start3A_108 = arith.constant 0 : i32
      %dma_start3A_109 = arith.constant 0 : i32
      %dma_start3A_110 = tpu.memref_slice %arg10[%dma_start3A_108, %dma_start3A_109] : memref<10112x128xf32, #tpu.memory_space<vmem_shared>> -> memref<10112x128xf32, #tpu.memory_space<vmem_shared>>
      tpu.enqueue_indirect_dma source(%arg8 : memref<80x128xf32, #tpu.memory_space<vmem>>) target(%dma_start3A_110 : memref<10112x128xf32, #tpu.memory_space<vmem_shared>>) offsets(%dma_start3A_107 : memref<80xi32, #tpu.memory_space<vmem>>) semaphore(%arg13 : memref<!tpu.dma_semaphore, #tpu.memory_space<semaphore_mem>>) {add = true}
      %dma_wait3A_111 = arith.constant 63 : i32
      %dma_wait3A_112 = arith.constant 0 : i32
      %dma_wait3A_113 = tpu.memref_slice %arg6[%dma_wait3A_111, %dma_wait3A_112] : memref<64x80xi32, #tpu.memory_space<vmem>> -> memref<1x80xi32, #tpu.memory_space<vmem>>
      %dma_wait3A_114 = tpu.memref_squeeze %dma_wait3A_113 : memref<1x80xi32, #tpu.memory_space<vmem>> -> memref<80xi32, #tpu.memory_space<vmem>>
      %dma_wait3A_115 = arith.constant 0 : i32
      %dma_wait3A_116 = arith.constant 0 : i32
      %dma_wait3A_117 = tpu.memref_slice %arg2[%dma_wait3A_115, %dma_wait3A_116] : memref<10000x128xf32, #tpu.memory_space<hbm>> -> memref<10000x128xf32, #tpu.memory_space<hbm>>
      tpu.wait_indirect_dma semaphore(%arg12 : memref<!tpu.dma_semaphore, #tpu.memory_space<semaphore_mem>>) src(%dma_wait3A_117 : memref<10000x128xf32, #tpu.memory_space<hbm>>) dst(%arg9 : memref<80x128xf32, #tpu.memory_space<vmem>>)
      %dma_wait3A_118 = arith.constant 62 : i32
      %dma_wait3A_119 = arith.constant 0 : i32
      %dma_wait3A_120 = tpu.memref_slice %arg7[%dma_wait3A_118, %dma_wait3A_119] : memref<64x80xi32, #tpu.memory_space<vmem>> -> memref<1x80xi32, #tpu.memory_space<vmem>>
      %dma_wait3A_121 = tpu.memref_squeeze %dma_wait3A_120 : memref<1x80xi32, #tpu.memory_space<vmem>> -> memref<80xi32, #tpu.memory_space<vmem>>
      %dma_wait3A_122 = arith.constant 0 : i32
      %dma_wait3A_123 = arith.constant 0 : i32
      %dma_wait3A_124 = tpu.memref_slice %arg10[%dma_wait3A_122, %dma_wait3A_123] : memref<10112x128xf32, #tpu.memory_space<vmem_shared>> -> memref<10112x128xf32, #tpu.memory_space<vmem_shared>>
      tpu.wait_indirect_dma semaphore(%arg13 : memref<!tpu.dma_semaphore, #tpu.memory_space<semaphore_mem>>) src(%arg8 : memref<80x128xf32, #tpu.memory_space<vmem>>) dst(%dma_wait3A_124 : memref<10112x128xf32, #tpu.memory_space<vmem_shared>>)
      %dma_start3A_125 = arith.constant 63 : i32
      %dma_start3A_126 = arith.constant 0 : i32
      %dma_start3A_127 = tpu.memref_slice %arg7[%dma_start3A_125, %dma_start3A_126] : memref<64x80xi32, #tpu.memory_space<vmem>> -> memref<1x80xi32, #tpu.memory_space<vmem>>
      %dma_start3A_128 = tpu.memref_squeeze %dma_start3A_127 : memref<1x80xi32, #tpu.memory_space<vmem>> -> memref<80xi32, #tpu.memory_space<vmem>>
      %dma_start3A_129 = arith.constant 0 : i32
      %dma_start3A_130 = arith.constant 0 : i32
      %dma_start3A_131 = tpu.memref_slice %arg10[%dma_start3A_129, %dma_start3A_130] : memref<10112x128xf32, #tpu.memory_space<vmem_shared>> -> memref<10112x128xf32, #tpu.memory_space<vmem_shared>>
      tpu.enqueue_indirect_dma source(%arg9 : memref<80x128xf32, #tpu.memory_space<vmem>>) target(%dma_start3A_131 : memref<10112x128xf32, #tpu.memory_space<vmem_shared>>) offsets(%dma_start3A_128 : memref<80xi32, #tpu.memory_space<vmem>>) semaphore(%arg14 : memref<!tpu.dma_semaphore, #tpu.memory_space<semaphore_mem>>) {add = true}
      %dma_wait3A_132 = arith.constant 63 : i32
      %dma_wait3A_133 = arith.constant 0 : i32
      %dma_wait3A_134 = tpu.memref_slice %arg7[%dma_wait3A_132, %dma_wait3A_133] : memref<64x80xi32, #tpu.memory_space<vmem>> -> memref<1x80xi32, #tpu.memory_space<vmem>>
      %dma_wait3A_135 = tpu.memref_squeeze %dma_wait3A_134 : memref<1x80xi32, #tpu.memory_space<vmem>> -> memref<80xi32, #tpu.memory_space<vmem>>
      %dma_wait3A_136 = arith.constant 0 : i32
      %dma_wait3A_137 = arith.constant 0 : i32
      %dma_wait3A_138 = tpu.memref_slice %arg10[%dma_wait3A_136, %dma_wait3A_137] : memref<10112x128xf32, #tpu.memory_space<vmem_shared>> -> memref<10112x128xf32, #tpu.memory_space<vmem_shared>>
      tpu.wait_indirect_dma semaphore(%arg14 : memref<!tpu.dma_semaphore, #tpu.memory_space<semaphore_mem>>) src(%arg9 : memref<80x128xf32, #tpu.memory_space<vmem>>) dst(%dma_wait3A_138 : memref<10112x128xf32, #tpu.memory_space<vmem_shared>>)
      %while3A_139 = arith.constant 0 : i32
      scf.yield %while3A_139 : i32
    }
    %while3A_38 = arith.constant 1 : i32
    %while3A_39 = scf.for %while3A_73 = %while3A_35 to %while3A_31 step %while3A_38 iter_args(%while3A_74 = %while3A_37) -> (i32)  : i32 {
      %mul3A_75 = arith.constant 64 : i32
      %mul3A_76 = arith.muli %while3A_73, %mul3A_75 : i32
      %add3A_77 = arith.addi %add3A_26, %mul3A_76 : i32
      "tpu.region"() ({
        %run_scoped3A = tpu.sem_alloc : memref<!tpu.dma_semaphore, #tpu.memory_space<semaphore_mem>>
        %dma_start3A_140 = arith.constant 0 : i32
        %dma_start3A_141 = tpu.memref_slice %arg3[%add3A_77, %dma_start3A_140] : memref<4096x80xi32, #tpu.memory_space<hbm>> -> memref<64x80xi32, #tpu.memory_space<hbm>>
        %dma_start3A_142 = arith.constant 0 : i32
        %dma_start3A_143 = tpu.memref_slice %arg3[%add3A_77, %dma_start3A_142] : memref<4096x80xi32, #tpu.memory_space<hbm>> -> memref<64x80xi32, #tpu.memory_space<hbm>>
        tpu.enqueue_dma source(%dma_start3A_143 : memref<64x80xi32, #tpu.memory_space<hbm>>) target(%arg6 : memref<64x80xi32, #tpu.memory_space<vmem>>) target_semaphore(%run_scoped3A : memref<!tpu.dma_semaphore, #tpu.memory_space<semaphore_mem>>)
        %dma_wait3A_144 = arith.constant 0 : i32
        %dma_wait3A_145 = tpu.memref_slice %arg3[%add3A_77, %dma_wait3A_144] : memref<4096x80xi32, #tpu.memory_space<hbm>> -> memref<64x80xi32, #tpu.memory_space<hbm>>
        %dma_wait3A_146 = arith.constant 0 : i32
        %dma_wait3A_147 = tpu.memref_slice %arg3[%add3A_77, %dma_wait3A_146] : memref<4096x80xi32, #tpu.memory_space<hbm>> -> memref<64x80xi32, #tpu.memory_space<hbm>>
        tpu.wait_dma2 semaphore(%run_scoped3A : memref<!tpu.dma_semaphore, #tpu.memory_space<semaphore_mem>>) src(%dma_wait3A_147 : memref<64x80xi32, #tpu.memory_space<hbm>>) dst(%arg6 : memref<64x80xi32, #tpu.memory_space<vmem>>)
        tpu.yield
      }) : () -> ()
      "tpu.region"() ({
        %run_scoped3A = tpu.sem_alloc : memref<!tpu.dma_semaphore, #tpu.memory_space<semaphore_mem>>
        %dma_start3A_140 = arith.constant 0 : i32
        %dma_start3A_141 = tpu.memref_slice %arg4[%add3A_77, %dma_start3A_140] : memref<4096x80xi32, #tpu.memory_space<hbm>> -> memref<64x80xi32, #tpu.memory_space<hbm>>
        %dma_start3A_142 = arith.constant 0 : i32
        %dma_start3A_143 = tpu.memref_slice %arg4[%add3A_77, %dma_start3A_142] : memref<4096x80xi32, #tpu.memory_space<hbm>> -> memref<64x80xi32, #tpu.memory_space<hbm>>
        tpu.enqueue_dma source(%dma_start3A_143 : memref<64x80xi32, #tpu.memory_space<hbm>>) target(%arg7 : memref<64x80xi32, #tpu.memory_space<vmem>>) target_semaphore(%run_scoped3A : memref<!tpu.dma_semaphore, #tpu.memory_space<semaphore_mem>>)
        %dma_wait3A_144 = arith.constant 0 : i32
        %dma_wait3A_145 = tpu.memref_slice %arg4[%add3A_77, %dma_wait3A_144] : memref<4096x80xi32, #tpu.memory_space<hbm>> -> memref<64x80xi32, #tpu.memory_space<hbm>>
        %dma_wait3A_146 = arith.constant 0 : i32
        %dma_wait3A_147 = tpu.memref_slice %arg4[%add3A_77, %dma_wait3A_146] : memref<4096x80xi32, #tpu.memory_space<hbm>> -> memref<64x80xi32, #tpu.memory_space<hbm>>
        tpu.wait_dma2 semaphore(%run_scoped3A : memref<!tpu.dma_semaphore, #tpu.memory_space<semaphore_mem>>) src(%dma_wait3A_147 : memref<64x80xi32, #tpu.memory_space<hbm>>) dst(%arg7 : memref<64x80xi32, #tpu.memory_space<vmem>>)
        tpu.yield
      }) : () -> ()
      %dma_start3A = arith.constant 0 : i32
      %dma_start3A_78 = arith.constant 0 : i32
      %dma_start3A_79 = tpu.memref_slice %arg6[%dma_start3A, %dma_start3A_78] : memref<64x80xi32, #tpu.memory_space<vmem>> -> memref<1x80xi32, #tpu.memory_space<vmem>>
      %dma_start3A_80 = tpu.memref_squeeze %dma_start3A_79 : memref<1x80xi32, #tpu.memory_space<vmem>> -> memref<80xi32, #tpu.memory_space<vmem>>
      %dma_start3A_81 = arith.constant 0 : i32
      %dma_start3A_82 = arith.constant 0 : i32
      %dma_start3A_83 = tpu.memref_slice %arg2[%dma_start3A_81, %dma_start3A_82] : memref<10000x128xf32, #tpu.memory_space<hbm>> -> memref<10000x128xf32, #tpu.memory_space<hbm>>
      tpu.enqueue_indirect_dma source(%dma_start3A_83 : memref<10000x128xf32, #tpu.memory_space<hbm>>) target(%arg8 : memref<80x128xf32, #tpu.memory_space<vmem>>) offsets(%dma_start3A_80 : memref<80xi32, #tpu.memory_space<vmem>>) semaphore(%arg11 : memref<!tpu.dma_semaphore, #tpu.memory_space<semaphore_mem>>)
      %dma_start3A_84 = arith.constant 1 : i32
      %dma_start3A_85 = arith.constant 0 : i32
      %dma_start3A_86 = tpu.memref_slice %arg6[%dma_start3A_84, %dma_start3A_85] : memref<64x80xi32, #tpu.memory_space<vmem>> -> memref<1x80xi32, #tpu.memory_space<vmem>>
      %dma_start3A_87 = tpu.memref_squeeze %dma_start3A_86 : memref<1x80xi32, #tpu.memory_space<vmem>> -> memref<80xi32, #tpu.memory_space<vmem>>
      %dma_start3A_88 = arith.constant 0 : i32
      %dma_start3A_89 = arith.constant 0 : i32
      %dma_start3A_90 = tpu.memref_slice %arg2[%dma_start3A_88, %dma_start3A_89] : memref<10000x128xf32, #tpu.memory_space<hbm>> -> memref<10000x128xf32, #tpu.memory_space<hbm>>
      tpu.enqueue_indirect_dma source(%dma_start3A_90 : memref<10000x128xf32, #tpu.memory_space<hbm>>) target(%arg9 : memref<80x128xf32, #tpu.memory_space<vmem>>) offsets(%dma_start3A_87 : memref<80xi32, #tpu.memory_space<vmem>>) semaphore(%arg12 : memref<!tpu.dma_semaphore, #tpu.memory_space<semaphore_mem>>)
      %scan3A_91 = arith.constant 0 : i32
      %scan3A_92 = arith.constant 0 : i32
      %scan3A_93 = arith.constant 31 : i32
      %scan3A_94 = arith.addi %scan3A_92, %scan3A_93 : i32
      %scan3A_95 = arith.constant 1 : i32
      %scan3A_96 = scf.for %scan3A_140 = %scan3A_92 to %scan3A_94 step %scan3A_95 iter_args(%scan3A_141 = %scan3A_91) -> (i32)  : i32 {
        %mul3A_142 = arith.constant 2 : i32
        %mul3A_143 = arith.muli %mul3A_142, %scan3A_140 : i32
        %add3A_144 = arith.constant 1 : i32
        %add3A_145 = arith.addi %mul3A_143, %add3A_144 : i32
        %dma_wait3A_146 = arith.constant 0 : i32
        %dma_wait3A_147 = tpu.memref_slice %arg6[%mul3A_143, %dma_wait3A_146] : memref<64x80xi32, #tpu.memory_space<vmem>> -> memref<1x80xi32, #tpu.memory_space<vmem>>
        %dma_wait3A_148 = tpu.memref_squeeze %dma_wait3A_147 : memref<1x80xi32, #tpu.memory_space<vmem>> -> memref<80xi32, #tpu.memory_space<vmem>>
        %dma_wait3A_149 = arith.constant 0 : i32
        %dma_wait3A_150 = arith.constant 0 : i32
        %dma_wait3A_151 = tpu.memref_slice %arg2[%dma_wait3A_149, %dma_wait3A_150] : memref<10000x128xf32, #tpu.memory_space<hbm>> -> memref<10000x128xf32, #tpu.memory_space<hbm>>
        tpu.wait_indirect_dma semaphore(%arg11 : memref<!tpu.dma_semaphore, #tpu.memory_space<semaphore_mem>>) src(%dma_wait3A_151 : memref<10000x128xf32, #tpu.memory_space<hbm>>) dst(%arg8 : memref<80x128xf32, #tpu.memory_space<vmem>>)
        %dma_start3A_152 = arith.constant 0 : i32
        %dma_start3A_153 = tpu.memref_slice %arg7[%mul3A_143, %dma_start3A_152] : memref<64x80xi32, #tpu.memory_space<vmem>> -> memref<1x80xi32, #tpu.memory_space<vmem>>
        %dma_start3A_154 = tpu.memref_squeeze %dma_start3A_153 : memref<1x80xi32, #tpu.memory_space<vmem>> -> memref<80xi32, #tpu.memory_space<vmem>>
        %dma_start3A_155 = arith.constant 0 : i32
        %dma_start3A_156 = arith.constant 0 : i32
        %dma_start3A_157 = tpu.memref_slice %arg10[%dma_start3A_155, %dma_start3A_156] : memref<10112x128xf32, #tpu.memory_space<vmem_shared>> -> memref<10112x128xf32, #tpu.memory_space<vmem_shared>>
        tpu.enqueue_indirect_dma source(%arg8 : memref<80x128xf32, #tpu.memory_space<vmem>>) target(%dma_start3A_157 : memref<10112x128xf32, #tpu.memory_space<vmem_shared>>) offsets(%dma_start3A_154 : memref<80xi32, #tpu.memory_space<vmem>>) semaphore(%arg13 : memref<!tpu.dma_semaphore, #tpu.memory_space<semaphore_mem>>) {add = true}
        %dma_wait3A_158 = arith.constant 0 : i32
        %dma_wait3A_159 = tpu.memref_slice %arg6[%add3A_145, %dma_wait3A_158] : memref<64x80xi32, #tpu.memory_space<vmem>> -> memref<1x80xi32, #tpu.memory_space<vmem>>
        %dma_wait3A_160 = tpu.memref_squeeze %dma_wait3A_159 : memref<1x80xi32, #tpu.memory_space<vmem>> -> memref<80xi32, #tpu.memory_space<vmem>>
        %dma_wait3A_161 = arith.constant 0 : i32
        %dma_wait3A_162 = arith.constant 0 : i32
        %dma_wait3A_163 = tpu.memref_slice %arg2[%dma_wait3A_161, %dma_wait3A_162] : memref<10000x128xf32, #tpu.memory_space<hbm>> -> memref<10000x128xf32, #tpu.memory_space<hbm>>
        tpu.wait_indirect_dma semaphore(%arg12 : memref<!tpu.dma_semaphore, #tpu.memory_space<semaphore_mem>>) src(%dma_wait3A_163 : memref<10000x128xf32, #tpu.memory_space<hbm>>) dst(%arg9 : memref<80x128xf32, #tpu.memory_space<vmem>>)
        %dma_wait3A_164 = arith.constant 0 : i32
        %dma_wait3A_165 = tpu.memref_slice %arg7[%mul3A_143, %dma_wait3A_164] : memref<64x80xi32, #tpu.memory_space<vmem>> -> memref<1x80xi32, #tpu.memory_space<vmem>>
        %dma_wait3A_166 = tpu.memref_squeeze %dma_wait3A_165 : memref<1x80xi32, #tpu.memory_space<vmem>> -> memref<80xi32, #tpu.memory_space<vmem>>
        %dma_wait3A_167 = arith.constant 0 : i32
        %dma_wait3A_168 = arith.constant 0 : i32
        %dma_wait3A_169 = tpu.memref_slice %arg10[%dma_wait3A_167, %dma_wait3A_168] : memref<10112x128xf32, #tpu.memory_space<vmem_shared>> -> memref<10112x128xf32, #tpu.memory_space<vmem_shared>>
        tpu.wait_indirect_dma semaphore(%arg13 : memref<!tpu.dma_semaphore, #tpu.memory_space<semaphore_mem>>) src(%arg8 : memref<80x128xf32, #tpu.memory_space<vmem>>) dst(%dma_wait3A_169 : memref<10112x128xf32, #tpu.memory_space<vmem_shared>>)
        %add3A_170 = arith.constant 2 : i32
        %add3A_171 = arith.addi %mul3A_143, %add3A_170 : i32
        %dma_start3A_172 = arith.constant 0 : i32
        %dma_start3A_173 = tpu.memref_slice %arg6[%add3A_171, %dma_start3A_172] : memref<64x80xi32, #tpu.memory_space<vmem>> -> memref<1x80xi32, #tpu.memory_space<vmem>>
        %dma_start3A_174 = tpu.memref_squeeze %dma_start3A_173 : memref<1x80xi32, #tpu.memory_space<vmem>> -> memref<80xi32, #tpu.memory_space<vmem>>
        %dma_start3A_175 = arith.constant 0 : i32
        %dma_start3A_176 = arith.constant 0 : i32
        %dma_start3A_177 = tpu.memref_slice %arg2[%dma_start3A_175, %dma_start3A_176] : memref<10000x128xf32, #tpu.memory_space<hbm>> -> memref<10000x128xf32, #tpu.memory_space<hbm>>
        tpu.enqueue_indirect_dma source(%dma_start3A_177 : memref<10000x128xf32, #tpu.memory_space<hbm>>) target(%arg8 : memref<80x128xf32, #tpu.memory_space<vmem>>) offsets(%dma_start3A_174 : memref<80xi32, #tpu.memory_space<vmem>>) semaphore(%arg11 : memref<!tpu.dma_semaphore, #tpu.memory_space<semaphore_mem>>)
        %dma_start3A_178 = arith.constant 0 : i32
        %dma_start3A_179 = tpu.memref_slice %arg7[%add3A_145, %dma_start3A_178] : memref<64x80xi32, #tpu.memory_space<vmem>> -> memref<1x80xi32, #tpu.memory_space<vmem>>
        %dma_start3A_180 = tpu.memref_squeeze %dma_start3A_179 : memref<1x80xi32, #tpu.memory_space<vmem>> -> memref<80xi32, #tpu.memory_space<vmem>>
        %dma_start3A_181 = arith.constant 0 : i32
        %dma_start3A_182 = arith.constant 0 : i32
        %dma_start3A_183 = tpu.memref_slice %arg10[%dma_start3A_181, %dma_start3A_182] : memref<10112x128xf32, #tpu.memory_space<vmem_shared>> -> memref<10112x128xf32, #tpu.memory_space<vmem_shared>>
        tpu.enqueue_indirect_dma source(%arg9 : memref<80x128xf32, #tpu.memory_space<vmem>>) target(%dma_start3A_183 : memref<10112x128xf32, #tpu.memory_space<vmem_shared>>) offsets(%dma_start3A_180 : memref<80xi32, #tpu.memory_space<vmem>>) semaphore(%arg14 : memref<!tpu.dma_semaphore, #tpu.memory_space<semaphore_mem>>) {add = true}
        %dma_wait3A_184 = arith.constant 0 : i32
        %dma_wait3A_185 = tpu.memref_slice %arg7[%add3A_145, %dma_wait3A_184] : memref<64x80xi32, #tpu.memory_space<vmem>> -> memref<1x80xi32, #tpu.memory_space<vmem>>
        %dma_wait3A_186 = tpu.memref_squeeze %dma_wait3A_185 : memref<1x80xi32, #tpu.memory_space<vmem>> -> memref<80xi32, #tpu.memory_space<vmem>>
        %dma_wait3A_187 = arith.constant 0 : i32
        %dma_wait3A_188 = arith.constant 0 : i32
        %dma_wait3A_189 = tpu.memref_slice %arg10[%dma_wait3A_187, %dma_wait3A_188] : memref<10112x128xf32, #tpu.memory_space<vmem_shared>> -> memref<10112x128xf32, #tpu.memory_space<vmem_shared>>
        tpu.wait_indirect_dma semaphore(%arg14 : memref<!tpu.dma_semaphore, #tpu.memory_space<semaphore_mem>>) src(%arg9 : memref<80x128xf32, #tpu.memory_space<vmem>>) dst(%dma_wait3A_189 : memref<10112x128xf32, #tpu.memory_space<vmem_shared>>)
        %add3A_190 = arith.constant 2 : i32
        %add3A_191 = arith.addi %add3A_145, %add3A_190 : i32
        %dma_start3A_192 = arith.constant 0 : i32
        %dma_start3A_193 = tpu.memref_slice %arg6[%add3A_191, %dma_start3A_192] : memref<64x80xi32, #tpu.memory_space<vmem>> -> memref<1x80xi32, #tpu.memory_space<vmem>>
        %dma_start3A_194 = tpu.memref_squeeze %dma_start3A_193 : memref<1x80xi32, #tpu.memory_space<vmem>> -> memref<80xi32, #tpu.memory_space<vmem>>
        %dma_start3A_195 = arith.constant 0 : i32
        %dma_start3A_196 = arith.constant 0 : i32
        %dma_start3A_197 = tpu.memref_slice %arg2[%dma_start3A_195, %dma_start3A_196] : memref<10000x128xf32, #tpu.memory_space<hbm>> -> memref<10000x128xf32, #tpu.memory_space<hbm>>
        tpu.enqueue_indirect_dma source(%dma_start3A_197 : memref<10000x128xf32, #tpu.memory_space<hbm>>) target(%arg9 : memref<80x128xf32, #tpu.memory_space<vmem>>) offsets(%dma_start3A_194 : memref<80xi32, #tpu.memory_space<vmem>>) semaphore(%arg12 : memref<!tpu.dma_semaphore, #tpu.memory_space<semaphore_mem>>)
        %scan3A_198 = arith.constant 0 : i32
        scf.yield %scan3A_198 : i32
      }
      %scan3A_97 = arith.constant 31 : i32
      %dma_wait3A = arith.constant 62 : i32
      %dma_wait3A_98 = arith.constant 0 : i32
      %dma_wait3A_99 = tpu.memref_slice %arg6[%dma_wait3A, %dma_wait3A_98] : memref<64x80xi32, #tpu.memory_space<vmem>> -> memref<1x80xi32, #tpu.memory_space<vmem>>
      %dma_wait3A_100 = tpu.memref_squeeze %dma_wait3A_99 : memref<1x80xi32, #tpu.memory_space<vmem>> -> memref<80xi32, #tpu.memory_space<vmem>>
      %dma_wait3A_101 = arith.constant 0 : i32
      %dma_wait3A_102 = arith.constant 0 : i32
      %dma_wait3A_103 = tpu.memref_slice %arg2[%dma_wait3A_101, %dma_wait3A_102] : memref<10000x128xf32, #tpu.memory_space<hbm>> -> memref<10000x128xf32, #tpu.memory_space<hbm>>
      tpu.wait_indirect_dma semaphore(%arg11 : memref<!tpu.dma_semaphore, #tpu.memory_space<semaphore_mem>>) src(%dma_wait3A_103 : memref<10000x128xf32, #tpu.memory_space<hbm>>) dst(%arg8 : memref<80x128xf32, #tpu.memory_space<vmem>>)
      %dma_start3A_104 = arith.constant 62 : i32
      %dma_start3A_105 = arith.constant 0 : i32
      %dma_start3A_106 = tpu.memref_slice %arg7[%dma_start3A_104, %dma_start3A_105] : memref<64x80xi32, #tpu.memory_space<vmem>> -> memref<1x80xi32, #tpu.memory_space<vmem>>
      %dma_start3A_107 = tpu.memref_squeeze %dma_start3A_106 : memref<1x80xi32, #tpu.memory_space<vmem>> -> memref<80xi32, #tpu.memory_space<vmem>>
      %dma_start3A_108 = arith.constant 0 : i32
      %dma_start3A_109 = arith.constant 0 : i32
      %dma_start3A_110 = tpu.memref_slice %arg10[%dma_start3A_108, %dma_start3A_109] : memref<10112x128xf32, #tpu.memory_space<vmem_shared>> -> memref<10112x128xf32, #tpu.memory_space<vmem_shared>>
      tpu.enqueue_indirect_dma source(%arg8 : memref<80x128xf32, #tpu.memory_space<vmem>>) target(%dma_start3A_110 : memref<10112x128xf32, #tpu.memory_space<vmem_shared>>) offsets(%dma_start3A_107 : memref<80xi32, #tpu.memory_space<vmem>>) semaphore(%arg13 : memref<!tpu.dma_semaphore, #tpu.memory_space<semaphore_mem>>) {add = true}
      %dma_wait3A_111 = arith.constant 63 : i32
      %dma_wait3A_112 = arith.constant 0 : i32
      %dma_wait3A_113 = tpu.memref_slice %arg6[%dma_wait3A_111, %dma_wait3A_112] : memref<64x80xi32, #tpu.memory_space<vmem>> -> memref<1x80xi32, #tpu.memory_space<vmem>>
      %dma_wait3A_114 = tpu.memref_squeeze %dma_wait3A_113 : memref<1x80xi32, #tpu.memory_space<vmem>> -> memref<80xi32, #tpu.memory_space<vmem>>
      %dma_wait3A_115 = arith.constant 0 : i32
      %dma_wait3A_116 = arith.constant 0 : i32
      %dma_wait3A_117 = tpu.memref_slice %arg2[%dma_wait3A_115, %dma_wait3A_116] : memref<10000x128xf32, #tpu.memory_space<hbm>> -> memref<10000x128xf32, #tpu.memory_space<hbm>>
      tpu.wait_indirect_dma semaphore(%arg12 : memref<!tpu.dma_semaphore, #tpu.memory_space<semaphore_mem>>) src(%dma_wait3A_117 : memref<10000x128xf32, #tpu.memory_space<hbm>>) dst(%arg9 : memref<80x128xf32, #tpu.memory_space<vmem>>)
      %dma_wait3A_118 = arith.constant 62 : i32
      %dma_wait3A_119 = arith.constant 0 : i32
      %dma_wait3A_120 = tpu.memref_slice %arg7[%dma_wait3A_118, %dma_wait3A_119] : memref<64x80xi32, #tpu.memory_space<vmem>> -> memref<1x80xi32, #tpu.memory_space<vmem>>
      %dma_wait3A_121 = tpu.memref_squeeze %dma_wait3A_120 : memref<1x80xi32, #tpu.memory_space<vmem>> -> memref<80xi32, #tpu.memory_space<vmem>>
      %dma_wait3A_122 = arith.constant 0 : i32
      %dma_wait3A_123 = arith.constant 0 : i32
      %dma_wait3A_124 = tpu.memref_slice %arg10[%dma_wait3A_122, %dma_wait3A_123] : memref<10112x128xf32, #tpu.memory_space<vmem_shared>> -> memref<10112x128xf32, #tpu.memory_space<vmem_shared>>
      tpu.wait_indirect_dma semaphore(%arg13 : memref<!tpu.dma_semaphore, #tpu.memory_space<semaphore_mem>>) src(%arg8 : memref<80x128xf32, #tpu.memory_space<vmem>>) dst(%dma_wait3A_124 : memref<10112x128xf32, #tpu.memory_space<vmem_shared>>)
      %dma_start3A_125 = arith.constant 63 : i32
      %dma_start3A_126 = arith.constant 0 : i32
      %dma_start3A_127 = tpu.memref_slice %arg7[%dma_start3A_125, %dma_start3A_126] : memref<64x80xi32, #tpu.memory_space<vmem>> -> memref<1x80xi32, #tpu.memory_space<vmem>>
      %dma_start3A_128 = tpu.memref_squeeze %dma_start3A_127 : memref<1x80xi32, #tpu.memory_space<vmem>> -> memref<80xi32, #tpu.memory_space<vmem>>
      %dma_start3A_129 = arith.constant 0 : i32
      %dma_start3A_130 = arith.constant 0 : i32
      %dma_start3A_131 = tpu.memref_slice %arg10[%dma_start3A_129, %dma_start3A_130] : memref<10112x128xf32, #tpu.memory_space<vmem_shared>> -> memref<10112x128xf32, #tpu.memory_space<vmem_shared>>
      tpu.enqueue_indirect_dma source(%arg9 : memref<80x128xf32, #tpu.memory_space<vmem>>) target(%dma_start3A_131 : memref<10112x128xf32, #tpu.memory_space<vmem_shared>>) offsets(%dma_start3A_128 : memref<80xi32, #tpu.memory_space<vmem>>) semaphore(%arg14 : memref<!tpu.dma_semaphore, #tpu.memory_space<semaphore_mem>>) {add = true}
      %dma_wait3A_132 = arith.constant 63 : i32
      %dma_wait3A_133 = arith.constant 0 : i32
      %dma_wait3A_134 = tpu.memref_slice %arg7[%dma_wait3A_132, %dma_wait3A_133] : memref<64x80xi32, #tpu.memory_space<vmem>> -> memref<1x80xi32, #tpu.memory_space<vmem>>
      %dma_wait3A_135 = tpu.memref_squeeze %dma_wait3A_134 : memref<1x80xi32, #tpu.memory_space<vmem>> -> memref<80xi32, #tpu.memory_space<vmem>>
      %dma_wait3A_136 = arith.constant 0 : i32
      %dma_wait3A_137 = arith.constant 0 : i32
      %dma_wait3A_138 = tpu.memref_slice %arg10[%dma_wait3A_136, %dma_wait3A_137] : memref<10112x128xf32, #tpu.memory_space<vmem_shared>> -> memref<10112x128xf32, #tpu.memory_space<vmem_shared>>
      tpu.wait_indirect_dma semaphore(%arg14 : memref<!tpu.dma_semaphore, #tpu.memory_space<semaphore_mem>>) src(%arg9 : memref<80x128xf32, #tpu.memory_space<vmem>>) dst(%dma_wait3A_138 : memref<10112x128xf32, #tpu.memory_space<vmem_shared>>)
      %while3A_139 = arith.constant 0 : i32
      scf.yield %while3A_139 : i32
    }
    %barrier3A_40 = arith.constant 0 : index
    tpu.barrier barrier_id(%barrier3A_40)
    %add3A_41 = arith.constant 0 : i32
    %add3A_42 = arith.addi %mul3A_0, %add3A_41 : i32
    "tpu.region"() ({
      %run_scoped3A = tpu.sem_alloc : memref<!tpu.dma_semaphore, #tpu.memory_space<semaphore_mem>>
      %dma_start3A = arith.constant 0 : i32
      %dma_start3A_73 = arith.constant 0 : i32
      %dma_start3A_74 = tpu.memref_slice %arg8[%dma_start3A, %dma_start3A_73] : memref<80x128xf32, #tpu.memory_space<vmem>> -> memref<80x128xf32, #tpu.memory_space<vmem>>
      %dma_start3A_75 = arith.constant 0 : i32
      %dma_start3A_76 = tpu.memref_slice %arg10[%add3A_42, %dma_start3A_75] : memref<10112x128xf32, #tpu.memory_space<vmem_shared>> -> memref<80x128xf32, #tpu.memory_space<vmem_shared>>
      %dma_start3A_77 = arith.constant 0 : i32
      %dma_start3A_78 = arith.constant 0 : i32
      %dma_start3A_79 = tpu.memref_slice %arg8[%dma_start3A_77, %dma_start3A_78] : memref<80x128xf32, #tpu.memory_space<vmem>> -> memref<80x128xf32, #tpu.memory_space<vmem>>
      %dma_start3A_80 = arith.constant 0 : i32
      %dma_start3A_81 = tpu.memref_slice %arg10[%add3A_42, %dma_start3A_80] : memref<10112x128xf32, #tpu.memory_space<vmem_shared>> -> memref<80x128xf32, #tpu.memory_space<vmem_shared>>
      tpu.enqueue_dma source(%dma_start3A_81 : memref<80x128xf32, #tpu.memory_space<vmem_shared>>) target(%dma_start3A_79 : memref<80x128xf32, #tpu.memory_space<vmem>>) target_semaphore(%run_scoped3A : memref<!tpu.dma_semaphore, #tpu.memory_space<semaphore_mem>>)
      %dma_wait3A = arith.constant 0 : i32
      %dma_wait3A_82 = arith.constant 0 : i32
      %dma_wait3A_83 = tpu.memref_slice %arg8[%dma_wait3A, %dma_wait3A_82] : memref<80x128xf32, #tpu.memory_space<vmem>> -> memref<80x128xf32, #tpu.memory_space<vmem>>
      %dma_wait3A_84 = arith.constant 0 : i32
      %dma_wait3A_85 = tpu.memref_slice %arg10[%add3A_42, %dma_wait3A_84] : memref<10112x128xf32, #tpu.memory_space<vmem_shared>> -> memref<80x128xf32, #tpu.memory_space<vmem_shared>>
      %dma_wait3A_86 = arith.constant 0 : i32
      %dma_wait3A_87 = arith.constant 0 : i32
      %dma_wait3A_88 = tpu.memref_slice %arg8[%dma_wait3A_86, %dma_wait3A_87] : memref<80x128xf32, #tpu.memory_space<vmem>> -> memref<80x128xf32, #tpu.memory_space<vmem>>
      %dma_wait3A_89 = arith.constant 0 : i32
      %dma_wait3A_90 = tpu.memref_slice %arg10[%add3A_42, %dma_wait3A_89] : memref<10112x128xf32, #tpu.memory_space<vmem_shared>> -> memref<80x128xf32, #tpu.memory_space<vmem_shared>>
      tpu.wait_dma2 semaphore(%run_scoped3A : memref<!tpu.dma_semaphore, #tpu.memory_space<semaphore_mem>>) src(%dma_wait3A_90 : memref<80x128xf32, #tpu.memory_space<vmem_shared>>) dst(%dma_wait3A_88 : memref<80x128xf32, #tpu.memory_space<vmem>>)
      tpu.yield
    }) : () -> ()
    %add3A_43 = arith.constant 0 : i32
    %add3A_44 = arith.addi %mul3A_0, %add3A_43 : i32
    "tpu.region"() ({
      %run_scoped3A = tpu.sem_alloc : memref<!tpu.dma_semaphore, #tpu.memory_space<semaphore_mem>>
      %dma_start3A = arith.constant 0 : i32
      %dma_start3A_73 = arith.constant 0 : i32
      %dma_start3A_74 = tpu.memref_slice %arg8[%dma_start3A, %dma_start3A_73] : memref<80x128xf32, #tpu.memory_space<vmem>> -> memref<80x128xf32, #tpu.memory_space<vmem>>
      %dma_start3A_75 = arith.constant 0 : i32
      %dma_start3A_76 = tpu.memref_slice %arg5[%arg0, %add3A_44, %dma_start3A_75] : memref<2x10112x128xf32, #tpu.memory_space<hbm>> -> memref<1x80x128xf32, #tpu.memory_space<hbm>>
      %dma_start3A_77 = tpu.memref_squeeze %dma_start3A_76 : memref<1x80x128xf32, #tpu.memory_space<hbm>> -> memref<80x128xf32, #tpu.memory_space<hbm>>
      %dma_start3A_78 = arith.constant 0 : i32
      %dma_start3A_79 = tpu.memref_slice %arg5[%arg0, %add3A_44, %dma_start3A_78] : memref<2x10112x128xf32, #tpu.memory_space<hbm>> -> memref<1x80x128xf32, #tpu.memory_space<hbm>>
      %dma_start3A_80 = tpu.memref_squeeze %dma_start3A_79 : memref<1x80x128xf32, #tpu.memory_space<hbm>> -> memref<80x128xf32, #tpu.memory_space<hbm>>
      %dma_start3A_81 = arith.constant 0 : i32
      %dma_start3A_82 = arith.constant 0 : i32
      %dma_start3A_83 = tpu.memref_slice %arg8[%dma_start3A_81, %dma_start3A_82] : memref<80x128xf32, #tpu.memory_space<vmem>> -> memref<80x128xf32, #tpu.memory_space<vmem>>
      tpu.enqueue_dma source(%dma_start3A_83 : memref<80x128xf32, #tpu.memory_space<vmem>>) target(%dma_start3A_80 : memref<80x128xf32, #tpu.memory_space<hbm>>) target_semaphore(%run_scoped3A : memref<!tpu.dma_semaphore, #tpu.memory_space<semaphore_mem>>)
      %dma_wait3A = arith.constant 0 : i32
      %dma_wait3A_84 = arith.constant 0 : i32
      %dma_wait3A_85 = tpu.memref_slice %arg8[%dma_wait3A, %dma_wait3A_84] : memref<80x128xf32, #tpu.memory_space<vmem>> -> memref<80x128xf32, #tpu.memory_space<vmem>>
      %dma_wait3A_86 = arith.constant 0 : i32
      %dma_wait3A_87 = tpu.memref_slice %arg5[%arg0, %add3A_44, %dma_wait3A_86] : memref<2x10112x128xf32, #tpu.memory_space<hbm>> -> memref<1x80x128xf32, #tpu.memory_space<hbm>>
      %dma_wait3A_88 = tpu.memref_squeeze %dma_wait3A_87 : memref<1x80x128xf32, #tpu.memory_space<hbm>> -> memref<80x128xf32, #tpu.memory_space<hbm>>
      %dma_wait3A_89 = arith.constant 0 : i32
      %dma_wait3A_90 = tpu.memref_slice %arg5[%arg0, %add3A_44, %dma_wait3A_89] : memref<2x10112x128xf32, #tpu.memory_space<hbm>> -> memref<1x80x128xf32, #tpu.memory_space<hbm>>
      %dma_wait3A_91 = tpu.memref_squeeze %dma_wait3A_90 : memref<1x80x128xf32, #tpu.memory_space<hbm>> -> memref<80x128xf32, #tpu.memory_space<hbm>>
      %dma_wait3A_92 = arith.constant 0 : i32
      %dma_wait3A_93 = arith.constant 0 : i32
      %dma_wait3A_94 = tpu.memref_slice %arg8[%dma_wait3A_92, %dma_wait3A_93] : memref<80x128xf32, #tpu.memory_space<vmem>> -> memref<80x128xf32, #tpu.memory_space<vmem>>
      tpu.wait_dma2 semaphore(%run_scoped3A : memref<!tpu.dma_semaphore, #tpu.memory_space<semaphore_mem>>) src(%dma_wait3A_94 : memref<80x128xf32, #tpu.memory_space<vmem>>) dst(%dma_wait3A_91 : memref<80x128xf32, #tpu.memory_space<hbm>>)
      tpu.yield
    }) : () -> ()
    %add3A_45 = arith.constant 80 : i32
    %add3A_46 = arith.addi %mul3A_0, %add3A_45 : i32
    "tpu.region"() ({
      %run_scoped3A = tpu.sem_alloc : memref<!tpu.dma_semaphore, #tpu.memory_space<semaphore_mem>>
      %dma_start3A = arith.constant 0 : i32
      %dma_start3A_73 = arith.constant 0 : i32
      %dma_start3A_74 = tpu.memref_slice %arg8[%dma_start3A, %dma_start3A_73] : memref<80x128xf32, #tpu.memory_space<vmem>> -> memref<80x128xf32, #tpu.memory_space<vmem>>
      %dma_start3A_75 = arith.constant 0 : i32
      %dma_start3A_76 = tpu.memref_slice %arg10[%add3A_46, %dma_start3A_75] : memref<10112x128xf32, #tpu.memory_space<vmem_shared>> -> memref<80x128xf32, #tpu.memory_space<vmem_shared>>
      %dma_start3A_77 = arith.constant 0 : i32
      %dma_start3A_78 = arith.constant 0 : i32
      %dma_start3A_79 = tpu.memref_slice %arg8[%dma_start3A_77, %dma_start3A_78] : memref<80x128xf32, #tpu.memory_space<vmem>> -> memref<80x128xf32, #tpu.memory_space<vmem>>
      %dma_start3A_80 = arith.constant 0 : i32
      %dma_start3A_81 = tpu.memref_slice %arg10[%add3A_46, %dma_start3A_80] : memref<10112x128xf32, #tpu.memory_space<vmem_shared>> -> memref<80x128xf32, #tpu.memory_space<vmem_shared>>
      tpu.enqueue_dma source(%dma_start3A_81 : memref<80x128xf32, #tpu.memory_space<vmem_shared>>) target(%dma_start3A_79 : memref<80x128xf32, #tpu.memory_space<vmem>>) target_semaphore(%run_scoped3A : memref<!tpu.dma_semaphore, #tpu.memory_space<semaphore_mem>>)
      %dma_wait3A = arith.constant 0 : i32
      %dma_wait3A_82 = arith.constant 0 : i32
      %dma_wait3A_83 = tpu.memref_slice %arg8[%dma_wait3A, %dma_wait3A_82] : memref<80x128xf32, #tpu.memory_space<vmem>> -> memref<80x128xf32, #tpu.memory_space<vmem>>
      %dma_wait3A_84 = arith.constant 0 : i32
      %dma_wait3A_85 = tpu.memref_slice %arg10[%add3A_46, %dma_wait3A_84] : memref<10112x128xf32, #tpu.memory_space<vmem_shared>> -> memref<80x128xf32, #tpu.memory_space<vmem_shared>>
      %dma_wait3A_86 = arith.constant 0 : i32
      %dma_wait3A_87 = arith.constant 0 : i32
      %dma_wait3A_88 = tpu.memref_slice %arg8[%dma_wait3A_86, %dma_wait3A_87] : memref<80x128xf32, #tpu.memory_space<vmem>> -> memref<80x128xf32, #tpu.memory_space<vmem>>
      %dma_wait3A_89 = arith.constant 0 : i32
      %dma_wait3A_90 = tpu.memref_slice %arg10[%add3A_46, %dma_wait3A_89] : memref<10112x128xf32, #tpu.memory_space<vmem_shared>> -> memref<80x128xf32, #tpu.memory_space<vmem_shared>>
      tpu.wait_dma2 semaphore(%run_scoped3A : memref<!tpu.dma_semaphore, #tpu.memory_space<semaphore_mem>>) src(%dma_wait3A_90 : memref<80x128xf32, #tpu.memory_space<vmem_shared>>) dst(%dma_wait3A_88 : memref<80x128xf32, #tpu.memory_space<vmem>>)
      tpu.yield
    }) : () -> ()
    %add3A_47 = arith.constant 80 : i32
    %add3A_48 = arith.addi %mul3A_0, %add3A_47 : i32
    "tpu.region"() ({
      %run_scoped3A = tpu.sem_alloc : memref<!tpu.dma_semaphore, #tpu.memory_space<semaphore_mem>>
      %dma_start3A = arith.constant 0 : i32
      %dma_start3A_73 = arith.constant 0 : i32
      %dma_start3A_74 = tpu.memref_slice %arg8[%dma_start3A, %dma_start3A_73] : memref<80x128xf32, #tpu.memory_space<vmem>> -> memref<80x128xf32, #tpu.memory_space<vmem>>
      %dma_start3A_75 = arith.constant 0 : i32
      %dma_start3A_76 = tpu.memref_slice %arg5[%arg0, %add3A_48, %dma_start3A_75] : memref<2x10112x128xf32, #tpu.memory_space<hbm>> -> memref<1x80x128xf32, #tpu.memory_space<hbm>>
      %dma_start3A_77 = tpu.memref_squeeze %dma_start3A_76 : memref<1x80x128xf32, #tpu.memory_space<hbm>> -> memref<80x128xf32, #tpu.memory_space<hbm>>
      %dma_start3A_78 = arith.constant 0 : i32
      %dma_start3A_79 = tpu.memref_slice %arg5[%arg0, %add3A_48, %dma_start3A_78] : memref<2x10112x128xf32, #tpu.memory_space<hbm>> -> memref<1x80x128xf32, #tpu.memory_space<hbm>>
      %dma_start3A_80 = tpu.memref_squeeze %dma_start3A_79 : memref<1x80x128xf32, #tpu.memory_space<hbm>> -> memref<80x128xf32, #tpu.memory_space<hbm>>
      %dma_start3A_81 = arith.constant 0 : i32
      %dma_start3A_82 = arith.constant 0 : i32
      %dma_start3A_83 = tpu.memref_slice %arg8[%dma_start3A_81, %dma_start3A_82] : memref<80x128xf32, #tpu.memory_space<vmem>> -> memref<80x128xf32, #tpu.memory_space<vmem>>
      tpu.enqueue_dma source(%dma_start3A_83 : memref<80x128xf32, #tpu.memory_space<vmem>>) target(%dma_start3A_80 : memref<80x128xf32, #tpu.memory_space<hbm>>) target_semaphore(%run_scoped3A : memref<!tpu.dma_semaphore, #tpu.memory_space<semaphore_mem>>)
      %dma_wait3A = arith.constant 0 : i32
      %dma_wait3A_84 = arith.constant 0 : i32
      %dma_wait3A_85 = tpu.memref_slice %arg8[%dma_wait3A, %dma_wait3A_84] : memref<80x128xf32, #tpu.memory_space<vmem>> -> memref<80x128xf32, #tpu.memory_space<vmem>>
      %dma_wait3A_86 = arith.constant 0 : i32
      %dma_wait3A_87 = tpu.memref_slice %arg5[%arg0, %add3A_48, %dma_wait3A_86] : memref<2x10112x128xf32, #tpu.memory_space<hbm>> -> memref<1x80x128xf32, #tpu.memory_space<hbm>>
      %dma_wait3A_88 = tpu.memref_squeeze %dma_wait3A_87 : memref<1x80x128xf32, #tpu.memory_space<hbm>> -> memref<80x128xf32, #tpu.memory_space<hbm>>
      %dma_wait3A_89 = arith.constant 0 : i32
      %dma_wait3A_90 = tpu.memref_slice %arg5[%arg0, %add3A_48, %dma_wait3A_89] : memref<2x10112x128xf32, #tpu.memory_space<hbm>> -> memref<1x80x128xf32, #tpu.memory_space<hbm>>
      %dma_wait3A_91 = tpu.memref_squeeze %dma_wait3A_90 : memref<1x80x128xf32, #tpu.memory_space<hbm>> -> memref<80x128xf32, #tpu.memory_space<hbm>>
      %dma_wait3A_92 = arith.constant 0 : i32
      %dma_wait3A_93 = arith.constant 0 : i32
      %dma_wait3A_94 = tpu.memref_slice %arg8[%dma_wait3A_92, %dma_wait3A_93] : memref<80x128xf32, #tpu.memory_space<vmem>> -> memref<80x128xf32, #tpu.memory_space<vmem>>
      tpu.wait_dma2 semaphore(%run_scoped3A : memref<!tpu.dma_semaphore, #tpu.memory_space<semaphore_mem>>) src(%dma_wait3A_94 : memref<80x128xf32, #tpu.memory_space<vmem>>) dst(%dma_wait3A_91 : memref<80x128xf32, #tpu.memory_space<hbm>>)
      tpu.yield
    }) : () -> ()
    %add3A_49 = arith.constant 160 : i32
    %add3A_50 = arith.addi %mul3A_0, %add3A_49 : i32
    "tpu.region"() ({
      %run_scoped3A = tpu.sem_alloc : memref<!tpu.dma_semaphore, #tpu.memory_space<semaphore_mem>>
      %dma_start3A = arith.constant 0 : i32
      %dma_start3A_73 = arith.constant 0 : i32
      %dma_start3A_74 = tpu.memref_slice %arg8[%dma_start3A, %dma_start3A_73] : memref<80x128xf32, #tpu.memory_space<vmem>> -> memref<80x128xf32, #tpu.memory_space<vmem>>
      %dma_start3A_75 = arith.constant 0 : i32
      %dma_start3A_76 = tpu.memref_slice %arg10[%add3A_50, %dma_start3A_75] : memref<10112x128xf32, #tpu.memory_space<vmem_shared>> -> memref<80x128xf32, #tpu.memory_space<vmem_shared>>
      %dma_start3A_77 = arith.constant 0 : i32
      %dma_start3A_78 = arith.constant 0 : i32
      %dma_start3A_79 = tpu.memref_slice %arg8[%dma_start3A_77, %dma_start3A_78] : memref<80x128xf32, #tpu.memory_space<vmem>> -> memref<80x128xf32, #tpu.memory_space<vmem>>
      %dma_start3A_80 = arith.constant 0 : i32
      %dma_start3A_81 = tpu.memref_slice %arg10[%add3A_50, %dma_start3A_80] : memref<10112x128xf32, #tpu.memory_space<vmem_shared>> -> memref<80x128xf32, #tpu.memory_space<vmem_shared>>
      tpu.enqueue_dma source(%dma_start3A_81 : memref<80x128xf32, #tpu.memory_space<vmem_shared>>) target(%dma_start3A_79 : memref<80x128xf32, #tpu.memory_space<vmem>>) target_semaphore(%run_scoped3A : memref<!tpu.dma_semaphore, #tpu.memory_space<semaphore_mem>>)
      %dma_wait3A = arith.constant 0 : i32
      %dma_wait3A_82 = arith.constant 0 : i32
      %dma_wait3A_83 = tpu.memref_slice %arg8[%dma_wait3A, %dma_wait3A_82] : memref<80x128xf32, #tpu.memory_space<vmem>> -> memref<80x128xf32, #tpu.memory_space<vmem>>
      %dma_wait3A_84 = arith.constant 0 : i32
      %dma_wait3A_85 = tpu.memref_slice %arg10[%add3A_50, %dma_wait3A_84] : memref<10112x128xf32, #tpu.memory_space<vmem_shared>> -> memref<80x128xf32, #tpu.memory_space<vmem_shared>>
      %dma_wait3A_86 = arith.constant 0 : i32
      %dma_wait3A_87 = arith.constant 0 : i32
      %dma_wait3A_88 = tpu.memref_slice %arg8[%dma_wait3A_86, %dma_wait3A_87] : memref<80x128xf32, #tpu.memory_space<vmem>> -> memref<80x128xf32, #tpu.memory_space<vmem>>
      %dma_wait3A_89 = arith.constant 0 : i32
      %dma_wait3A_90 = tpu.memref_slice %arg10[%add3A_50, %dma_wait3A_89] : memref<10112x128xf32, #tpu.memory_space<vmem_shared>> -> memref<80x128xf32, #tpu.memory_space<vmem_shared>>
      tpu.wait_dma2 semaphore(%run_scoped3A : memref<!tpu.dma_semaphore, #tpu.memory_space<semaphore_mem>>) src(%dma_wait3A_90 : memref<80x128xf32, #tpu.memory_space<vmem_shared>>) dst(%dma_wait3A_88 : memref<80x128xf32, #tpu.memory_space<vmem>>)
      tpu.yield
    }) : () -> ()
    %add3A_51 = arith.constant 160 : i32
    %add3A_52 = arith.addi %mul3A_0, %add3A_51 : i32
    "tpu.region"() ({
      %run_scoped3A = tpu.sem_alloc : memref<!tpu.dma_semaphore, #tpu.memory_space<semaphore_mem>>
      %dma_start3A = arith.constant 0 : i32
      %dma_start3A_73 = arith.constant 0 : i32
      %dma_start3A_74 = tpu.memref_slice %arg8[%dma_start3A, %dma_start3A_73] : memref<80x128xf32, #tpu.memory_space<vmem>> -> memref<80x128xf32, #tpu.memory_space<vmem>>
      %dma_start3A_75 = arith.constant 0 : i32
      %dma_start3A_76 = tpu.memref_slice %arg5[%arg0, %add3A_52, %dma_start3A_75] : memref<2x10112x128xf32, #tpu.memory_space<hbm>> -> memref<1x80x128xf32, #tpu.memory_space<hbm>>
      %dma_start3A_77 = tpu.memref_squeeze %dma_start3A_76 : memref<1x80x128xf32, #tpu.memory_space<hbm>> -> memref<80x128xf32, #tpu.memory_space<hbm>>
      %dma_start3A_78 = arith.constant 0 : i32
      %dma_start3A_79 = tpu.memref_slice %arg5[%arg0, %add3A_52, %dma_start3A_78] : memref<2x10112x128xf32, #tpu.memory_space<hbm>> -> memref<1x80x128xf32, #tpu.memory_space<hbm>>
      %dma_start3A_80 = tpu.memref_squeeze %dma_start3A_79 : memref<1x80x128xf32, #tpu.memory_space<hbm>> -> memref<80x128xf32, #tpu.memory_space<hbm>>
      %dma_start3A_81 = arith.constant 0 : i32
      %dma_start3A_82 = arith.constant 0 : i32
      %dma_start3A_83 = tpu.memref_slice %arg8[%dma_start3A_81, %dma_start3A_82] : memref<80x128xf32, #tpu.memory_space<vmem>> -> memref<80x128xf32, #tpu.memory_space<vmem>>
      tpu.enqueue_dma source(%dma_start3A_83 : memref<80x128xf32, #tpu.memory_space<vmem>>) target(%dma_start3A_80 : memref<80x128xf32, #tpu.memory_space<hbm>>) target_semaphore(%run_scoped3A : memref<!tpu.dma_semaphore, #tpu.memory_space<semaphore_mem>>)
      %dma_wait3A = arith.constant 0 : i32
      %dma_wait3A_84 = arith.constant 0 : i32
      %dma_wait3A_85 = tpu.memref_slice %arg8[%dma_wait3A, %dma_wait3A_84] : memref<80x128xf32, #tpu.memory_space<vmem>> -> memref<80x128xf32, #tpu.memory_space<vmem>>
      %dma_wait3A_86 = arith.constant 0 : i32
      %dma_wait3A_87 = tpu.memref_slice %arg5[%arg0, %add3A_52, %dma_wait3A_86] : memref<2x10112x128xf32, #tpu.memory_space<hbm>> -> memref<1x80x128xf32, #tpu.memory_space<hbm>>
      %dma_wait3A_88 = tpu.memref_squeeze %dma_wait3A_87 : memref<1x80x128xf32, #tpu.memory_space<hbm>> -> memref<80x128xf32, #tpu.memory_space<hbm>>
      %dma_wait3A_89 = arith.constant 0 : i32
      %dma_wait3A_90 = tpu.memref_slice %arg5[%arg0, %add3A_52, %dma_wait3A_89] : memref<2x10112x128xf32, #tpu.memory_space<hbm>> -> memref<1x80x128xf32, #tpu.memory_space<hbm>>
      %dma_wait3A_91 = tpu.memref_squeeze %dma_wait3A_90 : memref<1x80x128xf32, #tpu.memory_space<hbm>> -> memref<80x128xf32, #tpu.memory_space<hbm>>
      %dma_wait3A_92 = arith.constant 0 : i32
      %dma_wait3A_93 = arith.constant 0 : i32
      %dma_wait3A_94 = tpu.memref_slice %arg8[%dma_wait3A_92, %dma_wait3A_93] : memref<80x128xf32, #tpu.memory_space<vmem>> -> memref<80x128xf32, #tpu.memory_space<vmem>>
      tpu.wait_dma2 semaphore(%run_scoped3A : memref<!tpu.dma_semaphore, #tpu.memory_space<semaphore_mem>>) src(%dma_wait3A_94 : memref<80x128xf32, #tpu.memory_space<vmem>>) dst(%dma_wait3A_91 : memref<80x128xf32, #tpu.memory_space<hbm>>)
      tpu.yield
    }) : () -> ()
    %add3A_53 = arith.constant 240 : i32
    %add3A_54 = arith.addi %mul3A_0, %add3A_53 : i32
    "tpu.region"() ({
      %run_scoped3A = tpu.sem_alloc : memref<!tpu.dma_semaphore, #tpu.memory_space<semaphore_mem>>
      %dma_start3A = arith.constant 0 : i32
      %dma_start3A_73 = arith.constant 0 : i32
      %dma_start3A_74 = tpu.memref_slice %arg8[%dma_start3A, %dma_start3A_73] : memref<80x128xf32, #tpu.memory_space<vmem>> -> memref<80x128xf32, #tpu.memory_space<vmem>>
      %dma_start3A_75 = arith.constant 0 : i32
      %dma_start3A_76 = tpu.memref_slice %arg10[%add3A_54, %dma_start3A_75] : memref<10112x128xf32, #tpu.memory_space<vmem_shared>> -> memref<80x128xf32, #tpu.memory_space<vmem_shared>>
      %dma_start3A_77 = arith.constant 0 : i32
      %dma_start3A_78 = arith.constant 0 : i32
      %dma_start3A_79 = tpu.memref_slice %arg8[%dma_start3A_77, %dma_start3A_78] : memref<80x128xf32, #tpu.memory_space<vmem>> -> memref<80x128xf32, #tpu.memory_space<vmem>>
      %dma_start3A_80 = arith.constant 0 : i32
      %dma_start3A_81 = tpu.memref_slice %arg10[%add3A_54, %dma_start3A_80] : memref<10112x128xf32, #tpu.memory_space<vmem_shared>> -> memref<80x128xf32, #tpu.memory_space<vmem_shared>>
      tpu.enqueue_dma source(%dma_start3A_81 : memref<80x128xf32, #tpu.memory_space<vmem_shared>>) target(%dma_start3A_79 : memref<80x128xf32, #tpu.memory_space<vmem>>) target_semaphore(%run_scoped3A : memref<!tpu.dma_semaphore, #tpu.memory_space<semaphore_mem>>)
      %dma_wait3A = arith.constant 0 : i32
      %dma_wait3A_82 = arith.constant 0 : i32
      %dma_wait3A_83 = tpu.memref_slice %arg8[%dma_wait3A, %dma_wait3A_82] : memref<80x128xf32, #tpu.memory_space<vmem>> -> memref<80x128xf32, #tpu.memory_space<vmem>>
      %dma_wait3A_84 = arith.constant 0 : i32
      %dma_wait3A_85 = tpu.memref_slice %arg10[%add3A_54, %dma_wait3A_84] : memref<10112x128xf32, #tpu.memory_space<vmem_shared>> -> memref<80x128xf32, #tpu.memory_space<vmem_shared>>
      %dma_wait3A_86 = arith.constant 0 : i32
      %dma_wait3A_87 = arith.constant 0 : i32
      %dma_wait3A_88 = tpu.memref_slice %arg8[%dma_wait3A_86, %dma_wait3A_87] : memref<80x128xf32, #tpu.memory_space<vmem>> -> memref<80x128xf32, #tpu.memory_space<vmem>>
      %dma_wait3A_89 = arith.constant 0 : i32
      %dma_wait3A_90 = tpu.memref_slice %arg10[%add3A_54, %dma_wait3A_89] : memref<10112x128xf32, #tpu.memory_space<vmem_shared>> -> memref<80x128xf32, #tpu.memory_space<vmem_shared>>
      tpu.wait_dma2 semaphore(%run_scoped3A : memref<!tpu.dma_semaphore, #tpu.memory_space<semaphore_mem>>) src(%dma_wait3A_90 : memref<80x128xf32, #tpu.memory_space<vmem_shared>>) dst(%dma_wait3A_88 : memref<80x128xf32, #tpu.memory_space<vmem>>)
      tpu.yield
    }) : () -> ()
    %add3A_55 = arith.constant 240 : i32
    %add3A_56 = arith.addi %mul3A_0, %add3A_55 : i32
    "tpu.region"() ({
      %run_scoped3A = tpu.sem_alloc : memref<!tpu.dma_semaphore, #tpu.memory_space<semaphore_mem>>
      %dma_start3A = arith.constant 0 : i32
      %dma_start3A_73 = arith.constant 0 : i32
      %dma_start3A_74 = tpu.memref_slice %arg8[%dma_start3A, %dma_start3A_73] : memref<80x128xf32, #tpu.memory_space<vmem>> -> memref<80x128xf32, #tpu.memory_space<vmem>>
      %dma_start3A_75 = arith.constant 0 : i32
      %dma_start3A_76 = tpu.memref_slice %arg5[%arg0, %add3A_56, %dma_start3A_75] : memref<2x10112x128xf32, #tpu.memory_space<hbm>> -> memref<1x80x128xf32, #tpu.memory_space<hbm>>
      %dma_start3A_77 = tpu.memref_squeeze %dma_start3A_76 : memref<1x80x128xf32, #tpu.memory_space<hbm>> -> memref<80x128xf32, #tpu.memory_space<hbm>>
      %dma_start3A_78 = arith.constant 0 : i32
      %dma_start3A_79 = tpu.memref_slice %arg5[%arg0, %add3A_56, %dma_start3A_78] : memref<2x10112x128xf32, #tpu.memory_space<hbm>> -> memref<1x80x128xf32, #tpu.memory_space<hbm>>
      %dma_start3A_80 = tpu.memref_squeeze %dma_start3A_79 : memref<1x80x128xf32, #tpu.memory_space<hbm>> -> memref<80x128xf32, #tpu.memory_space<hbm>>
      %dma_start3A_81 = arith.constant 0 : i32
      %dma_start3A_82 = arith.constant 0 : i32
      %dma_start3A_83 = tpu.memref_slice %arg8[%dma_start3A_81, %dma_start3A_82] : memref<80x128xf32, #tpu.memory_space<vmem>> -> memref<80x128xf32, #tpu.memory_space<vmem>>
      tpu.enqueue_dma source(%dma_start3A_83 : memref<80x128xf32, #tpu.memory_space<vmem>>) target(%dma_start3A_80 : memref<80x128xf32, #tpu.memory_space<hbm>>) target_semaphore(%run_scoped3A : memref<!tpu.dma_semaphore, #tpu.memory_space<semaphore_mem>>)
      %dma_wait3A = arith.constant 0 : i32
      %dma_wait3A_84 = arith.constant 0 : i32
      %dma_wait3A_85 = tpu.memref_slice %arg8[%dma_wait3A, %dma_wait3A_84] : memref<80x128xf32, #tpu.memory_space<vmem>> -> memref<80x128xf32, #tpu.memory_space<vmem>>
      %dma_wait3A_86 = arith.constant 0 : i32
      %dma_wait3A_87 = tpu.memref_slice %arg5[%arg0, %add3A_56, %dma_wait3A_86] : memref<2x10112x128xf32, #tpu.memory_space<hbm>> -> memref<1x80x128xf32, #tpu.memory_space<hbm>>
      %dma_wait3A_88 = tpu.memref_squeeze %dma_wait3A_87 : memref<1x80x128xf32, #tpu.memory_space<hbm>> -> memref<80x128xf32, #tpu.memory_space<hbm>>
      %dma_wait3A_89 = arith.constant 0 : i32
      %dma_wait3A_90 = tpu.memref_slice %arg5[%arg0, %add3A_56, %dma_wait3A_89] : memref<2x10112x128xf32, #tpu.memory_space<hbm>> -> memref<1x80x128xf32, #tpu.memory_space<hbm>>
      %dma_wait3A_91 = tpu.memref_squeeze %dma_wait3A_90 : memref<1x80x128xf32, #tpu.memory_space<hbm>> -> memref<80x128xf32, #tpu.memory_space<hbm>>
      %dma_wait3A_92 = arith.constant 0 : i32
      %dma_wait3A_93 = arith.constant 0 : i32
      %dma_wait3A_94 = tpu.memref_slice %arg8[%dma_wait3A_92, %dma_wait3A_93] : memref<80x128xf32, #tpu.memory_space<vmem>> -> memref<80x128xf32, #tpu.memory_space<vmem>>
      tpu.wait_dma2 semaphore(%run_scoped3A : memref<!tpu.dma_semaphore, #tpu.memory_space<semaphore_mem>>) src(%dma_wait3A_94 : memref<80x128xf32, #tpu.memory_space<vmem>>) dst(%dma_wait3A_91 : memref<80x128xf32, #tpu.memory_space<hbm>>)
      tpu.yield
    }) : () -> ()
    %add3A_57 = arith.constant 320 : i32
    %add3A_58 = arith.addi %mul3A_0, %add3A_57 : i32
    "tpu.region"() ({
      %run_scoped3A = tpu.sem_alloc : memref<!tpu.dma_semaphore, #tpu.memory_space<semaphore_mem>>
      %dma_start3A = arith.constant 0 : i32
      %dma_start3A_73 = arith.constant 0 : i32
      %dma_start3A_74 = tpu.memref_slice %arg8[%dma_start3A, %dma_start3A_73] : memref<80x128xf32, #tpu.memory_space<vmem>> -> memref<80x128xf32, #tpu.memory_space<vmem>>
      %dma_start3A_75 = arith.constant 0 : i32
      %dma_start3A_76 = tpu.memref_slice %arg10[%add3A_58, %dma_start3A_75] : memref<10112x128xf32, #tpu.memory_space<vmem_shared>> -> memref<80x128xf32, #tpu.memory_space<vmem_shared>>
      %dma_start3A_77 = arith.constant 0 : i32
      %dma_start3A_78 = arith.constant 0 : i32
      %dma_start3A_79 = tpu.memref_slice %arg8[%dma_start3A_77, %dma_start3A_78] : memref<80x128xf32, #tpu.memory_space<vmem>> -> memref<80x128xf32, #tpu.memory_space<vmem>>
      %dma_start3A_80 = arith.constant 0 : i32
      %dma_start3A_81 = tpu.memref_slice %arg10[%add3A_58, %dma_start3A_80] : memref<10112x128xf32, #tpu.memory_space<vmem_shared>> -> memref<80x128xf32, #tpu.memory_space<vmem_shared>>
      tpu.enqueue_dma source(%dma_start3A_81 : memref<80x128xf32, #tpu.memory_space<vmem_shared>>) target(%dma_start3A_79 : memref<80x128xf32, #tpu.memory_space<vmem>>) target_semaphore(%run_scoped3A : memref<!tpu.dma_semaphore, #tpu.memory_space<semaphore_mem>>)
      %dma_wait3A = arith.constant 0 : i32
      %dma_wait3A_82 = arith.constant 0 : i32
      %dma_wait3A_83 = tpu.memref_slice %arg8[%dma_wait3A, %dma_wait3A_82] : memref<80x128xf32, #tpu.memory_space<vmem>> -> memref<80x128xf32, #tpu.memory_space<vmem>>
      %dma_wait3A_84 = arith.constant 0 : i32
      %dma_wait3A_85 = tpu.memref_slice %arg10[%add3A_58, %dma_wait3A_84] : memref<10112x128xf32, #tpu.memory_space<vmem_shared>> -> memref<80x128xf32, #tpu.memory_space<vmem_shared>>
      %dma_wait3A_86 = arith.constant 0 : i32
      %dma_wait3A_87 = arith.constant 0 : i32
      %dma_wait3A_88 = tpu.memref_slice %arg8[%dma_wait3A_86, %dma_wait3A_87] : memref<80x128xf32, #tpu.memory_space<vmem>> -> memref<80x128xf32, #tpu.memory_space<vmem>>
      %dma_wait3A_89 = arith.constant 0 : i32
      %dma_wait3A_90 = tpu.memref_slice %arg10[%add3A_58, %dma_wait3A_89] : memref<10112x128xf32, #tpu.memory_space<vmem_shared>> -> memref<80x128xf32, #tpu.memory_space<vmem_shared>>
      tpu.wait_dma2 semaphore(%run_scoped3A : memref<!tpu.dma_semaphore, #tpu.memory_space<semaphore_mem>>) src(%dma_wait3A_90 : memref<80x128xf32, #tpu.memory_space<vmem_shared>>) dst(%dma_wait3A_88 : memref<80x128xf32, #tpu.memory_space<vmem>>)
      tpu.yield
    }) : () -> ()
    %add3A_59 = arith.constant 320 : i32
    %add3A_60 = arith.addi %mul3A_0, %add3A_59 : i32
    "tpu.region"() ({
      %run_scoped3A = tpu.sem_alloc : memref<!tpu.dma_semaphore, #tpu.memory_space<semaphore_mem>>
      %dma_start3A = arith.constant 0 : i32
      %dma_start3A_73 = arith.constant 0 : i32
      %dma_start3A_74 = tpu.memref_slice %arg8[%dma_start3A, %dma_start3A_73] : memref<80x128xf32, #tpu.memory_space<vmem>> -> memref<80x128xf32, #tpu.memory_space<vmem>>
      %dma_start3A_75 = arith.constant 0 : i32
      %dma_start3A_76 = tpu.memref_slice %arg5[%arg0, %add3A_60, %dma_start3A_75] : memref<2x10112x128xf32, #tpu.memory_space<hbm>> -> memref<1x80x128xf32, #tpu.memory_space<hbm>>
      %dma_start3A_77 = tpu.memref_squeeze %dma_start3A_76 : memref<1x80x128xf32, #tpu.memory_space<hbm>> -> memref<80x128xf32, #tpu.memory_space<hbm>>
      %dma_start3A_78 = arith.constant 0 : i32
      %dma_start3A_79 = tpu.memref_slice %arg5[%arg0, %add3A_60, %dma_start3A_78] : memref<2x10112x128xf32, #tpu.memory_space<hbm>> -> memref<1x80x128xf32, #tpu.memory_space<hbm>>
      %dma_start3A_80 = tpu.memref_squeeze %dma_start3A_79 : memref<1x80x128xf32, #tpu.memory_space<hbm>> -> memref<80x128xf32, #tpu.memory_space<hbm>>
      %dma_start3A_81 = arith.constant 0 : i32
      %dma_start3A_82 = arith.constant 0 : i32
      %dma_start3A_83 = tpu.memref_slice %arg8[%dma_start3A_81, %dma_start3A_82] : memref<80x128xf32, #tpu.memory_space<vmem>> -> memref<80x128xf32, #tpu.memory_space<vmem>>
      tpu.enqueue_dma source(%dma_start3A_83 : memref<80x128xf32, #tpu.memory_space<vmem>>) target(%dma_start3A_80 : memref<80x128xf32, #tpu.memory_space<hbm>>) target_semaphore(%run_scoped3A : memref<!tpu.dma_semaphore, #tpu.memory_space<semaphore_mem>>)
      %dma_wait3A = arith.constant 0 : i32
      %dma_wait3A_84 = arith.constant 0 : i32
      %dma_wait3A_85 = tpu.memref_slice %arg8[%dma_wait3A, %dma_wait3A_84] : memref<80x128xf32, #tpu.memory_space<vmem>> -> memref<80x128xf32, #tpu.memory_space<vmem>>
      %dma_wait3A_86 = arith.constant 0 : i32
      %dma_wait3A_87 = tpu.memref_slice %arg5[%arg0, %add3A_60, %dma_wait3A_86] : memref<2x10112x128xf32, #tpu.memory_space<hbm>> -> memref<1x80x128xf32, #tpu.memory_space<hbm>>
      %dma_wait3A_88 = tpu.memref_squeeze %dma_wait3A_87 : memref<1x80x128xf32, #tpu.memory_space<hbm>> -> memref<80x128xf32, #tpu.memory_space<hbm>>
      %dma_wait3A_89 = arith.constant 0 : i32
      %dma_wait3A_90 = tpu.memref_slice %arg5[%arg0, %add3A_60, %dma_wait3A_89] : memref<2x10112x128xf32, #tpu.memory_space<hbm>> -> memref<1x80x128xf32, #tpu.memory_space<hbm>>
      %dma_wait3A_91 = tpu.memref_squeeze %dma_wait3A_90 : memref<1x80x128xf32, #tpu.memory_space<hbm>> -> memref<80x128xf32, #tpu.memory_space<hbm>>
      %dma_wait3A_92 = arith.constant 0 : i32
      %dma_wait3A_93 = arith.constant 0 : i32
      %dma_wait3A_94 = tpu.memref_slice %arg8[%dma_wait3A_92, %dma_wait3A_93] : memref<80x128xf32, #tpu.memory_space<vmem>> -> memref<80x128xf32, #tpu.memory_space<vmem>>
      tpu.wait_dma2 semaphore(%run_scoped3A : memref<!tpu.dma_semaphore, #tpu.memory_space<semaphore_mem>>) src(%dma_wait3A_94 : memref<80x128xf32, #tpu.memory_space<vmem>>) dst(%dma_wait3A_91 : memref<80x128xf32, #tpu.memory_space<hbm>>)
      tpu.yield
    }) : () -> ()
    %add3A_61 = arith.constant 400 : i32
    %add3A_62 = arith.addi %mul3A_0, %add3A_61 : i32
    "tpu.region"() ({
      %run_scoped3A = tpu.sem_alloc : memref<!tpu.dma_semaphore, #tpu.memory_space<semaphore_mem>>
      %dma_start3A = arith.constant 0 : i32
      %dma_start3A_73 = arith.constant 0 : i32
      %dma_start3A_74 = tpu.memref_slice %arg8[%dma_start3A, %dma_start3A_73] : memref<80x128xf32, #tpu.memory_space<vmem>> -> memref<80x128xf32, #tpu.memory_space<vmem>>
      %dma_start3A_75 = arith.constant 0 : i32
      %dma_start3A_76 = tpu.memref_slice %arg10[%add3A_62, %dma_start3A_75] : memref<10112x128xf32, #tpu.memory_space<vmem_shared>> -> memref<80x128xf32, #tpu.memory_space<vmem_shared>>
      %dma_start3A_77 = arith.constant 0 : i32
      %dma_start3A_78 = arith.constant 0 : i32
      %dma_start3A_79 = tpu.memref_slice %arg8[%dma_start3A_77, %dma_start3A_78] : memref<80x128xf32, #tpu.memory_space<vmem>> -> memref<80x128xf32, #tpu.memory_space<vmem>>
      %dma_start3A_80 = arith.constant 0 : i32
      %dma_start3A_81 = tpu.memref_slice %arg10[%add3A_62, %dma_start3A_80] : memref<10112x128xf32, #tpu.memory_space<vmem_shared>> -> memref<80x128xf32, #tpu.memory_space<vmem_shared>>
      tpu.enqueue_dma source(%dma_start3A_81 : memref<80x128xf32, #tpu.memory_space<vmem_shared>>) target(%dma_start3A_79 : memref<80x128xf32, #tpu.memory_space<vmem>>) target_semaphore(%run_scoped3A : memref<!tpu.dma_semaphore, #tpu.memory_space<semaphore_mem>>)
      %dma_wait3A = arith.constant 0 : i32
      %dma_wait3A_82 = arith.constant 0 : i32
      %dma_wait3A_83 = tpu.memref_slice %arg8[%dma_wait3A, %dma_wait3A_82] : memref<80x128xf32, #tpu.memory_space<vmem>> -> memref<80x128xf32, #tpu.memory_space<vmem>>
      %dma_wait3A_84 = arith.constant 0 : i32
      %dma_wait3A_85 = tpu.memref_slice %arg10[%add3A_62, %dma_wait3A_84] : memref<10112x128xf32, #tpu.memory_space<vmem_shared>> -> memref<80x128xf32, #tpu.memory_space<vmem_shared>>
      %dma_wait3A_86 = arith.constant 0 : i32
      %dma_wait3A_87 = arith.constant 0 : i32
      %dma_wait3A_88 = tpu.memref_slice %arg8[%dma_wait3A_86, %dma_wait3A_87] : memref<80x128xf32, #tpu.memory_space<vmem>> -> memref<80x128xf32, #tpu.memory_space<vmem>>
      %dma_wait3A_89 = arith.constant 0 : i32
      %dma_wait3A_90 = tpu.memref_slice %arg10[%add3A_62, %dma_wait3A_89] : memref<10112x128xf32, #tpu.memory_space<vmem_shared>> -> memref<80x128xf32, #tpu.memory_space<vmem_shared>>
      tpu.wait_dma2 semaphore(%run_scoped3A : memref<!tpu.dma_semaphore, #tpu.memory_space<semaphore_mem>>) src(%dma_wait3A_90 : memref<80x128xf32, #tpu.memory_space<vmem_shared>>) dst(%dma_wait3A_88 : memref<80x128xf32, #tpu.memory_space<vmem>>)
      tpu.yield
    }) : () -> ()
    %add3A_63 = arith.constant 400 : i32
    %add3A_64 = arith.addi %mul3A_0, %add3A_63 : i32
    "tpu.region"() ({
      %run_scoped3A = tpu.sem_alloc : memref<!tpu.dma_semaphore, #tpu.memory_space<semaphore_mem>>
      %dma_start3A = arith.constant 0 : i32
      %dma_start3A_73 = arith.constant 0 : i32
      %dma_start3A_74 = tpu.memref_slice %arg8[%dma_start3A, %dma_start3A_73] : memref<80x128xf32, #tpu.memory_space<vmem>> -> memref<80x128xf32, #tpu.memory_space<vmem>>
      %dma_start3A_75 = arith.constant 0 : i32
      %dma_start3A_76 = tpu.memref_slice %arg5[%arg0, %add3A_64, %dma_start3A_75] : memref<2x10112x128xf32, #tpu.memory_space<hbm>> -> memref<1x80x128xf32, #tpu.memory_space<hbm>>
      %dma_start3A_77 = tpu.memref_squeeze %dma_start3A_76 : memref<1x80x128xf32, #tpu.memory_space<hbm>> -> memref<80x128xf32, #tpu.memory_space<hbm>>
      %dma_start3A_78 = arith.constant 0 : i32
      %dma_start3A_79 = tpu.memref_slice %arg5[%arg0, %add3A_64, %dma_start3A_78] : memref<2x10112x128xf32, #tpu.memory_space<hbm>> -> memref<1x80x128xf32, #tpu.memory_space<hbm>>
      %dma_start3A_80 = tpu.memref_squeeze %dma_start3A_79 : memref<1x80x128xf32, #tpu.memory_space<hbm>> -> memref<80x128xf32, #tpu.memory_space<hbm>>
      %dma_start3A_81 = arith.constant 0 : i32
      %dma_start3A_82 = arith.constant 0 : i32
      %dma_start3A_83 = tpu.memref_slice %arg8[%dma_start3A_81, %dma_start3A_82] : memref<80x128xf32, #tpu.memory_space<vmem>> -> memref<80x128xf32, #tpu.memory_space<vmem>>
      tpu.enqueue_dma source(%dma_start3A_83 : memref<80x128xf32, #tpu.memory_space<vmem>>) target(%dma_start3A_80 : memref<80x128xf32, #tpu.memory_space<hbm>>) target_semaphore(%run_scoped3A : memref<!tpu.dma_semaphore, #tpu.memory_space<semaphore_mem>>)
      %dma_wait3A = arith.constant 0 : i32
      %dma_wait3A_84 = arith.constant 0 : i32
      %dma_wait3A_85 = tpu.memref_slice %arg8[%dma_wait3A, %dma_wait3A_84] : memref<80x128xf32, #tpu.memory_space<vmem>> -> memref<80x128xf32, #tpu.memory_space<vmem>>
      %dma_wait3A_86 = arith.constant 0 : i32
      %dma_wait3A_87 = tpu.memref_slice %arg5[%arg0, %add3A_64, %dma_wait3A_86] : memref<2x10112x128xf32, #tpu.memory_space<hbm>> -> memref<1x80x128xf32, #tpu.memory_space<hbm>>
      %dma_wait3A_88 = tpu.memref_squeeze %dma_wait3A_87 : memref<1x80x128xf32, #tpu.memory_space<hbm>> -> memref<80x128xf32, #tpu.memory_space<hbm>>
      %dma_wait3A_89 = arith.constant 0 : i32
      %dma_wait3A_90 = tpu.memref_slice %arg5[%arg0, %add3A_64, %dma_wait3A_89] : memref<2x10112x128xf32, #tpu.memory_space<hbm>> -> memref<1x80x128xf32, #tpu.memory_space<hbm>>
      %dma_wait3A_91 = tpu.memref_squeeze %dma_wait3A_90 : memref<1x80x128xf32, #tpu.memory_space<hbm>> -> memref<80x128xf32, #tpu.memory_space<hbm>>
      %dma_wait3A_92 = arith.constant 0 : i32
      %dma_wait3A_93 = arith.constant 0 : i32
      %dma_wait3A_94 = tpu.memref_slice %arg8[%dma_wait3A_92, %dma_wait3A_93] : memref<80x128xf32, #tpu.memory_space<vmem>> -> memref<80x128xf32, #tpu.memory_space<vmem>>
      tpu.wait_dma2 semaphore(%run_scoped3A : memref<!tpu.dma_semaphore, #tpu.memory_space<semaphore_mem>>) src(%dma_wait3A_94 : memref<80x128xf32, #tpu.memory_space<vmem>>) dst(%dma_wait3A_91 : memref<80x128xf32, #tpu.memory_space<hbm>>)
      tpu.yield
    }) : () -> ()
    %add3A_65 = arith.constant 480 : i32
    %add3A_66 = arith.addi %mul3A_0, %add3A_65 : i32
    "tpu.region"() ({
      %run_scoped3A = tpu.sem_alloc : memref<!tpu.dma_semaphore, #tpu.memory_space<semaphore_mem>>
      %dma_start3A = arith.constant 0 : i32
      %dma_start3A_73 = arith.constant 0 : i32
      %dma_start3A_74 = tpu.memref_slice %arg8[%dma_start3A, %dma_start3A_73] : memref<80x128xf32, #tpu.memory_space<vmem>> -> memref<80x128xf32, #tpu.memory_space<vmem>>
      %dma_start3A_75 = arith.constant 0 : i32
      %dma_start3A_76 = tpu.memref_slice %arg10[%add3A_66, %dma_start3A_75] : memref<10112x128xf32, #tpu.memory_space<vmem_shared>> -> memref<80x128xf32, #tpu.memory_space<vmem_shared>>
      %dma_start3A_77 = arith.constant 0 : i32
      %dma_start3A_78 = arith.constant 0 : i32
      %dma_start3A_79 = tpu.memref_slice %arg8[%dma_start3A_77, %dma_start3A_78] : memref<80x128xf32, #tpu.memory_space<vmem>> -> memref<80x128xf32, #tpu.memory_space<vmem>>
      %dma_start3A_80 = arith.constant 0 : i32
      %dma_start3A_81 = tpu.memref_slice %arg10[%add3A_66, %dma_start3A_80] : memref<10112x128xf32, #tpu.memory_space<vmem_shared>> -> memref<80x128xf32, #tpu.memory_space<vmem_shared>>
      tpu.enqueue_dma source(%dma_start3A_81 : memref<80x128xf32, #tpu.memory_space<vmem_shared>>) target(%dma_start3A_79 : memref<80x128xf32, #tpu.memory_space<vmem>>) target_semaphore(%run_scoped3A : memref<!tpu.dma_semaphore, #tpu.memory_space<semaphore_mem>>)
      %dma_wait3A = arith.constant 0 : i32
      %dma_wait3A_82 = arith.constant 0 : i32
      %dma_wait3A_83 = tpu.memref_slice %arg8[%dma_wait3A, %dma_wait3A_82] : memref<80x128xf32, #tpu.memory_space<vmem>> -> memref<80x128xf32, #tpu.memory_space<vmem>>
      %dma_wait3A_84 = arith.constant 0 : i32
      %dma_wait3A_85 = tpu.memref_slice %arg10[%add3A_66, %dma_wait3A_84] : memref<10112x128xf32, #tpu.memory_space<vmem_shared>> -> memref<80x128xf32, #tpu.memory_space<vmem_shared>>
      %dma_wait3A_86 = arith.constant 0 : i32
      %dma_wait3A_87 = arith.constant 0 : i32
      %dma_wait3A_88 = tpu.memref_slice %arg8[%dma_wait3A_86, %dma_wait3A_87] : memref<80x128xf32, #tpu.memory_space<vmem>> -> memref<80x128xf32, #tpu.memory_space<vmem>>
      %dma_wait3A_89 = arith.constant 0 : i32
      %dma_wait3A_90 = tpu.memref_slice %arg10[%add3A_66, %dma_wait3A_89] : memref<10112x128xf32, #tpu.memory_space<vmem_shared>> -> memref<80x128xf32, #tpu.memory_space<vmem_shared>>
      tpu.wait_dma2 semaphore(%run_scoped3A : memref<!tpu.dma_semaphore, #tpu.memory_space<semaphore_mem>>) src(%dma_wait3A_90 : memref<80x128xf32, #tpu.memory_space<vmem_shared>>) dst(%dma_wait3A_88 : memref<80x128xf32, #tpu.memory_space<vmem>>)
      tpu.yield
    }) : () -> ()
    %add3A_67 = arith.constant 480 : i32
    %add3A_68 = arith.addi %mul3A_0, %add3A_67 : i32
    "tpu.region"() ({
      %run_scoped3A = tpu.sem_alloc : memref<!tpu.dma_semaphore, #tpu.memory_space<semaphore_mem>>
      %dma_start3A = arith.constant 0 : i32
      %dma_start3A_73 = arith.constant 0 : i32
      %dma_start3A_74 = tpu.memref_slice %arg8[%dma_start3A, %dma_start3A_73] : memref<80x128xf32, #tpu.memory_space<vmem>> -> memref<80x128xf32, #tpu.memory_space<vmem>>
      %dma_start3A_75 = arith.constant 0 : i32
      %dma_start3A_76 = tpu.memref_slice %arg5[%arg0, %add3A_68, %dma_start3A_75] : memref<2x10112x128xf32, #tpu.memory_space<hbm>> -> memref<1x80x128xf32, #tpu.memory_space<hbm>>
      %dma_start3A_77 = tpu.memref_squeeze %dma_start3A_76 : memref<1x80x128xf32, #tpu.memory_space<hbm>> -> memref<80x128xf32, #tpu.memory_space<hbm>>
      %dma_start3A_78 = arith.constant 0 : i32
      %dma_start3A_79 = tpu.memref_slice %arg5[%arg0, %add3A_68, %dma_start3A_78] : memref<2x10112x128xf32, #tpu.memory_space<hbm>> -> memref<1x80x128xf32, #tpu.memory_space<hbm>>
      %dma_start3A_80 = tpu.memref_squeeze %dma_start3A_79 : memref<1x80x128xf32, #tpu.memory_space<hbm>> -> memref<80x128xf32, #tpu.memory_space<hbm>>
      %dma_start3A_81 = arith.constant 0 : i32
      %dma_start3A_82 = arith.constant 0 : i32
      %dma_start3A_83 = tpu.memref_slice %arg8[%dma_start3A_81, %dma_start3A_82] : memref<80x128xf32, #tpu.memory_space<vmem>> -> memref<80x128xf32, #tpu.memory_space<vmem>>
      tpu.enqueue_dma source(%dma_start3A_83 : memref<80x128xf32, #tpu.memory_space<vmem>>) target(%dma_start3A_80 : memref<80x128xf32, #tpu.memory_space<hbm>>) target_semaphore(%run_scoped3A : memref<!tpu.dma_semaphore, #tpu.memory_space<semaphore_mem>>)
      %dma_wait3A = arith.constant 0 : i32
      %dma_wait3A_84 = arith.constant 0 : i32
      %dma_wait3A_85 = tpu.memref_slice %arg8[%dma_wait3A, %dma_wait3A_84] : memref<80x128xf32, #tpu.memory_space<vmem>> -> memref<80x128xf32, #tpu.memory_space<vmem>>
      %dma_wait3A_86 = arith.constant 0 : i32
      %dma_wait3A_87 = tpu.memref_slice %arg5[%arg0, %add3A_68, %dma_wait3A_86] : memref<2x10112x128xf32, #tpu.memory_space<hbm>> -> memref<1x80x128xf32, #tpu.memory_space<hbm>>
      %dma_wait3A_88 = tpu.memref_squeeze %dma_wait3A_87 : memref<1x80x128xf32, #tpu.memory_space<hbm>> -> memref<80x128xf32, #tpu.memory_space<hbm>>
      %dma_wait3A_89 = arith.constant 0 : i32
      %dma_wait3A_90 = tpu.memref_slice %arg5[%arg0, %add3A_68, %dma_wait3A_89] : memref<2x10112x128xf32, #tpu.memory_space<hbm>> -> memref<1x80x128xf32, #tpu.memory_space<hbm>>
      %dma_wait3A_91 = tpu.memref_squeeze %dma_wait3A_90 : memref<1x80x128xf32, #tpu.memory_space<hbm>> -> memref<80x128xf32, #tpu.memory_space<hbm>>
      %dma_wait3A_92 = arith.constant 0 : i32
      %dma_wait3A_93 = arith.constant 0 : i32
      %dma_wait3A_94 = tpu.memref_slice %arg8[%dma_wait3A_92, %dma_wait3A_93] : memref<80x128xf32, #tpu.memory_space<vmem>> -> memref<80x128xf32, #tpu.memory_space<vmem>>
      tpu.wait_dma2 semaphore(%run_scoped3A : memref<!tpu.dma_semaphore, #tpu.memory_space<semaphore_mem>>) src(%dma_wait3A_94 : memref<80x128xf32, #tpu.memory_space<vmem>>) dst(%dma_wait3A_91 : memref<80x128xf32, #tpu.memory_space<hbm>>)
      tpu.yield
    }) : () -> ()
    %add3A_69 = arith.constant 560 : i32
    %add3A_70 = arith.addi %mul3A_0, %add3A_69 : i32
    "tpu.region"() ({
      %run_scoped3A = tpu.sem_alloc : memref<!tpu.dma_semaphore, #tpu.memory_space<semaphore_mem>>
      %dma_start3A = arith.constant 0 : i32
      %dma_start3A_73 = arith.constant 0 : i32
      %dma_start3A_74 = tpu.memref_slice %arg8[%dma_start3A, %dma_start3A_73] : memref<80x128xf32, #tpu.memory_space<vmem>> -> memref<72x128xf32, #tpu.memory_space<vmem>>
      %dma_start3A_75 = arith.constant 0 : i32
      %dma_start3A_76 = tpu.memref_slice %arg10[%add3A_70, %dma_start3A_75] : memref<10112x128xf32, #tpu.memory_space<vmem_shared>> -> memref<72x128xf32, #tpu.memory_space<vmem_shared>>
      %dma_start3A_77 = arith.constant 0 : i32
      %dma_start3A_78 = arith.constant 0 : i32
      %dma_start3A_79 = tpu.memref_slice %arg8[%dma_start3A_77, %dma_start3A_78] : memref<80x128xf32, #tpu.memory_space<vmem>> -> memref<72x128xf32, #tpu.memory_space<vmem>>
      %dma_start3A_80 = arith.constant 0 : i32
      %dma_start3A_81 = tpu.memref_slice %arg10[%add3A_70, %dma_start3A_80] : memref<10112x128xf32, #tpu.memory_space<vmem_shared>> -> memref<72x128xf32, #tpu.memory_space<vmem_shared>>
      tpu.enqueue_dma source(%dma_start3A_81 : memref<72x128xf32, #tpu.memory_space<vmem_shared>>) target(%dma_start3A_79 : memref<72x128xf32, #tpu.memory_space<vmem>>) target_semaphore(%run_scoped3A : memref<!tpu.dma_semaphore, #tpu.memory_space<semaphore_mem>>)
      %dma_wait3A = arith.constant 0 : i32
      %dma_wait3A_82 = arith.constant 0 : i32
      %dma_wait3A_83 = tpu.memref_slice %arg8[%dma_wait3A, %dma_wait3A_82] : memref<80x128xf32, #tpu.memory_space<vmem>> -> memref<72x128xf32, #tpu.memory_space<vmem>>
      %dma_wait3A_84 = arith.constant 0 : i32
      %dma_wait3A_85 = tpu.memref_slice %arg10[%add3A_70, %dma_wait3A_84] : memref<10112x128xf32, #tpu.memory_space<vmem_shared>> -> memref<72x128xf32, #tpu.memory_space<vmem_shared>>
      %dma_wait3A_86 = arith.constant 0 : i32
      %dma_wait3A_87 = arith.constant 0 : i32
      %dma_wait3A_88 = tpu.memref_slice %arg8[%dma_wait3A_86, %dma_wait3A_87] : memref<80x128xf32, #tpu.memory_space<vmem>> -> memref<72x128xf32, #tpu.memory_space<vmem>>
      %dma_wait3A_89 = arith.constant 0 : i32
      %dma_wait3A_90 = tpu.memref_slice %arg10[%add3A_70, %dma_wait3A_89] : memref<10112x128xf32, #tpu.memory_space<vmem_shared>> -> memref<72x128xf32, #tpu.memory_space<vmem_shared>>
      tpu.wait_dma2 semaphore(%run_scoped3A : memref<!tpu.dma_semaphore, #tpu.memory_space<semaphore_mem>>) src(%dma_wait3A_90 : memref<72x128xf32, #tpu.memory_space<vmem_shared>>) dst(%dma_wait3A_88 : memref<72x128xf32, #tpu.memory_space<vmem>>)
      tpu.yield
    }) : () -> ()
    %add3A_71 = arith.constant 560 : i32
    %add3A_72 = arith.addi %mul3A_0, %add3A_71 : i32
    "tpu.region"() ({
      %run_scoped3A = tpu.sem_alloc : memref<!tpu.dma_semaphore, #tpu.memory_space<semaphore_mem>>
      %dma_start3A = arith.constant 0 : i32
      %dma_start3A_73 = arith.constant 0 : i32
      %dma_start3A_74 = tpu.memref_slice %arg8[%dma_start3A, %dma_start3A_73] : memref<80x128xf32, #tpu.memory_space<vmem>> -> memref<72x128xf32, #tpu.memory_space<vmem>>
      %dma_start3A_75 = arith.constant 0 : i32
      %dma_start3A_76 = tpu.memref_slice %arg5[%arg0, %add3A_72, %dma_start3A_75] : memref<2x10112x128xf32, #tpu.memory_space<hbm>> -> memref<1x72x128xf32, #tpu.memory_space<hbm>>
      %dma_start3A_77 = tpu.memref_squeeze %dma_start3A_76 : memref<1x72x128xf32, #tpu.memory_space<hbm>> -> memref<72x128xf32, #tpu.memory_space<hbm>>
      %dma_start3A_78 = arith.constant 0 : i32
      %dma_start3A_79 = tpu.memref_slice %arg5[%arg0, %add3A_72, %dma_start3A_78] : memref<2x10112x128xf32, #tpu.memory_space<hbm>> -> memref<1x72x128xf32, #tpu.memory_space<hbm>>
      %dma_start3A_80 = tpu.memref_squeeze %dma_start3A_79 : memref<1x72x128xf32, #tpu.memory_space<hbm>> -> memref<72x128xf32, #tpu.memory_space<hbm>>
      %dma_start3A_81 = arith.constant 0 : i32
      %dma_start3A_82 = arith.constant 0 : i32
      %dma_start3A_83 = tpu.memref_slice %arg8[%dma_start3A_81, %dma_start3A_82] : memref<80x128xf32, #tpu.memory_space<vmem>> -> memref<72x128xf32, #tpu.memory_space<vmem>>
      tpu.enqueue_dma source(%dma_start3A_83 : memref<72x128xf32, #tpu.memory_space<vmem>>) target(%dma_start3A_80 : memref<72x128xf32, #tpu.memory_space<hbm>>) target_semaphore(%run_scoped3A : memref<!tpu.dma_semaphore, #tpu.memory_space<semaphore_mem>>)
      %dma_wait3A = arith.constant 0 : i32
      %dma_wait3A_84 = arith.constant 0 : i32
      %dma_wait3A_85 = tpu.memref_slice %arg8[%dma_wait3A, %dma_wait3A_84] : memref<80x128xf32, #tpu.memory_space<vmem>> -> memref<72x128xf32, #tpu.memory_space<vmem>>
      %dma_wait3A_86 = arith.constant 0 : i32
      %dma_wait3A_87 = tpu.memref_slice %arg5[%arg0, %add3A_72, %dma_wait3A_86] : memref<2x10112x128xf32, #tpu.memory_space<hbm>> -> memref<1x72x128xf32, #tpu.memory_space<hbm>>
      %dma_wait3A_88 = tpu.memref_squeeze %dma_wait3A_87 : memref<1x72x128xf32, #tpu.memory_space<hbm>> -> memref<72x128xf32, #tpu.memory_space<hbm>>
      %dma_wait3A_89 = arith.constant 0 : i32
      %dma_wait3A_90 = tpu.memref_slice %arg5[%arg0, %add3A_72, %dma_wait3A_89] : memref<2x10112x128xf32, #tpu.memory_space<hbm>> -> memref<1x72x128xf32, #tpu.memory_space<hbm>>
      %dma_wait3A_91 = tpu.memref_squeeze %dma_wait3A_90 : memref<1x72x128xf32, #tpu.memory_space<hbm>> -> memref<72x128xf32, #tpu.memory_space<hbm>>
      %dma_wait3A_92 = arith.constant 0 : i32
      %dma_wait3A_93 = arith.constant 0 : i32
      %dma_wait3A_94 = tpu.memref_slice %arg8[%dma_wait3A_92, %dma_wait3A_93] : memref<80x128xf32, #tpu.memory_space<vmem>> -> memref<72x128xf32, #tpu.memory_space<vmem>>
      tpu.wait_dma2 semaphore(%run_scoped3A : memref<!tpu.dma_semaphore, #tpu.memory_space<semaphore_mem>>) src(%dma_wait3A_94 : memref<72x128xf32, #tpu.memory_space<vmem>>) dst(%dma_wait3A_91 : memref<72x128xf32, #tpu.memory_space<hbm>>)
      tpu.yield
    }) : () -> ()
    return
  }
}

#map = affine_map<(d0, d1) -> (0, 0)>
#map1 = affine_map<(d0, d1) -> (0, 0, 0)>
module attributes {stable_mosaic.version = 14 : i64} {
  func.func @_sc_matvec_body(%arg0: i32, %arg1: i32, %arg2: memref<10000x128xf32, #tpu.memory_space<hbm>>, %arg3: memref<4096x80xi32, #tpu.memory_space<hbm>>, %arg4: memref<4096x80xi32, #tpu.memory_space<hbm>>, %arg5: memref<2x10112x128xf32, #tpu.memory_space<hbm>>, %arg6: memref<64x80xi32, #tpu.memory_space<vmem>>, %arg7: memref<64x80xi32, #tpu.memory_space<vmem>>, %arg8: memref<80x128xf32, #tpu.memory_space<vmem>>, %arg9: memref<80x128xf32, #tpu.memory_space<vmem>>, %arg10: memref<10112x128xf32, #tpu.memory_space<vmem_shared>>, %arg11: memref<!tpu.dma_semaphore, #tpu.memory_space<semaphore_mem>>, %arg12: memref<!tpu.dma_semaphore, #tpu.memory_space<semaphore_mem>>, %arg13: memref<!tpu.dma_semaphore, #tpu.memory_space<semaphore_mem>>, %arg14: memref<!tpu.dma_semaphore, #tpu.memory_space<semaphore_mem>>) attributes {dimension_semantics = [#tpu.dimension_semantics<core_parallel>, #tpu.dimension_semantics<subcore_parallel>], iteration_bounds = array<i64: 2, 16>, scalar_prefetch = 0 : i64, scratch_operands = 9 : i64, tpu.core_type = #tpu.core_type<sc_vector_subcore>, window_params = [{transform_indices = #map}, {transform_indices = #map}, {transform_indices = #map}, {transform_indices = #map1}]} {
    %mul3A = arith.constant 632 : i32
    %mul3A_0 = arith.muli %arg1, %mul3A : i32
    %scan3A = arith.constant 0 : i32
    %scan3A_1 = arith.constant 0 : i32
    %scan3A_2 = arith.constant 640 : i32
    %scan3A_3 = arith.addi %scan3A_1, %scan3A_2 : i32
    %scan3A_4 = arith.constant 1 : i32
    %scan3A_5 = scf.for %scan3A_73 = %scan3A_1 to %scan3A_3 step %scan3A_4 iter_args(%scan3A_74 = %scan3A) -> (i32)  : i32 {
      %broadcast_in_dim3A = arith.constant 0.000000e+00 : f32
      %broadcast_in_dim3A_75 = vector.broadcast %broadcast_in_dim3A : f32 to vector<16xf32>
      %jit3A_76 = arith.constant 8 : i32
      %div3A = arith.divsi %scan3A_73, %jit3A_76 : i32
      %sign3A = arith.constant 0 : i32
      %sign3A_77 = arith.cmpi sgt, %scan3A_73, %sign3A : i32
      %sign3A_78 = arith.extui %sign3A_77 : i1 to i32
      %sign3A_79 = arith.constant 0 : i32
      %sign3A_80 = arith.cmpi slt, %scan3A_73, %sign3A_79 : i32
      %sign3A_81 = arith.extui %sign3A_80 : i1 to i32
      %sign3A_82 = arith.subi %sign3A_78, %sign3A_81 : i32
      %sign3A_83 = arith.constant 0 : i32
      %sign3A_84 = arith.cmpi sgt, %jit3A_76, %sign3A_83 : i32
      %sign3A_85 = arith.extui %sign3A_84 : i1 to i32
      %sign3A_86 = arith.constant 0 : i32
      %sign3A_87 = arith.cmpi slt, %jit3A_76, %sign3A_86 : i32
      %sign3A_88 = arith.extui %sign3A_87 : i1 to i32
      %sign3A_89 = arith.subi %sign3A_85, %sign3A_88 : i32
      %ne3A = arith.cmpi ne, %sign3A_82, %sign3A_89 : i32
      %rem3A = arith.remsi %scan3A_73, %jit3A_76 : i32
      %ne3A_90 = arith.constant 0 : i32
      %ne3A_91 = arith.cmpi ne, %rem3A, %ne3A_90 : i32
      %and3A = arith.andi %ne3A, %ne3A_91 : i1
      %sub3A = arith.constant 1 : i32
      %sub3A_92 = arith.subi %div3A, %sub3A : i32
      %select_n3A_93 = arith.select %and3A, %sub3A_92, %div3A : i32
      %jit3A_94 = arith.constant 8 : i32
      %eq3A_95 = arith.constant 0 : i32
      %eq3A_96 = arith.cmpi eq, %jit3A_94, %eq3A_95 : i32
      %jit3A_97 = arith.constant 1 : i32
      %select_n3A_98 = arith.select %eq3A_96, %jit3A_97, %jit3A_94 : i32
      %rem3A_99 = arith.remsi %scan3A_73, %select_n3A_98 : i32
      %ne3A_100 = arith.constant 0 : i32
      %ne3A_101 = arith.cmpi ne, %rem3A_99, %ne3A_100 : i32
      %lt3A = arith.constant 0 : i32
      %lt3A_102 = arith.cmpi slt, %rem3A_99, %lt3A : i32
      %lt3A_103 = arith.constant 0 : i32
      %lt3A_104 = arith.cmpi slt, %select_n3A_98, %lt3A_103 : i32
      %ne3A_105 = arith.xori %lt3A_102, %lt3A_104 : i1
      %and3A_106 = arith.andi %ne3A_105, %ne3A_101 : i1
      %add3A_107 = arith.addi %rem3A_99, %select_n3A_98 : i32
      %select_n3A_108 = arith.select %and3A_106, %add3A_107, %rem3A_99 : i32
      %mul3A_109 = arith.constant 16 : i32
      %mul3A_110 = arith.muli %select_n3A_108, %mul3A_109 : i32
      %swap3A = arith.index_cast %select_n3A_93 : i32 to index
      %swap3A_111 = arith.index_cast %mul3A_110 : i32 to index
      %swap3A_112 = tpu.vector_load %arg8[%swap3A, %swap3A_111] {strides = array<i32>} : memref<80x128xf32, #tpu.memory_space<vmem>>, vector<16xf32>,
      tpu.vector_store %arg8[%swap3A, %swap3A_111], %broadcast_in_dim3A_75 {strides = array<i32>} : memref<80x128xf32, #tpu.memory_space<vmem>>, vector<16xf32>,
      %scan3A_113 = arith.constant 0 : i32
      scf.yield %scan3A_113 : i32
    }
    %scan3A_6 = arith.constant 640 : i32
    %add3A = arith.constant 0 : i32
    %add3A_7 = arith.addi %mul3A_0, %add3A : i32
    "tpu.region"() ({
      %run_scoped3A = tpu.sem_alloc : memref<!tpu.dma_semaphore, #tpu.memory_space<semaphore_mem>>
      %dma_start3A = arith.constant 0 : i32
      %dma_start3A_73 = arith.constant 0 : i32
      %dma_start3A_74 = tpu.memref_slice %arg8[%dma_start3A, %dma_start3A_73] : memref<80x128xf32, #tpu.memory_space<vmem>> -> memref<80x128xf32, #tpu.memory_space<vmem>>
      %dma_start3A_75 = arith.constant 0 : i32
      %dma_start3A_76 = tpu.memref_slice %arg10[%add3A_7, %dma_start3A_75] : memref<10112x128xf32, #tpu.memory_space<vmem_shared>> -> memref<80x128xf32, #tpu.memory_space<vmem_shared>>
      %dma_start3A_77 = arith.constant 0 : i32
      %dma_start3A_78 = tpu.memref_slice %arg10[%add3A_7, %dma_start3A_77] : memref<10112x128xf32, #tpu.memory_space<vmem_shared>> -> memref<80x128xf32, #tpu.memory_space<vmem_shared>>
      %dma_start3A_79 = arith.constant 0 : i32
      %dma_start3A_80 = arith.constant 0 : i32
      %dma_start3A_81 = tpu.memref_slice %arg8[%dma_start3A_79, %dma_start3A_80] : memref<80x128xf32, #tpu.memory_space<vmem>> -> memref<80x128xf32, #tpu.memory_space<vmem>>
      tpu.enqueue_dma source(%dma_start3A_81 : memref<80x128xf32, #tpu.memory_space<vmem>>) target(%dma_start3A_78 : memref<80x128xf32, #tpu.memory_space<vmem_shared>>) target_semaphore(%run_scoped3A : memref<!tpu.dma_semaphore, #tpu.memory_space<semaphore_mem>>)
      %dma_wait3A = arith.constant 0 : i32
      %dma_wait3A_82 = arith.constant 0 : i32
      %dma_wait3A_83 = tpu.memref_slice %arg8[%dma_wait3A, %dma_wait3A_82] : memref<80x128xf32, #tpu.memory_space<vmem>> -> memref<80x128xf32, #tpu.memory_space<vmem>>
      %dma_wait3A_84 = arith.constant 0 : i32
      %dma_wait3A_85 = tpu.memref_slice %arg10[%add3A_7, %dma_wait3A_84] : memref<10112x128xf32, #tpu.memory_space<vmem_shared>> -> memref<80x128xf32, #tpu.memory_space<vmem_shared>>
      %dma_wait3A_86 = arith.constant 0 : i32
      %dma_wait3A_87 = tpu.memref_slice %arg10[%add3A_7, %dma_wait3A_86] : memref<10112x128xf32, #tpu.memory_space<vmem_shared>> -> memref<80x128xf32, #tpu.memory_space<vmem_shared>>
      %dma_wait3A_88 = arith.constant 0 : i32
      %dma_wait3A_89 = arith.constant 0 : i32
      %dma_wait3A_90 = tpu.memref_slice %arg8[%dma_wait3A_88, %dma_wait3A_89] : memref<80x128xf32, #tpu.memory_space<vmem>> -> memref<80x128xf32, #tpu.memory_space<vmem>>
      tpu.wait_dma2 semaphore(%run_scoped3A : memref<!tpu.dma_semaphore, #tpu.memory_space<semaphore_mem>>) src(%dma_wait3A_90 : memref<80x128xf32, #tpu.memory_space<vmem>>) dst(%dma_wait3A_87 : memref<80x128xf32, #tpu.memory_space<vmem_shared>>)
      tpu.yield
    }) : () -> ()
    %add3A_8 = arith.constant 80 : i32
    %add3A_9 = arith.addi %mul3A_0, %add3A_8 : i32
    "tpu.region"() ({
      %run_scoped3A = tpu.sem_alloc : memref<!tpu.dma_semaphore, #tpu.memory_space<semaphore_mem>>
      %dma_start3A = arith.constant 0 : i32
      %dma_start3A_73 = arith.constant 0 : i32
      %dma_start3A_74 = tpu.memref_slice %arg8[%dma_start3A, %dma_start3A_73] : memref<80x128xf32, #tpu.memory_space<vmem>> -> memref<80x128xf32, #tpu.memory_space<vmem>>
      %dma_start3A_75 = arith.constant 0 : i32
      %dma_start3A_76 = tpu.memref_slice %arg10[%add3A_9, %dma_start3A_75] : memref<10112x128xf32, #tpu.memory_space<vmem_shared>> -> memref<80x128xf32, #tpu.memory_space<vmem_shared>>
      %dma_start3A_77 = arith.constant 0 : i32
      %dma_start3A_78 = tpu.memref_slice %arg10[%add3A_9, %dma_start3A_77] : memref<10112x128xf32, #tpu.memory_space<vmem_shared>> -> memref<80x128xf32, #tpu.memory_space<vmem_shared>>
      %dma_start3A_79 = arith.constant 0 : i32
      %dma_start3A_80 = arith.constant 0 : i32
      %dma_start3A_81 = tpu.memref_slice %arg8[%dma_start3A_79, %dma_start3A_80] : memref<80x128xf32, #tpu.memory_space<vmem>> -> memref<80x128xf32, #tpu.memory_space<vmem>>
      tpu.enqueue_dma source(%dma_start3A_81 : memref<80x128xf32, #tpu.memory_space<vmem>>) target(%dma_start3A_78 : memref<80x128xf32, #tpu.memory_space<vmem_shared>>) target_semaphore(%run_scoped3A : memref<!tpu.dma_semaphore, #tpu.memory_space<semaphore_mem>>)
      %dma_wait3A = arith.constant 0 : i32
      %dma_wait3A_82 = arith.constant 0 : i32
      %dma_wait3A_83 = tpu.memref_slice %arg8[%dma_wait3A, %dma_wait3A_82] : memref<80x128xf32, #tpu.memory_space<vmem>> -> memref<80x128xf32, #tpu.memory_space<vmem>>
      %dma_wait3A_84 = arith.constant 0 : i32
      %dma_wait3A_85 = tpu.memref_slice %arg10[%add3A_9, %dma_wait3A_84] : memref<10112x128xf32, #tpu.memory_space<vmem_shared>> -> memref<80x128xf32, #tpu.memory_space<vmem_shared>>
      %dma_wait3A_86 = arith.constant 0 : i32
      %dma_wait3A_87 = tpu.memref_slice %arg10[%add3A_9, %dma_wait3A_86] : memref<10112x128xf32, #tpu.memory_space<vmem_shared>> -> memref<80x128xf32, #tpu.memory_space<vmem_shared>>
      %dma_wait3A_88 = arith.constant 0 : i32
      %dma_wait3A_89 = arith.constant 0 : i32
      %dma_wait3A_90 = tpu.memref_slice %arg8[%dma_wait3A_88, %dma_wait3A_89] : memref<80x128xf32, #tpu.memory_space<vmem>> -> memref<80x128xf32, #tpu.memory_space<vmem>>
      tpu.wait_dma2 semaphore(%run_scoped3A : memref<!tpu.dma_semaphore, #tpu.memory_space<semaphore_mem>>) src(%dma_wait3A_90 : memref<80x128xf32, #tpu.memory_space<vmem>>) dst(%dma_wait3A_87 : memref<80x128xf32, #tpu.memory_space<vmem_shared>>)
      tpu.yield
    }) : () -> ()
    %add3A_10 = arith.constant 160 : i32
    %add3A_11 = arith.addi %mul3A_0, %add3A_10 : i32
    "tpu.region"() ({
      %run_scoped3A = tpu.sem_alloc : memref<!tpu.dma_semaphore, #tpu.memory_space<semaphore_mem>>
      %dma_start3A = arith.constant 0 : i32
      %dma_start3A_73 = arith.constant 0 : i32
      %dma_start3A_74 = tpu.memref_slice %arg8[%dma_start3A, %dma_start3A_73] : memref<80x128xf32, #tpu.memory_space<vmem>> -> memref<80x128xf32, #tpu.memory_space<vmem>>
      %dma_start3A_75 = arith.constant 0 : i32
      %dma_start3A_76 = tpu.memref_slice %arg10[%add3A_11, %dma_start3A_75] : memref<10112x128xf32, #tpu.memory_space<vmem_shared>> -> memref<80x128xf32, #tpu.memory_space<vmem_shared>>
      %dma_start3A_77 = arith.constant 0 : i32
      %dma_start3A_78 = tpu.memref_slice %arg10[%add3A_11, %dma_start3A_77] : memref<10112x128xf32, #tpu.memory_space<vmem_shared>> -> memref<80x128xf32, #tpu.memory_space<vmem_shared>>
      %dma_start3A_79 = arith.constant 0 : i32
      %dma_start3A_80 = arith.constant 0 : i32
      %dma_start3A_81 = tpu.memref_slice %arg8[%dma_start3A_79, %dma_start3A_80] : memref<80x128xf32, #tpu.memory_space<vmem>> -> memref<80x128xf32, #tpu.memory_space<vmem>>
      tpu.enqueue_dma source(%dma_start3A_81 : memref<80x128xf32, #tpu.memory_space<vmem>>) target(%dma_start3A_78 : memref<80x128xf32, #tpu.memory_space<vmem_shared>>) target_semaphore(%run_scoped3A : memref<!tpu.dma_semaphore, #tpu.memory_space<semaphore_mem>>)
      %dma_wait3A = arith.constant 0 : i32
      %dma_wait3A_82 = arith.constant 0 : i32
      %dma_wait3A_83 = tpu.memref_slice %arg8[%dma_wait3A, %dma_wait3A_82] : memref<80x128xf32, #tpu.memory_space<vmem>> -> memref<80x128xf32, #tpu.memory_space<vmem>>
      %dma_wait3A_84 = arith.constant 0 : i32
      %dma_wait3A_85 = tpu.memref_slice %arg10[%add3A_11, %dma_wait3A_84] : memref<10112x128xf32, #tpu.memory_space<vmem_shared>> -> memref<80x128xf32, #tpu.memory_space<vmem_shared>>
      %dma_wait3A_86 = arith.constant 0 : i32
      %dma_wait3A_87 = tpu.memref_slice %arg10[%add3A_11, %dma_wait3A_86] : memref<10112x128xf32, #tpu.memory_space<vmem_shared>> -> memref<80x128xf32, #tpu.memory_space<vmem_shared>>
      %dma_wait3A_88 = arith.constant 0 : i32
      %dma_wait3A_89 = arith.constant 0 : i32
      %dma_wait3A_90 = tpu.memref_slice %arg8[%dma_wait3A_88, %dma_wait3A_89] : memref<80x128xf32, #tpu.memory_space<vmem>> -> memref<80x128xf32, #tpu.memory_space<vmem>>
      tpu.wait_dma2 semaphore(%run_scoped3A : memref<!tpu.dma_semaphore, #tpu.memory_space<semaphore_mem>>) src(%dma_wait3A_90 : memref<80x128xf32, #tpu.memory_space<vmem>>) dst(%dma_wait3A_87 : memref<80x128xf32, #tpu.memory_space<vmem_shared>>)
      tpu.yield
    }) : () -> ()
    %add3A_12 = arith.constant 240 : i32
    %add3A_13 = arith.addi %mul3A_0, %add3A_12 : i32
    "tpu.region"() ({
      %run_scoped3A = tpu.sem_alloc : memref<!tpu.dma_semaphore, #tpu.memory_space<semaphore_mem>>
      %dma_start3A = arith.constant 0 : i32
      %dma_start3A_73 = arith.constant 0 : i32
      %dma_start3A_74 = tpu.memref_slice %arg8[%dma_start3A, %dma_start3A_73] : memref<80x128xf32, #tpu.memory_space<vmem>> -> memref<80x128xf32, #tpu.memory_space<vmem>>
      %dma_start3A_75 = arith.constant 0 : i32
      %dma_start3A_76 = tpu.memref_slice %arg10[%add3A_13, %dma_start3A_75] : memref<10112x128xf32, #tpu.memory_space<vmem_shared>> -> memref<80x128xf32, #tpu.memory_space<vmem_shared>>
      %dma_start3A_77 = arith.constant 0 : i32
      %dma_start3A_78 = tpu.memref_slice %arg10[%add3A_13, %dma_start3A_77] : memref<10112x128xf32, #tpu.memory_space<vmem_shared>> -> memref<80x128xf32, #tpu.memory_space<vmem_shared>>
      %dma_start3A_79 = arith.constant 0 : i32
      %dma_start3A_80 = arith.constant 0 : i32
      %dma_start3A_81 = tpu.memref_slice %arg8[%dma_start3A_79, %dma_start3A_80] : memref<80x128xf32, #tpu.memory_space<vmem>> -> memref<80x128xf32, #tpu.memory_space<vmem>>
      tpu.enqueue_dma source(%dma_start3A_81 : memref<80x128xf32, #tpu.memory_space<vmem>>) target(%dma_start3A_78 : memref<80x128xf32, #tpu.memory_space<vmem_shared>>) target_semaphore(%run_scoped3A : memref<!tpu.dma_semaphore, #tpu.memory_space<semaphore_mem>>)
      %dma_wait3A = arith.constant 0 : i32
      %dma_wait3A_82 = arith.constant 0 : i32
      %dma_wait3A_83 = tpu.memref_slice %arg8[%dma_wait3A, %dma_wait3A_82] : memref<80x128xf32, #tpu.memory_space<vmem>> -> memref<80x128xf32, #tpu.memory_space<vmem>>
      %dma_wait3A_84 = arith.constant 0 : i32
      %dma_wait3A_85 = tpu.memref_slice %arg10[%add3A_13, %dma_wait3A_84] : memref<10112x128xf32, #tpu.memory_space<vmem_shared>> -> memref<80x128xf32, #tpu.memory_space<vmem_shared>>
      %dma_wait3A_86 = arith.constant 0 : i32
      %dma_wait3A_87 = tpu.memref_slice %arg10[%add3A_13, %dma_wait3A_86] : memref<10112x128xf32, #tpu.memory_space<vmem_shared>> -> memref<80x128xf32, #tpu.memory_space<vmem_shared>>
      %dma_wait3A_88 = arith.constant 0 : i32
      %dma_wait3A_89 = arith.constant 0 : i32
      %dma_wait3A_90 = tpu.memref_slice %arg8[%dma_wait3A_88, %dma_wait3A_89] : memref<80x128xf32, #tpu.memory_space<vmem>> -> memref<80x128xf32, #tpu.memory_space<vmem>>
      tpu.wait_dma2 semaphore(%run_scoped3A : memref<!tpu.dma_semaphore, #tpu.memory_space<semaphore_mem>>) src(%dma_wait3A_90 : memref<80x128xf32, #tpu.memory_space<vmem>>) dst(%dma_wait3A_87 : memref<80x128xf32, #tpu.memory_space<vmem_shared>>)
      tpu.yield
    }) : () -> ()
    %add3A_14 = arith.constant 320 : i32
    %add3A_15 = arith.addi %mul3A_0, %add3A_14 : i32
    "tpu.region"() ({
      %run_scoped3A = tpu.sem_alloc : memref<!tpu.dma_semaphore, #tpu.memory_space<semaphore_mem>>
      %dma_start3A = arith.constant 0 : i32
      %dma_start3A_73 = arith.constant 0 : i32
      %dma_start3A_74 = tpu.memref_slice %arg8[%dma_start3A, %dma_start3A_73] : memref<80x128xf32, #tpu.memory_space<vmem>> -> memref<80x128xf32, #tpu.memory_space<vmem>>
      %dma_start3A_75 = arith.constant 0 : i32
      %dma_start3A_76 = tpu.memref_slice %arg10[%add3A_15, %dma_start3A_75] : memref<10112x128xf32, #tpu.memory_space<vmem_shared>> -> memref<80x128xf32, #tpu.memory_space<vmem_shared>>
      %dma_start3A_77 = arith.constant 0 : i32
      %dma_start3A_78 = tpu.memref_slice %arg10[%add3A_15, %dma_start3A_77] : memref<10112x128xf32, #tpu.memory_space<vmem_shared>> -> memref<80x128xf32, #tpu.memory_space<vmem_shared>>
      %dma_start3A_79 = arith.constant 0 : i32
      %dma_start3A_80 = arith.constant 0 : i32
      %dma_start3A_81 = tpu.memref_slice %arg8[%dma_start3A_79, %dma_start3A_80] : memref<80x128xf32, #tpu.memory_space<vmem>> -> memref<80x128xf32, #tpu.memory_space<vmem>>
      tpu.enqueue_dma source(%dma_start3A_81 : memref<80x128xf32, #tpu.memory_space<vmem>>) target(%dma_start3A_78 : memref<80x128xf32, #tpu.memory_space<vmem_shared>>) target_semaphore(%run_scoped3A : memref<!tpu.dma_semaphore, #tpu.memory_space<semaphore_mem>>)
      %dma_wait3A = arith.constant 0 : i32
      %dma_wait3A_82 = arith.constant 0 : i32
      %dma_wait3A_83 = tpu.memref_slice %arg8[%dma_wait3A, %dma_wait3A_82] : memref<80x128xf32, #tpu.memory_space<vmem>> -> memref<80x128xf32, #tpu.memory_space<vmem>>
      %dma_wait3A_84 = arith.constant 0 : i32
      %dma_wait3A_85 = tpu.memref_slice %arg10[%add3A_15, %dma_wait3A_84] : memref<10112x128xf32, #tpu.memory_space<vmem_shared>> -> memref<80x128xf32, #tpu.memory_space<vmem_shared>>
      %dma_wait3A_86 = arith.constant 0 : i32
      %dma_wait3A_87 = tpu.memref_slice %arg10[%add3A_15, %dma_wait3A_86] : memref<10112x128xf32, #tpu.memory_space<vmem_shared>> -> memref<80x128xf32, #tpu.memory_space<vmem_shared>>
      %dma_wait3A_88 = arith.constant 0 : i32
      %dma_wait3A_89 = arith.constant 0 : i32
      %dma_wait3A_90 = tpu.memref_slice %arg8[%dma_wait3A_88, %dma_wait3A_89] : memref<80x128xf32, #tpu.memory_space<vmem>> -> memref<80x128xf32, #tpu.memory_space<vmem>>
      tpu.wait_dma2 semaphore(%run_scoped3A : memref<!tpu.dma_semaphore, #tpu.memory_space<semaphore_mem>>) src(%dma_wait3A_90 : memref<80x128xf32, #tpu.memory_space<vmem>>) dst(%dma_wait3A_87 : memref<80x128xf32, #tpu.memory_space<vmem_shared>>)
      tpu.yield
    }) : () -> ()
    %add3A_16 = arith.constant 400 : i32
    %add3A_17 = arith.addi %mul3A_0, %add3A_16 : i32
    "tpu.region"() ({
      %run_scoped3A = tpu.sem_alloc : memref<!tpu.dma_semaphore, #tpu.memory_space<semaphore_mem>>
      %dma_start3A = arith.constant 0 : i32
      %dma_start3A_73 = arith.constant 0 : i32
      %dma_start3A_74 = tpu.memref_slice %arg8[%dma_start3A, %dma_start3A_73] : memref<80x128xf32, #tpu.memory_space<vmem>> -> memref<80x128xf32, #tpu.memory_space<vmem>>
      %dma_start3A_75 = arith.constant 0 : i32
      %dma_start3A_76 = tpu.memref_slice %arg10[%add3A_17, %dma_start3A_75] : memref<10112x128xf32, #tpu.memory_space<vmem_shared>> -> memref<80x128xf32, #tpu.memory_space<vmem_shared>>
      %dma_start3A_77 = arith.constant 0 : i32
      %dma_start3A_78 = tpu.memref_slice %arg10[%add3A_17, %dma_start3A_77] : memref<10112x128xf32, #tpu.memory_space<vmem_shared>> -> memref<80x128xf32, #tpu.memory_space<vmem_shared>>
      %dma_start3A_79 = arith.constant 0 : i32
      %dma_start3A_80 = arith.constant 0 : i32
      %dma_start3A_81 = tpu.memref_slice %arg8[%dma_start3A_79, %dma_start3A_80] : memref<80x128xf32, #tpu.memory_space<vmem>> -> memref<80x128xf32, #tpu.memory_space<vmem>>
      tpu.enqueue_dma source(%dma_start3A_81 : memref<80x128xf32, #tpu.memory_space<vmem>>) target(%dma_start3A_78 : memref<80x128xf32, #tpu.memory_space<vmem_shared>>) target_semaphore(%run_scoped3A : memref<!tpu.dma_semaphore, #tpu.memory_space<semaphore_mem>>)
      %dma_wait3A = arith.constant 0 : i32
      %dma_wait3A_82 = arith.constant 0 : i32
      %dma_wait3A_83 = tpu.memref_slice %arg8[%dma_wait3A, %dma_wait3A_82] : memref<80x128xf32, #tpu.memory_space<vmem>> -> memref<80x128xf32, #tpu.memory_space<vmem>>
      %dma_wait3A_84 = arith.constant 0 : i32
      %dma_wait3A_85 = tpu.memref_slice %arg10[%add3A_17, %dma_wait3A_84] : memref<10112x128xf32, #tpu.memory_space<vmem_shared>> -> memref<80x128xf32, #tpu.memory_space<vmem_shared>>
      %dma_wait3A_86 = arith.constant 0 : i32
      %dma_wait3A_87 = tpu.memref_slice %arg10[%add3A_17, %dma_wait3A_86] : memref<10112x128xf32, #tpu.memory_space<vmem_shared>> -> memref<80x128xf32, #tpu.memory_space<vmem_shared>>
      %dma_wait3A_88 = arith.constant 0 : i32
      %dma_wait3A_89 = arith.constant 0 : i32
      %dma_wait3A_90 = tpu.memref_slice %arg8[%dma_wait3A_88, %dma_wait3A_89] : memref<80x128xf32, #tpu.memory_space<vmem>> -> memref<80x128xf32, #tpu.memory_space<vmem>>
      tpu.wait_dma2 semaphore(%run_scoped3A : memref<!tpu.dma_semaphore, #tpu.memory_space<semaphore_mem>>) src(%dma_wait3A_90 : memref<80x128xf32, #tpu.memory_space<vmem>>) dst(%dma_wait3A_87 : memref<80x128xf32, #tpu.memory_space<vmem_shared>>)
      tpu.yield
    }) : () -> ()
    %add3A_18 = arith.constant 480 : i32
    %add3A_19 = arith.addi %mul3A_0, %add3A_18 : i32
    "tpu.region"() ({
      %run_scoped3A = tpu.sem_alloc : memref<!tpu.dma_semaphore, #tpu.memory_space<semaphore_mem>>
      %dma_start3A = arith.constant 0 : i32
      %dma_start3A_73 = arith.constant 0 : i32
      %dma_start3A_74 = tpu.memref_slice %arg8[%dma_start3A, %dma_start3A_73] : memref<80x128xf32, #tpu.memory_space<vmem>> -> memref<80x128xf32, #tpu.memory_space<vmem>>
      %dma_start3A_75 = arith.constant 0 : i32
      %dma_start3A_76 = tpu.memref_slice %arg10[%add3A_19, %dma_start3A_75] : memref<10112x128xf32, #tpu.memory_space<vmem_shared>> -> memref<80x128xf32, #tpu.memory_space<vmem_shared>>
      %dma_start3A_77 = arith.constant 0 : i32
      %dma_start3A_78 = tpu.memref_slice %arg10[%add3A_19, %dma_start3A_77] : memref<10112x128xf32, #tpu.memory_space<vmem_shared>> -> memref<80x128xf32, #tpu.memory_space<vmem_shared>>
      %dma_start3A_79 = arith.constant 0 : i32
      %dma_start3A_80 = arith.constant 0 : i32
      %dma_start3A_81 = tpu.memref_slice %arg8[%dma_start3A_79, %dma_start3A_80] : memref<80x128xf32, #tpu.memory_space<vmem>> -> memref<80x128xf32, #tpu.memory_space<vmem>>
      tpu.enqueue_dma source(%dma_start3A_81 : memref<80x128xf32, #tpu.memory_space<vmem>>) target(%dma_start3A_78 : memref<80x128xf32, #tpu.memory_space<vmem_shared>>) target_semaphore(%run_scoped3A : memref<!tpu.dma_semaphore, #tpu.memory_space<semaphore_mem>>)
      %dma_wait3A = arith.constant 0 : i32
      %dma_wait3A_82 = arith.constant 0 : i32
      %dma_wait3A_83 = tpu.memref_slice %arg8[%dma_wait3A, %dma_wait3A_82] : memref<80x128xf32, #tpu.memory_space<vmem>> -> memref<80x128xf32, #tpu.memory_space<vmem>>
      %dma_wait3A_84 = arith.constant 0 : i32
      %dma_wait3A_85 = tpu.memref_slice %arg10[%add3A_19, %dma_wait3A_84] : memref<10112x128xf32, #tpu.memory_space<vmem_shared>> -> memref<80x128xf32, #tpu.memory_space<vmem_shared>>
      %dma_wait3A_86 = arith.constant 0 : i32
      %dma_wait3A_87 = tpu.memref_slice %arg10[%add3A_19, %dma_wait3A_86] : memref<10112x128xf32, #tpu.memory_space<vmem_shared>> -> memref<80x128xf32, #tpu.memory_space<vmem_shared>>
      %dma_wait3A_88 = arith.constant 0 : i32
      %dma_wait3A_89 = arith.constant 0 : i32
      %dma_wait3A_90 = tpu.memref_slice %arg8[%dma_wait3A_88, %dma_wait3A_89] : memref<80x128xf32, #tpu.memory_space<vmem>> -> memref<80x128xf32, #tpu.memory_space<vmem>>
      tpu.wait_dma2 semaphore(%run_scoped3A : memref<!tpu.dma_semaphore, #tpu.memory_space<semaphore_mem>>) src(%dma_wait3A_90 : memref<80x128xf32, #tpu.memory_space<vmem>>) dst(%dma_wait3A_87 : memref<80x128xf32, #tpu.memory_space<vmem_shared>>)
      tpu.yield
    }) : () -> ()
    %add3A_20 = arith.constant 560 : i32
    %add3A_21 = arith.addi %mul3A_0, %add3A_20 : i32
    "tpu.region"() ({
      %run_scoped3A = tpu.sem_alloc : memref<!tpu.dma_semaphore, #tpu.memory_space<semaphore_mem>>
      %dma_start3A = arith.constant 0 : i32
      %dma_start3A_73 = arith.constant 0 : i32
      %dma_start3A_74 = tpu.memref_slice %arg8[%dma_start3A, %dma_start3A_73] : memref<80x128xf32, #tpu.memory_space<vmem>> -> memref<72x128xf32, #tpu.memory_space<vmem>>
      %dma_start3A_75 = arith.constant 0 : i32
      %dma_start3A_76 = tpu.memref_slice %arg10[%add3A_21, %dma_start3A_75] : memref<10112x128xf32, #tpu.memory_space<vmem_shared>> -> memref<72x128xf32, #tpu.memory_space<vmem_shared>>
      %dma_start3A_77 = arith.constant 0 : i32
      %dma_start3A_78 = tpu.memref_slice %arg10[%add3A_21, %dma_start3A_77] : memref<10112x128xf32, #tpu.memory_space<vmem_shared>> -> memref<72x128xf32, #tpu.memory_space<vmem_shared>>
      %dma_start3A_79 = arith.constant 0 : i32
      %dma_start3A_80 = arith.constant 0 : i32
      %dma_start3A_81 = tpu.memref_slice %arg8[%dma_start3A_79, %dma_start3A_80] : memref<80x128xf32, #tpu.memory_space<vmem>> -> memref<72x128xf32, #tpu.memory_space<vmem>>
      tpu.enqueue_dma source(%dma_start3A_81 : memref<72x128xf32, #tpu.memory_space<vmem>>) target(%dma_start3A_78 : memref<72x128xf32, #tpu.memory_space<vmem_shared>>) target_semaphore(%run_scoped3A : memref<!tpu.dma_semaphore, #tpu.memory_space<semaphore_mem>>)
      %dma_wait3A = arith.constant 0 : i32
      %dma_wait3A_82 = arith.constant 0 : i32
      %dma_wait3A_83 = tpu.memref_slice %arg8[%dma_wait3A, %dma_wait3A_82] : memref<80x128xf32, #tpu.memory_space<vmem>> -> memref<72x128xf32, #tpu.memory_space<vmem>>
      %dma_wait3A_84 = arith.constant 0 : i32
      %dma_wait3A_85 = tpu.memref_slice %arg10[%add3A_21, %dma_wait3A_84] : memref<10112x128xf32, #tpu.memory_space<vmem_shared>> -> memref<72x128xf32, #tpu.memory_space<vmem_shared>>
      %dma_wait3A_86 = arith.constant 0 : i32
      %dma_wait3A_87 = tpu.memref_slice %arg10[%add3A_21, %dma_wait3A_86] : memref<10112x128xf32, #tpu.memory_space<vmem_shared>> -> memref<72x128xf32, #tpu.memory_space<vmem_shared>>
      %dma_wait3A_88 = arith.constant 0 : i32
      %dma_wait3A_89 = arith.constant 0 : i32
      %dma_wait3A_90 = tpu.memref_slice %arg8[%dma_wait3A_88, %dma_wait3A_89] : memref<80x128xf32, #tpu.memory_space<vmem>> -> memref<72x128xf32, #tpu.memory_space<vmem>>
      tpu.wait_dma2 semaphore(%run_scoped3A : memref<!tpu.dma_semaphore, #tpu.memory_space<semaphore_mem>>) src(%dma_wait3A_90 : memref<72x128xf32, #tpu.memory_space<vmem>>) dst(%dma_wait3A_87 : memref<72x128xf32, #tpu.memory_space<vmem_shared>>)
      tpu.yield
    }) : () -> ()
    %barrier3A = arith.constant 0 : index
    tpu.barrier barrier_id(%barrier3A)
    %mul3A_22 = arith.constant 256 : i32
    %mul3A_23 = arith.muli %arg1, %mul3A_22 : i32
    %mul3A_24 = arith.constant 128 : i32
    %mul3A_25 = arith.muli %arg0, %mul3A_24 : i32
    %add3A_26 = arith.addi %mul3A_23, %mul3A_25 : i32
    %eq3A = arith.constant 0 : i32
    %eq3A_27 = arith.cmpi eq, %arg0, %eq3A : i32
    %jit3A = arith.constant 2 : i32
    %jit3A_28 = arith.constant 2 : i32
    %select_n3A = arith.select %eq3A_27, %jit3A, %jit3A_28 : i32
    %while3A = arith.constant 0 : i32
    %while3A_29 = arith.constant 0 : i32
    %while3A_30 = arith.subi %select_n3A, %while3A : i32
    %while3A_31 = arith.addi %while3A, %while3A_30 : i32
    %while3A_32 = arith.constant 1 : i32
    %while3A_33 = arith.divsi %while3A_30, %while3A_32 : i32
    %while3A_34 = arith.muli %while3A_33, %while3A_32 : i32
    %while3A_35 = arith.addi %while3A, %while3A_34 : i32
    %while3A_36 = arith.constant 1 : i32
    %while3A_37 = scf.for %while3A_73 = %while3A to %while3A_35 step %while3A_36 iter_args(%while3A_74 = %while3A_29) -> (i32)  : i32 {
      %mul3A_75 = arith.constant 64 : i32
      %mul3A_76 = arith.muli %while3A_73, %mul3A_75 : i32
      %add3A_77 = arith.addi %add3A_26, %mul3A_76 : i32
      "tpu.region"() ({
        %run_scoped3A = tpu.sem_alloc : memref<!tpu.dma_semaphore, #tpu.memory_space<semaphore_mem>>
        %dma_start3A_140 = arith.constant 0 : i32
        %dma_start3A_141 = tpu.memref_slice %arg3[%add3A_77, %dma_start3A_140] : memref<4096x80xi32, #tpu.memory_space<hbm>> -> memref<64x80xi32, #tpu.memory_space<hbm>>
        %dma_start3A_142 = arith.constant 0 : i32
        %dma_start3A_143 = tpu.memref_slice %arg3[%add3A_77, %dma_start3A_142] : memref<4096x80xi32, #tpu.memory_space<hbm>> -> memref<64x80xi32, #tpu.memory_space<hbm>>
        tpu.enqueue_dma source(%dma_start3A_143 : memref<64x80xi32, #tpu.memory_space<hbm>>) target(%arg6 : memref<64x80xi32, #tpu.memory_space<vmem>>) target_semaphore(%run_scoped3A : memref<!tpu.dma_semaphore, #tpu.memory_space<semaphore_mem>>)
        %dma_wait3A_144 = arith.constant 0 : i32
        %dma_wait3A_145 = tpu.memref_slice %arg3[%add3A_77, %dma_wait3A_144] : memref<4096x80xi32, #tpu.memory_space<hbm>> -> memref<64x80xi32, #tpu.memory_space<hbm>>
        %dma_wait3A_146 = arith.constant 0 : i32
        %dma_wait3A_147 = tpu.memref_slice %arg3[%add3A_77, %dma_wait3A_146] : memref<4096x80xi32, #tpu.memory_space<hbm>> -> memref<64x80xi32, #tpu.memory_space<hbm>>
        tpu.wait_dma2 semaphore(%run_scoped3A : memref<!tpu.dma_semaphore, #tpu.memory_space<semaphore_mem>>) src(%dma_wait3A_147 : memref<64x80xi32, #tpu.memory_space<hbm>>) dst(%arg6 : memref<64x80xi32, #tpu.memory_space<vmem>>)
        tpu.yield
      }) : () -> ()
      "tpu.region"() ({
        %run_scoped3A = tpu.sem_alloc : memref<!tpu.dma_semaphore, #tpu.memory_space<semaphore_mem>>
        %dma_start3A_140 = arith.constant 0 : i32
        %dma_start3A_141 = tpu.memref_slice %arg4[%add3A_77, %dma_start3A_140] : memref<4096x80xi32, #tpu.memory_space<hbm>> -> memref<64x80xi32, #tpu.memory_space<hbm>>
        %dma_start3A_142 = arith.constant 0 : i32
        %dma_start3A_143 = tpu.memref_slice %arg4[%add3A_77, %dma_start3A_142] : memref<4096x80xi32, #tpu.memory_space<hbm>> -> memref<64x80xi32, #tpu.memory_space<hbm>>
        tpu.enqueue_dma source(%dma_start3A_143 : memref<64x80xi32, #tpu.memory_space<hbm>>) target(%arg7 : memref<64x80xi32, #tpu.memory_space<vmem>>) target_semaphore(%run_scoped3A : memref<!tpu.dma_semaphore, #tpu.memory_space<semaphore_mem>>)
        %dma_wait3A_144 = arith.constant 0 : i32
        %dma_wait3A_145 = tpu.memref_slice %arg4[%add3A_77, %dma_wait3A_144] : memref<4096x80xi32, #tpu.memory_space<hbm>> -> memref<64x80xi32, #tpu.memory_space<hbm>>
        %dma_wait3A_146 = arith.constant 0 : i32
        %dma_wait3A_147 = tpu.memref_slice %arg4[%add3A_77, %dma_wait3A_146] : memref<4096x80xi32, #tpu.memory_space<hbm>> -> memref<64x80xi32, #tpu.memory_space<hbm>>
        tpu.wait_dma2 semaphore(%run_scoped3A : memref<!tpu.dma_semaphore, #tpu.memory_space<semaphore_mem>>) src(%dma_wait3A_147 : memref<64x80xi32, #tpu.memory_space<hbm>>) dst(%arg7 : memref<64x80xi32, #tpu.memory_space<vmem>>)
        tpu.yield
      }) : () -> ()
      %dma_start3A = arith.constant 0 : i32
      %dma_start3A_78 = arith.constant 0 : i32
      %dma_start3A_79 = tpu.memref_slice %arg6[%dma_start3A, %dma_start3A_78] : memref<64x80xi32, #tpu.memory_space<vmem>> -> memref<1x80xi32, #tpu.memory_space<vmem>>
      %dma_start3A_80 = tpu.memref_squeeze %dma_start3A_79 : memref<1x80xi32, #tpu.memory_space<vmem>> -> memref<80xi32, #tpu.memory_space<vmem>>
      %dma_start3A_81 = arith.constant 0 : i32
      %dma_start3A_82 = arith.constant 0 : i32
      %dma_start3A_83 = tpu.memref_slice %arg2[%dma_start3A_81, %dma_start3A_82] : memref<10000x128xf32, #tpu.memory_space<hbm>> -> memref<10000x128xf32, #tpu.memory_space<hbm>>
      tpu.enqueue_indirect_dma source(%dma_start3A_83 : memref<10000x128xf32, #tpu.memory_space<hbm>>) target(%arg8 : memref<80x128xf32, #tpu.memory_space<vmem>>) offsets(%dma_start3A_80 : memref<80xi32, #tpu.memory_space<vmem>>) semaphore(%arg11 : memref<!tpu.dma_semaphore, #tpu.memory_space<semaphore_mem>>)
      %dma_start3A_84 = arith.constant 1 : i32
      %dma_start3A_85 = arith.constant 0 : i32
      %dma_start3A_86 = tpu.memref_slice %arg6[%dma_start3A_84, %dma_start3A_85] : memref<64x80xi32, #tpu.memory_space<vmem>> -> memref<1x80xi32, #tpu.memory_space<vmem>>
      %dma_start3A_87 = tpu.memref_squeeze %dma_start3A_86 : memref<1x80xi32, #tpu.memory_space<vmem>> -> memref<80xi32, #tpu.memory_space<vmem>>
      %dma_start3A_88 = arith.constant 0 : i32
      %dma_start3A_89 = arith.constant 0 : i32
      %dma_start3A_90 = tpu.memref_slice %arg2[%dma_start3A_88, %dma_start3A_89] : memref<10000x128xf32, #tpu.memory_space<hbm>> -> memref<10000x128xf32, #tpu.memory_space<hbm>>
      tpu.enqueue_indirect_dma source(%dma_start3A_90 : memref<10000x128xf32, #tpu.memory_space<hbm>>) target(%arg9 : memref<80x128xf32, #tpu.memory_space<vmem>>) offsets(%dma_start3A_87 : memref<80xi32, #tpu.memory_space<vmem>>) semaphore(%arg12 : memref<!tpu.dma_semaphore, #tpu.memory_space<semaphore_mem>>)
      %scan3A_91 = arith.constant 0 : i32
      %scan3A_92 = arith.constant 0 : i32
      %scan3A_93 = arith.constant 31 : i32
      %scan3A_94 = arith.addi %scan3A_92, %scan3A_93 : i32
      %scan3A_95 = arith.constant 1 : i32
      %scan3A_96 = scf.for %scan3A_140 = %scan3A_92 to %scan3A_94 step %scan3A_95 iter_args(%scan3A_141 = %scan3A_91) -> (i32)  : i32 {
        %mul3A_142 = arith.constant 2 : i32
        %mul3A_143 = arith.muli %mul3A_142, %scan3A_140 : i32
        %add3A_144 = arith.constant 1 : i32
        %add3A_145 = arith.addi %mul3A_143, %add3A_144 : i32
        %dma_wait3A_146 = arith.constant 0 : i32
        %dma_wait3A_147 = tpu.memref_slice %arg6[%mul3A_143, %dma_wait3A_146] : memref<64x80xi32, #tpu.memory_space<vmem>> -> memref<1x80xi32, #tpu.memory_space<vmem>>
        %dma_wait3A_148 = tpu.memref_squeeze %dma_wait3A_147 : memref<1x80xi32, #tpu.memory_space<vmem>> -> memref<80xi32, #tpu.memory_space<vmem>>
        %dma_wait3A_149 = arith.constant 0 : i32
        %dma_wait3A_150 = arith.constant 0 : i32
        %dma_wait3A_151 = tpu.memref_slice %arg2[%dma_wait3A_149, %dma_wait3A_150] : memref<10000x128xf32, #tpu.memory_space<hbm>> -> memref<10000x128xf32, #tpu.memory_space<hbm>>
        tpu.wait_indirect_dma semaphore(%arg11 : memref<!tpu.dma_semaphore, #tpu.memory_space<semaphore_mem>>) src(%dma_wait3A_151 : memref<10000x128xf32, #tpu.memory_space<hbm>>) dst(%arg8 : memref<80x128xf32, #tpu.memory_space<vmem>>)
        %dma_start3A_152 = arith.constant 0 : i32
        %dma_start3A_153 = tpu.memref_slice %arg7[%mul3A_143, %dma_start3A_152] : memref<64x80xi32, #tpu.memory_space<vmem>> -> memref<1x80xi32, #tpu.memory_space<vmem>>
        %dma_start3A_154 = tpu.memref_squeeze %dma_start3A_153 : memref<1x80xi32, #tpu.memory_space<vmem>> -> memref<80xi32, #tpu.memory_space<vmem>>
        %dma_start3A_155 = arith.constant 0 : i32
        %dma_start3A_156 = arith.constant 0 : i32
        %dma_start3A_157 = tpu.memref_slice %arg10[%dma_start3A_155, %dma_start3A_156] : memref<10112x128xf32, #tpu.memory_space<vmem_shared>> -> memref<10112x128xf32, #tpu.memory_space<vmem_shared>>
        tpu.enqueue_indirect_dma source(%arg8 : memref<80x128xf32, #tpu.memory_space<vmem>>) target(%dma_start3A_157 : memref<10112x128xf32, #tpu.memory_space<vmem_shared>>) offsets(%dma_start3A_154 : memref<80xi32, #tpu.memory_space<vmem>>) semaphore(%arg13 : memref<!tpu.dma_semaphore, #tpu.memory_space<semaphore_mem>>) {add = true}
        %dma_wait3A_158 = arith.constant 0 : i32
        %dma_wait3A_159 = tpu.memref_slice %arg6[%add3A_145, %dma_wait3A_158] : memref<64x80xi32, #tpu.memory_space<vmem>> -> memref<1x80xi32, #tpu.memory_space<vmem>>
        %dma_wait3A_160 = tpu.memref_squeeze %dma_wait3A_159 : memref<1x80xi32, #tpu.memory_space<vmem>> -> memref<80xi32, #tpu.memory_space<vmem>>
        %dma_wait3A_161 = arith.constant 0 : i32
        %dma_wait3A_162 = arith.constant 0 : i32
        %dma_wait3A_163 = tpu.memref_slice %arg2[%dma_wait3A_161, %dma_wait3A_162] : memref<10000x128xf32, #tpu.memory_space<hbm>> -> memref<10000x128xf32, #tpu.memory_space<hbm>>
        tpu.wait_indirect_dma semaphore(%arg12 : memref<!tpu.dma_semaphore, #tpu.memory_space<semaphore_mem>>) src(%dma_wait3A_163 : memref<10000x128xf32, #tpu.memory_space<hbm>>) dst(%arg9 : memref<80x128xf32, #tpu.memory_space<vmem>>)
        %dma_wait3A_164 = arith.constant 0 : i32
        %dma_wait3A_165 = tpu.memref_slice %arg7[%mul3A_143, %dma_wait3A_164] : memref<64x80xi32, #tpu.memory_space<vmem>> -> memref<1x80xi32, #tpu.memory_space<vmem>>
        %dma_wait3A_166 = tpu.memref_squeeze %dma_wait3A_165 : memref<1x80xi32, #tpu.memory_space<vmem>> -> memref<80xi32, #tpu.memory_space<vmem>>
        %dma_wait3A_167 = arith.constant 0 : i32
        %dma_wait3A_168 = arith.constant 0 : i32
        %dma_wait3A_169 = tpu.memref_slice %arg10[%dma_wait3A_167, %dma_wait3A_168] : memref<10112x128xf32, #tpu.memory_space<vmem_shared>> -> memref<10112x128xf32, #tpu.memory_space<vmem_shared>>
        tpu.wait_indirect_dma semaphore(%arg13 : memref<!tpu.dma_semaphore, #tpu.memory_space<semaphore_mem>>) src(%arg8 : memref<80x128xf32, #tpu.memory_space<vmem>>) dst(%dma_wait3A_169 : memref<10112x128xf32, #tpu.memory_space<vmem_shared>>)
        %add3A_170 = arith.constant 2 : i32
        %add3A_171 = arith.addi %mul3A_143, %add3A_170 : i32
        %dma_start3A_172 = arith.constant 0 : i32
        %dma_start3A_173 = tpu.memref_slice %arg6[%add3A_171, %dma_start3A_172] : memref<64x80xi32, #tpu.memory_space<vmem>> -> memref<1x80xi32, #tpu.memory_space<vmem>>
        %dma_start3A_174 = tpu.memref_squeeze %dma_start3A_173 : memref<1x80xi32, #tpu.memory_space<vmem>> -> memref<80xi32, #tpu.memory_space<vmem>>
        %dma_start3A_175 = arith.constant 0 : i32
        %dma_start3A_176 = arith.constant 0 : i32
        %dma_start3A_177 = tpu.memref_slice %arg2[%dma_start3A_175, %dma_start3A_176] : memref<10000x128xf32, #tpu.memory_space<hbm>> -> memref<10000x128xf32, #tpu.memory_space<hbm>>
        tpu.enqueue_indirect_dma source(%dma_start3A_177 : memref<10000x128xf32, #tpu.memory_space<hbm>>) target(%arg8 : memref<80x128xf32, #tpu.memory_space<vmem>>) offsets(%dma_start3A_174 : memref<80xi32, #tpu.memory_space<vmem>>) semaphore(%arg11 : memref<!tpu.dma_semaphore, #tpu.memory_space<semaphore_mem>>)
        %dma_start3A_178 = arith.constant 0 : i32
        %dma_start3A_179 = tpu.memref_slice %arg7[%add3A_145, %dma_start3A_178] : memref<64x80xi32, #tpu.memory_space<vmem>> -> memref<1x80xi32, #tpu.memory_space<vmem>>
        %dma_start3A_180 = tpu.memref_squeeze %dma_start3A_179 : memref<1x80xi32, #tpu.memory_space<vmem>> -> memref<80xi32, #tpu.memory_space<vmem>>
        %dma_start3A_181 = arith.constant 0 : i32
        %dma_start3A_182 = arith.constant 0 : i32
        %dma_start3A_183 = tpu.memref_slice %arg10[%dma_start3A_181, %dma_start3A_182] : memref<10112x128xf32, #tpu.memory_space<vmem_shared>> -> memref<10112x128xf32, #tpu.memory_space<vmem_shared>>
        tpu.enqueue_indirect_dma source(%arg9 : memref<80x128xf32, #tpu.memory_space<vmem>>) target(%dma_start3A_183 : memref<10112x128xf32, #tpu.memory_space<vmem_shared>>) offsets(%dma_start3A_180 : memref<80xi32, #tpu.memory_space<vmem>>) semaphore(%arg14 : memref<!tpu.dma_semaphore, #tpu.memory_space<semaphore_mem>>) {add = true}
        %dma_wait3A_184 = arith.constant 0 : i32
        %dma_wait3A_185 = tpu.memref_slice %arg7[%add3A_145, %dma_wait3A_184] : memref<64x80xi32, #tpu.memory_space<vmem>> -> memref<1x80xi32, #tpu.memory_space<vmem>>
        %dma_wait3A_186 = tpu.memref_squeeze %dma_wait3A_185 : memref<1x80xi32, #tpu.memory_space<vmem>> -> memref<80xi32, #tpu.memory_space<vmem>>
        %dma_wait3A_187 = arith.constant 0 : i32
        %dma_wait3A_188 = arith.constant 0 : i32
        %dma_wait3A_189 = tpu.memref_slice %arg10[%dma_wait3A_187, %dma_wait3A_188] : memref<10112x128xf32, #tpu.memory_space<vmem_shared>> -> memref<10112x128xf32, #tpu.memory_space<vmem_shared>>
        tpu.wait_indirect_dma semaphore(%arg14 : memref<!tpu.dma_semaphore, #tpu.memory_space<semaphore_mem>>) src(%arg9 : memref<80x128xf32, #tpu.memory_space<vmem>>) dst(%dma_wait3A_189 : memref<10112x128xf32, #tpu.memory_space<vmem_shared>>)
        %add3A_190 = arith.constant 2 : i32
        %add3A_191 = arith.addi %add3A_145, %add3A_190 : i32
        %dma_start3A_192 = arith.constant 0 : i32
        %dma_start3A_193 = tpu.memref_slice %arg6[%add3A_191, %dma_start3A_192] : memref<64x80xi32, #tpu.memory_space<vmem>> -> memref<1x80xi32, #tpu.memory_space<vmem>>
        %dma_start3A_194 = tpu.memref_squeeze %dma_start3A_193 : memref<1x80xi32, #tpu.memory_space<vmem>> -> memref<80xi32, #tpu.memory_space<vmem>>
        %dma_start3A_195 = arith.constant 0 : i32
        %dma_start3A_196 = arith.constant 0 : i32
        %dma_start3A_197 = tpu.memref_slice %arg2[%dma_start3A_195, %dma_start3A_196] : memref<10000x128xf32, #tpu.memory_space<hbm>> -> memref<10000x128xf32, #tpu.memory_space<hbm>>
        tpu.enqueue_indirect_dma source(%dma_start3A_197 : memref<10000x128xf32, #tpu.memory_space<hbm>>) target(%arg9 : memref<80x128xf32, #tpu.memory_space<vmem>>) offsets(%dma_start3A_194 : memref<80xi32, #tpu.memory_space<vmem>>) semaphore(%arg12 : memref<!tpu.dma_semaphore, #tpu.memory_space<semaphore_mem>>)
        %scan3A_198 = arith.constant 0 : i32
        scf.yield %scan3A_198 : i32
      }
      %scan3A_97 = arith.constant 31 : i32
      %dma_wait3A = arith.constant 62 : i32
      %dma_wait3A_98 = arith.constant 0 : i32
      %dma_wait3A_99 = tpu.memref_slice %arg6[%dma_wait3A, %dma_wait3A_98] : memref<64x80xi32, #tpu.memory_space<vmem>> -> memref<1x80xi32, #tpu.memory_space<vmem>>
      %dma_wait3A_100 = tpu.memref_squeeze %dma_wait3A_99 : memref<1x80xi32, #tpu.memory_space<vmem>> -> memref<80xi32, #tpu.memory_space<vmem>>
      %dma_wait3A_101 = arith.constant 0 : i32
      %dma_wait3A_102 = arith.constant 0 : i32
      %dma_wait3A_103 = tpu.memref_slice %arg2[%dma_wait3A_101, %dma_wait3A_102] : memref<10000x128xf32, #tpu.memory_space<hbm>> -> memref<10000x128xf32, #tpu.memory_space<hbm>>
      tpu.wait_indirect_dma semaphore(%arg11 : memref<!tpu.dma_semaphore, #tpu.memory_space<semaphore_mem>>) src(%dma_wait3A_103 : memref<10000x128xf32, #tpu.memory_space<hbm>>) dst(%arg8 : memref<80x128xf32, #tpu.memory_space<vmem>>)
      %dma_start3A_104 = arith.constant 62 : i32
      %dma_start3A_105 = arith.constant 0 : i32
      %dma_start3A_106 = tpu.memref_slice %arg7[%dma_start3A_104, %dma_start3A_105] : memref<64x80xi32, #tpu.memory_space<vmem>> -> memref<1x80xi32, #tpu.memory_space<vmem>>
      %dma_start3A_107 = tpu.memref_squeeze %dma_start3A_106 : memref<1x80xi32, #tpu.memory_space<vmem>> -> memref<80xi32, #tpu.memory_space<vmem>>
      %dma_start3A_108 = arith.constant 0 : i32
      %dma_start3A_109 = arith.constant 0 : i32
      %dma_start3A_110 = tpu.memref_slice %arg10[%dma_start3A_108, %dma_start3A_109] : memref<10112x128xf32, #tpu.memory_space<vmem_shared>> -> memref<10112x128xf32, #tpu.memory_space<vmem_shared>>
      tpu.enqueue_indirect_dma source(%arg8 : memref<80x128xf32, #tpu.memory_space<vmem>>) target(%dma_start3A_110 : memref<10112x128xf32, #tpu.memory_space<vmem_shared>>) offsets(%dma_start3A_107 : memref<80xi32, #tpu.memory_space<vmem>>) semaphore(%arg13 : memref<!tpu.dma_semaphore, #tpu.memory_space<semaphore_mem>>) {add = true}
      %dma_wait3A_111 = arith.constant 63 : i32
      %dma_wait3A_112 = arith.constant 0 : i32
      %dma_wait3A_113 = tpu.memref_slice %arg6[%dma_wait3A_111, %dma_wait3A_112] : memref<64x80xi32, #tpu.memory_space<vmem>> -> memref<1x80xi32, #tpu.memory_space<vmem>>
      %dma_wait3A_114 = tpu.memref_squeeze %dma_wait3A_113 : memref<1x80xi32, #tpu.memory_space<vmem>> -> memref<80xi32, #tpu.memory_space<vmem>>
      %dma_wait3A_115 = arith.constant 0 : i32
      %dma_wait3A_116 = arith.constant 0 : i32
      %dma_wait3A_117 = tpu.memref_slice %arg2[%dma_wait3A_115, %dma_wait3A_116] : memref<10000x128xf32, #tpu.memory_space<hbm>> -> memref<10000x128xf32, #tpu.memory_space<hbm>>
      tpu.wait_indirect_dma semaphore(%arg12 : memref<!tpu.dma_semaphore, #tpu.memory_space<semaphore_mem>>) src(%dma_wait3A_117 : memref<10000x128xf32, #tpu.memory_space<hbm>>) dst(%arg9 : memref<80x128xf32, #tpu.memory_space<vmem>>)
      %dma_wait3A_118 = arith.constant 62 : i32
      %dma_wait3A_119 = arith.constant 0 : i32
      %dma_wait3A_120 = tpu.memref_slice %arg7[%dma_wait3A_118, %dma_wait3A_119] : memref<64x80xi32, #tpu.memory_space<vmem>> -> memref<1x80xi32, #tpu.memory_space<vmem>>
      %dma_wait3A_121 = tpu.memref_squeeze %dma_wait3A_120 : memref<1x80xi32, #tpu.memory_space<vmem>> -> memref<80xi32, #tpu.memory_space<vmem>>
      %dma_wait3A_122 = arith.constant 0 : i32
      %dma_wait3A_123 = arith.constant 0 : i32
      %dma_wait3A_124 = tpu.memref_slice %arg10[%dma_wait3A_122, %dma_wait3A_123] : memref<10112x128xf32, #tpu.memory_space<vmem_shared>> -> memref<10112x128xf32, #tpu.memory_space<vmem_shared>>
      tpu.wait_indirect_dma semaphore(%arg13 : memref<!tpu.dma_semaphore, #tpu.memory_space<semaphore_mem>>) src(%arg8 : memref<80x128xf32, #tpu.memory_space<vmem>>) dst(%dma_wait3A_124 : memref<10112x128xf32, #tpu.memory_space<vmem_shared>>)
      %dma_start3A_125 = arith.constant 63 : i32
      %dma_start3A_126 = arith.constant 0 : i32
      %dma_start3A_127 = tpu.memref_slice %arg7[%dma_start3A_125, %dma_start3A_126] : memref<64x80xi32, #tpu.memory_space<vmem>> -> memref<1x80xi32, #tpu.memory_space<vmem>>
      %dma_start3A_128 = tpu.memref_squeeze %dma_start3A_127 : memref<1x80xi32, #tpu.memory_space<vmem>> -> memref<80xi32, #tpu.memory_space<vmem>>
      %dma_start3A_129 = arith.constant 0 : i32
      %dma_start3A_130 = arith.constant 0 : i32
      %dma_start3A_131 = tpu.memref_slice %arg10[%dma_start3A_129, %dma_start3A_130] : memref<10112x128xf32, #tpu.memory_space<vmem_shared>> -> memref<10112x128xf32, #tpu.memory_space<vmem_shared>>
      tpu.enqueue_indirect_dma source(%arg9 : memref<80x128xf32, #tpu.memory_space<vmem>>) target(%dma_start3A_131 : memref<10112x128xf32, #tpu.memory_space<vmem_shared>>) offsets(%dma_start3A_128 : memref<80xi32, #tpu.memory_space<vmem>>) semaphore(%arg14 : memref<!tpu.dma_semaphore, #tpu.memory_space<semaphore_mem>>) {add = true}
      %dma_wait3A_132 = arith.constant 63 : i32
      %dma_wait3A_133 = arith.constant 0 : i32
      %dma_wait3A_134 = tpu.memref_slice %arg7[%dma_wait3A_132, %dma_wait3A_133] : memref<64x80xi32, #tpu.memory_space<vmem>> -> memref<1x80xi32, #tpu.memory_space<vmem>>
      %dma_wait3A_135 = tpu.memref_squeeze %dma_wait3A_134 : memref<1x80xi32, #tpu.memory_space<vmem>> -> memref<80xi32, #tpu.memory_space<vmem>>
      %dma_wait3A_136 = arith.constant 0 : i32
      %dma_wait3A_137 = arith.constant 0 : i32
      %dma_wait3A_138 = tpu.memref_slice %arg10[%dma_wait3A_136, %dma_wait3A_137] : memref<10112x128xf32, #tpu.memory_space<vmem_shared>> -> memref<10112x128xf32, #tpu.memory_space<vmem_shared>>
      tpu.wait_indirect_dma semaphore(%arg14 : memref<!tpu.dma_semaphore, #tpu.memory_space<semaphore_mem>>) src(%arg9 : memref<80x128xf32, #tpu.memory_space<vmem>>) dst(%dma_wait3A_138 : memref<10112x128xf32, #tpu.memory_space<vmem_shared>>)
      %while3A_139 = arith.constant 0 : i32
      scf.yield %while3A_139 : i32
    }
    %while3A_38 = arith.constant 1 : i32
    %while3A_39 = scf.for %while3A_73 = %while3A_35 to %while3A_31 step %while3A_38 iter_args(%while3A_74 = %while3A_37) -> (i32)  : i32 {
      %mul3A_75 = arith.constant 64 : i32
      %mul3A_76 = arith.muli %while3A_73, %mul3A_75 : i32
      %add3A_77 = arith.addi %add3A_26, %mul3A_76 : i32
      "tpu.region"() ({
        %run_scoped3A = tpu.sem_alloc : memref<!tpu.dma_semaphore, #tpu.memory_space<semaphore_mem>>
        %dma_start3A_140 = arith.constant 0 : i32
        %dma_start3A_141 = tpu.memref_slice %arg3[%add3A_77, %dma_start3A_140] : memref<4096x80xi32, #tpu.memory_space<hbm>> -> memref<64x80xi32, #tpu.memory_space<hbm>>
        %dma_start3A_142 = arith.constant 0 : i32
        %dma_start3A_143 = tpu.memref_slice %arg3[%add3A_77, %dma_start3A_142] : memref<4096x80xi32, #tpu.memory_space<hbm>> -> memref<64x80xi32, #tpu.memory_space<hbm>>
        tpu.enqueue_dma source(%dma_start3A_143 : memref<64x80xi32, #tpu.memory_space<hbm>>) target(%arg6 : memref<64x80xi32, #tpu.memory_space<vmem>>) target_semaphore(%run_scoped3A : memref<!tpu.dma_semaphore, #tpu.memory_space<semaphore_mem>>)
        %dma_wait3A_144 = arith.constant 0 : i32
        %dma_wait3A_145 = tpu.memref_slice %arg3[%add3A_77, %dma_wait3A_144] : memref<4096x80xi32, #tpu.memory_space<hbm>> -> memref<64x80xi32, #tpu.memory_space<hbm>>
        %dma_wait3A_146 = arith.constant 0 : i32
        %dma_wait3A_147 = tpu.memref_slice %arg3[%add3A_77, %dma_wait3A_146] : memref<4096x80xi32, #tpu.memory_space<hbm>> -> memref<64x80xi32, #tpu.memory_space<hbm>>
        tpu.wait_dma2 semaphore(%run_scoped3A : memref<!tpu.dma_semaphore, #tpu.memory_space<semaphore_mem>>) src(%dma_wait3A_147 : memref<64x80xi32, #tpu.memory_space<hbm>>) dst(%arg6 : memref<64x80xi32, #tpu.memory_space<vmem>>)
        tpu.yield
      }) : () -> ()
      "tpu.region"() ({
        %run_scoped3A = tpu.sem_alloc : memref<!tpu.dma_semaphore, #tpu.memory_space<semaphore_mem>>
        %dma_start3A_140 = arith.constant 0 : i32
        %dma_start3A_141 = tpu.memref_slice %arg4[%add3A_77, %dma_start3A_140] : memref<4096x80xi32, #tpu.memory_space<hbm>> -> memref<64x80xi32, #tpu.memory_space<hbm>>
        %dma_start3A_142 = arith.constant 0 : i32
        %dma_start3A_143 = tpu.memref_slice %arg4[%add3A_77, %dma_start3A_142] : memref<4096x80xi32, #tpu.memory_space<hbm>> -> memref<64x80xi32, #tpu.memory_space<hbm>>
        tpu.enqueue_dma source(%dma_start3A_143 : memref<64x80xi32, #tpu.memory_space<hbm>>) target(%arg7 : memref<64x80xi32, #tpu.memory_space<vmem>>) target_semaphore(%run_scoped3A : memref<!tpu.dma_semaphore, #tpu.memory_space<semaphore_mem>>)
        %dma_wait3A_144 = arith.constant 0 : i32
        %dma_wait3A_145 = tpu.memref_slice %arg4[%add3A_77, %dma_wait3A_144] : memref<4096x80xi32, #tpu.memory_space<hbm>> -> memref<64x80xi32, #tpu.memory_space<hbm>>
        %dma_wait3A_146 = arith.constant 0 : i32
        %dma_wait3A_147 = tpu.memref_slice %arg4[%add3A_77, %dma_wait3A_146] : memref<4096x80xi32, #tpu.memory_space<hbm>> -> memref<64x80xi32, #tpu.memory_space<hbm>>
        tpu.wait_dma2 semaphore(%run_scoped3A : memref<!tpu.dma_semaphore, #tpu.memory_space<semaphore_mem>>) src(%dma_wait3A_147 : memref<64x80xi32, #tpu.memory_space<hbm>>) dst(%arg7 : memref<64x80xi32, #tpu.memory_space<vmem>>)
        tpu.yield
      }) : () -> ()
      %dma_start3A = arith.constant 0 : i32
      %dma_start3A_78 = arith.constant 0 : i32
      %dma_start3A_79 = tpu.memref_slice %arg6[%dma_start3A, %dma_start3A_78] : memref<64x80xi32, #tpu.memory_space<vmem>> -> memref<1x80xi32, #tpu.memory_space<vmem>>
      %dma_start3A_80 = tpu.memref_squeeze %dma_start3A_79 : memref<1x80xi32, #tpu.memory_space<vmem>> -> memref<80xi32, #tpu.memory_space<vmem>>
      %dma_start3A_81 = arith.constant 0 : i32
      %dma_start3A_82 = arith.constant 0 : i32
      %dma_start3A_83 = tpu.memref_slice %arg2[%dma_start3A_81, %dma_start3A_82] : memref<10000x128xf32, #tpu.memory_space<hbm>> -> memref<10000x128xf32, #tpu.memory_space<hbm>>
      tpu.enqueue_indirect_dma source(%dma_start3A_83 : memref<10000x128xf32, #tpu.memory_space<hbm>>) target(%arg8 : memref<80x128xf32, #tpu.memory_space<vmem>>) offsets(%dma_start3A_80 : memref<80xi32, #tpu.memory_space<vmem>>) semaphore(%arg11 : memref<!tpu.dma_semaphore, #tpu.memory_space<semaphore_mem>>)
      %dma_start3A_84 = arith.constant 1 : i32
      %dma_start3A_85 = arith.constant 0 : i32
      %dma_start3A_86 = tpu.memref_slice %arg6[%dma_start3A_84, %dma_start3A_85] : memref<64x80xi32, #tpu.memory_space<vmem>> -> memref<1x80xi32, #tpu.memory_space<vmem>>
      %dma_start3A_87 = tpu.memref_squeeze %dma_start3A_86 : memref<1x80xi32, #tpu.memory_space<vmem>> -> memref<80xi32, #tpu.memory_space<vmem>>
      %dma_start3A_88 = arith.constant 0 : i32
      %dma_start3A_89 = arith.constant 0 : i32
      %dma_start3A_90 = tpu.memref_slice %arg2[%dma_start3A_88, %dma_start3A_89] : memref<10000x128xf32, #tpu.memory_space<hbm>> -> memref<10000x128xf32, #tpu.memory_space<hbm>>
      tpu.enqueue_indirect_dma source(%dma_start3A_90 : memref<10000x128xf32, #tpu.memory_space<hbm>>) target(%arg9 : memref<80x128xf32, #tpu.memory_space<vmem>>) offsets(%dma_start3A_87 : memref<80xi32, #tpu.memory_space<vmem>>) semaphore(%arg12 : memref<!tpu.dma_semaphore, #tpu.memory_space<semaphore_mem>>)
      %scan3A_91 = arith.constant 0 : i32
      %scan3A_92 = arith.constant 0 : i32
      %scan3A_93 = arith.constant 31 : i32
      %scan3A_94 = arith.addi %scan3A_92, %scan3A_93 : i32
      %scan3A_95 = arith.constant 1 : i32
      %scan3A_96 = scf.for %scan3A_140 = %scan3A_92 to %scan3A_94 step %scan3A_95 iter_args(%scan3A_141 = %scan3A_91) -> (i32)  : i32 {
        %mul3A_142 = arith.constant 2 : i32
        %mul3A_143 = arith.muli %mul3A_142, %scan3A_140 : i32
        %add3A_144 = arith.constant 1 : i32
        %add3A_145 = arith.addi %mul3A_143, %add3A_144 : i32
        %dma_wait3A_146 = arith.constant 0 : i32
        %dma_wait3A_147 = tpu.memref_slice %arg6[%mul3A_143, %dma_wait3A_146] : memref<64x80xi32, #tpu.memory_space<vmem>> -> memref<1x80xi32, #tpu.memory_space<vmem>>
        %dma_wait3A_148 = tpu.memref_squeeze %dma_wait3A_147 : memref<1x80xi32, #tpu.memory_space<vmem>> -> memref<80xi32, #tpu.memory_space<vmem>>
        %dma_wait3A_149 = arith.constant 0 : i32
        %dma_wait3A_150 = arith.constant 0 : i32
        %dma_wait3A_151 = tpu.memref_slice %arg2[%dma_wait3A_149, %dma_wait3A_150] : memref<10000x128xf32, #tpu.memory_space<hbm>> -> memref<10000x128xf32, #tpu.memory_space<hbm>>
        tpu.wait_indirect_dma semaphore(%arg11 : memref<!tpu.dma_semaphore, #tpu.memory_space<semaphore_mem>>) src(%dma_wait3A_151 : memref<10000x128xf32, #tpu.memory_space<hbm>>) dst(%arg8 : memref<80x128xf32, #tpu.memory_space<vmem>>)
        %dma_start3A_152 = arith.constant 0 : i32
        %dma_start3A_153 = tpu.memref_slice %arg7[%mul3A_143, %dma_start3A_152] : memref<64x80xi32, #tpu.memory_space<vmem>> -> memref<1x80xi32, #tpu.memory_space<vmem>>
        %dma_start3A_154 = tpu.memref_squeeze %dma_start3A_153 : memref<1x80xi32, #tpu.memory_space<vmem>> -> memref<80xi32, #tpu.memory_space<vmem>>
        %dma_start3A_155 = arith.constant 0 : i32
        %dma_start3A_156 = arith.constant 0 : i32
        %dma_start3A_157 = tpu.memref_slice %arg10[%dma_start3A_155, %dma_start3A_156] : memref<10112x128xf32, #tpu.memory_space<vmem_shared>> -> memref<10112x128xf32, #tpu.memory_space<vmem_shared>>
        tpu.enqueue_indirect_dma source(%arg8 : memref<80x128xf32, #tpu.memory_space<vmem>>) target(%dma_start3A_157 : memref<10112x128xf32, #tpu.memory_space<vmem_shared>>) offsets(%dma_start3A_154 : memref<80xi32, #tpu.memory_space<vmem>>) semaphore(%arg13 : memref<!tpu.dma_semaphore, #tpu.memory_space<semaphore_mem>>) {add = true}
        %dma_wait3A_158 = arith.constant 0 : i32
        %dma_wait3A_159 = tpu.memref_slice %arg6[%add3A_145, %dma_wait3A_158] : memref<64x80xi32, #tpu.memory_space<vmem>> -> memref<1x80xi32, #tpu.memory_space<vmem>>
        %dma_wait3A_160 = tpu.memref_squeeze %dma_wait3A_159 : memref<1x80xi32, #tpu.memory_space<vmem>> -> memref<80xi32, #tpu.memory_space<vmem>>
        %dma_wait3A_161 = arith.constant 0 : i32
        %dma_wait3A_162 = arith.constant 0 : i32
        %dma_wait3A_163 = tpu.memref_slice %arg2[%dma_wait3A_161, %dma_wait3A_162] : memref<10000x128xf32, #tpu.memory_space<hbm>> -> memref<10000x128xf32, #tpu.memory_space<hbm>>
        tpu.wait_indirect_dma semaphore(%arg12 : memref<!tpu.dma_semaphore, #tpu.memory_space<semaphore_mem>>) src(%dma_wait3A_163 : memref<10000x128xf32, #tpu.memory_space<hbm>>) dst(%arg9 : memref<80x128xf32, #tpu.memory_space<vmem>>)
        %dma_wait3A_164 = arith.constant 0 : i32
        %dma_wait3A_165 = tpu.memref_slice %arg7[%mul3A_143, %dma_wait3A_164] : memref<64x80xi32, #tpu.memory_space<vmem>> -> memref<1x80xi32, #tpu.memory_space<vmem>>
        %dma_wait3A_166 = tpu.memref_squeeze %dma_wait3A_165 : memref<1x80xi32, #tpu.memory_space<vmem>> -> memref<80xi32, #tpu.memory_space<vmem>>
        %dma_wait3A_167 = arith.constant 0 : i32
        %dma_wait3A_168 = arith.constant 0 : i32
        %dma_wait3A_169 = tpu.memref_slice %arg10[%dma_wait3A_167, %dma_wait3A_168] : memref<10112x128xf32, #tpu.memory_space<vmem_shared>> -> memref<10112x128xf32, #tpu.memory_space<vmem_shared>>
        tpu.wait_indirect_dma semaphore(%arg13 : memref<!tpu.dma_semaphore, #tpu.memory_space<semaphore_mem>>) src(%arg8 : memref<80x128xf32, #tpu.memory_space<vmem>>) dst(%dma_wait3A_169 : memref<10112x128xf32, #tpu.memory_space<vmem_shared>>)
        %add3A_170 = arith.constant 2 : i32
        %add3A_171 = arith.addi %mul3A_143, %add3A_170 : i32
        %dma_start3A_172 = arith.constant 0 : i32
        %dma_start3A_173 = tpu.memref_slice %arg6[%add3A_171, %dma_start3A_172] : memref<64x80xi32, #tpu.memory_space<vmem>> -> memref<1x80xi32, #tpu.memory_space<vmem>>
        %dma_start3A_174 = tpu.memref_squeeze %dma_start3A_173 : memref<1x80xi32, #tpu.memory_space<vmem>> -> memref<80xi32, #tpu.memory_space<vmem>>
        %dma_start3A_175 = arith.constant 0 : i32
        %dma_start3A_176 = arith.constant 0 : i32
        %dma_start3A_177 = tpu.memref_slice %arg2[%dma_start3A_175, %dma_start3A_176] : memref<10000x128xf32, #tpu.memory_space<hbm>> -> memref<10000x128xf32, #tpu.memory_space<hbm>>
        tpu.enqueue_indirect_dma source(%dma_start3A_177 : memref<10000x128xf32, #tpu.memory_space<hbm>>) target(%arg8 : memref<80x128xf32, #tpu.memory_space<vmem>>) offsets(%dma_start3A_174 : memref<80xi32, #tpu.memory_space<vmem>>) semaphore(%arg11 : memref<!tpu.dma_semaphore, #tpu.memory_space<semaphore_mem>>)
        %dma_start3A_178 = arith.constant 0 : i32
        %dma_start3A_179 = tpu.memref_slice %arg7[%add3A_145, %dma_start3A_178] : memref<64x80xi32, #tpu.memory_space<vmem>> -> memref<1x80xi32, #tpu.memory_space<vmem>>
        %dma_start3A_180 = tpu.memref_squeeze %dma_start3A_179 : memref<1x80xi32, #tpu.memory_space<vmem>> -> memref<80xi32, #tpu.memory_space<vmem>>
        %dma_start3A_181 = arith.constant 0 : i32
        %dma_start3A_182 = arith.constant 0 : i32
        %dma_start3A_183 = tpu.memref_slice %arg10[%dma_start3A_181, %dma_start3A_182] : memref<10112x128xf32, #tpu.memory_space<vmem_shared>> -> memref<10112x128xf32, #tpu.memory_space<vmem_shared>>
        tpu.enqueue_indirect_dma source(%arg9 : memref<80x128xf32, #tpu.memory_space<vmem>>) target(%dma_start3A_183 : memref<10112x128xf32, #tpu.memory_space<vmem_shared>>) offsets(%dma_start3A_180 : memref<80xi32, #tpu.memory_space<vmem>>) semaphore(%arg14 : memref<!tpu.dma_semaphore, #tpu.memory_space<semaphore_mem>>) {add = true}
        %dma_wait3A_184 = arith.constant 0 : i32
        %dma_wait3A_185 = tpu.memref_slice %arg7[%add3A_145, %dma_wait3A_184] : memref<64x80xi32, #tpu.memory_space<vmem>> -> memref<1x80xi32, #tpu.memory_space<vmem>>
        %dma_wait3A_186 = tpu.memref_squeeze %dma_wait3A_185 : memref<1x80xi32, #tpu.memory_space<vmem>> -> memref<80xi32, #tpu.memory_space<vmem>>
        %dma_wait3A_187 = arith.constant 0 : i32
        %dma_wait3A_188 = arith.constant 0 : i32
        %dma_wait3A_189 = tpu.memref_slice %arg10[%dma_wait3A_187, %dma_wait3A_188] : memref<10112x128xf32, #tpu.memory_space<vmem_shared>> -> memref<10112x128xf32, #tpu.memory_space<vmem_shared>>
        tpu.wait_indirect_dma semaphore(%arg14 : memref<!tpu.dma_semaphore, #tpu.memory_space<semaphore_mem>>) src(%arg9 : memref<80x128xf32, #tpu.memory_space<vmem>>) dst(%dma_wait3A_189 : memref<10112x128xf32, #tpu.memory_space<vmem_shared>>)
        %add3A_190 = arith.constant 2 : i32
        %add3A_191 = arith.addi %add3A_145, %add3A_190 : i32
        %dma_start3A_192 = arith.constant 0 : i32
        %dma_start3A_193 = tpu.memref_slice %arg6[%add3A_191, %dma_start3A_192] : memref<64x80xi32, #tpu.memory_space<vmem>> -> memref<1x80xi32, #tpu.memory_space<vmem>>
        %dma_start3A_194 = tpu.memref_squeeze %dma_start3A_193 : memref<1x80xi32, #tpu.memory_space<vmem>> -> memref<80xi32, #tpu.memory_space<vmem>>
        %dma_start3A_195 = arith.constant 0 : i32
        %dma_start3A_196 = arith.constant 0 : i32
        %dma_start3A_197 = tpu.memref_slice %arg2[%dma_start3A_195, %dma_start3A_196] : memref<10000x128xf32, #tpu.memory_space<hbm>> -> memref<10000x128xf32, #tpu.memory_space<hbm>>
        tpu.enqueue_indirect_dma source(%dma_start3A_197 : memref<10000x128xf32, #tpu.memory_space<hbm>>) target(%arg9 : memref<80x128xf32, #tpu.memory_space<vmem>>) offsets(%dma_start3A_194 : memref<80xi32, #tpu.memory_space<vmem>>) semaphore(%arg12 : memref<!tpu.dma_semaphore, #tpu.memory_space<semaphore_mem>>)
        %scan3A_198 = arith.constant 0 : i32
        scf.yield %scan3A_198 : i32
      }
      %scan3A_97 = arith.constant 31 : i32
      %dma_wait3A = arith.constant 62 : i32
      %dma_wait3A_98 = arith.constant 0 : i32
      %dma_wait3A_99 = tpu.memref_slice %arg6[%dma_wait3A, %dma_wait3A_98] : memref<64x80xi32, #tpu.memory_space<vmem>> -> memref<1x80xi32, #tpu.memory_space<vmem>>
      %dma_wait3A_100 = tpu.memref_squeeze %dma_wait3A_99 : memref<1x80xi32, #tpu.memory_space<vmem>> -> memref<80xi32, #tpu.memory_space<vmem>>
      %dma_wait3A_101 = arith.constant 0 : i32
      %dma_wait3A_102 = arith.constant 0 : i32
      %dma_wait3A_103 = tpu.memref_slice %arg2[%dma_wait3A_101, %dma_wait3A_102] : memref<10000x128xf32, #tpu.memory_space<hbm>> -> memref<10000x128xf32, #tpu.memory_space<hbm>>
      tpu.wait_indirect_dma semaphore(%arg11 : memref<!tpu.dma_semaphore, #tpu.memory_space<semaphore_mem>>) src(%dma_wait3A_103 : memref<10000x128xf32, #tpu.memory_space<hbm>>) dst(%arg8 : memref<80x128xf32, #tpu.memory_space<vmem>>)
      %dma_start3A_104 = arith.constant 62 : i32
      %dma_start3A_105 = arith.constant 0 : i32
      %dma_start3A_106 = tpu.memref_slice %arg7[%dma_start3A_104, %dma_start3A_105] : memref<64x80xi32, #tpu.memory_space<vmem>> -> memref<1x80xi32, #tpu.memory_space<vmem>>
      %dma_start3A_107 = tpu.memref_squeeze %dma_start3A_106 : memref<1x80xi32, #tpu.memory_space<vmem>> -> memref<80xi32, #tpu.memory_space<vmem>>
      %dma_start3A_108 = arith.constant 0 : i32
      %dma_start3A_109 = arith.constant 0 : i32
      %dma_start3A_110 = tpu.memref_slice %arg10[%dma_start3A_108, %dma_start3A_109] : memref<10112x128xf32, #tpu.memory_space<vmem_shared>> -> memref<10112x128xf32, #tpu.memory_space<vmem_shared>>
      tpu.enqueue_indirect_dma source(%arg8 : memref<80x128xf32, #tpu.memory_space<vmem>>) target(%dma_start3A_110 : memref<10112x128xf32, #tpu.memory_space<vmem_shared>>) offsets(%dma_start3A_107 : memref<80xi32, #tpu.memory_space<vmem>>) semaphore(%arg13 : memref<!tpu.dma_semaphore, #tpu.memory_space<semaphore_mem>>) {add = true}
      %dma_wait3A_111 = arith.constant 63 : i32
      %dma_wait3A_112 = arith.constant 0 : i32
      %dma_wait3A_113 = tpu.memref_slice %arg6[%dma_wait3A_111, %dma_wait3A_112] : memref<64x80xi32, #tpu.memory_space<vmem>> -> memref<1x80xi32, #tpu.memory_space<vmem>>
      %dma_wait3A_114 = tpu.memref_squeeze %dma_wait3A_113 : memref<1x80xi32, #tpu.memory_space<vmem>> -> memref<80xi32, #tpu.memory_space<vmem>>
      %dma_wait3A_115 = arith.constant 0 : i32
      %dma_wait3A_116 = arith.constant 0 : i32
      %dma_wait3A_117 = tpu.memref_slice %arg2[%dma_wait3A_115, %dma_wait3A_116] : memref<10000x128xf32, #tpu.memory_space<hbm>> -> memref<10000x128xf32, #tpu.memory_space<hbm>>
      tpu.wait_indirect_dma semaphore(%arg12 : memref<!tpu.dma_semaphore, #tpu.memory_space<semaphore_mem>>) src(%dma_wait3A_117 : memref<10000x128xf32, #tpu.memory_space<hbm>>) dst(%arg9 : memref<80x128xf32, #tpu.memory_space<vmem>>)
      %dma_wait3A_118 = arith.constant 62 : i32
      %dma_wait3A_119 = arith.constant 0 : i32
      %dma_wait3A_120 = tpu.memref_slice %arg7[%dma_wait3A_118, %dma_wait3A_119] : memref<64x80xi32, #tpu.memory_space<vmem>> -> memref<1x80xi32, #tpu.memory_space<vmem>>
      %dma_wait3A_121 = tpu.memref_squeeze %dma_wait3A_120 : memref<1x80xi32, #tpu.memory_space<vmem>> -> memref<80xi32, #tpu.memory_space<vmem>>
      %dma_wait3A_122 = arith.constant 0 : i32
      %dma_wait3A_123 = arith.constant 0 : i32
      %dma_wait3A_124 = tpu.memref_slice %arg10[%dma_wait3A_122, %dma_wait3A_123] : memref<10112x128xf32, #tpu.memory_space<vmem_shared>> -> memref<10112x128xf32, #tpu.memory_space<vmem_shared>>
      tpu.wait_indirect_dma semaphore(%arg13 : memref<!tpu.dma_semaphore, #tpu.memory_space<semaphore_mem>>) src(%arg8 : memref<80x128xf32, #tpu.memory_space<vmem>>) dst(%dma_wait3A_124 : memref<10112x128xf32, #tpu.memory_space<vmem_shared>>)
      %dma_start3A_125 = arith.constant 63 : i32
      %dma_start3A_126 = arith.constant 0 : i32
      %dma_start3A_127 = tpu.memref_slice %arg7[%dma_start3A_125, %dma_start3A_126] : memref<64x80xi32, #tpu.memory_space<vmem>> -> memref<1x80xi32, #tpu.memory_space<vmem>>
      %dma_start3A_128 = tpu.memref_squeeze %dma_start3A_127 : memref<1x80xi32, #tpu.memory_space<vmem>> -> memref<80xi32, #tpu.memory_space<vmem>>
      %dma_start3A_129 = arith.constant 0 : i32
      %dma_start3A_130 = arith.constant 0 : i32
      %dma_start3A_131 = tpu.memref_slice %arg10[%dma_start3A_129, %dma_start3A_130] : memref<10112x128xf32, #tpu.memory_space<vmem_shared>> -> memref<10112x128xf32, #tpu.memory_space<vmem_shared>>
      tpu.enqueue_indirect_dma source(%arg9 : memref<80x128xf32, #tpu.memory_space<vmem>>) target(%dma_start3A_131 : memref<10112x128xf32, #tpu.memory_space<vmem_shared>>) offsets(%dma_start3A_128 : memref<80xi32, #tpu.memory_space<vmem>>) semaphore(%arg14 : memref<!tpu.dma_semaphore, #tpu.memory_space<semaphore_mem>>) {add = true}
      %dma_wait3A_132 = arith.constant 63 : i32
      %dma_wait3A_133 = arith.constant 0 : i32
      %dma_wait3A_134 = tpu.memref_slice %arg7[%dma_wait3A_132, %dma_wait3A_133] : memref<64x80xi32, #tpu.memory_space<vmem>> -> memref<1x80xi32, #tpu.memory_space<vmem>>
      %dma_wait3A_135 = tpu.memref_squeeze %dma_wait3A_134 : memref<1x80xi32, #tpu.memory_space<vmem>> -> memref<80xi32, #tpu.memory_space<vmem>>
      %dma_wait3A_136 = arith.constant 0 : i32
      %dma_wait3A_137 = arith.constant 0 : i32
      %dma_wait3A_138 = tpu.memref_slice %arg10[%dma_wait3A_136, %dma_wait3A_137] : memref<10112x128xf32, #tpu.memory_space<vmem_shared>> -> memref<10112x128xf32, #tpu.memory_space<vmem_shared>>
      tpu.wait_indirect_dma semaphore(%arg14 : memref<!tpu.dma_semaphore, #tpu.memory_space<semaphore_mem>>) src(%arg9 : memref<80x128xf32, #tpu.memory_space<vmem>>) dst(%dma_wait3A_138 : memref<10112x128xf32, #tpu.memory_space<vmem_shared>>)
      %while3A_139 = arith.constant 0 : i32
      scf.yield %while3A_139 : i32
    }
    %barrier3A_40 = arith.constant 0 : index
    tpu.barrier barrier_id(%barrier3A_40)
    %add3A_41 = arith.constant 0 : i32
    %add3A_42 = arith.addi %mul3A_0, %add3A_41 : i32
    "tpu.region"() ({
      %run_scoped3A = tpu.sem_alloc : memref<!tpu.dma_semaphore, #tpu.memory_space<semaphore_mem>>
      %dma_start3A = arith.constant 0 : i32
      %dma_start3A_73 = arith.constant 0 : i32
      %dma_start3A_74 = tpu.memref_slice %arg8[%dma_start3A, %dma_start3A_73] : memref<80x128xf32, #tpu.memory_space<vmem>> -> memref<80x128xf32, #tpu.memory_space<vmem>>
      %dma_start3A_75 = arith.constant 0 : i32
      %dma_start3A_76 = tpu.memref_slice %arg10[%add3A_42, %dma_start3A_75] : memref<10112x128xf32, #tpu.memory_space<vmem_shared>> -> memref<80x128xf32, #tpu.memory_space<vmem_shared>>
      %dma_start3A_77 = arith.constant 0 : i32
      %dma_start3A_78 = arith.constant 0 : i32
      %dma_start3A_79 = tpu.memref_slice %arg8[%dma_start3A_77, %dma_start3A_78] : memref<80x128xf32, #tpu.memory_space<vmem>> -> memref<80x128xf32, #tpu.memory_space<vmem>>
      %dma_start3A_80 = arith.constant 0 : i32
      %dma_start3A_81 = tpu.memref_slice %arg10[%add3A_42, %dma_start3A_80] : memref<10112x128xf32, #tpu.memory_space<vmem_shared>> -> memref<80x128xf32, #tpu.memory_space<vmem_shared>>
      tpu.enqueue_dma source(%dma_start3A_81 : memref<80x128xf32, #tpu.memory_space<vmem_shared>>) target(%dma_start3A_79 : memref<80x128xf32, #tpu.memory_space<vmem>>) target_semaphore(%run_scoped3A : memref<!tpu.dma_semaphore, #tpu.memory_space<semaphore_mem>>)
      %dma_wait3A = arith.constant 0 : i32
      %dma_wait3A_82 = arith.constant 0 : i32
      %dma_wait3A_83 = tpu.memref_slice %arg8[%dma_wait3A, %dma_wait3A_82] : memref<80x128xf32, #tpu.memory_space<vmem>> -> memref<80x128xf32, #tpu.memory_space<vmem>>
      %dma_wait3A_84 = arith.constant 0 : i32
      %dma_wait3A_85 = tpu.memref_slice %arg10[%add3A_42, %dma_wait3A_84] : memref<10112x128xf32, #tpu.memory_space<vmem_shared>> -> memref<80x128xf32, #tpu.memory_space<vmem_shared>>
      %dma_wait3A_86 = arith.constant 0 : i32
      %dma_wait3A_87 = arith.constant 0 : i32
      %dma_wait3A_88 = tpu.memref_slice %arg8[%dma_wait3A_86, %dma_wait3A_87] : memref<80x128xf32, #tpu.memory_space<vmem>> -> memref<80x128xf32, #tpu.memory_space<vmem>>
      %dma_wait3A_89 = arith.constant 0 : i32
      %dma_wait3A_90 = tpu.memref_slice %arg10[%add3A_42, %dma_wait3A_89] : memref<10112x128xf32, #tpu.memory_space<vmem_shared>> -> memref<80x128xf32, #tpu.memory_space<vmem_shared>>
      tpu.wait_dma2 semaphore(%run_scoped3A : memref<!tpu.dma_semaphore, #tpu.memory_space<semaphore_mem>>) src(%dma_wait3A_90 : memref<80x128xf32, #tpu.memory_space<vmem_shared>>) dst(%dma_wait3A_88 : memref<80x128xf32, #tpu.memory_space<vmem>>)
      tpu.yield
    }) : () -> ()
    %add3A_43 = arith.constant 0 : i32
    %add3A_44 = arith.addi %mul3A_0, %add3A_43 : i32
    "tpu.region"() ({
      %run_scoped3A = tpu.sem_alloc : memref<!tpu.dma_semaphore, #tpu.memory_space<semaphore_mem>>
      %dma_start3A = arith.constant 0 : i32
      %dma_start3A_73 = arith.constant 0 : i32
      %dma_start3A_74 = tpu.memref_slice %arg8[%dma_start3A, %dma_start3A_73] : memref<80x128xf32, #tpu.memory_space<vmem>> -> memref<80x128xf32, #tpu.memory_space<vmem>>
      %dma_start3A_75 = arith.constant 0 : i32
      %dma_start3A_76 = tpu.memref_slice %arg5[%arg0, %add3A_44, %dma_start3A_75] : memref<2x10112x128xf32, #tpu.memory_space<hbm>> -> memref<1x80x128xf32, #tpu.memory_space<hbm>>
      %dma_start3A_77 = tpu.memref_squeeze %dma_start3A_76 : memref<1x80x128xf32, #tpu.memory_space<hbm>> -> memref<80x128xf32, #tpu.memory_space<hbm>>
      %dma_start3A_78 = arith.constant 0 : i32
      %dma_start3A_79 = tpu.memref_slice %arg5[%arg0, %add3A_44, %dma_start3A_78] : memref<2x10112x128xf32, #tpu.memory_space<hbm>> -> memref<1x80x128xf32, #tpu.memory_space<hbm>>
      %dma_start3A_80 = tpu.memref_squeeze %dma_start3A_79 : memref<1x80x128xf32, #tpu.memory_space<hbm>> -> memref<80x128xf32, #tpu.memory_space<hbm>>
      %dma_start3A_81 = arith.constant 0 : i32
      %dma_start3A_82 = arith.constant 0 : i32
      %dma_start3A_83 = tpu.memref_slice %arg8[%dma_start3A_81, %dma_start3A_82] : memref<80x128xf32, #tpu.memory_space<vmem>> -> memref<80x128xf32, #tpu.memory_space<vmem>>
      tpu.enqueue_dma source(%dma_start3A_83 : memref<80x128xf32, #tpu.memory_space<vmem>>) target(%dma_start3A_80 : memref<80x128xf32, #tpu.memory_space<hbm>>) target_semaphore(%run_scoped3A : memref<!tpu.dma_semaphore, #tpu.memory_space<semaphore_mem>>)
      %dma_wait3A = arith.constant 0 : i32
      %dma_wait3A_84 = arith.constant 0 : i32
      %dma_wait3A_85 = tpu.memref_slice %arg8[%dma_wait3A, %dma_wait3A_84] : memref<80x128xf32, #tpu.memory_space<vmem>> -> memref<80x128xf32, #tpu.memory_space<vmem>>
      %dma_wait3A_86 = arith.constant 0 : i32
      %dma_wait3A_87 = tpu.memref_slice %arg5[%arg0, %add3A_44, %dma_wait3A_86] : memref<2x10112x128xf32, #tpu.memory_space<hbm>> -> memref<1x80x128xf32, #tpu.memory_space<hbm>>
      %dma_wait3A_88 = tpu.memref_squeeze %dma_wait3A_87 : memref<1x80x128xf32, #tpu.memory_space<hbm>> -> memref<80x128xf32, #tpu.memory_space<hbm>>
      %dma_wait3A_89 = arith.constant 0 : i32
      %dma_wait3A_90 = tpu.memref_slice %arg5[%arg0, %add3A_44, %dma_wait3A_89] : memref<2x10112x128xf32, #tpu.memory_space<hbm>> -> memref<1x80x128xf32, #tpu.memory_space<hbm>>
      %dma_wait3A_91 = tpu.memref_squeeze %dma_wait3A_90 : memref<1x80x128xf32, #tpu.memory_space<hbm>> -> memref<80x128xf32, #tpu.memory_space<hbm>>
      %dma_wait3A_92 = arith.constant 0 : i32
      %dma_wait3A_93 = arith.constant 0 : i32
      %dma_wait3A_94 = tpu.memref_slice %arg8[%dma_wait3A_92, %dma_wait3A_93] : memref<80x128xf32, #tpu.memory_space<vmem>> -> memref<80x128xf32, #tpu.memory_space<vmem>>
      tpu.wait_dma2 semaphore(%run_scoped3A : memref<!tpu.dma_semaphore, #tpu.memory_space<semaphore_mem>>) src(%dma_wait3A_94 : memref<80x128xf32, #tpu.memory_space<vmem>>) dst(%dma_wait3A_91 : memref<80x128xf32, #tpu.memory_space<hbm>>)
      tpu.yield
    }) : () -> ()
    %add3A_45 = arith.constant 80 : i32
    %add3A_46 = arith.addi %mul3A_0, %add3A_45 : i32
    "tpu.region"() ({
      %run_scoped3A = tpu.sem_alloc : memref<!tpu.dma_semaphore, #tpu.memory_space<semaphore_mem>>
      %dma_start3A = arith.constant 0 : i32
      %dma_start3A_73 = arith.constant 0 : i32
      %dma_start3A_74 = tpu.memref_slice %arg8[%dma_start3A, %dma_start3A_73] : memref<80x128xf32, #tpu.memory_space<vmem>> -> memref<80x128xf32, #tpu.memory_space<vmem>>
      %dma_start3A_75 = arith.constant 0 : i32
      %dma_start3A_76 = tpu.memref_slice %arg10[%add3A_46, %dma_start3A_75] : memref<10112x128xf32, #tpu.memory_space<vmem_shared>> -> memref<80x128xf32, #tpu.memory_space<vmem_shared>>
      %dma_start3A_77 = arith.constant 0 : i32
      %dma_start3A_78 = arith.constant 0 : i32
      %dma_start3A_79 = tpu.memref_slice %arg8[%dma_start3A_77, %dma_start3A_78] : memref<80x128xf32, #tpu.memory_space<vmem>> -> memref<80x128xf32, #tpu.memory_space<vmem>>
      %dma_start3A_80 = arith.constant 0 : i32
      %dma_start3A_81 = tpu.memref_slice %arg10[%add3A_46, %dma_start3A_80] : memref<10112x128xf32, #tpu.memory_space<vmem_shared>> -> memref<80x128xf32, #tpu.memory_space<vmem_shared>>
      tpu.enqueue_dma source(%dma_start3A_81 : memref<80x128xf32, #tpu.memory_space<vmem_shared>>) target(%dma_start3A_79 : memref<80x128xf32, #tpu.memory_space<vmem>>) target_semaphore(%run_scoped3A : memref<!tpu.dma_semaphore, #tpu.memory_space<semaphore_mem>>)
      %dma_wait3A = arith.constant 0 : i32
      %dma_wait3A_82 = arith.constant 0 : i32
      %dma_wait3A_83 = tpu.memref_slice %arg8[%dma_wait3A, %dma_wait3A_82] : memref<80x128xf32, #tpu.memory_space<vmem>> -> memref<80x128xf32, #tpu.memory_space<vmem>>
      %dma_wait3A_84 = arith.constant 0 : i32
      %dma_wait3A_85 = tpu.memref_slice %arg10[%add3A_46, %dma_wait3A_84] : memref<10112x128xf32, #tpu.memory_space<vmem_shared>> -> memref<80x128xf32, #tpu.memory_space<vmem_shared>>
      %dma_wait3A_86 = arith.constant 0 : i32
      %dma_wait3A_87 = arith.constant 0 : i32
      %dma_wait3A_88 = tpu.memref_slice %arg8[%dma_wait3A_86, %dma_wait3A_87] : memref<80x128xf32, #tpu.memory_space<vmem>> -> memref<80x128xf32, #tpu.memory_space<vmem>>
      %dma_wait3A_89 = arith.constant 0 : i32
      %dma_wait3A_90 = tpu.memref_slice %arg10[%add3A_46, %dma_wait3A_89] : memref<10112x128xf32, #tpu.memory_space<vmem_shared>> -> memref<80x128xf32, #tpu.memory_space<vmem_shared>>
      tpu.wait_dma2 semaphore(%run_scoped3A : memref<!tpu.dma_semaphore, #tpu.memory_space<semaphore_mem>>) src(%dma_wait3A_90 : memref<80x128xf32, #tpu.memory_space<vmem_shared>>) dst(%dma_wait3A_88 : memref<80x128xf32, #tpu.memory_space<vmem>>)
      tpu.yield
    }) : () -> ()
    %add3A_47 = arith.constant 80 : i32
    %add3A_48 = arith.addi %mul3A_0, %add3A_47 : i32
    "tpu.region"() ({
      %run_scoped3A = tpu.sem_alloc : memref<!tpu.dma_semaphore, #tpu.memory_space<semaphore_mem>>
      %dma_start3A = arith.constant 0 : i32
      %dma_start3A_73 = arith.constant 0 : i32
      %dma_start3A_74 = tpu.memref_slice %arg8[%dma_start3A, %dma_start3A_73] : memref<80x128xf32, #tpu.memory_space<vmem>> -> memref<80x128xf32, #tpu.memory_space<vmem>>
      %dma_start3A_75 = arith.constant 0 : i32
      %dma_start3A_76 = tpu.memref_slice %arg5[%arg0, %add3A_48, %dma_start3A_75] : memref<2x10112x128xf32, #tpu.memory_space<hbm>> -> memref<1x80x128xf32, #tpu.memory_space<hbm>>
      %dma_start3A_77 = tpu.memref_squeeze %dma_start3A_76 : memref<1x80x128xf32, #tpu.memory_space<hbm>> -> memref<80x128xf32, #tpu.memory_space<hbm>>
      %dma_start3A_78 = arith.constant 0 : i32
      %dma_start3A_79 = tpu.memref_slice %arg5[%arg0, %add3A_48, %dma_start3A_78] : memref<2x10112x128xf32, #tpu.memory_space<hbm>> -> memref<1x80x128xf32, #tpu.memory_space<hbm>>
      %dma_start3A_80 = tpu.memref_squeeze %dma_start3A_79 : memref<1x80x128xf32, #tpu.memory_space<hbm>> -> memref<80x128xf32, #tpu.memory_space<hbm>>
      %dma_start3A_81 = arith.constant 0 : i32
      %dma_start3A_82 = arith.constant 0 : i32
      %dma_start3A_83 = tpu.memref_slice %arg8[%dma_start3A_81, %dma_start3A_82] : memref<80x128xf32, #tpu.memory_space<vmem>> -> memref<80x128xf32, #tpu.memory_space<vmem>>
      tpu.enqueue_dma source(%dma_start3A_83 : memref<80x128xf32, #tpu.memory_space<vmem>>) target(%dma_start3A_80 : memref<80x128xf32, #tpu.memory_space<hbm>>) target_semaphore(%run_scoped3A : memref<!tpu.dma_semaphore, #tpu.memory_space<semaphore_mem>>)
      %dma_wait3A = arith.constant 0 : i32
      %dma_wait3A_84 = arith.constant 0 : i32
      %dma_wait3A_85 = tpu.memref_slice %arg8[%dma_wait3A, %dma_wait3A_84] : memref<80x128xf32, #tpu.memory_space<vmem>> -> memref<80x128xf32, #tpu.memory_space<vmem>>
      %dma_wait3A_86 = arith.constant 0 : i32
      %dma_wait3A_87 = tpu.memref_slice %arg5[%arg0, %add3A_48, %dma_wait3A_86] : memref<2x10112x128xf32, #tpu.memory_space<hbm>> -> memref<1x80x128xf32, #tpu.memory_space<hbm>>
      %dma_wait3A_88 = tpu.memref_squeeze %dma_wait3A_87 : memref<1x80x128xf32, #tpu.memory_space<hbm>> -> memref<80x128xf32, #tpu.memory_space<hbm>>
      %dma_wait3A_89 = arith.constant 0 : i32
      %dma_wait3A_90 = tpu.memref_slice %arg5[%arg0, %add3A_48, %dma_wait3A_89] : memref<2x10112x128xf32, #tpu.memory_space<hbm>> -> memref<1x80x128xf32, #tpu.memory_space<hbm>>
      %dma_wait3A_91 = tpu.memref_squeeze %dma_wait3A_90 : memref<1x80x128xf32, #tpu.memory_space<hbm>> -> memref<80x128xf32, #tpu.memory_space<hbm>>
      %dma_wait3A_92 = arith.constant 0 : i32
      %dma_wait3A_93 = arith.constant 0 : i32
      %dma_wait3A_94 = tpu.memref_slice %arg8[%dma_wait3A_92, %dma_wait3A_93] : memref<80x128xf32, #tpu.memory_space<vmem>> -> memref<80x128xf32, #tpu.memory_space<vmem>>
      tpu.wait_dma2 semaphore(%run_scoped3A : memref<!tpu.dma_semaphore, #tpu.memory_space<semaphore_mem>>) src(%dma_wait3A_94 : memref<80x128xf32, #tpu.memory_space<vmem>>) dst(%dma_wait3A_91 : memref<80x128xf32, #tpu.memory_space<hbm>>)
      tpu.yield
    }) : () -> ()
    %add3A_49 = arith.constant 160 : i32
    %add3A_50 = arith.addi %mul3A_0, %add3A_49 : i32
    "tpu.region"() ({
      %run_scoped3A = tpu.sem_alloc : memref<!tpu.dma_semaphore, #tpu.memory_space<semaphore_mem>>
      %dma_start3A = arith.constant 0 : i32
      %dma_start3A_73 = arith.constant 0 : i32
      %dma_start3A_74 = tpu.memref_slice %arg8[%dma_start3A, %dma_start3A_73] : memref<80x128xf32, #tpu.memory_space<vmem>> -> memref<80x128xf32, #tpu.memory_space<vmem>>
      %dma_start3A_75 = arith.constant 0 : i32
      %dma_start3A_76 = tpu.memref_slice %arg10[%add3A_50, %dma_start3A_75] : memref<10112x128xf32, #tpu.memory_space<vmem_shared>> -> memref<80x128xf32, #tpu.memory_space<vmem_shared>>
      %dma_start3A_77 = arith.constant 0 : i32
      %dma_start3A_78 = arith.constant 0 : i32
      %dma_start3A_79 = tpu.memref_slice %arg8[%dma_start3A_77, %dma_start3A_78] : memref<80x128xf32, #tpu.memory_space<vmem>> -> memref<80x128xf32, #tpu.memory_space<vmem>>
      %dma_start3A_80 = arith.constant 0 : i32
      %dma_start3A_81 = tpu.memref_slice %arg10[%add3A_50, %dma_start3A_80] : memref<10112x128xf32, #tpu.memory_space<vmem_shared>> -> memref<80x128xf32, #tpu.memory_space<vmem_shared>>
      tpu.enqueue_dma source(%dma_start3A_81 : memref<80x128xf32, #tpu.memory_space<vmem_shared>>) target(%dma_start3A_79 : memref<80x128xf32, #tpu.memory_space<vmem>>) target_semaphore(%run_scoped3A : memref<!tpu.dma_semaphore, #tpu.memory_space<semaphore_mem>>)
      %dma_wait3A = arith.constant 0 : i32
      %dma_wait3A_82 = arith.constant 0 : i32
      %dma_wait3A_83 = tpu.memref_slice %arg8[%dma_wait3A, %dma_wait3A_82] : memref<80x128xf32, #tpu.memory_space<vmem>> -> memref<80x128xf32, #tpu.memory_space<vmem>>
      %dma_wait3A_84 = arith.constant 0 : i32
      %dma_wait3A_85 = tpu.memref_slice %arg10[%add3A_50, %dma_wait3A_84] : memref<10112x128xf32, #tpu.memory_space<vmem_shared>> -> memref<80x128xf32, #tpu.memory_space<vmem_shared>>
      %dma_wait3A_86 = arith.constant 0 : i32
      %dma_wait3A_87 = arith.constant 0 : i32
      %dma_wait3A_88 = tpu.memref_slice %arg8[%dma_wait3A_86, %dma_wait3A_87] : memref<80x128xf32, #tpu.memory_space<vmem>> -> memref<80x128xf32, #tpu.memory_space<vmem>>
      %dma_wait3A_89 = arith.constant 0 : i32
      %dma_wait3A_90 = tpu.memref_slice %arg10[%add3A_50, %dma_wait3A_89] : memref<10112x128xf32, #tpu.memory_space<vmem_shared>> -> memref<80x128xf32, #tpu.memory_space<vmem_shared>>
      tpu.wait_dma2 semaphore(%run_scoped3A : memref<!tpu.dma_semaphore, #tpu.memory_space<semaphore_mem>>) src(%dma_wait3A_90 : memref<80x128xf32, #tpu.memory_space<vmem_shared>>) dst(%dma_wait3A_88 : memref<80x128xf32, #tpu.memory_space<vmem>>)
      tpu.yield
    }) : () -> ()
    %add3A_51 = arith.constant 160 : i32
    %add3A_52 = arith.addi %mul3A_0, %add3A_51 : i32
    "tpu.region"() ({
      %run_scoped3A = tpu.sem_alloc : memref<!tpu.dma_semaphore, #tpu.memory_space<semaphore_mem>>
      %dma_start3A = arith.constant 0 : i32
      %dma_start3A_73 = arith.constant 0 : i32
      %dma_start3A_74 = tpu.memref_slice %arg8[%dma_start3A, %dma_start3A_73] : memref<80x128xf32, #tpu.memory_space<vmem>> -> memref<80x128xf32, #tpu.memory_space<vmem>>
      %dma_start3A_75 = arith.constant 0 : i32
      %dma_start3A_76 = tpu.memref_slice %arg5[%arg0, %add3A_52, %dma_start3A_75] : memref<2x10112x128xf32, #tpu.memory_space<hbm>> -> memref<1x80x128xf32, #tpu.memory_space<hbm>>
      %dma_start3A_77 = tpu.memref_squeeze %dma_start3A_76 : memref<1x80x128xf32, #tpu.memory_space<hbm>> -> memref<80x128xf32, #tpu.memory_space<hbm>>
      %dma_start3A_78 = arith.constant 0 : i32
      %dma_start3A_79 = tpu.memref_slice %arg5[%arg0, %add3A_52, %dma_start3A_78] : memref<2x10112x128xf32, #tpu.memory_space<hbm>> -> memref<1x80x128xf32, #tpu.memory_space<hbm>>
      %dma_start3A_80 = tpu.memref_squeeze %dma_start3A_79 : memref<1x80x128xf32, #tpu.memory_space<hbm>> -> memref<80x128xf32, #tpu.memory_space<hbm>>
      %dma_start3A_81 = arith.constant 0 : i32
      %dma_start3A_82 = arith.constant 0 : i32
      %dma_start3A_83 = tpu.memref_slice %arg8[%dma_start3A_81, %dma_start3A_82] : memref<80x128xf32, #tpu.memory_space<vmem>> -> memref<80x128xf32, #tpu.memory_space<vmem>>
      tpu.enqueue_dma source(%dma_start3A_83 : memref<80x128xf32, #tpu.memory_space<vmem>>) target(%dma_start3A_80 : memref<80x128xf32, #tpu.memory_space<hbm>>) target_semaphore(%run_scoped3A : memref<!tpu.dma_semaphore, #tpu.memory_space<semaphore_mem>>)
      %dma_wait3A = arith.constant 0 : i32
      %dma_wait3A_84 = arith.constant 0 : i32
      %dma_wait3A_85 = tpu.memref_slice %arg8[%dma_wait3A, %dma_wait3A_84] : memref<80x128xf32, #tpu.memory_space<vmem>> -> memref<80x128xf32, #tpu.memory_space<vmem>>
      %dma_wait3A_86 = arith.constant 0 : i32
      %dma_wait3A_87 = tpu.memref_slice %arg5[%arg0, %add3A_52, %dma_wait3A_86] : memref<2x10112x128xf32, #tpu.memory_space<hbm>> -> memref<1x80x128xf32, #tpu.memory_space<hbm>>
      %dma_wait3A_88 = tpu.memref_squeeze %dma_wait3A_87 : memref<1x80x128xf32, #tpu.memory_space<hbm>> -> memref<80x128xf32, #tpu.memory_space<hbm>>
      %dma_wait3A_89 = arith.constant 0 : i32
      %dma_wait3A_90 = tpu.memref_slice %arg5[%arg0, %add3A_52, %dma_wait3A_89] : memref<2x10112x128xf32, #tpu.memory_space<hbm>> -> memref<1x80x128xf32, #tpu.memory_space<hbm>>
      %dma_wait3A_91 = tpu.memref_squeeze %dma_wait3A_90 : memref<1x80x128xf32, #tpu.memory_space<hbm>> -> memref<80x128xf32, #tpu.memory_space<hbm>>
      %dma_wait3A_92 = arith.constant 0 : i32
      %dma_wait3A_93 = arith.constant 0 : i32
      %dma_wait3A_94 = tpu.memref_slice %arg8[%dma_wait3A_92, %dma_wait3A_93] : memref<80x128xf32, #tpu.memory_space<vmem>> -> memref<80x128xf32, #tpu.memory_space<vmem>>
      tpu.wait_dma2 semaphore(%run_scoped3A : memref<!tpu.dma_semaphore, #tpu.memory_space<semaphore_mem>>) src(%dma_wait3A_94 : memref<80x128xf32, #tpu.memory_space<vmem>>) dst(%dma_wait3A_91 : memref<80x128xf32, #tpu.memory_space<hbm>>)
      tpu.yield
    }) : () -> ()
    %add3A_53 = arith.constant 240 : i32
    %add3A_54 = arith.addi %mul3A_0, %add3A_53 : i32
    "tpu.region"() ({
      %run_scoped3A = tpu.sem_alloc : memref<!tpu.dma_semaphore, #tpu.memory_space<semaphore_mem>>
      %dma_start3A = arith.constant 0 : i32
      %dma_start3A_73 = arith.constant 0 : i32
      %dma_start3A_74 = tpu.memref_slice %arg8[%dma_start3A, %dma_start3A_73] : memref<80x128xf32, #tpu.memory_space<vmem>> -> memref<80x128xf32, #tpu.memory_space<vmem>>
      %dma_start3A_75 = arith.constant 0 : i32
      %dma_start3A_76 = tpu.memref_slice %arg10[%add3A_54, %dma_start3A_75] : memref<10112x128xf32, #tpu.memory_space<vmem_shared>> -> memref<80x128xf32, #tpu.memory_space<vmem_shared>>
      %dma_start3A_77 = arith.constant 0 : i32
      %dma_start3A_78 = arith.constant 0 : i32
      %dma_start3A_79 = tpu.memref_slice %arg8[%dma_start3A_77, %dma_start3A_78] : memref<80x128xf32, #tpu.memory_space<vmem>> -> memref<80x128xf32, #tpu.memory_space<vmem>>
      %dma_start3A_80 = arith.constant 0 : i32
      %dma_start3A_81 = tpu.memref_slice %arg10[%add3A_54, %dma_start3A_80] : memref<10112x128xf32, #tpu.memory_space<vmem_shared>> -> memref<80x128xf32, #tpu.memory_space<vmem_shared>>
      tpu.enqueue_dma source(%dma_start3A_81 : memref<80x128xf32, #tpu.memory_space<vmem_shared>>) target(%dma_start3A_79 : memref<80x128xf32, #tpu.memory_space<vmem>>) target_semaphore(%run_scoped3A : memref<!tpu.dma_semaphore, #tpu.memory_space<semaphore_mem>>)
      %dma_wait3A = arith.constant 0 : i32
      %dma_wait3A_82 = arith.constant 0 : i32
      %dma_wait3A_83 = tpu.memref_slice %arg8[%dma_wait3A, %dma_wait3A_82] : memref<80x128xf32, #tpu.memory_space<vmem>> -> memref<80x128xf32, #tpu.memory_space<vmem>>
      %dma_wait3A_84 = arith.constant 0 : i32
      %dma_wait3A_85 = tpu.memref_slice %arg10[%add3A_54, %dma_wait3A_84] : memref<10112x128xf32, #tpu.memory_space<vmem_shared>> -> memref<80x128xf32, #tpu.memory_space<vmem_shared>>
      %dma_wait3A_86 = arith.constant 0 : i32
      %dma_wait3A_87 = arith.constant 0 : i32
      %dma_wait3A_88 = tpu.memref_slice %arg8[%dma_wait3A_86, %dma_wait3A_87] : memref<80x128xf32, #tpu.memory_space<vmem>> -> memref<80x128xf32, #tpu.memory_space<vmem>>
      %dma_wait3A_89 = arith.constant 0 : i32
      %dma_wait3A_90 = tpu.memref_slice %arg10[%add3A_54, %dma_wait3A_89] : memref<10112x128xf32, #tpu.memory_space<vmem_shared>> -> memref<80x128xf32, #tpu.memory_space<vmem_shared>>
      tpu.wait_dma2 semaphore(%run_scoped3A : memref<!tpu.dma_semaphore, #tpu.memory_space<semaphore_mem>>) src(%dma_wait3A_90 : memref<80x128xf32, #tpu.memory_space<vmem_shared>>) dst(%dma_wait3A_88 : memref<80x128xf32, #tpu.memory_space<vmem>>)
      tpu.yield
    }) : () -> ()
    %add3A_55 = arith.constant 240 : i32
    %add3A_56 = arith.addi %mul3A_0, %add3A_55 : i32
    "tpu.region"() ({
      %run_scoped3A = tpu.sem_alloc : memref<!tpu.dma_semaphore, #tpu.memory_space<semaphore_mem>>
      %dma_start3A = arith.constant 0 : i32
      %dma_start3A_73 = arith.constant 0 : i32
      %dma_start3A_74 = tpu.memref_slice %arg8[%dma_start3A, %dma_start3A_73] : memref<80x128xf32, #tpu.memory_space<vmem>> -> memref<80x128xf32, #tpu.memory_space<vmem>>
      %dma_start3A_75 = arith.constant 0 : i32
      %dma_start3A_76 = tpu.memref_slice %arg5[%arg0, %add3A_56, %dma_start3A_75] : memref<2x10112x128xf32, #tpu.memory_space<hbm>> -> memref<1x80x128xf32, #tpu.memory_space<hbm>>
      %dma_start3A_77 = tpu.memref_squeeze %dma_start3A_76 : memref<1x80x128xf32, #tpu.memory_space<hbm>> -> memref<80x128xf32, #tpu.memory_space<hbm>>
      %dma_start3A_78 = arith.constant 0 : i32
      %dma_start3A_79 = tpu.memref_slice %arg5[%arg0, %add3A_56, %dma_start3A_78] : memref<2x10112x128xf32, #tpu.memory_space<hbm>> -> memref<1x80x128xf32, #tpu.memory_space<hbm>>
      %dma_start3A_80 = tpu.memref_squeeze %dma_start3A_79 : memref<1x80x128xf32, #tpu.memory_space<hbm>> -> memref<80x128xf32, #tpu.memory_space<hbm>>
      %dma_start3A_81 = arith.constant 0 : i32
      %dma_start3A_82 = arith.constant 0 : i32
      %dma_start3A_83 = tpu.memref_slice %arg8[%dma_start3A_81, %dma_start3A_82] : memref<80x128xf32, #tpu.memory_space<vmem>> -> memref<80x128xf32, #tpu.memory_space<vmem>>
      tpu.enqueue_dma source(%dma_start3A_83 : memref<80x128xf32, #tpu.memory_space<vmem>>) target(%dma_start3A_80 : memref<80x128xf32, #tpu.memory_space<hbm>>) target_semaphore(%run_scoped3A : memref<!tpu.dma_semaphore, #tpu.memory_space<semaphore_mem>>)
      %dma_wait3A = arith.constant 0 : i32
      %dma_wait3A_84 = arith.constant 0 : i32
      %dma_wait3A_85 = tpu.memref_slice %arg8[%dma_wait3A, %dma_wait3A_84] : memref<80x128xf32, #tpu.memory_space<vmem>> -> memref<80x128xf32, #tpu.memory_space<vmem>>
      %dma_wait3A_86 = arith.constant 0 : i32
      %dma_wait3A_87 = tpu.memref_slice %arg5[%arg0, %add3A_56, %dma_wait3A_86] : memref<2x10112x128xf32, #tpu.memory_space<hbm>> -> memref<1x80x128xf32, #tpu.memory_space<hbm>>
      %dma_wait3A_88 = tpu.memref_squeeze %dma_wait3A_87 : memref<1x80x128xf32, #tpu.memory_space<hbm>> -> memref<80x128xf32, #tpu.memory_space<hbm>>
      %dma_wait3A_89 = arith.constant 0 : i32
      %dma_wait3A_90 = tpu.memref_slice %arg5[%arg0, %add3A_56, %dma_wait3A_89] : memref<2x10112x128xf32, #tpu.memory_space<hbm>> -> memref<1x80x128xf32, #tpu.memory_space<hbm>>
      %dma_wait3A_91 = tpu.memref_squeeze %dma_wait3A_90 : memref<1x80x128xf32, #tpu.memory_space<hbm>> -> memref<80x128xf32, #tpu.memory_space<hbm>>
      %dma_wait3A_92 = arith.constant 0 : i32
      %dma_wait3A_93 = arith.constant 0 : i32
      %dma_wait3A_94 = tpu.memref_slice %arg8[%dma_wait3A_92, %dma_wait3A_93] : memref<80x128xf32, #tpu.memory_space<vmem>> -> memref<80x128xf32, #tpu.memory_space<vmem>>
      tpu.wait_dma2 semaphore(%run_scoped3A : memref<!tpu.dma_semaphore, #tpu.memory_space<semaphore_mem>>) src(%dma_wait3A_94 : memref<80x128xf32, #tpu.memory_space<vmem>>) dst(%dma_wait3A_91 : memref<80x128xf32, #tpu.memory_space<hbm>>)
      tpu.yield
    }) : () -> ()
    %add3A_57 = arith.constant 320 : i32
    %add3A_58 = arith.addi %mul3A_0, %add3A_57 : i32
    "tpu.region"() ({
      %run_scoped3A = tpu.sem_alloc : memref<!tpu.dma_semaphore, #tpu.memory_space<semaphore_mem>>
      %dma_start3A = arith.constant 0 : i32
      %dma_start3A_73 = arith.constant 0 : i32
      %dma_start3A_74 = tpu.memref_slice %arg8[%dma_start3A, %dma_start3A_73] : memref<80x128xf32, #tpu.memory_space<vmem>> -> memref<80x128xf32, #tpu.memory_space<vmem>>
      %dma_start3A_75 = arith.constant 0 : i32
      %dma_start3A_76 = tpu.memref_slice %arg10[%add3A_58, %dma_start3A_75] : memref<10112x128xf32, #tpu.memory_space<vmem_shared>> -> memref<80x128xf32, #tpu.memory_space<vmem_shared>>
      %dma_start3A_77 = arith.constant 0 : i32
      %dma_start3A_78 = arith.constant 0 : i32
      %dma_start3A_79 = tpu.memref_slice %arg8[%dma_start3A_77, %dma_start3A_78] : memref<80x128xf32, #tpu.memory_space<vmem>> -> memref<80x128xf32, #tpu.memory_space<vmem>>
      %dma_start3A_80 = arith.constant 0 : i32
      %dma_start3A_81 = tpu.memref_slice %arg10[%add3A_58, %dma_start3A_80] : memref<10112x128xf32, #tpu.memory_space<vmem_shared>> -> memref<80x128xf32, #tpu.memory_space<vmem_shared>>
      tpu.enqueue_dma source(%dma_start3A_81 : memref<80x128xf32, #tpu.memory_space<vmem_shared>>) target(%dma_start3A_79 : memref<80x128xf32, #tpu.memory_space<vmem>>) target_semaphore(%run_scoped3A : memref<!tpu.dma_semaphore, #tpu.memory_space<semaphore_mem>>)
      %dma_wait3A = arith.constant 0 : i32
      %dma_wait3A_82 = arith.constant 0 : i32
      %dma_wait3A_83 = tpu.memref_slice %arg8[%dma_wait3A, %dma_wait3A_82] : memref<80x128xf32, #tpu.memory_space<vmem>> -> memref<80x128xf32, #tpu.memory_space<vmem>>
      %dma_wait3A_84 = arith.constant 0 : i32
      %dma_wait3A_85 = tpu.memref_slice %arg10[%add3A_58, %dma_wait3A_84] : memref<10112x128xf32, #tpu.memory_space<vmem_shared>> -> memref<80x128xf32, #tpu.memory_space<vmem_shared>>
      %dma_wait3A_86 = arith.constant 0 : i32
      %dma_wait3A_87 = arith.constant 0 : i32
      %dma_wait3A_88 = tpu.memref_slice %arg8[%dma_wait3A_86, %dma_wait3A_87] : memref<80x128xf32, #tpu.memory_space<vmem>> -> memref<80x128xf32, #tpu.memory_space<vmem>>
      %dma_wait3A_89 = arith.constant 0 : i32
      %dma_wait3A_90 = tpu.memref_slice %arg10[%add3A_58, %dma_wait3A_89] : memref<10112x128xf32, #tpu.memory_space<vmem_shared>> -> memref<80x128xf32, #tpu.memory_space<vmem_shared>>
      tpu.wait_dma2 semaphore(%run_scoped3A : memref<!tpu.dma_semaphore, #tpu.memory_space<semaphore_mem>>) src(%dma_wait3A_90 : memref<80x128xf32, #tpu.memory_space<vmem_shared>>) dst(%dma_wait3A_88 : memref<80x128xf32, #tpu.memory_space<vmem>>)
      tpu.yield
    }) : () -> ()
    %add3A_59 = arith.constant 320 : i32
    %add3A_60 = arith.addi %mul3A_0, %add3A_59 : i32
    "tpu.region"() ({
      %run_scoped3A = tpu.sem_alloc : memref<!tpu.dma_semaphore, #tpu.memory_space<semaphore_mem>>
      %dma_start3A = arith.constant 0 : i32
      %dma_start3A_73 = arith.constant 0 : i32
      %dma_start3A_74 = tpu.memref_slice %arg8[%dma_start3A, %dma_start3A_73] : memref<80x128xf32, #tpu.memory_space<vmem>> -> memref<80x128xf32, #tpu.memory_space<vmem>>
      %dma_start3A_75 = arith.constant 0 : i32
      %dma_start3A_76 = tpu.memref_slice %arg5[%arg0, %add3A_60, %dma_start3A_75] : memref<2x10112x128xf32, #tpu.memory_space<hbm>> -> memref<1x80x128xf32, #tpu.memory_space<hbm>>
      %dma_start3A_77 = tpu.memref_squeeze %dma_start3A_76 : memref<1x80x128xf32, #tpu.memory_space<hbm>> -> memref<80x128xf32, #tpu.memory_space<hbm>>
      %dma_start3A_78 = arith.constant 0 : i32
      %dma_start3A_79 = tpu.memref_slice %arg5[%arg0, %add3A_60, %dma_start3A_78] : memref<2x10112x128xf32, #tpu.memory_space<hbm>> -> memref<1x80x128xf32, #tpu.memory_space<hbm>>
      %dma_start3A_80 = tpu.memref_squeeze %dma_start3A_79 : memref<1x80x128xf32, #tpu.memory_space<hbm>> -> memref<80x128xf32, #tpu.memory_space<hbm>>
      %dma_start3A_81 = arith.constant 0 : i32
      %dma_start3A_82 = arith.constant 0 : i32
      %dma_start3A_83 = tpu.memref_slice %arg8[%dma_start3A_81, %dma_start3A_82] : memref<80x128xf32, #tpu.memory_space<vmem>> -> memref<80x128xf32, #tpu.memory_space<vmem>>
      tpu.enqueue_dma source(%dma_start3A_83 : memref<80x128xf32, #tpu.memory_space<vmem>>) target(%dma_start3A_80 : memref<80x128xf32, #tpu.memory_space<hbm>>) target_semaphore(%run_scoped3A : memref<!tpu.dma_semaphore, #tpu.memory_space<semaphore_mem>>)
      %dma_wait3A = arith.constant 0 : i32
      %dma_wait3A_84 = arith.constant 0 : i32
      %dma_wait3A_85 = tpu.memref_slice %arg8[%dma_wait3A, %dma_wait3A_84] : memref<80x128xf32, #tpu.memory_space<vmem>> -> memref<80x128xf32, #tpu.memory_space<vmem>>
      %dma_wait3A_86 = arith.constant 0 : i32
      %dma_wait3A_87 = tpu.memref_slice %arg5[%arg0, %add3A_60, %dma_wait3A_86] : memref<2x10112x128xf32, #tpu.memory_space<hbm>> -> memref<1x80x128xf32, #tpu.memory_space<hbm>>
      %dma_wait3A_88 = tpu.memref_squeeze %dma_wait3A_87 : memref<1x80x128xf32, #tpu.memory_space<hbm>> -> memref<80x128xf32, #tpu.memory_space<hbm>>
      %dma_wait3A_89 = arith.constant 0 : i32
      %dma_wait3A_90 = tpu.memref_slice %arg5[%arg0, %add3A_60, %dma_wait3A_89] : memref<2x10112x128xf32, #tpu.memory_space<hbm>> -> memref<1x80x128xf32, #tpu.memory_space<hbm>>
      %dma_wait3A_91 = tpu.memref_squeeze %dma_wait3A_90 : memref<1x80x128xf32, #tpu.memory_space<hbm>> -> memref<80x128xf32, #tpu.memory_space<hbm>>
      %dma_wait3A_92 = arith.constant 0 : i32
      %dma_wait3A_93 = arith.constant 0 : i32
      %dma_wait3A_94 = tpu.memref_slice %arg8[%dma_wait3A_92, %dma_wait3A_93] : memref<80x128xf32, #tpu.memory_space<vmem>> -> memref<80x128xf32, #tpu.memory_space<vmem>>
      tpu.wait_dma2 semaphore(%run_scoped3A : memref<!tpu.dma_semaphore, #tpu.memory_space<semaphore_mem>>) src(%dma_wait3A_94 : memref<80x128xf32, #tpu.memory_space<vmem>>) dst(%dma_wait3A_91 : memref<80x128xf32, #tpu.memory_space<hbm>>)
      tpu.yield
    }) : () -> ()
    %add3A_61 = arith.constant 400 : i32
    %add3A_62 = arith.addi %mul3A_0, %add3A_61 : i32
    "tpu.region"() ({
      %run_scoped3A = tpu.sem_alloc : memref<!tpu.dma_semaphore, #tpu.memory_space<semaphore_mem>>
      %dma_start3A = arith.constant 0 : i32
      %dma_start3A_73 = arith.constant 0 : i32
      %dma_start3A_74 = tpu.memref_slice %arg8[%dma_start3A, %dma_start3A_73] : memref<80x128xf32, #tpu.memory_space<vmem>> -> memref<80x128xf32, #tpu.memory_space<vmem>>
      %dma_start3A_75 = arith.constant 0 : i32
      %dma_start3A_76 = tpu.memref_slice %arg10[%add3A_62, %dma_start3A_75] : memref<10112x128xf32, #tpu.memory_space<vmem_shared>> -> memref<80x128xf32, #tpu.memory_space<vmem_shared>>
      %dma_start3A_77 = arith.constant 0 : i32
      %dma_start3A_78 = arith.constant 0 : i32
      %dma_start3A_79 = tpu.memref_slice %arg8[%dma_start3A_77, %dma_start3A_78] : memref<80x128xf32, #tpu.memory_space<vmem>> -> memref<80x128xf32, #tpu.memory_space<vmem>>
      %dma_start3A_80 = arith.constant 0 : i32
      %dma_start3A_81 = tpu.memref_slice %arg10[%add3A_62, %dma_start3A_80] : memref<10112x128xf32, #tpu.memory_space<vmem_shared>> -> memref<80x128xf32, #tpu.memory_space<vmem_shared>>
      tpu.enqueue_dma source(%dma_start3A_81 : memref<80x128xf32, #tpu.memory_space<vmem_shared>>) target(%dma_start3A_79 : memref<80x128xf32, #tpu.memory_space<vmem>>) target_semaphore(%run_scoped3A : memref<!tpu.dma_semaphore, #tpu.memory_space<semaphore_mem>>)
      %dma_wait3A = arith.constant 0 : i32
      %dma_wait3A_82 = arith.constant 0 : i32
      %dma_wait3A_83 = tpu.memref_slice %arg8[%dma_wait3A, %dma_wait3A_82] : memref<80x128xf32, #tpu.memory_space<vmem>> -> memref<80x128xf32, #tpu.memory_space<vmem>>
      %dma_wait3A_84 = arith.constant 0 : i32
      %dma_wait3A_85 = tpu.memref_slice %arg10[%add3A_62, %dma_wait3A_84] : memref<10112x128xf32, #tpu.memory_space<vmem_shared>> -> memref<80x128xf32, #tpu.memory_space<vmem_shared>>
      %dma_wait3A_86 = arith.constant 0 : i32
      %dma_wait3A_87 = arith.constant 0 : i32
      %dma_wait3A_88 = tpu.memref_slice %arg8[%dma_wait3A_86, %dma_wait3A_87] : memref<80x128xf32, #tpu.memory_space<vmem>> -> memref<80x128xf32, #tpu.memory_space<vmem>>
      %dma_wait3A_89 = arith.constant 0 : i32
      %dma_wait3A_90 = tpu.memref_slice %arg10[%add3A_62, %dma_wait3A_89] : memref<10112x128xf32, #tpu.memory_space<vmem_shared>> -> memref<80x128xf32, #tpu.memory_space<vmem_shared>>
      tpu.wait_dma2 semaphore(%run_scoped3A : memref<!tpu.dma_semaphore, #tpu.memory_space<semaphore_mem>>) src(%dma_wait3A_90 : memref<80x128xf32, #tpu.memory_space<vmem_shared>>) dst(%dma_wait3A_88 : memref<80x128xf32, #tpu.memory_space<vmem>>)
      tpu.yield
    }) : () -> ()
    %add3A_63 = arith.constant 400 : i32
    %add3A_64 = arith.addi %mul3A_0, %add3A_63 : i32
    "tpu.region"() ({
      %run_scoped3A = tpu.sem_alloc : memref<!tpu.dma_semaphore, #tpu.memory_space<semaphore_mem>>
      %dma_start3A = arith.constant 0 : i32
      %dma_start3A_73 = arith.constant 0 : i32
      %dma_start3A_74 = tpu.memref_slice %arg8[%dma_start3A, %dma_start3A_73] : memref<80x128xf32, #tpu.memory_space<vmem>> -> memref<80x128xf32, #tpu.memory_space<vmem>>
      %dma_start3A_75 = arith.constant 0 : i32
      %dma_start3A_76 = tpu.memref_slice %arg5[%arg0, %add3A_64, %dma_start3A_75] : memref<2x10112x128xf32, #tpu.memory_space<hbm>> -> memref<1x80x128xf32, #tpu.memory_space<hbm>>
      %dma_start3A_77 = tpu.memref_squeeze %dma_start3A_76 : memref<1x80x128xf32, #tpu.memory_space<hbm>> -> memref<80x128xf32, #tpu.memory_space<hbm>>
      %dma_start3A_78 = arith.constant 0 : i32
      %dma_start3A_79 = tpu.memref_slice %arg5[%arg0, %add3A_64, %dma_start3A_78] : memref<2x10112x128xf32, #tpu.memory_space<hbm>> -> memref<1x80x128xf32, #tpu.memory_space<hbm>>
      %dma_start3A_80 = tpu.memref_squeeze %dma_start3A_79 : memref<1x80x128xf32, #tpu.memory_space<hbm>> -> memref<80x128xf32, #tpu.memory_space<hbm>>
      %dma_start3A_81 = arith.constant 0 : i32
      %dma_start3A_82 = arith.constant 0 : i32
      %dma_start3A_83 = tpu.memref_slice %arg8[%dma_start3A_81, %dma_start3A_82] : memref<80x128xf32, #tpu.memory_space<vmem>> -> memref<80x128xf32, #tpu.memory_space<vmem>>
      tpu.enqueue_dma source(%dma_start3A_83 : memref<80x128xf32, #tpu.memory_space<vmem>>) target(%dma_start3A_80 : memref<80x128xf32, #tpu.memory_space<hbm>>) target_semaphore(%run_scoped3A : memref<!tpu.dma_semaphore, #tpu.memory_space<semaphore_mem>>)
      %dma_wait3A = arith.constant 0 : i32
      %dma_wait3A_84 = arith.constant 0 : i32
      %dma_wait3A_85 = tpu.memref_slice %arg8[%dma_wait3A, %dma_wait3A_84] : memref<80x128xf32, #tpu.memory_space<vmem>> -> memref<80x128xf32, #tpu.memory_space<vmem>>
      %dma_wait3A_86 = arith.constant 0 : i32
      %dma_wait3A_87 = tpu.memref_slice %arg5[%arg0, %add3A_64, %dma_wait3A_86] : memref<2x10112x128xf32, #tpu.memory_space<hbm>> -> memref<1x80x128xf32, #tpu.memory_space<hbm>>
      %dma_wait3A_88 = tpu.memref_squeeze %dma_wait3A_87 : memref<1x80x128xf32, #tpu.memory_space<hbm>> -> memref<80x128xf32, #tpu.memory_space<hbm>>
      %dma_wait3A_89 = arith.constant 0 : i32
      %dma_wait3A_90 = tpu.memref_slice %arg5[%arg0, %add3A_64, %dma_wait3A_89] : memref<2x10112x128xf32, #tpu.memory_space<hbm>> -> memref<1x80x128xf32, #tpu.memory_space<hbm>>
      %dma_wait3A_91 = tpu.memref_squeeze %dma_wait3A_90 : memref<1x80x128xf32, #tpu.memory_space<hbm>> -> memref<80x128xf32, #tpu.memory_space<hbm>>
      %dma_wait3A_92 = arith.constant 0 : i32
      %dma_wait3A_93 = arith.constant 0 : i32
      %dma_wait3A_94 = tpu.memref_slice %arg8[%dma_wait3A_92, %dma_wait3A_93] : memref<80x128xf32, #tpu.memory_space<vmem>> -> memref<80x128xf32, #tpu.memory_space<vmem>>
      tpu.wait_dma2 semaphore(%run_scoped3A : memref<!tpu.dma_semaphore, #tpu.memory_space<semaphore_mem>>) src(%dma_wait3A_94 : memref<80x128xf32, #tpu.memory_space<vmem>>) dst(%dma_wait3A_91 : memref<80x128xf32, #tpu.memory_space<hbm>>)
      tpu.yield
    }) : () -> ()
    %add3A_65 = arith.constant 480 : i32
    %add3A_66 = arith.addi %mul3A_0, %add3A_65 : i32
    "tpu.region"() ({
      %run_scoped3A = tpu.sem_alloc : memref<!tpu.dma_semaphore, #tpu.memory_space<semaphore_mem>>
      %dma_start3A = arith.constant 0 : i32
      %dma_start3A_73 = arith.constant 0 : i32
      %dma_start3A_74 = tpu.memref_slice %arg8[%dma_start3A, %dma_start3A_73] : memref<80x128xf32, #tpu.memory_space<vmem>> -> memref<80x128xf32, #tpu.memory_space<vmem>>
      %dma_start3A_75 = arith.constant 0 : i32
      %dma_start3A_76 = tpu.memref_slice %arg10[%add3A_66, %dma_start3A_75] : memref<10112x128xf32, #tpu.memory_space<vmem_shared>> -> memref<80x128xf32, #tpu.memory_space<vmem_shared>>
      %dma_start3A_77 = arith.constant 0 : i32
      %dma_start3A_78 = arith.constant 0 : i32
      %dma_start3A_79 = tpu.memref_slice %arg8[%dma_start3A_77, %dma_start3A_78] : memref<80x128xf32, #tpu.memory_space<vmem>> -> memref<80x128xf32, #tpu.memory_space<vmem>>
      %dma_start3A_80 = arith.constant 0 : i32
      %dma_start3A_81 = tpu.memref_slice %arg10[%add3A_66, %dma_start3A_80] : memref<10112x128xf32, #tpu.memory_space<vmem_shared>> -> memref<80x128xf32, #tpu.memory_space<vmem_shared>>
      tpu.enqueue_dma source(%dma_start3A_81 : memref<80x128xf32, #tpu.memory_space<vmem_shared>>) target(%dma_start3A_79 : memref<80x128xf32, #tpu.memory_space<vmem>>) target_semaphore(%run_scoped3A : memref<!tpu.dma_semaphore, #tpu.memory_space<semaphore_mem>>)
      %dma_wait3A = arith.constant 0 : i32
      %dma_wait3A_82 = arith.constant 0 : i32
      %dma_wait3A_83 = tpu.memref_slice %arg8[%dma_wait3A, %dma_wait3A_82] : memref<80x128xf32, #tpu.memory_space<vmem>> -> memref<80x128xf32, #tpu.memory_space<vmem>>
      %dma_wait3A_84 = arith.constant 0 : i32
      %dma_wait3A_85 = tpu.memref_slice %arg10[%add3A_66, %dma_wait3A_84] : memref<10112x128xf32, #tpu.memory_space<vmem_shared>> -> memref<80x128xf32, #tpu.memory_space<vmem_shared>>
      %dma_wait3A_86 = arith.constant 0 : i32
      %dma_wait3A_87 = arith.constant 0 : i32
      %dma_wait3A_88 = tpu.memref_slice %arg8[%dma_wait3A_86, %dma_wait3A_87] : memref<80x128xf32, #tpu.memory_space<vmem>> -> memref<80x128xf32, #tpu.memory_space<vmem>>
      %dma_wait3A_89 = arith.constant 0 : i32
      %dma_wait3A_90 = tpu.memref_slice %arg10[%add3A_66, %dma_wait3A_89] : memref<10112x128xf32, #tpu.memory_space<vmem_shared>> -> memref<80x128xf32, #tpu.memory_space<vmem_shared>>
      tpu.wait_dma2 semaphore(%run_scoped3A : memref<!tpu.dma_semaphore, #tpu.memory_space<semaphore_mem>>) src(%dma_wait3A_90 : memref<80x128xf32, #tpu.memory_space<vmem_shared>>) dst(%dma_wait3A_88 : memref<80x128xf32, #tpu.memory_space<vmem>>)
      tpu.yield
    }) : () -> ()
    %add3A_67 = arith.constant 480 : i32
    %add3A_68 = arith.addi %mul3A_0, %add3A_67 : i32
    "tpu.region"() ({
      %run_scoped3A = tpu.sem_alloc : memref<!tpu.dma_semaphore, #tpu.memory_space<semaphore_mem>>
      %dma_start3A = arith.constant 0 : i32
      %dma_start3A_73 = arith.constant 0 : i32
      %dma_start3A_74 = tpu.memref_slice %arg8[%dma_start3A, %dma_start3A_73] : memref<80x128xf32, #tpu.memory_space<vmem>> -> memref<80x128xf32, #tpu.memory_space<vmem>>
      %dma_start3A_75 = arith.constant 0 : i32
      %dma_start3A_76 = tpu.memref_slice %arg5[%arg0, %add3A_68, %dma_start3A_75] : memref<2x10112x128xf32, #tpu.memory_space<hbm>> -> memref<1x80x128xf32, #tpu.memory_space<hbm>>
      %dma_start3A_77 = tpu.memref_squeeze %dma_start3A_76 : memref<1x80x128xf32, #tpu.memory_space<hbm>> -> memref<80x128xf32, #tpu.memory_space<hbm>>
      %dma_start3A_78 = arith.constant 0 : i32
      %dma_start3A_79 = tpu.memref_slice %arg5[%arg0, %add3A_68, %dma_start3A_78] : memref<2x10112x128xf32, #tpu.memory_space<hbm>> -> memref<1x80x128xf32, #tpu.memory_space<hbm>>
      %dma_start3A_80 = tpu.memref_squeeze %dma_start3A_79 : memref<1x80x128xf32, #tpu.memory_space<hbm>> -> memref<80x128xf32, #tpu.memory_space<hbm>>
      %dma_start3A_81 = arith.constant 0 : i32
      %dma_start3A_82 = arith.constant 0 : i32
      %dma_start3A_83 = tpu.memref_slice %arg8[%dma_start3A_81, %dma_start3A_82] : memref<80x128xf32, #tpu.memory_space<vmem>> -> memref<80x128xf32, #tpu.memory_space<vmem>>
      tpu.enqueue_dma source(%dma_start3A_83 : memref<80x128xf32, #tpu.memory_space<vmem>>) target(%dma_start3A_80 : memref<80x128xf32, #tpu.memory_space<hbm>>) target_semaphore(%run_scoped3A : memref<!tpu.dma_semaphore, #tpu.memory_space<semaphore_mem>>)
      %dma_wait3A = arith.constant 0 : i32
      %dma_wait3A_84 = arith.constant 0 : i32
      %dma_wait3A_85 = tpu.memref_slice %arg8[%dma_wait3A, %dma_wait3A_84] : memref<80x128xf32, #tpu.memory_space<vmem>> -> memref<80x128xf32, #tpu.memory_space<vmem>>
      %dma_wait3A_86 = arith.constant 0 : i32
      %dma_wait3A_87 = tpu.memref_slice %arg5[%arg0, %add3A_68, %dma_wait3A_86] : memref<2x10112x128xf32, #tpu.memory_space<hbm>> -> memref<1x80x128xf32, #tpu.memory_space<hbm>>
      %dma_wait3A_88 = tpu.memref_squeeze %dma_wait3A_87 : memref<1x80x128xf32, #tpu.memory_space<hbm>> -> memref<80x128xf32, #tpu.memory_space<hbm>>
      %dma_wait3A_89 = arith.constant 0 : i32
      %dma_wait3A_90 = tpu.memref_slice %arg5[%arg0, %add3A_68, %dma_wait3A_89] : memref<2x10112x128xf32, #tpu.memory_space<hbm>> -> memref<1x80x128xf32, #tpu.memory_space<hbm>>
      %dma_wait3A_91 = tpu.memref_squeeze %dma_wait3A_90 : memref<1x80x128xf32, #tpu.memory_space<hbm>> -> memref<80x128xf32, #tpu.memory_space<hbm>>
      %dma_wait3A_92 = arith.constant 0 : i32
      %dma_wait3A_93 = arith.constant 0 : i32
      %dma_wait3A_94 = tpu.memref_slice %arg8[%dma_wait3A_92, %dma_wait3A_93] : memref<80x128xf32, #tpu.memory_space<vmem>> -> memref<80x128xf32, #tpu.memory_space<vmem>>
      tpu.wait_dma2 semaphore(%run_scoped3A : memref<!tpu.dma_semaphore, #tpu.memory_space<semaphore_mem>>) src(%dma_wait3A_94 : memref<80x128xf32, #tpu.memory_space<vmem>>) dst(%dma_wait3A_91 : memref<80x128xf32, #tpu.memory_space<hbm>>)
      tpu.yield
    }) : () -> ()
    %add3A_69 = arith.constant 560 : i32
    %add3A_70 = arith.addi %mul3A_0, %add3A_69 : i32
    "tpu.region"() ({
      %run_scoped3A = tpu.sem_alloc : memref<!tpu.dma_semaphore, #tpu.memory_space<semaphore_mem>>
      %dma_start3A = arith.constant 0 : i32
      %dma_start3A_73 = arith.constant 0 : i32
      %dma_start3A_74 = tpu.memref_slice %arg8[%dma_start3A, %dma_start3A_73] : memref<80x128xf32, #tpu.memory_space<vmem>> -> memref<72x128xf32, #tpu.memory_space<vmem>>
      %dma_start3A_75 = arith.constant 0 : i32
      %dma_start3A_76 = tpu.memref_slice %arg10[%add3A_70, %dma_start3A_75] : memref<10112x128xf32, #tpu.memory_space<vmem_shared>> -> memref<72x128xf32, #tpu.memory_space<vmem_shared>>
      %dma_start3A_77 = arith.constant 0 : i32
      %dma_start3A_78 = arith.constant 0 : i32
      %dma_start3A_79 = tpu.memref_slice %arg8[%dma_start3A_77, %dma_start3A_78] : memref<80x128xf32, #tpu.memory_space<vmem>> -> memref<72x128xf32, #tpu.memory_space<vmem>>
      %dma_start3A_80 = arith.constant 0 : i32
      %dma_start3A_81 = tpu.memref_slice %arg10[%add3A_70, %dma_start3A_80] : memref<10112x128xf32, #tpu.memory_space<vmem_shared>> -> memref<72x128xf32, #tpu.memory_space<vmem_shared>>
      tpu.enqueue_dma source(%dma_start3A_81 : memref<72x128xf32, #tpu.memory_space<vmem_shared>>) target(%dma_start3A_79 : memref<72x128xf32, #tpu.memory_space<vmem>>) target_semaphore(%run_scoped3A : memref<!tpu.dma_semaphore, #tpu.memory_space<semaphore_mem>>)
      %dma_wait3A = arith.constant 0 : i32
      %dma_wait3A_82 = arith.constant 0 : i32
      %dma_wait3A_83 = tpu.memref_slice %arg8[%dma_wait3A, %dma_wait3A_82] : memref<80x128xf32, #tpu.memory_space<vmem>> -> memref<72x128xf32, #tpu.memory_space<vmem>>
      %dma_wait3A_84 = arith.constant 0 : i32
      %dma_wait3A_85 = tpu.memref_slice %arg10[%add3A_70, %dma_wait3A_84] : memref<10112x128xf32, #tpu.memory_space<vmem_shared>> -> memref<72x128xf32, #tpu.memory_space<vmem_shared>>
      %dma_wait3A_86 = arith.constant 0 : i32
      %dma_wait3A_87 = arith.constant 0 : i32
      %dma_wait3A_88 = tpu.memref_slice %arg8[%dma_wait3A_86, %dma_wait3A_87] : memref<80x128xf32, #tpu.memory_space<vmem>> -> memref<72x128xf32, #tpu.memory_space<vmem>>
      %dma_wait3A_89 = arith.constant 0 : i32
      %dma_wait3A_90 = tpu.memref_slice %arg10[%add3A_70, %dma_wait3A_89] : memref<10112x128xf32, #tpu.memory_space<vmem_shared>> -> memref<72x128xf32, #tpu.memory_space<vmem_shared>>
      tpu.wait_dma2 semaphore(%run_scoped3A : memref<!tpu.dma_semaphore, #tpu.memory_space<semaphore_mem>>) src(%dma_wait3A_90 : memref<72x128xf32, #tpu.memory_space<vmem_shared>>) dst(%dma_wait3A_88 : memref<72x128xf32, #tpu.memory_space<vmem>>)
      tpu.yield
    }) : () -> ()
    %add3A_71 = arith.constant 560 : i32
    %add3A_72 = arith.addi %mul3A_0, %add3A_71 : i32
    "tpu.region"() ({
      %run_scoped3A = tpu.sem_alloc : memref<!tpu.dma_semaphore, #tpu.memory_space<semaphore_mem>>
      %dma_start3A = arith.constant 0 : i32
      %dma_start3A_73 = arith.constant 0 : i32
      %dma_start3A_74 = tpu.memref_slice %arg8[%dma_start3A, %dma_start3A_73] : memref<80x128xf32, #tpu.memory_space<vmem>> -> memref<72x128xf32, #tpu.memory_space<vmem>>
      %dma_start3A_75 = arith.constant 0 : i32
      %dma_start3A_76 = tpu.memref_slice %arg5[%arg0, %add3A_72, %dma_start3A_75] : memref<2x10112x128xf32, #tpu.memory_space<hbm>> -> memref<1x72x128xf32, #tpu.memory_space<hbm>>
      %dma_start3A_77 = tpu.memref_squeeze %dma_start3A_76 : memref<1x72x128xf32, #tpu.memory_space<hbm>> -> memref<72x128xf32, #tpu.memory_space<hbm>>
      %dma_start3A_78 = arith.constant 0 : i32
      %dma_start3A_79 = tpu.memref_slice %arg5[%arg0, %add3A_72, %dma_start3A_78] : memref<2x10112x128xf32, #tpu.memory_space<hbm>> -> memref<1x72x128xf32, #tpu.memory_space<hbm>>
      %dma_start3A_80 = tpu.memref_squeeze %dma_start3A_79 : memref<1x72x128xf32, #tpu.memory_space<hbm>> -> memref<72x128xf32, #tpu.memory_space<hbm>>
      %dma_start3A_81 = arith.constant 0 : i32
      %dma_start3A_82 = arith.constant 0 : i32
      %dma_start3A_83 = tpu.memref_slice %arg8[%dma_start3A_81, %dma_start3A_82] : memref<80x128xf32, #tpu.memory_space<vmem>> -> memref<72x128xf32, #tpu.memory_space<vmem>>
      tpu.enqueue_dma source(%dma_start3A_83 : memref<72x128xf32, #tpu.memory_space<vmem>>) target(%dma_start3A_80 : memref<72x128xf32, #tpu.memory_space<hbm>>) target_semaphore(%run_scoped3A : memref<!tpu.dma_semaphore, #tpu.memory_space<semaphore_mem>>)
      %dma_wait3A = arith.constant 0 : i32
      %dma_wait3A_84 = arith.constant 0 : i32
      %dma_wait3A_85 = tpu.memref_slice %arg8[%dma_wait3A, %dma_wait3A_84] : memref<80x128xf32, #tpu.memory_space<vmem>> -> memref<72x128xf32, #tpu.memory_space<vmem>>
      %dma_wait3A_86 = arith.constant 0 : i32
      %dma_wait3A_87 = tpu.memref_slice %arg5[%arg0, %add3A_72, %dma_wait3A_86] : memref<2x10112x128xf32, #tpu.memory_space<hbm>> -> memref<1x72x128xf32, #tpu.memory_space<hbm>>
      %dma_wait3A_88 = tpu.memref_squeeze %dma_wait3A_87 : memref<1x72x128xf32, #tpu.memory_space<hbm>> -> memref<72x128xf32, #tpu.memory_space<hbm>>
      %dma_wait3A_89 = arith.constant 0 : i32
      %dma_wait3A_90 = tpu.memref_slice %arg5[%arg0, %add3A_72, %dma_wait3A_89] : memref<2x10112x128xf32, #tpu.memory_space<hbm>> -> memref<1x72x128xf32, #tpu.memory_space<hbm>>
      %dma_wait3A_91 = tpu.memref_squeeze %dma_wait3A_90 : memref<1x72x128xf32, #tpu.memory_space<hbm>> -> memref<72x128xf32, #tpu.memory_space<hbm>>
      %dma_wait3A_92 = arith.constant 0 : i32
      %dma_wait3A_93 = arith.constant 0 : i32
      %dma_wait3A_94 = tpu.memref_slice %arg8[%dma_wait3A_92, %dma_wait3A_93] : memref<80x128xf32, #tpu.memory_space<vmem>> -> memref<72x128xf32, #tpu.memory_space<vmem>>
      tpu.wait_dma2 semaphore(%run_scoped3A : memref<!tpu.dma_semaphore, #tpu.memory_space<semaphore_mem>>) src(%dma_wait3A_94 : memref<72x128xf32, #tpu.memory_space<vmem>>) dst(%dma_wait3A_91 : memref<72x128xf32, #tpu.memory_space<hbm>>)
      tpu.yield
    }) : () -> ()
    return
  }
}

#map = affine_map<(d0, d1) -> (0, 0)>
#map1 = affine_map<(d0, d1) -> (0)>
module attributes {stable_mosaic.version = 14 : i64} {
  func.func @_sc_prep_body(%arg0: i32, %arg1: i32, %arg2: memref<4096x80xi32, #tpu.memory_space<hbm>>, %arg3: memref<4096x80xi32, #tpu.memory_space<hbm>>, %arg4: memref<320000xf32, #tpu.memory_space<hbm>>, %arg5: memref<4096x80xi32, #tpu.memory_space<hbm>>, %arg6: memref<32x80xi32, #tpu.memory_space<vmem>>, %arg7: memref<32x80xi32, #tpu.memory_space<vmem>>, %arg8: memref<32x80xi32, #tpu.memory_space<vmem>>, %arg9: memref<10000xf32, #tpu.memory_space<vmem>>) attributes {dimension_semantics = [#tpu.dimension_semantics<core_parallel>, #tpu.dimension_semantics<subcore_parallel>], iteration_bounds = array<i64: 2, 16>, scalar_prefetch = 0 : i64, scratch_operands = 4 : i64, tpu.core_type = #tpu.core_type<sc_vector_subcore>, window_params = [{transform_indices = #map}, {transform_indices = #map}, {transform_indices = #map1}, {transform_indices = #map}]} {
    %mul3A = arith.constant 16 : i32
    %mul3A_0 = arith.muli %arg0, %mul3A : i32
    %add3A = arith.addi %mul3A_0, %arg1 : i32
    %mul3A_1 = arith.constant 128 : i32
    %mul3A_2 = arith.muli %add3A, %mul3A_1 : i32
    %scan3A = arith.constant 0 : i32
    %scan3A_3 = arith.constant 0 : i32
    %scan3A_4 = arith.constant 625 : i32
    %scan3A_5 = arith.addi %scan3A_3, %scan3A_4 : i32
    %scan3A_6 = arith.constant 1 : i32
    %scan3A_7 = scf.for %scan3A_50 = %scan3A_3 to %scan3A_5 step %scan3A_6 iter_args(%scan3A_51 = %scan3A) -> (i32)  : i32 {
      %broadcast_in_dim3A_52 = arith.constant 0.000000e+00 : f32
      %broadcast_in_dim3A_53 = vector.broadcast %broadcast_in_dim3A_52 : f32 to vector<16xf32>
      %mul3A_54 = arith.constant 16 : i32
      %mul3A_55 = arith.muli %scan3A_50, %mul3A_54 : i32
      %swap3A = arith.index_cast %mul3A_55 : i32 to index
      %swap3A_56 = tpu.vector_load %arg9[%swap3A] {strides = array<i32>} : memref<10000xf32, #tpu.memory_space<vmem>>, vector<16xf32>,
      tpu.vector_store %arg9[%swap3A], %broadcast_in_dim3A_53 {strides = array<i32>} : memref<10000xf32, #tpu.memory_space<vmem>>, vector<16xf32>,
      %scan3A_57 = arith.constant 0 : i32
      scf.yield %scan3A_57 : i32
    }
    %scan3A_8 = arith.constant 625 : i32
    %broadcast_in_dim3A = arith.constant 1.000000e+00 : f32
    %broadcast_in_dim3A_9 = vector.broadcast %broadcast_in_dim3A : f32 to vector<16xf32>
    %broadcast_in_dim3A_10 = arith.constant 10000 : i32
    %broadcast_in_dim3A_11 = vector.broadcast %broadcast_in_dim3A_10 : i32 to vector<16xi32>
    %add3A_12 = arith.constant 0 : i32
    %add3A_13 = arith.addi %mul3A_2, %add3A_12 : i32
    "tpu.region"() ({
      %run_scoped3A = tpu.sem_alloc : memref<!tpu.dma_semaphore, #tpu.memory_space<semaphore_mem>>
      %dma_start3A = arith.constant 0 : i32
      %dma_start3A_50 = tpu.memref_slice %arg2[%add3A_13, %dma_start3A] : memref<4096x80xi32, #tpu.memory_space<hbm>> -> memref<32x80xi32, #tpu.memory_space<hbm>>
      %dma_start3A_51 = arith.constant 0 : i32
      %dma_start3A_52 = tpu.memref_slice %arg2[%add3A_13, %dma_start3A_51] : memref<4096x80xi32, #tpu.memory_space<hbm>> -> memref<32x80xi32, #tpu.memory_space<hbm>>
      tpu.enqueue_dma source(%dma_start3A_52 : memref<32x80xi32, #tpu.memory_space<hbm>>) target(%arg6 : memref<32x80xi32, #tpu.memory_space<vmem>>) target_semaphore(%run_scoped3A : memref<!tpu.dma_semaphore, #tpu.memory_space<semaphore_mem>>)
      %dma_wait3A = arith.constant 0 : i32
      %dma_wait3A_53 = tpu.memref_slice %arg2[%add3A_13, %dma_wait3A] : memref<4096x80xi32, #tpu.memory_space<hbm>> -> memref<32x80xi32, #tpu.memory_space<hbm>>
      %dma_wait3A_54 = arith.constant 0 : i32
      %dma_wait3A_55 = tpu.memref_slice %arg2[%add3A_13, %dma_wait3A_54] : memref<4096x80xi32, #tpu.memory_space<hbm>> -> memref<32x80xi32, #tpu.memory_space<hbm>>
      tpu.wait_dma2 semaphore(%run_scoped3A : memref<!tpu.dma_semaphore, #tpu.memory_space<semaphore_mem>>) src(%dma_wait3A_55 : memref<32x80xi32, #tpu.memory_space<hbm>>) dst(%arg6 : memref<32x80xi32, #tpu.memory_space<vmem>>)
      tpu.yield
    }) : () -> ()
    "tpu.region"() ({
      %run_scoped3A = tpu.sem_alloc : memref<!tpu.dma_semaphore, #tpu.memory_space<semaphore_mem>>
      %dma_start3A = arith.constant 0 : i32
      %dma_start3A_50 = tpu.memref_slice %arg3[%add3A_13, %dma_start3A] : memref<4096x80xi32, #tpu.memory_space<hbm>> -> memref<32x80xi32, #tpu.memory_space<hbm>>
      %dma_start3A_51 = arith.constant 0 : i32
      %dma_start3A_52 = tpu.memref_slice %arg3[%add3A_13, %dma_start3A_51] : memref<4096x80xi32, #tpu.memory_space<hbm>> -> memref<32x80xi32, #tpu.memory_space<hbm>>
      tpu.enqueue_dma source(%dma_start3A_52 : memref<32x80xi32, #tpu.memory_space<hbm>>) target(%arg7 : memref<32x80xi32, #tpu.memory_space<vmem>>) target_semaphore(%run_scoped3A : memref<!tpu.dma_semaphore, #tpu.memory_space<semaphore_mem>>)
      %dma_wait3A = arith.constant 0 : i32
      %dma_wait3A_53 = tpu.memref_slice %arg3[%add3A_13, %dma_wait3A] : memref<4096x80xi32, #tpu.memory_space<hbm>> -> memref<32x80xi32, #tpu.memory_space<hbm>>
      %dma_wait3A_54 = arith.constant 0 : i32
      %dma_wait3A_55 = tpu.memref_slice %arg3[%add3A_13, %dma_wait3A_54] : memref<4096x80xi32, #tpu.memory_space<hbm>> -> memref<32x80xi32, #tpu.memory_space<hbm>>
      tpu.wait_dma2 semaphore(%run_scoped3A : memref<!tpu.dma_semaphore, #tpu.memory_space<semaphore_mem>>) src(%dma_wait3A_55 : memref<32x80xi32, #tpu.memory_space<hbm>>) dst(%arg7 : memref<32x80xi32, #tpu.memory_space<vmem>>)
      tpu.yield
    }) : () -> ()
    %scan3A_14 = arith.constant 0 : i32
    %scan3A_15 = arith.constant 0 : i32
    %scan3A_16 = arith.constant 160 : i32
    %scan3A_17 = arith.addi %scan3A_15, %scan3A_16 : i32
    %scan3A_18 = arith.constant 1 : i32
    %scan3A_19 = scf.for %scan3A_50 = %scan3A_15 to %scan3A_17 step %scan3A_18 iter_args(%scan3A_51 = %scan3A_14) -> (i32)  : i32 {
      %jit3A = arith.constant 5 : i32
      %div3A = arith.divsi %scan3A_50, %jit3A : i32
      %sign3A = arith.constant 0 : i32
      %sign3A_52 = arith.cmpi sgt, %scan3A_50, %sign3A : i32
      %sign3A_53 = arith.extui %sign3A_52 : i1 to i32
      %sign3A_54 = arith.constant 0 : i32
      %sign3A_55 = arith.cmpi slt, %scan3A_50, %sign3A_54 : i32
      %sign3A_56 = arith.extui %sign3A_55 : i1 to i32
      %sign3A_57 = arith.subi %sign3A_53, %sign3A_56 : i32
      %sign3A_58 = arith.constant 0 : i32
      %sign3A_59 = arith.cmpi sgt, %jit3A, %sign3A_58 : i32
      %sign3A_60 = arith.extui %sign3A_59 : i1 to i32
      %sign3A_61 = arith.constant 0 : i32
      %sign3A_62 = arith.cmpi slt, %jit3A, %sign3A_61 : i32
      %sign3A_63 = arith.extui %sign3A_62 : i1 to i32
      %sign3A_64 = arith.subi %sign3A_60, %sign3A_63 : i32
      %ne3A = arith.cmpi ne, %sign3A_57, %sign3A_64 : i32
      %rem3A = arith.remsi %scan3A_50, %jit3A : i32
      %ne3A_65 = arith.constant 0 : i32
      %ne3A_66 = arith.cmpi ne, %rem3A, %ne3A_65 : i32
      %and3A = arith.andi %ne3A, %ne3A_66 : i1
      %sub3A = arith.constant 1 : i32
      %sub3A_67 = arith.subi %div3A, %sub3A : i32
      %select_n3A = arith.select %and3A, %sub3A_67, %div3A : i32
      %jit3A_68 = arith.constant 5 : i32
      %eq3A = arith.constant 0 : i32
      %eq3A_69 = arith.cmpi eq, %jit3A_68, %eq3A : i32
      %jit3A_70 = arith.constant 1 : i32
      %select_n3A_71 = arith.select %eq3A_69, %jit3A_70, %jit3A_68 : i32
      %rem3A_72 = arith.remsi %scan3A_50, %select_n3A_71 : i32
      %ne3A_73 = arith.constant 0 : i32
      %ne3A_74 = arith.cmpi ne, %rem3A_72, %ne3A_73 : i32
      %lt3A = arith.constant 0 : i32
      %lt3A_75 = arith.cmpi slt, %rem3A_72, %lt3A : i32
      %lt3A_76 = arith.constant 0 : i32
      %lt3A_77 = arith.cmpi slt, %select_n3A_71, %lt3A_76 : i32
      %ne3A_78 = arith.xori %lt3A_75, %lt3A_77 : i1
      %and3A_79 = arith.andi %ne3A_78, %ne3A_74 : i1
      %add3A_80 = arith.addi %rem3A_72, %select_n3A_71 : i32
      %select_n3A_81 = arith.select %and3A_79, %add3A_80, %rem3A_72 : i32
      %mul3A_82 = arith.constant 16 : i32
      %mul3A_83 = arith.muli %select_n3A_81, %mul3A_82 : i32
      %get3A = arith.index_cast %select_n3A : i32 to index
      %get3A_84 = arith.index_cast %mul3A_83 : i32 to index
      %get3A_85 = tpu.vector_load %arg6[%get3A, %get3A_84] {strides = array<i32>} : memref<32x80xi32, #tpu.memory_space<vmem>>, vector<16xi32>,
      %get3A_86 = arith.index_cast %select_n3A : i32 to index
      %get3A_87 = arith.index_cast %mul3A_83 : i32 to index
      %get3A_88 = tpu.vector_load %arg7[%get3A_86, %get3A_87] {strides = array<i32>} : memref<32x80xi32, #tpu.memory_space<vmem>>, vector<16xi32>,
      %ne3A_89 = arith.cmpi ne, %get3A_85, %get3A_88 : vector<16xi32>
      tpu.vector_store_idx %arg9[%get3A_85], %broadcast_in_dim3A_9 masked %ne3A_89 {add = true} : memref<10000xf32, #tpu.memory_space<vmem>>[vector<16xi32>], vector<16xf32>, vector<16xi1>
      %select_n3A_90 = arith.select %ne3A_89, %get3A_88, %broadcast_in_dim3A_11 : vector<16xi1>, vector<16xi32>
      %swap3A = arith.index_cast %select_n3A : i32 to index
      %swap3A_91 = arith.index_cast %mul3A_83 : i32 to index
      %swap3A_92 = tpu.vector_load %arg8[%swap3A, %swap3A_91] {strides = array<i32>} : memref<32x80xi32, #tpu.memory_space<vmem>>, vector<16xi32>,
      tpu.vector_store %arg8[%swap3A, %swap3A_91], %select_n3A_90 {strides = array<i32>} : memref<32x80xi32, #tpu.memory_space<vmem>>, vector<16xi32>,
      %scan3A_93 = arith.constant 0 : i32
      scf.yield %scan3A_93 : i32
    }
    %scan3A_20 = arith.constant 160 : i32
    "tpu.region"() ({
      %run_scoped3A = tpu.sem_alloc : memref<!tpu.dma_semaphore, #tpu.memory_space<semaphore_mem>>
      %dma_start3A = arith.constant 0 : i32
      %dma_start3A_50 = tpu.memref_slice %arg5[%add3A_13, %dma_start3A] : memref<4096x80xi32, #tpu.memory_space<hbm>> -> memref<32x80xi32, #tpu.memory_space<hbm>>
      %dma_start3A_51 = arith.constant 0 : i32
      %dma_start3A_52 = tpu.memref_slice %arg5[%add3A_13, %dma_start3A_51] : memref<4096x80xi32, #tpu.memory_space<hbm>> -> memref<32x80xi32, #tpu.memory_space<hbm>>
      tpu.enqueue_dma source(%arg8 : memref<32x80xi32, #tpu.memory_space<vmem>>) target(%dma_start3A_52 : memref<32x80xi32, #tpu.memory_space<hbm>>) target_semaphore(%run_scoped3A : memref<!tpu.dma_semaphore, #tpu.memory_space<semaphore_mem>>)
      %dma_wait3A = arith.constant 0 : i32
      %dma_wait3A_53 = tpu.memref_slice %arg5[%add3A_13, %dma_wait3A] : memref<4096x80xi32, #tpu.memory_space<hbm>> -> memref<32x80xi32, #tpu.memory_space<hbm>>
      %dma_wait3A_54 = arith.constant 0 : i32
      %dma_wait3A_55 = tpu.memref_slice %arg5[%add3A_13, %dma_wait3A_54] : memref<4096x80xi32, #tpu.memory_space<hbm>> -> memref<32x80xi32, #tpu.memory_space<hbm>>
      tpu.wait_dma2 semaphore(%run_scoped3A : memref<!tpu.dma_semaphore, #tpu.memory_space<semaphore_mem>>) src(%arg8 : memref<32x80xi32, #tpu.memory_space<vmem>>) dst(%dma_wait3A_55 : memref<32x80xi32, #tpu.memory_space<hbm>>)
      tpu.yield
    }) : () -> ()
    %add3A_21 = arith.constant 32 : i32
    %add3A_22 = arith.addi %mul3A_2, %add3A_21 : i32
    "tpu.region"() ({
      %run_scoped3A = tpu.sem_alloc : memref<!tpu.dma_semaphore, #tpu.memory_space<semaphore_mem>>
      %dma_start3A = arith.constant 0 : i32
      %dma_start3A_50 = tpu.memref_slice %arg2[%add3A_22, %dma_start3A] : memref<4096x80xi32, #tpu.memory_space<hbm>> -> memref<32x80xi32, #tpu.memory_space<hbm>>
      %dma_start3A_51 = arith.constant 0 : i32
      %dma_start3A_52 = tpu.memref_slice %arg2[%add3A_22, %dma_start3A_51] : memref<4096x80xi32, #tpu.memory_space<hbm>> -> memref<32x80xi32, #tpu.memory_space<hbm>>
      tpu.enqueue_dma source(%dma_start3A_52 : memref<32x80xi32, #tpu.memory_space<hbm>>) target(%arg6 : memref<32x80xi32, #tpu.memory_space<vmem>>) target_semaphore(%run_scoped3A : memref<!tpu.dma_semaphore, #tpu.memory_space<semaphore_mem>>)
      %dma_wait3A = arith.constant 0 : i32
      %dma_wait3A_53 = tpu.memref_slice %arg2[%add3A_22, %dma_wait3A] : memref<4096x80xi32, #tpu.memory_space<hbm>> -> memref<32x80xi32, #tpu.memory_space<hbm>>
      %dma_wait3A_54 = arith.constant 0 : i32
      %dma_wait3A_55 = tpu.memref_slice %arg2[%add3A_22, %dma_wait3A_54] : memref<4096x80xi32, #tpu.memory_space<hbm>> -> memref<32x80xi32, #tpu.memory_space<hbm>>
      tpu.wait_dma2 semaphore(%run_scoped3A : memref<!tpu.dma_semaphore, #tpu.memory_space<semaphore_mem>>) src(%dma_wait3A_55 : memref<32x80xi32, #tpu.memory_space<hbm>>) dst(%arg6 : memref<32x80xi32, #tpu.memory_space<vmem>>)
      tpu.yield
    }) : () -> ()
    "tpu.region"() ({
      %run_scoped3A = tpu.sem_alloc : memref<!tpu.dma_semaphore, #tpu.memory_space<semaphore_mem>>
      %dma_start3A = arith.constant 0 : i32
      %dma_start3A_50 = tpu.memref_slice %arg3[%add3A_22, %dma_start3A] : memref<4096x80xi32, #tpu.memory_space<hbm>> -> memref<32x80xi32, #tpu.memory_space<hbm>>
      %dma_start3A_51 = arith.constant 0 : i32
      %dma_start3A_52 = tpu.memref_slice %arg3[%add3A_22, %dma_start3A_51] : memref<4096x80xi32, #tpu.memory_space<hbm>> -> memref<32x80xi32, #tpu.memory_space<hbm>>
      tpu.enqueue_dma source(%dma_start3A_52 : memref<32x80xi32, #tpu.memory_space<hbm>>) target(%arg7 : memref<32x80xi32, #tpu.memory_space<vmem>>) target_semaphore(%run_scoped3A : memref<!tpu.dma_semaphore, #tpu.memory_space<semaphore_mem>>)
      %dma_wait3A = arith.constant 0 : i32
      %dma_wait3A_53 = tpu.memref_slice %arg3[%add3A_22, %dma_wait3A] : memref<4096x80xi32, #tpu.memory_space<hbm>> -> memref<32x80xi32, #tpu.memory_space<hbm>>
      %dma_wait3A_54 = arith.constant 0 : i32
      %dma_wait3A_55 = tpu.memref_slice %arg3[%add3A_22, %dma_wait3A_54] : memref<4096x80xi32, #tpu.memory_space<hbm>> -> memref<32x80xi32, #tpu.memory_space<hbm>>
      tpu.wait_dma2 semaphore(%run_scoped3A : memref<!tpu.dma_semaphore, #tpu.memory_space<semaphore_mem>>) src(%dma_wait3A_55 : memref<32x80xi32, #tpu.memory_space<hbm>>) dst(%arg7 : memref<32x80xi32, #tpu.memory_space<vmem>>)
      tpu.yield
    }) : () -> ()
    %scan3A_23 = arith.constant 0 : i32
    %scan3A_24 = arith.constant 0 : i32
    %scan3A_25 = arith.constant 160 : i32
    %scan3A_26 = arith.addi %scan3A_24, %scan3A_25 : i32
    %scan3A_27 = arith.constant 1 : i32
    %scan3A_28 = scf.for %scan3A_50 = %scan3A_24 to %scan3A_26 step %scan3A_27 iter_args(%scan3A_51 = %scan3A_23) -> (i32)  : i32 {
      %jit3A = arith.constant 5 : i32
      %div3A = arith.divsi %scan3A_50, %jit3A : i32
      %sign3A = arith.constant 0 : i32
      %sign3A_52 = arith.cmpi sgt, %scan3A_50, %sign3A : i32
      %sign3A_53 = arith.extui %sign3A_52 : i1 to i32
      %sign3A_54 = arith.constant 0 : i32
      %sign3A_55 = arith.cmpi slt, %scan3A_50, %sign3A_54 : i32
      %sign3A_56 = arith.extui %sign3A_55 : i1 to i32
      %sign3A_57 = arith.subi %sign3A_53, %sign3A_56 : i32
      %sign3A_58 = arith.constant 0 : i32
      %sign3A_59 = arith.cmpi sgt, %jit3A, %sign3A_58 : i32
      %sign3A_60 = arith.extui %sign3A_59 : i1 to i32
      %sign3A_61 = arith.constant 0 : i32
      %sign3A_62 = arith.cmpi slt, %jit3A, %sign3A_61 : i32
      %sign3A_63 = arith.extui %sign3A_62 : i1 to i32
      %sign3A_64 = arith.subi %sign3A_60, %sign3A_63 : i32
      %ne3A = arith.cmpi ne, %sign3A_57, %sign3A_64 : i32
      %rem3A = arith.remsi %scan3A_50, %jit3A : i32
      %ne3A_65 = arith.constant 0 : i32
      %ne3A_66 = arith.cmpi ne, %rem3A, %ne3A_65 : i32
      %and3A = arith.andi %ne3A, %ne3A_66 : i1
      %sub3A = arith.constant 1 : i32
      %sub3A_67 = arith.subi %div3A, %sub3A : i32
      %select_n3A = arith.select %and3A, %sub3A_67, %div3A : i32
      %jit3A_68 = arith.constant 5 : i32
      %eq3A = arith.constant 0 : i32
      %eq3A_69 = arith.cmpi eq, %jit3A_68, %eq3A : i32
      %jit3A_70 = arith.constant 1 : i32
      %select_n3A_71 = arith.select %eq3A_69, %jit3A_70, %jit3A_68 : i32
      %rem3A_72 = arith.remsi %scan3A_50, %select_n3A_71 : i32
      %ne3A_73 = arith.constant 0 : i32
      %ne3A_74 = arith.cmpi ne, %rem3A_72, %ne3A_73 : i32
      %lt3A = arith.constant 0 : i32
      %lt3A_75 = arith.cmpi slt, %rem3A_72, %lt3A : i32
      %lt3A_76 = arith.constant 0 : i32
      %lt3A_77 = arith.cmpi slt, %select_n3A_71, %lt3A_76 : i32
      %ne3A_78 = arith.xori %lt3A_75, %lt3A_77 : i1
      %and3A_79 = arith.andi %ne3A_78, %ne3A_74 : i1
      %add3A_80 = arith.addi %rem3A_72, %select_n3A_71 : i32
      %select_n3A_81 = arith.select %and3A_79, %add3A_80, %rem3A_72 : i32
      %mul3A_82 = arith.constant 16 : i32
      %mul3A_83 = arith.muli %select_n3A_81, %mul3A_82 : i32
      %get3A = arith.index_cast %select_n3A : i32 to index
      %get3A_84 = arith.index_cast %mul3A_83 : i32 to index
      %get3A_85 = tpu.vector_load %arg6[%get3A, %get3A_84] {strides = array<i32>} : memref<32x80xi32, #tpu.memory_space<vmem>>, vector<16xi32>,
      %get3A_86 = arith.index_cast %select_n3A : i32 to index
      %get3A_87 = arith.index_cast %mul3A_83 : i32 to index
      %get3A_88 = tpu.vector_load %arg7[%get3A_86, %get3A_87] {strides = array<i32>} : memref<32x80xi32, #tpu.memory_space<vmem>>, vector<16xi32>,
      %ne3A_89 = arith.cmpi ne, %get3A_85, %get3A_88 : vector<16xi32>
      tpu.vector_store_idx %arg9[%get3A_85], %broadcast_in_dim3A_9 masked %ne3A_89 {add = true} : memref<10000xf32, #tpu.memory_space<vmem>>[vector<16xi32>], vector<16xf32>, vector<16xi1>
      %select_n3A_90 = arith.select %ne3A_89, %get3A_88, %broadcast_in_dim3A_11 : vector<16xi1>, vector<16xi32>
      %swap3A = arith.index_cast %select_n3A : i32 to index
      %swap3A_91 = arith.index_cast %mul3A_83 : i32 to index
      %swap3A_92 = tpu.vector_load %arg8[%swap3A, %swap3A_91] {strides = array<i32>} : memref<32x80xi32, #tpu.memory_space<vmem>>, vector<16xi32>,
      tpu.vector_store %arg8[%swap3A, %swap3A_91], %select_n3A_90 {strides = array<i32>} : memref<32x80xi32, #tpu.memory_space<vmem>>, vector<16xi32>,
      %scan3A_93 = arith.constant 0 : i32
      scf.yield %scan3A_93 : i32
    }
    %scan3A_29 = arith.constant 160 : i32
    "tpu.region"() ({
      %run_scoped3A = tpu.sem_alloc : memref<!tpu.dma_semaphore, #tpu.memory_space<semaphore_mem>>
      %dma_start3A = arith.constant 0 : i32
      %dma_start3A_50 = tpu.memref_slice %arg5[%add3A_22, %dma_start3A] : memref<4096x80xi32, #tpu.memory_space<hbm>> -> memref<32x80xi32, #tpu.memory_space<hbm>>
      %dma_start3A_51 = arith.constant 0 : i32
      %dma_start3A_52 = tpu.memref_slice %arg5[%add3A_22, %dma_start3A_51] : memref<4096x80xi32, #tpu.memory_space<hbm>> -> memref<32x80xi32, #tpu.memory_space<hbm>>
      tpu.enqueue_dma source(%arg8 : memref<32x80xi32, #tpu.memory_space<vmem>>) target(%dma_start3A_52 : memref<32x80xi32, #tpu.memory_space<hbm>>) target_semaphore(%run_scoped3A : memref<!tpu.dma_semaphore, #tpu.memory_space<semaphore_mem>>)
      %dma_wait3A = arith.constant 0 : i32
      %dma_wait3A_53 = tpu.memref_slice %arg5[%add3A_22, %dma_wait3A] : memref<4096x80xi32, #tpu.memory_space<hbm>> -> memref<32x80xi32, #tpu.memory_space<hbm>>
      %dma_wait3A_54 = arith.constant 0 : i32
      %dma_wait3A_55 = tpu.memref_slice %arg5[%add3A_22, %dma_wait3A_54] : memref<4096x80xi32, #tpu.memory_space<hbm>> -> memref<32x80xi32, #tpu.memory_space<hbm>>
      tpu.wait_dma2 semaphore(%run_scoped3A : memref<!tpu.dma_semaphore, #tpu.memory_space<semaphore_mem>>) src(%arg8 : memref<32x80xi32, #tpu.memory_space<vmem>>) dst(%dma_wait3A_55 : memref<32x80xi32, #tpu.memory_space<hbm>>)
      tpu.yield
    }) : () -> ()
    %add3A_30 = arith.constant 64 : i32
    %add3A_31 = arith.addi %mul3A_2, %add3A_30 : i32
    "tpu.region"() ({
      %run_scoped3A = tpu.sem_alloc : memref<!tpu.dma_semaphore, #tpu.memory_space<semaphore_mem>>
      %dma_start3A = arith.constant 0 : i32
      %dma_start3A_50 = tpu.memref_slice %arg2[%add3A_31, %dma_start3A] : memref<4096x80xi32, #tpu.memory_space<hbm>> -> memref<32x80xi32, #tpu.memory_space<hbm>>
      %dma_start3A_51 = arith.constant 0 : i32
      %dma_start3A_52 = tpu.memref_slice %arg2[%add3A_31, %dma_start3A_51] : memref<4096x80xi32, #tpu.memory_space<hbm>> -> memref<32x80xi32, #tpu.memory_space<hbm>>
      tpu.enqueue_dma source(%dma_start3A_52 : memref<32x80xi32, #tpu.memory_space<hbm>>) target(%arg6 : memref<32x80xi32, #tpu.memory_space<vmem>>) target_semaphore(%run_scoped3A : memref<!tpu.dma_semaphore, #tpu.memory_space<semaphore_mem>>)
      %dma_wait3A = arith.constant 0 : i32
      %dma_wait3A_53 = tpu.memref_slice %arg2[%add3A_31, %dma_wait3A] : memref<4096x80xi32, #tpu.memory_space<hbm>> -> memref<32x80xi32, #tpu.memory_space<hbm>>
      %dma_wait3A_54 = arith.constant 0 : i32
      %dma_wait3A_55 = tpu.memref_slice %arg2[%add3A_31, %dma_wait3A_54] : memref<4096x80xi32, #tpu.memory_space<hbm>> -> memref<32x80xi32, #tpu.memory_space<hbm>>
      tpu.wait_dma2 semaphore(%run_scoped3A : memref<!tpu.dma_semaphore, #tpu.memory_space<semaphore_mem>>) src(%dma_wait3A_55 : memref<32x80xi32, #tpu.memory_space<hbm>>) dst(%arg6 : memref<32x80xi32, #tpu.memory_space<vmem>>)
      tpu.yield
    }) : () -> ()
    "tpu.region"() ({
      %run_scoped3A = tpu.sem_alloc : memref<!tpu.dma_semaphore, #tpu.memory_space<semaphore_mem>>
      %dma_start3A = arith.constant 0 : i32
      %dma_start3A_50 = tpu.memref_slice %arg3[%add3A_31, %dma_start3A] : memref<4096x80xi32, #tpu.memory_space<hbm>> -> memref<32x80xi32, #tpu.memory_space<hbm>>
      %dma_start3A_51 = arith.constant 0 : i32
      %dma_start3A_52 = tpu.memref_slice %arg3[%add3A_31, %dma_start3A_51] : memref<4096x80xi32, #tpu.memory_space<hbm>> -> memref<32x80xi32, #tpu.memory_space<hbm>>
      tpu.enqueue_dma source(%dma_start3A_52 : memref<32x80xi32, #tpu.memory_space<hbm>>) target(%arg7 : memref<32x80xi32, #tpu.memory_space<vmem>>) target_semaphore(%run_scoped3A : memref<!tpu.dma_semaphore, #tpu.memory_space<semaphore_mem>>)
      %dma_wait3A = arith.constant 0 : i32
      %dma_wait3A_53 = tpu.memref_slice %arg3[%add3A_31, %dma_wait3A] : memref<4096x80xi32, #tpu.memory_space<hbm>> -> memref<32x80xi32, #tpu.memory_space<hbm>>
      %dma_wait3A_54 = arith.constant 0 : i32
      %dma_wait3A_55 = tpu.memref_slice %arg3[%add3A_31, %dma_wait3A_54] : memref<4096x80xi32, #tpu.memory_space<hbm>> -> memref<32x80xi32, #tpu.memory_space<hbm>>
      tpu.wait_dma2 semaphore(%run_scoped3A : memref<!tpu.dma_semaphore, #tpu.memory_space<semaphore_mem>>) src(%dma_wait3A_55 : memref<32x80xi32, #tpu.memory_space<hbm>>) dst(%arg7 : memref<32x80xi32, #tpu.memory_space<vmem>>)
      tpu.yield
    }) : () -> ()
    %scan3A_32 = arith.constant 0 : i32
    %scan3A_33 = arith.constant 0 : i32
    %scan3A_34 = arith.constant 160 : i32
    %scan3A_35 = arith.addi %scan3A_33, %scan3A_34 : i32
    %scan3A_36 = arith.constant 1 : i32
    %scan3A_37 = scf.for %scan3A_50 = %scan3A_33 to %scan3A_35 step %scan3A_36 iter_args(%scan3A_51 = %scan3A_32) -> (i32)  : i32 {
      %jit3A = arith.constant 5 : i32
      %div3A = arith.divsi %scan3A_50, %jit3A : i32
      %sign3A = arith.constant 0 : i32
      %sign3A_52 = arith.cmpi sgt, %scan3A_50, %sign3A : i32
      %sign3A_53 = arith.extui %sign3A_52 : i1 to i32
      %sign3A_54 = arith.constant 0 : i32
      %sign3A_55 = arith.cmpi slt, %scan3A_50, %sign3A_54 : i32
      %sign3A_56 = arith.extui %sign3A_55 : i1 to i32
      %sign3A_57 = arith.subi %sign3A_53, %sign3A_56 : i32
      %sign3A_58 = arith.constant 0 : i32
      %sign3A_59 = arith.cmpi sgt, %jit3A, %sign3A_58 : i32
      %sign3A_60 = arith.extui %sign3A_59 : i1 to i32
      %sign3A_61 = arith.constant 0 : i32
      %sign3A_62 = arith.cmpi slt, %jit3A, %sign3A_61 : i32
      %sign3A_63 = arith.extui %sign3A_62 : i1 to i32
      %sign3A_64 = arith.subi %sign3A_60, %sign3A_63 : i32
      %ne3A = arith.cmpi ne, %sign3A_57, %sign3A_64 : i32
      %rem3A = arith.remsi %scan3A_50, %jit3A : i32
      %ne3A_65 = arith.constant 0 : i32
      %ne3A_66 = arith.cmpi ne, %rem3A, %ne3A_65 : i32
      %and3A = arith.andi %ne3A, %ne3A_66 : i1
      %sub3A = arith.constant 1 : i32
      %sub3A_67 = arith.subi %div3A, %sub3A : i32
      %select_n3A = arith.select %and3A, %sub3A_67, %div3A : i32
      %jit3A_68 = arith.constant 5 : i32
      %eq3A = arith.constant 0 : i32
      %eq3A_69 = arith.cmpi eq, %jit3A_68, %eq3A : i32
      %jit3A_70 = arith.constant 1 : i32
      %select_n3A_71 = arith.select %eq3A_69, %jit3A_70, %jit3A_68 : i32
      %rem3A_72 = arith.remsi %scan3A_50, %select_n3A_71 : i32
      %ne3A_73 = arith.constant 0 : i32
      %ne3A_74 = arith.cmpi ne, %rem3A_72, %ne3A_73 : i32
      %lt3A = arith.constant 0 : i32
      %lt3A_75 = arith.cmpi slt, %rem3A_72, %lt3A : i32
      %lt3A_76 = arith.constant 0 : i32
      %lt3A_77 = arith.cmpi slt, %select_n3A_71, %lt3A_76 : i32
      %ne3A_78 = arith.xori %lt3A_75, %lt3A_77 : i1
      %and3A_79 = arith.andi %ne3A_78, %ne3A_74 : i1
      %add3A_80 = arith.addi %rem3A_72, %select_n3A_71 : i32
      %select_n3A_81 = arith.select %and3A_79, %add3A_80, %rem3A_72 : i32
      %mul3A_82 = arith.constant 16 : i32
      %mul3A_83 = arith.muli %select_n3A_81, %mul3A_82 : i32
      %get3A = arith.index_cast %select_n3A : i32 to index
      %get3A_84 = arith.index_cast %mul3A_83 : i32 to index
      %get3A_85 = tpu.vector_load %arg6[%get3A, %get3A_84] {strides = array<i32>} : memref<32x80xi32, #tpu.memory_space<vmem>>, vector<16xi32>,
      %get3A_86 = arith.index_cast %select_n3A : i32 to index
      %get3A_87 = arith.index_cast %mul3A_83 : i32 to index
      %get3A_88 = tpu.vector_load %arg7[%get3A_86, %get3A_87] {strides = array<i32>} : memref<32x80xi32, #tpu.memory_space<vmem>>, vector<16xi32>,
      %ne3A_89 = arith.cmpi ne, %get3A_85, %get3A_88 : vector<16xi32>
      tpu.vector_store_idx %arg9[%get3A_85], %broadcast_in_dim3A_9 masked %ne3A_89 {add = true} : memref<10000xf32, #tpu.memory_space<vmem>>[vector<16xi32>], vector<16xf32>, vector<16xi1>
      %select_n3A_90 = arith.select %ne3A_89, %get3A_88, %broadcast_in_dim3A_11 : vector<16xi1>, vector<16xi32>
      %swap3A = arith.index_cast %select_n3A : i32 to index
      %swap3A_91 = arith.index_cast %mul3A_83 : i32 to index
      %swap3A_92 = tpu.vector_load %arg8[%swap3A, %swap3A_91] {strides = array<i32>} : memref<32x80xi32, #tpu.memory_space<vmem>>, vector<16xi32>,
      tpu.vector_store %arg8[%swap3A, %swap3A_91], %select_n3A_90 {strides = array<i32>} : memref<32x80xi32, #tpu.memory_space<vmem>>, vector<16xi32>,
      %scan3A_93 = arith.constant 0 : i32
      scf.yield %scan3A_93 : i32
    }
    %scan3A_38 = arith.constant 160 : i32
    "tpu.region"() ({
      %run_scoped3A = tpu.sem_alloc : memref<!tpu.dma_semaphore, #tpu.memory_space<semaphore_mem>>
      %dma_start3A = arith.constant 0 : i32
      %dma_start3A_50 = tpu.memref_slice %arg5[%add3A_31, %dma_start3A] : memref<4096x80xi32, #tpu.memory_space<hbm>> -> memref<32x80xi32, #tpu.memory_space<hbm>>
      %dma_start3A_51 = arith.constant 0 : i32
      %dma_start3A_52 = tpu.memref_slice %arg5[%add3A_31, %dma_start3A_51] : memref<4096x80xi32, #tpu.memory_space<hbm>> -> memref<32x80xi32, #tpu.memory_space<hbm>>
      tpu.enqueue_dma source(%arg8 : memref<32x80xi32, #tpu.memory_space<vmem>>) target(%dma_start3A_52 : memref<32x80xi32, #tpu.memory_space<hbm>>) target_semaphore(%run_scoped3A : memref<!tpu.dma_semaphore, #tpu.memory_space<semaphore_mem>>)
      %dma_wait3A = arith.constant 0 : i32
      %dma_wait3A_53 = tpu.memref_slice %arg5[%add3A_31, %dma_wait3A] : memref<4096x80xi32, #tpu.memory_space<hbm>> -> memref<32x80xi32, #tpu.memory_space<hbm>>
      %dma_wait3A_54 = arith.constant 0 : i32
      %dma_wait3A_55 = tpu.memref_slice %arg5[%add3A_31, %dma_wait3A_54] : memref<4096x80xi32, #tpu.memory_space<hbm>> -> memref<32x80xi32, #tpu.memory_space<hbm>>
      tpu.wait_dma2 semaphore(%run_scoped3A : memref<!tpu.dma_semaphore, #tpu.memory_space<semaphore_mem>>) src(%arg8 : memref<32x80xi32, #tpu.memory_space<vmem>>) dst(%dma_wait3A_55 : memref<32x80xi32, #tpu.memory_space<hbm>>)
      tpu.yield
    }) : () -> ()
    %add3A_39 = arith.constant 96 : i32
    %add3A_40 = arith.addi %mul3A_2, %add3A_39 : i32
    "tpu.region"() ({
      %run_scoped3A = tpu.sem_alloc : memref<!tpu.dma_semaphore, #tpu.memory_space<semaphore_mem>>
      %dma_start3A = arith.constant 0 : i32
      %dma_start3A_50 = tpu.memref_slice %arg2[%add3A_40, %dma_start3A] : memref<4096x80xi32, #tpu.memory_space<hbm>> -> memref<32x80xi32, #tpu.memory_space<hbm>>
      %dma_start3A_51 = arith.constant 0 : i32
      %dma_start3A_52 = tpu.memref_slice %arg2[%add3A_40, %dma_start3A_51] : memref<4096x80xi32, #tpu.memory_space<hbm>> -> memref<32x80xi32, #tpu.memory_space<hbm>>
      tpu.enqueue_dma source(%dma_start3A_52 : memref<32x80xi32, #tpu.memory_space<hbm>>) target(%arg6 : memref<32x80xi32, #tpu.memory_space<vmem>>) target_semaphore(%run_scoped3A : memref<!tpu.dma_semaphore, #tpu.memory_space<semaphore_mem>>)
      %dma_wait3A = arith.constant 0 : i32
      %dma_wait3A_53 = tpu.memref_slice %arg2[%add3A_40, %dma_wait3A] : memref<4096x80xi32, #tpu.memory_space<hbm>> -> memref<32x80xi32, #tpu.memory_space<hbm>>
      %dma_wait3A_54 = arith.constant 0 : i32
      %dma_wait3A_55 = tpu.memref_slice %arg2[%add3A_40, %dma_wait3A_54] : memref<4096x80xi32, #tpu.memory_space<hbm>> -> memref<32x80xi32, #tpu.memory_space<hbm>>
      tpu.wait_dma2 semaphore(%run_scoped3A : memref<!tpu.dma_semaphore, #tpu.memory_space<semaphore_mem>>) src(%dma_wait3A_55 : memref<32x80xi32, #tpu.memory_space<hbm>>) dst(%arg6 : memref<32x80xi32, #tpu.memory_space<vmem>>)
      tpu.yield
    }) : () -> ()
    "tpu.region"() ({
      %run_scoped3A = tpu.sem_alloc : memref<!tpu.dma_semaphore, #tpu.memory_space<semaphore_mem>>
      %dma_start3A = arith.constant 0 : i32
      %dma_start3A_50 = tpu.memref_slice %arg3[%add3A_40, %dma_start3A] : memref<4096x80xi32, #tpu.memory_space<hbm>> -> memref<32x80xi32, #tpu.memory_space<hbm>>
      %dma_start3A_51 = arith.constant 0 : i32
      %dma_start3A_52 = tpu.memref_slice %arg3[%add3A_40, %dma_start3A_51] : memref<4096x80xi32, #tpu.memory_space<hbm>> -> memref<32x80xi32, #tpu.memory_space<hbm>>
      tpu.enqueue_dma source(%dma_start3A_52 : memref<32x80xi32, #tpu.memory_space<hbm>>) target(%arg7 : memref<32x80xi32, #tpu.memory_space<vmem>>) target_semaphore(%run_scoped3A : memref<!tpu.dma_semaphore, #tpu.memory_space<semaphore_mem>>)
      %dma_wait3A = arith.constant 0 : i32
      %dma_wait3A_53 = tpu.memref_slice %arg3[%add3A_40, %dma_wait3A] : memref<4096x80xi32, #tpu.memory_space<hbm>> -> memref<32x80xi32, #tpu.memory_space<hbm>>
      %dma_wait3A_54 = arith.constant 0 : i32
      %dma_wait3A_55 = tpu.memref_slice %arg3[%add3A_40, %dma_wait3A_54] : memref<4096x80xi32, #tpu.memory_space<hbm>> -> memref<32x80xi32, #tpu.memory_space<hbm>>
      tpu.wait_dma2 semaphore(%run_scoped3A : memref<!tpu.dma_semaphore, #tpu.memory_space<semaphore_mem>>) src(%dma_wait3A_55 : memref<32x80xi32, #tpu.memory_space<hbm>>) dst(%arg7 : memref<32x80xi32, #tpu.memory_space<vmem>>)
      tpu.yield
    }) : () -> ()
    %scan3A_41 = arith.constant 0 : i32
    %scan3A_42 = arith.constant 0 : i32
    %scan3A_43 = arith.constant 160 : i32
    %scan3A_44 = arith.addi %scan3A_42, %scan3A_43 : i32
    %scan3A_45 = arith.constant 1 : i32
    %scan3A_46 = scf.for %scan3A_50 = %scan3A_42 to %scan3A_44 step %scan3A_45 iter_args(%scan3A_51 = %scan3A_41) -> (i32)  : i32 {
      %jit3A = arith.constant 5 : i32
      %div3A = arith.divsi %scan3A_50, %jit3A : i32
      %sign3A = arith.constant 0 : i32
      %sign3A_52 = arith.cmpi sgt, %scan3A_50, %sign3A : i32
      %sign3A_53 = arith.extui %sign3A_52 : i1 to i32
      %sign3A_54 = arith.constant 0 : i32
      %sign3A_55 = arith.cmpi slt, %scan3A_50, %sign3A_54 : i32
      %sign3A_56 = arith.extui %sign3A_55 : i1 to i32
      %sign3A_57 = arith.subi %sign3A_53, %sign3A_56 : i32
      %sign3A_58 = arith.constant 0 : i32
      %sign3A_59 = arith.cmpi sgt, %jit3A, %sign3A_58 : i32
      %sign3A_60 = arith.extui %sign3A_59 : i1 to i32
      %sign3A_61 = arith.constant 0 : i32
      %sign3A_62 = arith.cmpi slt, %jit3A, %sign3A_61 : i32
      %sign3A_63 = arith.extui %sign3A_62 : i1 to i32
      %sign3A_64 = arith.subi %sign3A_60, %sign3A_63 : i32
      %ne3A = arith.cmpi ne, %sign3A_57, %sign3A_64 : i32
      %rem3A = arith.remsi %scan3A_50, %jit3A : i32
      %ne3A_65 = arith.constant 0 : i32
      %ne3A_66 = arith.cmpi ne, %rem3A, %ne3A_65 : i32
      %and3A = arith.andi %ne3A, %ne3A_66 : i1
      %sub3A = arith.constant 1 : i32
      %sub3A_67 = arith.subi %div3A, %sub3A : i32
      %select_n3A = arith.select %and3A, %sub3A_67, %div3A : i32
      %jit3A_68 = arith.constant 5 : i32
      %eq3A = arith.constant 0 : i32
      %eq3A_69 = arith.cmpi eq, %jit3A_68, %eq3A : i32
      %jit3A_70 = arith.constant 1 : i32
      %select_n3A_71 = arith.select %eq3A_69, %jit3A_70, %jit3A_68 : i32
      %rem3A_72 = arith.remsi %scan3A_50, %select_n3A_71 : i32
      %ne3A_73 = arith.constant 0 : i32
      %ne3A_74 = arith.cmpi ne, %rem3A_72, %ne3A_73 : i32
      %lt3A = arith.constant 0 : i32
      %lt3A_75 = arith.cmpi slt, %rem3A_72, %lt3A : i32
      %lt3A_76 = arith.constant 0 : i32
      %lt3A_77 = arith.cmpi slt, %select_n3A_71, %lt3A_76 : i32
      %ne3A_78 = arith.xori %lt3A_75, %lt3A_77 : i1
      %and3A_79 = arith.andi %ne3A_78, %ne3A_74 : i1
      %add3A_80 = arith.addi %rem3A_72, %select_n3A_71 : i32
      %select_n3A_81 = arith.select %and3A_79, %add3A_80, %rem3A_72 : i32
      %mul3A_82 = arith.constant 16 : i32
      %mul3A_83 = arith.muli %select_n3A_81, %mul3A_82 : i32
      %get3A = arith.index_cast %select_n3A : i32 to index
      %get3A_84 = arith.index_cast %mul3A_83 : i32 to index
      %get3A_85 = tpu.vector_load %arg6[%get3A, %get3A_84] {strides = array<i32>} : memref<32x80xi32, #tpu.memory_space<vmem>>, vector<16xi32>,
      %get3A_86 = arith.index_cast %select_n3A : i32 to index
      %get3A_87 = arith.index_cast %mul3A_83 : i32 to index
      %get3A_88 = tpu.vector_load %arg7[%get3A_86, %get3A_87] {strides = array<i32>} : memref<32x80xi32, #tpu.memory_space<vmem>>, vector<16xi32>,
      %ne3A_89 = arith.cmpi ne, %get3A_85, %get3A_88 : vector<16xi32>
      tpu.vector_store_idx %arg9[%get3A_85], %broadcast_in_dim3A_9 masked %ne3A_89 {add = true} : memref<10000xf32, #tpu.memory_space<vmem>>[vector<16xi32>], vector<16xf32>, vector<16xi1>
      %select_n3A_90 = arith.select %ne3A_89, %get3A_88, %broadcast_in_dim3A_11 : vector<16xi1>, vector<16xi32>
      %swap3A = arith.index_cast %select_n3A : i32 to index
      %swap3A_91 = arith.index_cast %mul3A_83 : i32 to index
      %swap3A_92 = tpu.vector_load %arg8[%swap3A, %swap3A_91] {strides = array<i32>} : memref<32x80xi32, #tpu.memory_space<vmem>>, vector<16xi32>,
      tpu.vector_store %arg8[%swap3A, %swap3A_91], %select_n3A_90 {strides = array<i32>} : memref<32x80xi32, #tpu.memory_space<vmem>>, vector<16xi32>,
      %scan3A_93 = arith.constant 0 : i32
      scf.yield %scan3A_93 : i32
    }
    %scan3A_47 = arith.constant 160 : i32
    "tpu.region"() ({
      %run_scoped3A = tpu.sem_alloc : memref<!tpu.dma_semaphore, #tpu.memory_space<semaphore_mem>>
      %dma_start3A = arith.constant 0 : i32
      %dma_start3A_50 = tpu.memref_slice %arg5[%add3A_40, %dma_start3A] : memref<4096x80xi32, #tpu.memory_space<hbm>> -> memref<32x80xi32, #tpu.memory_space<hbm>>
      %dma_start3A_51 = arith.constant 0 : i32
      %dma_start3A_52 = tpu.memref_slice %arg5[%add3A_40, %dma_start3A_51] : memref<4096x80xi32, #tpu.memory_space<hbm>> -> memref<32x80xi32, #tpu.memory_space<hbm>>
      tpu.enqueue_dma source(%arg8 : memref<32x80xi32, #tpu.memory_space<vmem>>) target(%dma_start3A_52 : memref<32x80xi32, #tpu.memory_space<hbm>>) target_semaphore(%run_scoped3A : memref<!tpu.dma_semaphore, #tpu.memory_space<semaphore_mem>>)
      %dma_wait3A = arith.constant 0 : i32
      %dma_wait3A_53 = tpu.memref_slice %arg5[%add3A_40, %dma_wait3A] : memref<4096x80xi32, #tpu.memory_space<hbm>> -> memref<32x80xi32, #tpu.memory_space<hbm>>
      %dma_wait3A_54 = arith.constant 0 : i32
      %dma_wait3A_55 = tpu.memref_slice %arg5[%add3A_40, %dma_wait3A_54] : memref<4096x80xi32, #tpu.memory_space<hbm>> -> memref<32x80xi32, #tpu.memory_space<hbm>>
      tpu.wait_dma2 semaphore(%run_scoped3A : memref<!tpu.dma_semaphore, #tpu.memory_space<semaphore_mem>>) src(%arg8 : memref<32x80xi32, #tpu.memory_space<vmem>>) dst(%dma_wait3A_55 : memref<32x80xi32, #tpu.memory_space<hbm>>)
      tpu.yield
    }) : () -> ()
    %mul3A_48 = arith.constant 10000 : i32
    %mul3A_49 = arith.muli %add3A, %mul3A_48 : i32
    "tpu.region"() ({
      %run_scoped3A = tpu.sem_alloc : memref<!tpu.dma_semaphore, #tpu.memory_space<semaphore_mem>>
      %dma_start3A = tpu.memref_slice %arg4[%mul3A_49] : memref<320000xf32, #tpu.memory_space<hbm>> -> memref<10000xf32, #tpu.memory_space<hbm>>
      %dma_start3A_50 = tpu.memref_slice %arg4[%mul3A_49] : memref<320000xf32, #tpu.memory_space<hbm>> -> memref<10000xf32, #tpu.memory_space<hbm>>
      tpu.enqueue_dma source(%arg9 : memref<10000xf32, #tpu.memory_space<vmem>>) target(%dma_start3A_50 : memref<10000xf32, #tpu.memory_space<hbm>>) target_semaphore(%run_scoped3A : memref<!tpu.dma_semaphore, #tpu.memory_space<semaphore_mem>>)
      %dma_wait3A = tpu.memref_slice %arg4[%mul3A_49] : memref<320000xf32, #tpu.memory_space<hbm>> -> memref<10000xf32, #tpu.memory_space<hbm>>
      %dma_wait3A_51 = tpu.memref_slice %arg4[%mul3A_49] : memref<320000xf32, #tpu.memory_space<hbm>> -> memref<10000xf32, #tpu.memory_space<hbm>>
      tpu.wait_dma2 semaphore(%run_scoped3A : memref<!tpu.dma_semaphore, #tpu.memory_space<semaphore_mem>>) src(%arg9 : memref<10000xf32, #tpu.memory_space<vmem>>) dst(%dma_wait3A_51 : memref<10000xf32, #tpu.memory_space<hbm>>)
      tpu.yield
    }) : () -> ()
    return
  }
}

module attributes {stable_mosaic.version = 14 : i64} {
  func.func @_tc_scale_body(%arg0: i32, %arg1: memref<400x32xf32, #tpu.memory_space<vmem>>, %arg2: memref<400x128xf32, #tpu.memory_space<vmem>>, %arg3: memref<400x1xf32, #tpu.memory_space<vmem>>, %arg4: memref<400x128xf32, #tpu.memory_space<vmem>>) attributes {dimension_semantics = [#tpu.dimension_semantics<arbitrary>], iteration_bounds = array<i64: 25>, scalar_prefetch = 0 : i64, scratch_operands = 0 : i64, tpu.core_type = #tpu.core_type<tc>, window_params = [{transform_indices = @transform_0, window_bounds = array<i64: 400, 32>}, {transform_indices = @transform_1, window_bounds = array<i64: 400, 128>}, {transform_indices = @transform_2, window_bounds = array<i64: 400, 1>}, {transform_indices = @transform_3, window_bounds = array<i64: 400, 128>}]} {
    %get3A = arith.constant 0 : index
    %get3A_0 = arith.constant 0 : index
    %get3A_1 = vector.load %arg1[%get3A, %get3A_0] : memref<400x32xf32, #tpu.memory_space<vmem>>, vector<400x32xf32>
    %reduce_sum3A = arith.constant dense<0.000000e+00> : vector<400xf32>
    %reduce_sum3A_2 = vector.multi_reduction <add>, %get3A_1, %reduce_sum3A [1] : vector<400x32xf32> to vector<400xf32>
    %broadcast_in_dim3A = vector.shape_cast %reduce_sum3A_2 : vector<400xf32> to vector<400x1xf32>
    %gt3A = arith.constant 0.000000e+00 : f32
    %gt3A_3 = vector.broadcast %gt3A : f32 to vector<400x1xf32>
    %gt3A_4 = arith.cmpf ogt, %broadcast_in_dim3A, %gt3A_3 : vector<400x1xf32>
    %max3A = arith.constant 1.000000e-30 : f32
    %max3A_5 = vector.broadcast %max3A : f32 to vector<400x1xf32>
    %max3A_6 = arith.maximumf %broadcast_in_dim3A, %max3A_5 : vector<400x1xf32>
    %rsqrt3A = math.rsqrt %max3A_6 : vector<400x1xf32>
    %jit3A = arith.constant 0.000000e+00 : f32
    %broadcast_in_dim3A_7 = vector.broadcast %jit3A : f32 to vector<400x1xf32>
    %select_n3A = arith.select %gt3A_4, %rsqrt3A, %broadcast_in_dim3A_7 : vector<400x1xi1>, vector<400x1xf32>
    %swap3A = arith.constant 0 : index
    %swap3A_8 = arith.constant 0 : index
    %swap3A_9 = vector.load %arg3[%swap3A, %swap3A_8] : memref<400x1xf32, #tpu.memory_space<vmem>>, vector<400x1xf32>
    tpu.vector_store %arg3[%swap3A, %swap3A_8], %select_n3A {strides = array<i32>} : memref<400x1xf32, #tpu.memory_space<vmem>>, vector<400x1xf32>,
    %get3A_10 = arith.constant 0 : index
    %get3A_11 = arith.constant 0 : index
    %get3A_12 = vector.load %arg2[%get3A_10, %get3A_11] : memref<400x128xf32, #tpu.memory_space<vmem>>, vector<400x128xf32>
    %mul3A = vector.broadcast %select_n3A : vector<400x1xf32> to vector<400x128xf32>
    %mul3A_13 = arith.mulf %mul3A, %get3A_12 : vector<400x128xf32>
    %swap3A_14 = arith.constant 0 : index
    %swap3A_15 = arith.constant 0 : index
    %swap3A_16 = vector.load %arg4[%swap3A_14, %swap3A_15] : memref<400x128xf32, #tpu.memory_space<vmem>>, vector<400x128xf32>
    tpu.vector_store %arg4[%swap3A_14, %swap3A_15], %mul3A_13 {strides = array<i32>} : memref<400x128xf32, #tpu.memory_space<vmem>>, vector<400x128xf32>,
    return
  }
  func.func @transform_0(%arg0: i32) -> (i32, i32) {
    %c0_i32 = arith.constant 0 : i32
    %c0_i32_0 = arith.constant 0 : i32
    return %arg0, %c0_i32 : i32, i32
  }
  func.func @transform_1(%arg0: i32) -> (i32, i32) {
    %c0_i32 = arith.constant 0 : i32
    %c0_i32_0 = arith.constant 0 : i32
    return %arg0, %c0_i32 : i32, i32
  }
  func.func @transform_2(%arg0: i32) -> (i32, i32) {
    %c0_i32 = arith.constant 0 : i32
    %c0_i32_0 = arith.constant 0 : i32
    return %arg0, %c0_i32 : i32, i32
  }
  func.func @transform_3(%arg0: i32) -> (i32, i32) {
    %c0_i32 = arith.constant 0 : i32
    %c0_i32_0 = arith.constant 0 : i32
    return %arg0, %c0_i32 : i32, i32
  }
}

module attributes {stable_mosaic.version = 14 : i64} {
  func.func @_tc_layer_body(%arg0: i32, %arg1: memref<400x128xf32, #tpu.memory_space<vmem>>, %arg2: memref<2x400x128xf32, #tpu.memory_space<vmem>>, %arg3: memref<400x1xf32, #tpu.memory_space<vmem>>, %arg4: memref<2x128x128xf32, #tpu.memory_space<vmem>>, %arg5: memref<1x128xf32, #tpu.memory_space<vmem>>, %arg6: memref<400x128xf32, #tpu.memory_space<vmem>>, %arg7: memref<400x128xf32, #tpu.memory_space<vmem>>, %arg8: memref<400x128xf32, #tpu.memory_space<vmem>>) attributes {dimension_semantics = [#tpu.dimension_semantics<arbitrary>], iteration_bounds = array<i64: 25>, scalar_prefetch = 0 : i64, scratch_operands = 0 : i64, tpu.core_type = #tpu.core_type<tc>, window_params = [{transform_indices = @transform_0, window_bounds = array<i64: 400, 128>}, {transform_indices = @transform_1, window_bounds = array<i64: 2, 400, 128>}, {transform_indices = @transform_2, window_bounds = array<i64: 400, 1>}, {pipeline_mode = #tpu.pipeline_mode<synchronous>, transform_indices = @transform_3, window_bounds = array<i64: 2, 128, 128>}, {pipeline_mode = #tpu.pipeline_mode<synchronous>, transform_indices = @transform_4, window_bounds = array<i64: 1, 128>}, {transform_indices = @transform_5, window_bounds = array<i64: 400, 128>}, {transform_indices = @transform_6, window_bounds = array<i64: 400, 128>}, {transform_indices = @transform_7, window_bounds = array<i64: 400, 128>}]} {
    %get3A = arith.constant 0 : index
    %get3A_0 = arith.constant 0 : index
    %get3A_1 = vector.load %arg3[%get3A, %get3A_0] : memref<400x1xf32, #tpu.memory_space<vmem>>, vector<400x1xf32>
    %neg3A = arith.constant 0.000000e+00 : f32
    %neg3A_2 = vector.broadcast %neg3A : f32 to vector<400x1xf32>
    %neg3A_3 = arith.subf %neg3A_2, %get3A_1 : vector<400x1xf32>
    %get3A_4 = arith.constant 0 : index
    %get3A_5 = arith.constant 0 : index
    %get3A_6 = arith.constant 0 : index
    %get3A_7 = vector.load %arg2[%get3A_4, %get3A_5, %get3A_6] : memref<2x400x128xf32, #tpu.memory_space<vmem>>, vector<1x400x128xf32>
    %get3A_8 = vector.shape_cast %get3A_7 : vector<1x400x128xf32> to vector<400x128xf32>
    %get3A_9 = arith.constant 1 : index
    %get3A_10 = arith.constant 0 : index
    %get3A_11 = arith.constant 0 : index
    %get3A_12 = vector.load %arg2[%get3A_9, %get3A_10, %get3A_11] : memref<2x400x128xf32, #tpu.memory_space<vmem>>, vector<1x400x128xf32>
    %get3A_13 = vector.shape_cast %get3A_12 : vector<1x400x128xf32> to vector<400x128xf32>
    %add3A = arith.addf %get3A_8, %get3A_13 : vector<400x128xf32>
    %mul3A = vector.broadcast %neg3A_3 : vector<400x1xf32> to vector<400x128xf32>
    %mul3A_14 = arith.mulf %mul3A, %add3A : vector<400x128xf32>
    %get3A_15 = arith.constant 0 : index
    %get3A_16 = arith.constant 0 : index
    %get3A_17 = vector.load %arg1[%get3A_15, %get3A_16] : memref<400x128xf32, #tpu.memory_space<vmem>>, vector<400x128xf32>
    %get3A_18 = arith.constant 0 : index
    %get3A_19 = arith.constant 0 : index
    %get3A_20 = arith.constant 0 : index
    %get3A_21 = vector.load %arg4[%get3A_18, %get3A_19, %get3A_20] : memref<2x128x128xf32, #tpu.memory_space<vmem>>, vector<1x128x128xf32>
    %get3A_22 = vector.shape_cast %get3A_21 : vector<1x128x128xf32> to vector<128x128xf32>
    %dot_general3A = arith.constant dense<0.000000e+00> : vector<400x128xf32>
    %dot_general3A_23 = tpu.matmul %get3A_17, %get3A_22, %dot_general3A {dimension_numbers = #tpu.dot_dimension_numbers<[1], [0], [0], [1], [0, 0, 1, 1], [], []>, transpose_lhs_hint = false} : vector<400x128xf32>, vector<128x128xf32>, vector<400x128xf32> -> vector<400x128xf32>
    %get3A_24 = arith.constant 1 : index
    %get3A_25 = arith.constant 0 : index
    %get3A_26 = arith.constant 0 : index
    %get3A_27 = vector.load %arg4[%get3A_24, %get3A_25, %get3A_26] : memref<2x128x128xf32, #tpu.memory_space<vmem>>, vector<1x128x128xf32>
    %get3A_28 = vector.shape_cast %get3A_27 : vector<1x128x128xf32> to vector<128x128xf32>
    %dot_general3A_29 = arith.constant dense<0.000000e+00> : vector<400x128xf32>
    %dot_general3A_30 = tpu.matmul %mul3A_14, %get3A_28, %dot_general3A_29 {dimension_numbers = #tpu.dot_dimension_numbers<[1], [0], [0], [1], [0, 0, 1, 1], [], []>, transpose_lhs_hint = false} : vector<400x128xf32>, vector<128x128xf32>, vector<400x128xf32> -> vector<400x128xf32>
    %add3A_31 = arith.addf %dot_general3A_23, %dot_general3A_30 : vector<400x128xf32>
    %get3A_32 = arith.constant 0 : index
    %get3A_33 = arith.constant 0 : index
    %get3A_34 = vector.load %arg5[%get3A_32, %get3A_33] : memref<1x128xf32, #tpu.memory_space<vmem>>, vector<1x128xf32>
    %add3A_35 = vector.broadcast %get3A_34 : vector<1x128xf32> to vector<400x128xf32>
    %add3A_36 = arith.addf %add3A_31, %add3A_35 : vector<400x128xf32>
    %max3A = arith.constant 0.000000e+00 : f32
    %max3A_37 = vector.broadcast %max3A : f32 to vector<400x128xf32>
    %max3A_38 = arith.maximumf %add3A_36, %max3A_37 : vector<400x128xf32>
    %swap3A = arith.constant 0 : index
    %swap3A_39 = arith.constant 0 : index
    %swap3A_40 = vector.load %arg7[%swap3A, %swap3A_39] : memref<400x128xf32, #tpu.memory_space<vmem>>, vector<400x128xf32>
    tpu.vector_store %arg7[%swap3A, %swap3A_39], %max3A_38 {strides = array<i32>} : memref<400x128xf32, #tpu.memory_space<vmem>>, vector<400x128xf32>,
    %mul3A_41 = vector.broadcast %get3A_1 : vector<400x1xf32> to vector<400x128xf32>
    %mul3A_42 = arith.mulf %mul3A_41, %max3A_38 : vector<400x128xf32>
    %swap3A_43 = arith.constant 0 : index
    %swap3A_44 = arith.constant 0 : index
    %swap3A_45 = vector.load %arg8[%swap3A_43, %swap3A_44] : memref<400x128xf32, #tpu.memory_space<vmem>>, vector<400x128xf32>
    tpu.vector_store %arg8[%swap3A_43, %swap3A_44], %mul3A_42 {strides = array<i32>} : memref<400x128xf32, #tpu.memory_space<vmem>>, vector<400x128xf32>,
    return
  }
  func.func @transform_0(%arg0: i32) -> (i32, i32) {
    %c0_i32 = arith.constant 0 : i32
    %c0_i32_0 = arith.constant 0 : i32
    return %arg0, %c0_i32 : i32, i32
  }
  func.func @transform_1(%arg0: i32) -> (i32, i32, i32) {
    %c0_i32 = arith.constant 0 : i32
    %c0_i32_0 = arith.constant 0 : i32
    %c0_i32_1 = arith.constant 0 : i32
    return %c0_i32, %arg0, %c0_i32_0 : i32, i32, i32
  }
  func.func @transform_2(%arg0: i32) -> (i32, i32) {
    %c0_i32 = arith.constant 0 : i32
    %c0_i32_0 = arith.constant 0 : i32
    return %arg0, %c0_i32 : i32, i32
  }
  func.func @transform_3(%arg0: i32) -> (i32, i32, i32) {
    %c0_i32 = arith.constant 0 : i32
    %c0_i32_0 = arith.constant 0 : i32
    %c0_i32_1 = arith.constant 0 : i32
    %c0_i32_2 = arith.constant 0 : i32
    return %c0_i32, %c0_i32_0, %c0_i32_1 : i32, i32, i32
  }
  func.func @transform_4(%arg0: i32) -> (i32, i32) {
    %c0_i32 = arith.constant 0 : i32
    %c0_i32_0 = arith.constant 0 : i32
    %c0_i32_1 = arith.constant 0 : i32
    return %c0_i32, %c0_i32_0 : i32, i32
  }
  func.func @transform_5(%arg0: i32) -> (i32, i32) {
    %c0_i32 = arith.constant 0 : i32
    %c0_i32_0 = arith.constant 0 : i32
    return %arg0, %c0_i32 : i32, i32
  }
  func.func @transform_6(%arg0: i32) -> (i32, i32) {
    %c0_i32 = arith.constant 0 : i32
    %c0_i32_0 = arith.constant 0 : i32
    return %arg0, %c0_i32 : i32, i32
  }
  func.func @transform_7(%arg0: i32) -> (i32, i32) {
    %c0_i32 = arith.constant 0 : i32
    %c0_i32_0 = arith.constant 0 : i32
    return %arg0, %c0_i32 : i32, i32
  }
}

module attributes {stable_mosaic.version = 14 : i64} {
  func.func @_tc_layer_body(%arg0: i32, %arg1: memref<400x128xf32, #tpu.memory_space<vmem>>, %arg2: memref<2x400x128xf32, #tpu.memory_space<vmem>>, %arg3: memref<400x1xf32, #tpu.memory_space<vmem>>, %arg4: memref<2x128x128xf32, #tpu.memory_space<vmem>>, %arg5: memref<1x128xf32, #tpu.memory_space<vmem>>, %arg6: memref<400x128xf32, #tpu.memory_space<vmem>>, %arg7: memref<400x128xf32, #tpu.memory_space<vmem>>) attributes {dimension_semantics = [#tpu.dimension_semantics<arbitrary>], iteration_bounds = array<i64: 25>, scalar_prefetch = 0 : i64, scratch_operands = 0 : i64, tpu.core_type = #tpu.core_type<tc>, window_params = [{transform_indices = @transform_0, window_bounds = array<i64: 400, 128>}, {transform_indices = @transform_1, window_bounds = array<i64: 2, 400, 128>}, {transform_indices = @transform_2, window_bounds = array<i64: 400, 1>}, {pipeline_mode = #tpu.pipeline_mode<synchronous>, transform_indices = @transform_3, window_bounds = array<i64: 2, 128, 128>}, {pipeline_mode = #tpu.pipeline_mode<synchronous>, transform_indices = @transform_4, window_bounds = array<i64: 1, 128>}, {transform_indices = @transform_5, window_bounds = array<i64: 400, 128>}, {transform_indices = @transform_6, window_bounds = array<i64: 400, 128>}]} {
    %get3A = arith.constant 0 : index
    %get3A_0 = arith.constant 0 : index
    %get3A_1 = vector.load %arg3[%get3A, %get3A_0] : memref<400x1xf32, #tpu.memory_space<vmem>>, vector<400x1xf32>
    %neg3A = arith.constant 0.000000e+00 : f32
    %neg3A_2 = vector.broadcast %neg3A : f32 to vector<400x1xf32>
    %neg3A_3 = arith.subf %neg3A_2, %get3A_1 : vector<400x1xf32>
    %get3A_4 = arith.constant 0 : index
    %get3A_5 = arith.constant 0 : index
    %get3A_6 = arith.constant 0 : index
    %get3A_7 = vector.load %arg2[%get3A_4, %get3A_5, %get3A_6] : memref<2x400x128xf32, #tpu.memory_space<vmem>>, vector<1x400x128xf32>
    %get3A_8 = vector.shape_cast %get3A_7 : vector<1x400x128xf32> to vector<400x128xf32>
    %get3A_9 = arith.constant 1 : index
    %get3A_10 = arith.constant 0 : index
    %get3A_11 = arith.constant 0 : index
    %get3A_12 = vector.load %arg2[%get3A_9, %get3A_10, %get3A_11] : memref<2x400x128xf32, #tpu.memory_space<vmem>>, vector<1x400x128xf32>
    %get3A_13 = vector.shape_cast %get3A_12 : vector<1x400x128xf32> to vector<400x128xf32>
    %add3A = arith.addf %get3A_8, %get3A_13 : vector<400x128xf32>
    %mul3A = vector.broadcast %neg3A_3 : vector<400x1xf32> to vector<400x128xf32>
    %mul3A_14 = arith.mulf %mul3A, %add3A : vector<400x128xf32>
    %get3A_15 = arith.constant 0 : index
    %get3A_16 = arith.constant 0 : index
    %get3A_17 = vector.load %arg1[%get3A_15, %get3A_16] : memref<400x128xf32, #tpu.memory_space<vmem>>, vector<400x128xf32>
    %get3A_18 = arith.constant 0 : index
    %get3A_19 = arith.constant 0 : index
    %get3A_20 = arith.constant 0 : index
    %get3A_21 = vector.load %arg4[%get3A_18, %get3A_19, %get3A_20] : memref<2x128x128xf32, #tpu.memory_space<vmem>>, vector<1x128x128xf32>
    %get3A_22 = vector.shape_cast %get3A_21 : vector<1x128x128xf32> to vector<128x128xf32>
    %dot_general3A = arith.constant dense<0.000000e+00> : vector<400x128xf32>
    %dot_general3A_23 = tpu.matmul %get3A_17, %get3A_22, %dot_general3A {dimension_numbers = #tpu.dot_dimension_numbers<[1], [0], [0], [1], [0, 0, 1, 1], [], []>, transpose_lhs_hint = false} : vector<400x128xf32>, vector<128x128xf32>, vector<400x128xf32> -> vector<400x128xf32>
    %get3A_24 = arith.constant 1 : index
    %get3A_25 = arith.constant 0 : index
    %get3A_26 = arith.constant 0 : index
    %get3A_27 = vector.load %arg4[%get3A_24, %get3A_25, %get3A_26] : memref<2x128x128xf32, #tpu.memory_space<vmem>>, vector<1x128x128xf32>
    %get3A_28 = vector.shape_cast %get3A_27 : vector<1x128x128xf32> to vector<128x128xf32>
    %dot_general3A_29 = arith.constant dense<0.000000e+00> : vector<400x128xf32>
    %dot_general3A_30 = tpu.matmul %mul3A_14, %get3A_28, %dot_general3A_29 {dimension_numbers = #tpu.dot_dimension_numbers<[1], [0], [0], [1], [0, 0, 1, 1], [], []>, transpose_lhs_hint = false} : vector<400x128xf32>, vector<128x128xf32>, vector<400x128xf32> -> vector<400x128xf32>
    %add3A_31 = arith.addf %dot_general3A_23, %dot_general3A_30 : vector<400x128xf32>
    %get3A_32 = arith.constant 0 : index
    %get3A_33 = arith.constant 0 : index
    %get3A_34 = vector.load %arg5[%get3A_32, %get3A_33] : memref<1x128xf32, #tpu.memory_space<vmem>>, vector<1x128xf32>
    %add3A_35 = vector.broadcast %get3A_34 : vector<1x128xf32> to vector<400x128xf32>
    %add3A_36 = arith.addf %add3A_31, %add3A_35 : vector<400x128xf32>
    %get3A_37 = arith.constant 0 : index
    %get3A_38 = arith.constant 0 : index
    %get3A_39 = vector.load %arg6[%get3A_37, %get3A_38] : memref<400x128xf32, #tpu.memory_space<vmem>>, vector<400x128xf32>
    %add3A_40 = arith.addf %add3A_36, %get3A_39 : vector<400x128xf32>
    %swap3A = arith.constant 0 : index
    %swap3A_41 = arith.constant 0 : index
    %swap3A_42 = vector.load %arg7[%swap3A, %swap3A_41] : memref<400x128xf32, #tpu.memory_space<vmem>>, vector<400x128xf32>
    tpu.vector_store %arg7[%swap3A, %swap3A_41], %add3A_40 {strides = array<i32>} : memref<400x128xf32, #tpu.memory_space<vmem>>, vector<400x128xf32>,
    return
  }
  func.func @transform_0(%arg0: i32) -> (i32, i32) {
    %c0_i32 = arith.constant 0 : i32
    %c0_i32_0 = arith.constant 0 : i32
    return %arg0, %c0_i32 : i32, i32
  }
  func.func @transform_1(%arg0: i32) -> (i32, i32, i32) {
    %c0_i32 = arith.constant 0 : i32
    %c0_i32_0 = arith.constant 0 : i32
    %c0_i32_1 = arith.constant 0 : i32
    return %c0_i32, %arg0, %c0_i32_0 : i32, i32, i32
  }
  func.func @transform_2(%arg0: i32) -> (i32, i32) {
    %c0_i32 = arith.constant 0 : i32
    %c0_i32_0 = arith.constant 0 : i32
    return %arg0, %c0_i32 : i32, i32
  }
  func.func @transform_3(%arg0: i32) -> (i32, i32, i32) {
    %c0_i32 = arith.constant 0 : i32
    %c0_i32_0 = arith.constant 0 : i32
    %c0_i32_1 = arith.constant 0 : i32
    %c0_i32_2 = arith.constant 0 : i32
    return %c0_i32, %c0_i32_0, %c0_i32_1 : i32, i32, i32
  }
  func.func @transform_4(%arg0: i32) -> (i32, i32) {
    %c0_i32 = arith.constant 0 : i32
    %c0_i32_0 = arith.constant 0 : i32
    %c0_i32_1 = arith.constant 0 : i32
    return %c0_i32, %c0_i32_0 : i32, i32
  }
  func.func @transform_5(%arg0: i32) -> (i32, i32) {
    %c0_i32 = arith.constant 0 : i32
    %c0_i32_0 = arith.constant 0 : i32
    return %arg0, %c0_i32 : i32, i32
  }
  func.func @transform_6(%arg0: i32) -> (i32, i32) {
    %c0_i32 = arith.constant 0 : i32
    %c0_i32_0 = arith.constant 0 : i32
    return %arg0, %c0_i32 : i32, i32
  }
}

</mosaic_0001>

<sc_bundles>
// kernel: kernel.11.cloned.1.call-start
scs
__scs_entry_jumppad:
0x0: {  	(pc) =	sbr.rel $0x88, $3  }
0x1: {  	(tag) =	ssettag $0x0;
	lr =	simm.s32 $0x1  }
0x2: {  	[smem:$0x3F9B] =	sst lr;
	_ =	strace $0xD0000000  }
0x3: {  	_ = 	snop  }
0x4: {  	_ = 	snop  }
0x5: {  	_ = 	snop  }
0x6: {  	_ = 	snop  }
0x7: {  	_ = 	snop  }
__scs_overlays_trampoline_lowered:
0x8: {  	[smem:$0x3FAA] =	sst s0  }
0x9: {  	[smem:$0x3FAB] =	sst s1  }
0xa: {  	[smem:$0x3FAC] =	sst s2  }
0xb: {  	[smem:$0x3FAD] =	sst s3  }
0xc: {  	[smem:$0x3FAE] =	sst s4  }
0xd: {  	[smem:$0x3FAF] =	sst s5  }
0xe: {  	[smem:$0x3FB0] =	sst s6  }
0xf: {  	[smem:$0x3FB1] =	sst s7  }
0x10: {  	[smem:$0x3FB2] =	sst s8  }
0x11: {  	[smem:$0x3FB3] =	sst s9;
	s0 =	simm.s32 @!p0 $0x0  }
0x12: {  	s1 =	sld [smem:$0x3F99];
	s0 =	simm.s32 @p0 $0x1  }
0x13: {  	[smem:$0x3FB4] =	sst s0;
	s0 =	simm.s32 @!p1 $0x0  }
0x14: {  	s2 =	sld [smem:$0x3F98];
	s0 =	simm.s32 @p1 $0x1  }
0x15: {  	[smem:$0x3FB5] =	sst s0;
	s0 =	simm.s32 @!p2 $0x0  }
0x16: {  	s3 =	sld [smem:$0x3FDB];
	s0 =	simm.s32 @p2 $0x1  }
0x17: {  	s4 =	simm.s32 $0x1BF5;
	[smem:$0x3FB7] =	sst s0  }
0x18: {  	s0 =	sld [smem:$0x3F9A];
	_ =	swait.ge [sflag:s4], $0x0  }
0x19: {  	s7 =	sld [smem:$0x3F9B]  }
0x1a: {  	s8 =	sadd.s32 $0xFFFFE003, lr  }
0x1b: {  	s9 =	sadd.s32 $0xFFFFFEF7, lr;
	s5 =	simm.s32 $0xFFFFFFFF;
	p2 =	slt.u32 s8, $0xFFFFF086  }
0x1c: {  	p1 =	slt.u32 s9, $0xF7A;
	s5 =	simm.s32 @!p2 $0x0  }
0x1d: {  	s5 =	simm.s32 @p1 $0x1;
	p0 =	seq.s32 s7, s2  }
0x1e: {  	s7 =	smul.u32 @!p0 $0xF7A, s2;
	p2 =	seq.s32 @!p0 s5, $0x0  }
0x1f: {  	s9 =	smul.u32 $0xF7A, s1;
	s8 =	simm.s32 @!p0 $0x1BF5;
	p2 =	por !p2, p0  }
0x20: {  	[sflag:s8] =	ssyncset.s32 @!p0 $0xFFFFF086;
	s6 =	sadd.s32 @!p0 s3, s7;
	s7 =	simm.s32 @!p0 $0x108  }
0x21: {  	s3 =	sadd.s32 s3, s9;
	s6 =	sadd.s32 @!p0 $0x88, s6;
	s7 =	simm.s32 @p2 $0x1082  }
0x22: {  	[simem:s7], [sflag:s8] =	dma.local @!p0 [hbm:s6], $0xF7A  }
0x23: {  	s9 =	sor.u32 $0xD0000000, s2;
	s6 =	simm.s32 $0x108;
	_ =	swait.ge @!p0 [sflag:s8], $0x0  }
0x24: {  	s3 =	sadd.s32 $0x88, s3;
	s6 =	simm.s32 @!p1 $0x1082;
	[sflag:s4] =	ssyncset.s32 $0xFFFFF086  }
0x25: {  	[simem:s6], [sflag:s4] =	dma.local [hbm:s3], $0xF7A  }
0x26: {  	[smem:$0x3F9B] =	sst s1;
	(tag) =	ssettag s2;
	_ =	strace s9  }
0x27: {  	s1 =	sld [smem:$0x3FAB]  }
0x28: {  	s2 =	sld [smem:$0x3FAC]  }
0x29: {  	s4 =	sld [smem:$0x3FAE]  }
0x2a: {  	p0 =	seq.s32 s5, $0x0;
	s5 =	sld [smem:$0x3FAF]  }
0x2b: {  	s6 =	sld [smem:$0x3FB0]  }
0x2c: {  	s7 =	sld [smem:$0x3FB1]  }
0x2d: {  	s3 =	simm.s32 $0x108;
	s8 =	sld [smem:$0x3FB2]  }
0x2e: {  	s3 =	simm.s32 @!p0 $0x1082;
	s9 =	sld [smem:$0x3FB3]  }
0x2f: {  	lr =	sadd.s32 s0, s3;
	s0 =	sld [smem:$0x3FAA]  }
0x30: {  	s3 =	sld [smem:$0x3FAD]  }
0x31: {  	[smem:$0x3FB6] =	sst s10  }
0x32: {  	s10 =	sld [smem:$0x3FB4];
	_ =	sdelay $0x3  }
0x33: {  	p0 =	seq.s32 s10, $0x1;
	s10 =	sld [smem:$0x3FB6];
	_ =	sdelay $0x3  }
0x34: {  	[smem:$0x3FB6] =	sst s10  }
0x35: {  	s10 =	sld [smem:$0x3FB5];
	_ =	sdelay $0x3  }
0x36: {  	p1 =	seq.s32 s10, $0x1;
	s10 =	sld [smem:$0x3FB6];
	_ =	sdelay $0x3  }
0x37: {  	[smem:$0x3FB6] =	sst s10  }
0x38: {  	s10 =	sld [smem:$0x3FB7]  }
0x39: {  	_ = 	snop;
	(pc) =	sbr.ind lr, $3  }
0x3a: {  	_ = 	snop  }
0x3b: {  	_ = 	snop  }
0x3c: {  	p2 =	seq.s32 s10, $0x1;
	s10 =	sld [smem:$0x3FB6]  }
0x3d: {  	_ =	shalt  }
0x3e: {  	_ =	shalt  }
0x3f: {  	_ =	shalt  }
0x40: {  	_ =	shalt  }
0x41: {  	_ =	shalt  }
0x42: {  	_ =	shalt  }
0x43: {  	_ =	shalt  }
0x44: {  	_ =	shalt  }
0x45: {  	_ =	shalt  }
0x46: {  	_ =	shalt  }
0x47: {  	_ =	shalt  }
0x48: {  	_ =	shalt  }
0x49: {  	_ =	shalt  }
0x4a: {  	_ =	shalt  }
0x4b: {  	_ =	shalt  }
0x4c: {  	_ =	shalt  }
0x4d: {  	_ =	shalt  }
0x4e: {  	_ =	shalt  }
0x4f: {  	_ =	shalt  }
0x50: {  	_ =	shalt  }
0x51: {  	_ =	shalt  }
0x52: {  	_ =	shalt  }
0x53: {  	_ =	shalt  }
0x54: {  	_ =	shalt  }
0x55: {  	_ =	shalt  }
0x56: {  	_ =	shalt  }
0x57: {  	_ =	shalt  }
0x58: {  	_ =	shalt  }
0x59: {  	_ =	shalt  }
0x5a: {  	_ =	shalt  }
0x5b: {  	_ =	shalt  }
0x5c: {  	_ =	shalt  }
0x5d: {  	_ =	shalt  }
0x5e: {  	_ =	shalt  }
0x5f: {  	_ =	shalt  }
0x60: {  	_ =	shalt  }
0x61: {  	_ =	shalt  }
0x62: {  	_ =	shalt  }
0x63: {  	_ =	shalt  }
0x64: {  	_ =	shalt  }
0x65: {  	_ =	shalt  }
0x66: {  	_ =	shalt  }
0x67: {  	_ =	shalt  }
0x68: {  	_ =	shalt  }
0x69: {  	_ =	shalt  }
0x6a: {  	_ =	shalt  }
0x6b: {  	_ =	shalt  }
0x6c: {  	_ =	shalt  }
0x6d: {  	_ =	shalt  }
0x6e: {  	_ =	shalt  }
0x6f: {  	_ =	shalt  }
0x70: {  	_ =	shalt  }
0x71: {  	_ =	shalt  }
0x72: {  	_ =	shalt  }
0x73: {  	_ =	shalt  }
0x74: {  	_ =	shalt  }
0x75: {  	_ =	shalt  }
0x76: {  	_ =	shalt  }
0x77: {  	_ =	shalt  }
0x78: {  	_ =	shalt  }
0x79: {  	_ =	shalt  }
0x7a: {  	_ =	shalt  }
0x7b: {  	_ =	shalt  }
0x7c: {  	_ =	shalt  }
0x7d: {  	_ =	shalt  }
0x7e: {  	_ =	shalt  }
0x7f: {  	_ =	shalt  }
0x80: {  	_ =	shalt  }
0x81: {  	_ =	shalt  }
0x82: {  	_ =	shalt  }
0x83: {  	_ =	shalt  }
0x84: {  	_ =	shalt  }
0x85: {  	_ =	shalt  }
0x86: {  	_ =	shalt  }
0x87: {  	_ =	shalt  }
.Lfunc_end0:
.L_simem_size_0:
called_computation.1_lowered:
.L_overlay_start_0:
0x88: {  	s2 =	sld [smem:$0x3FD9]  }
0x89: {  	s3 =	sld [smem:$0x3FFE];
	_ =	sdelay $0x1  }
0x8a: {  	s1 =	srdreg.scid  }
0x8b: {  	s0 =	sand.u32 $0x1, s1  }
0x8c: {  	s17 =	sshll.u32 s0, $0xA;
	s2 =	sadd.s32 s3, s2  }
0x8d: {  	s2 =	sadd.s32 s2, s17  }
0x8e: {  	[smem:$0x3FC2] =	sst s2  }
0x8f: {  	_ = 	snop  }
0x90: {  	s2 =	sld [smem:$0x3FD0];
	(tm) =	ssettm $0x1  }
0x91: {  	s18 =	sld [smem:$0x3FFB];
	_ =	sdelay $0x3  }
0x92: {  	_ =	strace s18  }
0x93: {  	s3 =	sld [smem:$0x3FFC];
	_ =	sdelay $0x3  }
0x94: {  	_ =	strace s3  }
0x95: {  	s3 =	sld [smem:$0x3FFD];
	_ =	sdelay $0x3  }
0x96: {  	_ =	strace s3  }
0x97: {  	_ =	strace $0x8FFFFFFF  }
0x98: {  	s19 =	sld [smem:$0x3FDB];
	_ =	sdelay $0x1  }
0x99: {  	s4 =	simm.s32 $_scs_section_size  }
0x9a: {  	s5 =	simm.s32 $_size__tile_overlayer_lowered;
	s6 =	simm.s32 $_tile_overlayer_lowered  }
0x9b: {  	s22 =	simm.s32 $0x1BFF;
	s21 =	sshll.u32 s6, $0x1;
	s3 =	sadd.s32 s4, s19  }
0x9c: {  	s7 =	simm.s32 $0x0;
	s20 =	sshll.u32 s5, $0x1;
	s5 =	sadd.s32 s21, s3  }
0x9d: {  	[timem:s7], [sflag:s22] =	dma.local [hbm:s5], s20  }
0x9e: {  	_ =	swait.ge [sflag:s22], s20  }
0x9f: {  	s4 =	ssub.s32 $0x0, s20;
	[sflag:s22] =	ssyncset.done $0x0  }
0xa0: {  	[sflag:s22] =	ssyncadd.s32 s4;
	_ =	sdelay $0x1  }
0xa1: {  	s23 =	simm.s32 $0x1B8B  }
0xa2: {  	_ =	swait.ge [sflag:s23], $0x1  }
0xa3: {  	[sflag:s23] =	ssyncset.done $0x0  }
0xa4: {  	s25 =	simm.s32 $0x1B8E;
	s24 =	sld [smem:$0x3FFE];
	[sflag:s23] =	ssyncadd.s32 $0xFFFFFFFF  }
0xa5: {  	s26 =	simm.s32 $execute0_lowered;
	[smem:$0x3FD2] =	sst s25  }
0xa6: {  	s5 =	sshll.u32 s26, $0x1;
	_ =	strace $0x80000049;
	[dreg:$0x1] =	wrdreg $0xFFFFFFFF  }
0xa7: {  	s28 =	simm.s32 $_size_execute0_lowered;
	s3 =	sadd.s32 s3, s5;
	[dreg:$0x0] =	wrdreg $0x0  }
0xa8: {  	s5 =	sshll.u32 s28, $0x1;
	[dreg:$0x2] =	wrdreg s3  }
0xa9: {  	[dreg:$0x3] =	wrdreg s5  }
0xaa: {  	[dreg:$0x4] =	wrdreg $0xC0  }
0xab: {  	_ =	task [dreg:s7], $0x5FFFF  }
0xac: {  	[dreg:$0x1] =	wrdreg $0xFFFFFFFF  }
0xad: {  	[dreg:$0x0] =	wrdreg $0x60  }
0xae: {  	[dreg:$0x2] =	wrdreg s2  }
0xaf: {  	[dreg:$0x3] =	wrdreg s24  }
0xb0: {  	[dreg:$0x4] =	wrdreg $0x90000  }
0xb1: {  	[dreg:$0x5] =	wrdreg $0x9  }
0xb2: {  	_ =	task.clear_ibuf [dreg:s7], $0x6FFFF;
	_ =	strace $0x90000049  }
0xb3: {  	s29 =	simm.s32 $0x9;
	_ =	strace $0x8000004B  }
0xb4: {  	_ =	swait.ge [sflag:s29], $0x1  }
0xb5: {  	[sflag:s29] =	ssyncadd.s32 $0xFFFFFFFF  }
0xb6: {  	_ =	strace $0x9000004B  }
0xb7: {  	_ =	sfence  }
0xb8: {  	s30 =	sld [smem:$0x0];
	_ =	sdelay $0x2  }
0xb9: {  	s31 =	sshll.u32 s1, $0xD;
	s1 =	sshrl.u32 s1, $0x2  }
0xba: {  	s3 =	sand.u32 $0x4000, s31;
	s1 =	sadd.s32 s1, s30  }
0xbb: {  	s0 =	sor.u32 s3, s0;
	s1 =	sshll.u32 s1, $0x11  }
0xbc: {  	s0 =	sor.u32 s1, s0  }
0xbd: {  	s0 =	sadd.s32 $0x8F2B, s0  }
0xbe: {  	[sflag:s0] =	ssyncadd.remote.s32 $0x1  }
0xbf: {  	_ =	sfence.sel $0xFFFF  }
0xc0: {  	[dreg:$0x0] =	wrdreg $0xFFFFFFFF;
	(pc) =	sbr.abs _section_cstart, $3  }
0xc1: {  	[dreg:$0x1] =	wrdreg $0xFFFFFFFF  }
0xc2: {  	_ =	task.clear_ibuf [dreg:s7], $0x2FFFF;
	_ =	strace $0x9FFFFFFF  }
0xc3: {  	(tm) =	ssettm $0x7FFFFFFF  }
tec
execute0_lowered:
.L_overlay_start_1:
0x0: {  	(tag) =	ssettag $0x1  }
0x1: {  	s0 =	rddreg [dreg:$0x0]  }
0x2: {  	s1 =	rddreg [dreg:$0x1]  }
0x3: {  	s2 =	rddreg [dreg:$0x2]  }
0x4: {  	s3 =	simm.s32 $0x0;
	s4 =	srdreg.scid;
	s14 =	stileid.u32  }
0x5: {  	s28 =	simm.s32 $0x5;
	s29 =	simm.s32 $0x2000;
	s30 =	simm.s32 $0x50  }
0x6: {  	s31 =	simm.s32 $0x80;
	[smem:$0x7FF] =	sst s3;
	s5 =	smul.u32 $0x4F000, s14  }
0x7: {  	s4 =	sand.u32 $0x1, s4;
	s6 =	sadd.s32 $0x2000, s1;
	s8 =	smul.u32 $0x13C00, s14  }
0x8: {  	s9 =	sadd.s32 $0x1BE00, s1;
	s1 =	sadd.s32 $0x2BE00, s1;
	s14 =	sshll.u32 s14, $0xC  }
0x9: {  	s7 =	ssub.s32 $0x2, s4;
	s13 =	smul.u32 $0x13C000, s4;
	s4 =	sshll.u32 s4, $0xB  }
0xa: {  	s10 =	sshrl.u32 s7, $0x1;
	s5 =	sshrl.u32 s5, $0x2;
	s11 =	sadd.s32 $0x5000, s8  }
0xb: {  	s12 =	sadd.s32 $0x7800, s8;
	s21 =	sadd.s32 $0xA000, s8;
	s22 =	sadd.s32 $0xC800, s8  }
0xc: {  	s23 =	sadd.s32 $0xF000, s8;
	s24 =	sadd.s32 $0x11800, s8;
	s4 =	sor.u32 s4, s14  }
0xd: {  	s7 =	ssub.s32 s7, s10;
	s10 =	sadd.s32 $0x2800, s8;
	s8 =	sadd.s32 s8, s13  }
0xe: {  	s20 =	sadd.s32 s13, s11;
	s25 =	sadd.s32 s13, s12;
	s26 =	sadd.s32 s13, s21  }
0xf: {  	s17 =	sadd.s32 s13, s22;
	s18 =	sadd.s32 s13, s23;
	s21 =	sadd.s32 s21, s2  }
0x10: {  	s22 =	sadd.s32 s22, s2;
	s23 =	sadd.s32 s23, s2;
	s8 =	sshrl.u32 s8, $0x3  }
0x11: {  	s15 =	sadd.s32 s13, s10;
	s14 =	sshrl.u32 s25, $0x3;
	s16 =	sshrl.u32 s26, $0x3  }
0x12: {  	s13 =	sadd.s32 s13, s24;
	s25 =	sadd.s32 s6, s4;
	s26 =	sor.u32 $0x400, s4  }
0x13: {  	s4 =	sadd.s32 s9, s4;
	s24 =	sadd.s32 s24, s2;
	s8 =	sadd.s32 s1, s8  }
0x14: {  	s19 =	sshrl.u32 s15, $0x3;
	s14 =	sadd.s32 s1, s14;
	[dreg:$0xc] =	wrdreg s25  }
0x15: {  	[dreg:$0xd] =	wrdreg s4;
	s15 =	sadd.s32 s6, s26;
	s25 =	smax.u32 s7, $0x1  }
0x16: {  	s4 =	simm.s32 $0x2;
	s6 =	simm.s32 $0x4;
	[dreg:$0x4] =	wrdreg s8  }
0x17: {  	s7 =	simm.s32 $0x3F00;
	s8 =	sadd.s32 s1, s19;
	[dreg:$0x7] =	wrdreg s14  }
0x18: {  	s14 =	sshrl.u32 s18, $0x3;
	s18 =	sadd.s32 s10, s2;
	[dreg:$0x5] =	wrdreg s8  }
0x19: {  	s8 =	sshrl.u32 s20, $0x3;
	s19 =	sadd.s32 s1, s14;
	s20 =	sshrl.u32 s13, $0x3  }
0x1a: {  	s8 =	sadd.s32 s1, s8;
	[dreg:$0xa] =	wrdreg s19;
	s19 =	sadd.s32 s11, s2  }
0x1b: {  	s11 =	simm.s32 $0x6800;
	[dreg:$0x6] =	wrdreg s8;
	s8 =	sadd.s32 s1, s16  }
0x1c: {  	s16 =	sadd.s32 s9, s26;
	[dreg:$0x8] =	wrdreg s8;
	s8 =	sshrl.u32 s17, $0x3  }
0x1d: {  	s26 =	simm.s32 $0x4000;
	s9 =	simm.s32 $0x0;
	s8 =	sadd.s32 s1, s8  }
0x1e: {  	s17 =	sadd.s32 s5, s2;
	s1 =	sadd.s32 s1, s20;
	[dreg:$0x9] =	wrdreg s8  }
0x1f: {  	s5 =	simm.s32 $0x3;
	s20 =	sadd.s32 s12, s2;
	[dreg:$0xb] =	wrdreg s1  }
0x20: {  	v0 =	vimm.f32 $0.0e+00;
	s1 =	simm.s32 $0x1;
	s8 =	simm.s32 $0x3F80;
	_ =	strace $0x8000004A  }
.LBB2_1:
0x21: {  	s10 =	sand.u32 $0xFE00, s3  }
0x22: {  	s12 =	sand.u32 $0x70, s3;
	s13 =	sshrl.u32 s10, $0x2  }
0x23: {  	s10 =	simm.s32 $0x40;
	s13 =	sor.u32 s12, s13;
	s12 =	simm.s32 $0x0  }
.LBB2_2:
0x24: {  	p0 =	sne.s32 s10, $0x9FC0  }
0x25: {  	[tilespmem:s13+$0x4000] =	vst v0;
	s12 =	sadd.s32 $0x10, s12;
	s13 =	smov.u32 s10;
	s10 =	sadd.s32 $0x40, s10  }
.Ltmp0:
0x26: {  	(pc) =	sbr.rel @p0 .LBB2_2-.Ltmp0, $4  }
0x27: {  	_ = 	snop  }
0x28: {  	s13 =	sand.u32 $0xFE00, s13  }
0x29: {  	s14 =	sand.u32 $0x70, s12;
	s13 =	sshrl.u32 s13, $0x2  }
0x2a: {  	s13 =	sor.u32 s14, s13  }
0x2b: {  	[tilespmem:s13+$0x4000] =	vst v0  }
0x2c: {  	[spmem:s17] =	stream.linear.scatter [tilespmem:s26], [sflag:$0x5], $0x2800, $0x38;
	[tilespmem:$0x1CC00] =	vst v63  }
0x2d: {  	_ =	swait.ge [sflag:s28], $0x2800  }
0x2e: {  	[sflag:s28] =	ssyncset.done $0x0  }
0x2f: {  	[sflag:s28] =	ssyncadd.s32 $0xFFFFD800  }
0x30: {  	[spmem:s18] =	stream.linear.scatter [tilespmem:s26], [sflag:$0x5], $0x2800, $0x38;
	[tilespmem:$0x1CC00] =	vst v63  }
0x31: {  	_ =	swait.ge [sflag:s28], $0x2800  }
0x32: {  	[sflag:s28] =	ssyncset.done $0x0  }
0x33: {  	[sflag:s28] =	ssyncadd.s32 $0xFFFFD800  }
0x34: {  	[spmem:s19] =	stream.linear.scatter [tilespmem:s26], [sflag:$0x5], $0x2800, $0x38;
	[tilespmem:$0x1CC00] =	vst v63  }
0x35: {  	_ =	swait.ge [sflag:s28], $0x2800  }
0x36: {  	[sflag:s28] =	ssyncset.done $0x0  }
0x37: {  	[sflag:s28] =	ssyncadd.s32 $0xFFFFD800  }
0x38: {  	[spmem:s20] =	stream.linear.scatter [tilespmem:s26], [sflag:$0x5], $0x2800, $0x38;
	[tilespmem:$0x1CC00] =	vst v63  }
0x39: {  	_ =	swait.ge [sflag:s28], $0x2800  }
0x3a: {  	[sflag:s28] =	ssyncset.done $0x0  }
0x3b: {  	[sflag:s28] =	ssyncadd.s32 $0xFFFFD800  }
0x3c: {  	[spmem:s21] =	stream.linear.scatter [tilespmem:s26], [sflag:$0x5], $0x2800, $0x38;
	[tilespmem:$0x1CC00] =	vst v63  }
0x3d: {  	_ =	swait.ge [sflag:s28], $0x2800  }
0x3e: {  	[sflag:s28] =	ssyncset.done $0x0  }
0x3f: {  	[sflag:s28] =	ssyncadd.s32 $0xFFFFD800  }
0x40: {  	[spmem:s22] =	stream.linear.scatter [tilespmem:s26], [sflag:$0x5], $0x2800, $0x38;
	[tilespmem:$0x1CC00] =	vst v63  }
0x41: {  	_ =	swait.ge [sflag:s28], $0x2800  }
0x42: {  	[sflag:s28] =	ssyncset.done $0x0  }
0x43: {  	[sflag:s28] =	ssyncadd.s32 $0xFFFFD800  }
0x44: {  	[spmem:s23] =	stream.linear.scatter [tilespmem:s26], [sflag:$0x5], $0x2800, $0x38;
	[tilespmem:$0x1CC00] =	vst v63  }
0x45: {  	_ =	swait.ge [sflag:s28], $0x2800  }
0x46: {  	[sflag:s28] =	ssyncset.done $0x0  }
0x47: {  	[sflag:s28] =	ssyncadd.s32 $0xFFFFD800  }
0x48: {  	[spmem:s24] =	stream.linear.scatter [tilespmem:s26], [sflag:$0x5], $0x2400, $0x38;
	[tilespmem:$0x1CC00] =	vst v63  }
0x49: {  	_ =	swait.ge [sflag:s28], $0x2400  }
0x4a: {  	[sflag:s28] =	ssyncset.done $0x0  }
0x4b: {  	[sflag:s28] =	ssyncadd.s32 $0xFFFFDC00  }
0x4c: {  	[bflag:$0x0] =	sbarrier.arrive $0xFFFF  }
0x4d: {  	s10 =	simm.s32 $0x0;
	s12 =	rddreg [dreg:$0xc]  }
0x4e: {  	[tilespmem:s10], [sflag:$0x5] =	stream.linear.gather [hbm4b:s12+s10], $0x2000, $0x38;
	[tilespmem:$0x1CC00] =	vst v63  }
0x4f: {  	_ =	swait.ge [sflag:s28], $0x2000  }
0x50: {  	[sflag:s28] =	ssyncset.done $0x0  }
0x51: {  	s14 =	rddreg [dreg:$0xd];
	[sflag:s28] =	ssyncadd.s32 $0xFFFFE000  }
0x52: {  	[tilespmem:s29], [sflag:$0x5] =	stream.linear.gather [hbm4b:s14+s10], $0x2000, $0x38;
	[tilespmem:$0x1CC00] =	vst v63  }
0x53: {  	_ =	swait.ge [sflag:s28], $0x2000  }
0x54: {  	[sflag:s28] =	ssyncset.done $0x0  }
0x55: {  	[sflag:s28] =	ssyncadd.s32 $0xFFFFE000  }
0x56: {  	[tilespmem:s26], [sflag:$0x1] =	stream.indirect.gather [hbm4b:s0+s30], $0x80, s10, s30, $0xb8;
	[tilespmem:$0x1CC00] =	vst v63  }
0x57: {  	_ = 	snop  }
0x58: {  	[tilespmem:s11], [sflag:$0x2] =	stream.indirect.gather [hbm4b:s0+s30], $0x80, s31, s30, $0xb8;
	[tilespmem:$0x1CC00] =	vst v63  }
0x59: {  	_ =	swait.ge [sflag:s1], $0x2800  }
0x5a: {  	[sflag:s1] =	ssyncset.done $0x0  }
0x5b: {  	s12 =	simm.s32 $0x2000;
	[sflag:s1] =	ssyncadd.s32 $0xFFFFD800  }
0x5c: {  	[spmem:s2] =	stream.indirect.scatter.add.f32 [tilespmem:s26], [sflag:$0x3], $0x80, s12, s30, $0xb8;
	[tilespmem:$0x1CC00] =	vst v63  }
0x5d: {  	_ =	swait.ge [sflag:s4], $0x2800  }
0x5e: {  	[sflag:s4] =	ssyncset.done $0x0  }
0x5f: {  	[sflag:s4] =	ssyncadd.s32 $0xFFFFD800  }
0x60: {  	_ =	swait.ge [sflag:s5], $0x2800  }
0x61: {  	[sflag:s5] =	ssyncset.done $0x0  }
0x62: {  	s13 =	simm.s32 $0x100;
	[sflag:s5] =	ssyncadd.s32 $0xFFFFD800  }
0x63: {  	[tilespmem:s26], [sflag:$0x1] =	stream.indirect.gather [hbm4b:s0+s30], $0x80, s13, s30, $0xb8;
	[tilespmem:$0x1CC00] =	vst v63  }
0x64: {  	s14 =	simm.s32 $0x2080  }
0x65: {  	[spmem:s2] =	stream.indirect.scatter.add.f32 [tilespmem:s11], [sflag:$0x4], $0x80, s14, s30, $0xb8;
	[tilespmem:$0x1CC00] =	vst v63  }
0x66: {  	_ =	swait.ge [sflag:s6], $0x2800  }
0x67: {  	[sflag:s6] =	ssyncset.done $0x0  }
0x68: {  	s10 =	simm.s32 $0x400;
	s12 =	simm.s32 $0x180;
	[sflag:s6] =	ssyncadd.s32 $0xFFFFD800  }
.LBB2_4:
0x69: {  	[tilespmem:s11], [sflag:$0x2] =	stream.indirect.gather [hbm4b:s0+s30], $0x80, s12, s30, $0xb8;
	[tilespmem:$0x1CC00] =	vst v63  }
0x6a: {  	s12 =	smov.u32 s10  }
0x6b: {  	p0 =	sne.s32 s10, $0x7800;
	s10 =	sadd.s32 $0x400, s10;
	_ =	swait.ge [sflag:s1], $0x2800  }
0x6c: {  	s12 =	sshra.s32 s12, $0x2;
	[sflag:s1] =	ssyncset.done $0x0  }
0x6d: {  	s13 =	sadd.s32 $0x2000, s12;
	[sflag:s1] =	ssyncadd.s32 $0xFFFFD800  }
0x6e: {  	[spmem:s2] =	stream.indirect.scatter.add.f32 [tilespmem:s26], [sflag:$0x3], $0x80, s13, s30, $0xb8;
	[tilespmem:$0x1CC00] =	vst v63  }
0x6f: {  	_ =	swait.ge [sflag:s4], $0x2800  }
0x70: {  	[sflag:s4] =	ssyncset.done $0x0  }
0x71: {  	[sflag:s4] =	ssyncadd.s32 $0xFFFFD800  }
0x72: {  	_ =	swait.ge [sflag:s5], $0x2800  }
0x73: {  	[sflag:s5] =	ssyncset.done $0x0  }
0x74: {  	s13 =	sadd.s32 $0x100, s12;
	[sflag:s5] =	ssyncadd.s32 $0xFFFFD800  }
0x75: {  	[tilespmem:s26], [sflag:$0x1] =	stream.indirect.gather [hbm4b:s0+s30], $0x80, s13, s30, $0xb8;
	[tilespmem:$0x1CC00] =	vst v63  }
.Ltmp1:
0x76: {  	s13 =	sadd.s32 $0x2080, s12;
	(pc) =	sbr.rel @p0 .LBB2_4-.Ltmp1, $4  }
0x77: {  	[spmem:s2] =	stream.indirect.scatter.add.f32 [tilespmem:s11], [sflag:$0x4], $0x80, s13, s30, $0xb8;
	[tilespmem:$0x1CC00] =	vst v63  }
0x78: {  	_ =	swait.ge [sflag:s6], $0x2800  }
0x79: {  	[sflag:s6] =	ssyncset.done $0x0  }
0x7a: {  	s12 =	sadd.s32 $0x180, s12;
	[sflag:s6] =	ssyncadd.s32 $0xFFFFD800  }
0x7b: {  	[tilespmem:s11], [sflag:$0x2] =	stream.indirect.gather [hbm4b:s0+s30], $0x80, s12, s30, $0xb8;
	[tilespmem:$0x1CC00] =	vst v63  }
0x7c: {  	_ =	swait.ge [sflag:s1], $0x2800  }
0x7d: {  	[sflag:s1] =	ssyncset.done $0x0  }
0x7e: {  	[sflag:s1] =	ssyncadd.s32 $0xFFFFD800  }
0x7f: {  	[spmem:s2] =	stream.indirect.scatter.add.f32 [tilespmem:s26], [sflag:$0x3], $0x80, s7, s30, $0xb8;
	[tilespmem:$0x1CC00] =	vst v63  }
0x80: {  	_ =	swait.ge [sflag:s4], $0x2800  }
0x81: {  	[sflag:s4] =	ssyncset.done $0x0  }
0x82: {  	[sflag:s4] =	ssyncadd.s32 $0xFFFFD800  }
0x83: {  	_ =	swait.ge [sflag:s5], $0x2800  }
0x84: {  	[sflag:s5] =	ssyncset.done $0x0  }
0x85: {  	[sflag:s5] =	ssyncadd.s32 $0xFFFFD800  }
0x86: {  	[spmem:s2] =	stream.indirect.scatter.add.f32 [tilespmem:s11], [sflag:$0x4], $0x80, s8, s30, $0xb8;
	[tilespmem:$0x1CC00] =	vst v63  }
0x87: {  	_ =	swait.ge [sflag:s6], $0x2800  }
0x88: {  	[sflag:s6] =	ssyncset.done $0x0  }
0x89: {  	s10 =	simm.s32 $0x0;
	[sflag:s6] =	ssyncadd.s32 $0xFFFFD800  }
0x8a: {  	[tilespmem:s10], [sflag:$0x5] =	stream.linear.gather [hbm4b:s15+s10], $0x2000, $0x38;
	[tilespmem:$0x1CC00] =	vst v63  }
0x8b: {  	_ =	swait.ge [sflag:s28], $0x2000  }
0x8c: {  	[sflag:s28] =	ssyncset.done $0x0  }
0x8d: {  	[sflag:s28] =	ssyncadd.s32 $0xFFFFE000  }
0x8e: {  	[tilespmem:s29], [sflag:$0x5] =	stream.linear.gather [hbm4b:s16+s10], $0x2000, $0x38;
	[tilespmem:$0x1CC00] =	vst v63  }
0x8f: {  	_ =	swait.ge [sflag:s28], $0x2000  }
0x90: {  	[sflag:s28] =	ssyncset.done $0x0  }
0x91: {  	[sflag:s28] =	ssyncadd.s32 $0xFFFFE000  }
0x92: {  	[tilespmem:s26], [sflag:$0x1] =	stream.indirect.gather [hbm4b:s0+s30], $0x80, s10, s30, $0xb8;
	[tilespmem:$0x1CC00] =	vst v63  }
0x93: {  	_ = 	snop  }
0x94: {  	[tilespmem:s11], [sflag:$0x2] =	stream.indirect.gather [hbm4b:s0+s30], $0x80, s31, s30, $0xb8;
	[tilespmem:$0x1CC00] =	vst v63  }
0x95: {  	_ =	swait.ge [sflag:s1], $0x2800  }
0x96: {  	[sflag:s1] =	ssyncset.done $0x0  }
0x97: {  	s12 =	simm.s32 $0x2000;
	[sflag:s1] =	ssyncadd.s32 $0xFFFFD800  }
0x98: {  	[spmem:s2] =	stream.indirect.scatter.add.f32 [tilespmem:s26], [sflag:$0x3], $0x80, s12, s30, $0xb8;
	[tilespmem:$0x1CC00] =	vst v63  }
0x99: {  	_ =	swait.ge [sflag:s4], $0x2800  }
0x9a: {  	[sflag:s4] =	ssyncset.done $0x0  }
0x9b: {  	[sflag:s4] =	ssyncadd.s32 $0xFFFFD800  }
0x9c: {  	_ =	swait.ge [sflag:s5], $0x2800  }
0x9d: {  	[sflag:s5] =	ssyncset.done $0x0  }
0x9e: {  	s13 =	simm.s32 $0x100;
	[sflag:s5] =	ssyncadd.s32 $0xFFFFD800  }
0x9f: {  	[tilespmem:s26], [sflag:$0x1] =	stream.indirect.gather [hbm4b:s0+s30], $0x80, s13, s30, $0xb8;
	[tilespmem:$0x1CC00] =	vst v63  }
0xa0: {  	s14 =	simm.s32 $0x2080  }
0xa1: {  	[spmem:s2] =	stream.indirect.scatter.add.f32 [tilespmem:s11], [sflag:$0x4], $0x80, s14, s30, $0xb8;
	[tilespmem:$0x1CC00] =	vst v63  }
0xa2: {  	_ =	swait.ge [sflag:s6], $0x2800  }
0xa3: {  	[sflag:s6] =	ssyncset.done $0x0  }
0xa4: {  	s10 =	simm.s32 $0x400;
	s12 =	simm.s32 $0x180;
	[sflag:s6] =	ssyncadd.s32 $0xFFFFD800  }
.LBB2_6:
0xa5: {  	[tilespmem:s11], [sflag:$0x2] =	stream.indirect.gather [hbm4b:s0+s30], $0x80, s12, s30, $0xb8;
	[tilespmem:$0x1CC00] =	vst v63  }
0xa6: {  	s12 =	smov.u32 s10  }
0xa7: {  	p0 =	sne.s32 s10, $0x7800;
	s10 =	sadd.s32 $0x400, s10;
	_ =	swait.ge [sflag:s1], $0x2800  }
0xa8: {  	s12 =	sshra.s32 s12, $0x2;
	[sflag:s1] =	ssyncset.done $0x0  }
0xa9: {  	s13 =	sadd.s32 $0x2000, s12;
	[sflag:s1] =	ssyncadd.s32 $0xFFFFD800  }
0xaa: {  	[spmem:s2] =	stream.indirect.scatter.add.f32 [tilespmem:s26], [sflag:$0x3], $0x80, s13, s30, $0xb8;
	[tilespmem:$0x1CC00] =	vst v63  }
0xab: {  	_ =	swait.ge [sflag:s4], $0x2800  }
0xac: {  	[sflag:s4] =	ssyncset.done $0x0  }
0xad: {  	[sflag:s4] =	ssyncadd.s32 $0xFFFFD800  }
0xae: {  	_ =	swait.ge [sflag:s5], $0x2800  }
0xaf: {  	[sflag:s5] =	ssyncset.done $0x0  }
0xb0: {  	s13 =	sadd.s32 $0x100, s12;
	[sflag:s5] =	ssyncadd.s32 $0xFFFFD800  }
0xb1: {  	[tilespmem:s26], [sflag:$0x1] =	stream.indirect.gather [hbm4b:s0+s30], $0x80, s13, s30, $0xb8;
	[tilespmem:$0x1CC00] =	vst v63  }
.Ltmp2:
0xb2: {  	s13 =	sadd.s32 $0x2080, s12;
	(pc) =	sbr.rel @p0 .LBB2_6-.Ltmp2, $4  }
0xb3: {  	[spmem:s2] =	stream.indirect.scatter.add.f32 [tilespmem:s11], [sflag:$0x4], $0x80, s13, s30, $0xb8;
	[tilespmem:$0x1CC00] =	vst v63  }
0xb4: {  	_ =	swait.ge [sflag:s6], $0x2800  }
0xb5: {  	[sflag:s6] =	ssyncset.done $0x0  }
0xb6: {  	s12 =	sadd.s32 $0x180, s12;
	[sflag:s6] =	ssyncadd.s32 $0xFFFFD800  }
0xb7: {  	[tilespmem:s11], [sflag:$0x2] =	stream.indirect.gather [hbm4b:s0+s30], $0x80, s12, s30, $0xb8;
	[tilespmem:$0x1CC00] =	vst v63  }
0xb8: {  	_ =	swait.ge [sflag:s1], $0x2800  }
0xb9: {  	[sflag:s1] =	ssyncset.done $0x0  }
0xba: {  	[sflag:s1] =	ssyncadd.s32 $0xFFFFD800  }
0xbb: {  	[spmem:s2] =	stream.indirect.scatter.add.f32 [tilespmem:s26], [sflag:$0x3], $0x80, s7, s30, $0xb8;
	[tilespmem:$0x1CC00] =	vst v63  }
0xbc: {  	_ =	swait.ge [sflag:s4], $0x2800  }
0xbd: {  	[sflag:s4] =	ssyncset.done $0x0  }
0xbe: {  	[sflag:s4] =	ssyncadd.s32 $0xFFFFD800  }
0xbf: {  	_ =	swait.ge [sflag:s5], $0x2800  }
0xc0: {  	[sflag:s5] =	ssyncset.done $0x0  }
0xc1: {  	[sflag:s5] =	ssyncadd.s32 $0xFFFFD800  }
0xc2: {  	[spmem:s2] =	stream.indirect.scatter.add.f32 [tilespmem:s11], [sflag:$0x4], $0x80, s8, s30, $0xb8;
	[tilespmem:$0x1CC00] =	vst v63  }
0xc3: {  	_ =	swait.ge [sflag:s6], $0x2800  }
0xc4: {  	[sflag:s6] =	ssyncset.done $0x0  }
0xc5: {  	[sflag:s6] =	ssyncadd.s32 $0xFFFFD800  }
0xc6: {  	[bflag:$0x0] =	sbarrier.arrive $0xFFFF  }
0xc7: {  	[tilespmem:s26], [sflag:$0x5] =	stream.linear.gather [spmem:s17], $0x2800, $0x38;
	[tilespmem:$0x1CC00] =	vst v63  }
0xc8: {  	_ =	swait.ge [sflag:s28], $0x2800  }
0xc9: {  	[sflag:s28] =	ssyncset.done $0x0  }
0xca: {  	s10 =	rddreg [dreg:$0x4];
	[sflag:s28] =	ssyncadd.s32 $0xFFFFD800  }
0xcb: {  	[hbm4b:s10+s3] =	stream.linear.scatter [tilespmem:s26], [sflag:$0x5], $0x2800, $0x38;
	[tilespmem:$0x1CC00] =	vst v63  }
0xcc: {  	_ =	swait.ge [sflag:s28], $0x2800  }
0xcd: {  	[sflag:s28] =	ssyncset.done $0x0  }
0xce: {  	[sflag:s28] =	ssyncadd.s32 $0xFFFFD800  }
0xcf: {  	[tilespmem:s26], [sflag:$0x5] =	stream.linear.gather [spmem:s18], $0x2800, $0x38;
	[tilespmem:$0x1CC00] =	vst v63  }
0xd0: {  	_ =	swait.ge [sflag:s28], $0x2800  }
0xd1: {  	[sflag:s28] =	ssyncset.done $0x0  }
0xd2: {  	s14 =	rddreg [dreg:$0x5];
	[sflag:s28] =	ssyncadd.s32 $0xFFFFD800  }
0xd3: {  	[hbm4b:s14+s3] =	stream.linear.scatter [tilespmem:s26], [sflag:$0x5], $0x2800, $0x38;
	[tilespmem:$0x1CC00] =	vst v63  }
0xd4: {  	_ =	swait.ge [sflag:s28], $0x2800  }
0xd5: {  	[sflag:s28] =	ssyncset.done $0x0  }
0xd6: {  	[sflag:s28] =	ssyncadd.s32 $0xFFFFD800  }
0xd7: {  	[tilespmem:s26], [sflag:$0x5] =	stream.linear.gather [spmem:s19], $0x2800, $0x38;
	[tilespmem:$0x1CC00] =	vst v63  }
0xd8: {  	_ =	swait.ge [sflag:s28], $0x2800  }
0xd9: {  	[sflag:s28] =	ssyncset.done $0x0  }
0xda: {  	s12 =	rddreg [dreg:$0x6];
	[sflag:s28] =	ssyncadd.s32 $0xFFFFD800  }
0xdb: {  	[hbm4b:s12+s3] =	stream.linear.scatter [tilespmem:s26], [sflag:$0x5], $0x2800, $0x38;
	[tilespmem:$0x1CC00] =	vst v63  }
0xdc: {  	_ =	swait.ge [sflag:s28], $0x2800  }
0xdd: {  	[sflag:s28] =	ssyncset.done $0x0  }
0xde: {  	[sflag:s28] =	ssyncadd.s32 $0xFFFFD800  }
0xdf: {  	[tilespmem:s26], [sflag:$0x5] =	stream.linear.gather [spmem:s20], $0x2800, $0x38;
	[tilespmem:$0x1CC00] =	vst v63  }
0xe0: {  	_ =	swait.ge [sflag:s28], $0x2800  }
0xe1: {  	[sflag:s28] =	ssyncset.done $0x0  }
0xe2: {  	s13 =	rddreg [dreg:$0x7];
	[sflag:s28] =	ssyncadd.s32 $0xFFFFD800  }
0xe3: {  	[hbm4b:s13+s3] =	stream.linear.scatter [tilespmem:s26], [sflag:$0x5], $0x2800, $0x38;
	[tilespmem:$0x1CC00] =	vst v63  }
0xe4: {  	_ =	swait.ge [sflag:s28], $0x2800  }
0xe5: {  	[sflag:s28] =	ssyncset.done $0x0  }
0xe6: {  	[sflag:s28] =	ssyncadd.s32 $0xFFFFD800  }
0xe7: {  	[tilespmem:s26], [sflag:$0x5] =	stream.linear.gather [spmem:s21], $0x2800, $0x38;
	[tilespmem:$0x1CC00] =	vst v63  }
0xe8: {  	_ =	swait.ge [sflag:s28], $0x2800  }
0xe9: {  	[sflag:s28] =	ssyncset.done $0x0  }
0xea: {  	s14 =	rddreg [dreg:$0x8];
	[sflag:s28] =	ssyncadd.s32 $0xFFFFD800  }
0xeb: {  	[hbm4b:s14+s3] =	stream.linear.scatter [tilespmem:s26], [sflag:$0x5], $0x2800, $0x38;
	[tilespmem:$0x1CC00] =	vst v63  }
0xec: {  	_ =	swait.ge [sflag:s28], $0x2800  }
0xed: {  	[sflag:s28] =	ssyncset.done $0x0  }
0xee: {  	[sflag:s28] =	ssyncadd.s32 $0xFFFFD800  }
0xef: {  	[tilespmem:s26], [sflag:$0x5] =	stream.linear.gather [spmem:s22], $0x2800, $0x38;
	[tilespmem:$0x1CC00] =	vst v63  }
0xf0: {  	_ =	swait.ge [sflag:s28], $0x2800  }
0xf1: {  	[sflag:s28] =	ssyncset.done $0x0  }
0xf2: {  	s12 =	rddreg [dreg:$0x9];
	[sflag:s28] =	ssyncadd.s32 $0xFFFFD800  }
0xf3: {  	[hbm4b:s12+s3] =	stream.linear.scatter [tilespmem:s26], [sflag:$0x5], $0x2800, $0x38;
	[tilespmem:$0x1CC00] =	vst v63  }
0xf4: {  	_ =	swait.ge [sflag:s28], $0x2800  }
0xf5: {  	[sflag:s28] =	ssyncset.done $0x0  }
0xf6: {  	[sflag:s28] =	ssyncadd.s32 $0xFFFFD800  }
0xf7: {  	[tilespmem:s26], [sflag:$0x5] =	stream.linear.gather [spmem:s23], $0x2800, $0x38;
	[tilespmem:$0x1CC00] =	vst v63  }
0xf8: {  	_ =	swait.ge [sflag:s28], $0x2800  }
0xf9: {  	[sflag:s28] =	ssyncset.done $0x0  }
0xfa: {  	s13 =	rddreg [dreg:$0xa];
	[sflag:s28] =	ssyncadd.s32 $0xFFFFD800  }
0xfb: {  	[hbm4b:s13+s3] =	stream.linear.scatter [tilespmem:s26], [sflag:$0x5], $0x2800, $0x38;
	[tilespmem:$0x1CC00] =	vst v63  }
0xfc: {  	_ =	swait.ge [sflag:s28], $0x2800  }
0xfd: {  	[sflag:s28] =	ssyncset.done $0x0  }
0xfe: {  	[sflag:s28] =	ssyncadd.s32 $0xFFFFD800  }
0xff: {  	[tilespmem:s26], [sflag:$0x5] =	stream.linear.gather [spmem:s24], $0x2400, $0x38;
	[tilespmem:$0x1CC00] =	vst v63  }
0x100: {  	s9 =	sadd.s32 $0x1, s9;
	_ =	swait.ge [sflag:s28], $0x2400  }
0x101: {  	p0 =	sne.s32 s9, s25;
	[sflag:s28] =	ssyncset.done $0x0  }
.Ltmp3:
0x102: {  	s14 =	rddreg [dreg:$0xb];
	[sflag:s28] =	ssyncadd.s32 $0xFFFFDC00;
	(pc) =	sbr.rel @p0 .LBB2_1-.Ltmp3, $4  }
0x103: {  	[hbm4b:s14+s3] =	stream.linear.scatter [tilespmem:s26], [sflag:$0x5], $0x2400, $0x38;
	[tilespmem:$0x1CC00] =	vst v63  }
0x104: {  	_ =	swait.ge [sflag:s28], $0x2400  }
0x105: {  	[sflag:s28] =	ssyncset.done $0x0  }
0x106: {  	[sflag:s28] =	ssyncadd.s32 $0xFFFFDC00  }
0x107: {  	_ =	sfence.sel $0x180000  }
0x108: {  	[bflag:$0x0] =	sbarrier.arrive $0xFFFF  }
0x109: {  	_ =	strace $0x9000004A  }
0x10a: {  	s0 =	stileid.u32;
	[bflag:$0x2] =	sbarrier.arrive $0xFFFF  }
0x10b: {  	p0 =	sne.s32 s0, $0x0;
	s0 =	rddreg [dreg:$0x3]  }
0x10c: {  	s0 =	sadd.s32 @!p0 $0x100000, s0  }
0x10d: {  	[sflag:s0] =	ssyncadd.tile.s32 @!p0 $0x1;
	_ =	shalt  }
.Lfunc_end2:
_tile_overlayer_lowered:
.L_overlay_start_2:
0x10e: {  	(tag) =	ssettag $0x2  }
0x10f: {  	s0 =	rddreg [dreg:$0x0];
	s2 =	stileid.u32  }
0x110: {  	s1 =	rddreg [dreg:$0x1];
	p0 =	sne.s32 s2, $0x0  }
0x111: {  	s3 =	rddreg [dreg:$0x2];
	[bflag:$0x3] =	sbarrier.arrive $0xFFFF;
	s2 =	simm.s32 @!p0 $0x1C05  }
0x112: {  	[timem:s3], [sflag:s2] =	dma.local @!p0 [hbm:s0], s1  }
0x113: {  	s0 =	simm.s32 @!p0 $0x5  }
0x114: {  	_ =	swait.ge @!p0 [sflag:s0], s1  }
0x115: {  	s1 =	ssub.s32 @!p0 $0x0, s1;
	[sflag:s0] =	ssyncset.done @!p0 $0x0  }
0x116: {  	[sflag:s0] =	ssyncadd.s32 @!p0 s1  }
0x117: {  	[bflag:$0x3] =	sbarrier.arrive $0xFFFF  }
0x118: {  	_ =	shalt  }

// kernel: kernel.14.cloned.1.call-start
scs
__scs_entry_jumppad:
0x0: {  	(pc) =	sbr.rel $0x88, $3  }
0x1: {  	(tag) =	ssettag $0x0;
	lr =	simm.s32 $0x1  }
0x2: {  	[smem:$0x3F9B] =	sst lr;
	_ =	strace $0xD0000000  }
0x3: {  	_ = 	snop  }
0x4: {  	_ = 	snop  }
0x5: {  	_ = 	snop  }
0x6: {  	_ = 	snop  }
0x7: {  	_ = 	snop  }
__scs_overlays_trampoline_lowered:
0x8: {  	[smem:$0x3FAA] =	sst s0  }
0x9: {  	[smem:$0x3FAB] =	sst s1  }
0xa: {  	[smem:$0x3FAC] =	sst s2  }
0xb: {  	[smem:$0x3FAD] =	sst s3  }
0xc: {  	[smem:$0x3FAE] =	sst s4  }
0xd: {  	[smem:$0x3FAF] =	sst s5  }
0xe: {  	[smem:$0x3FB0] =	sst s6  }
0xf: {  	[smem:$0x3FB1] =	sst s7  }
0x10: {  	[smem:$0x3FB2] =	sst s8  }
0x11: {  	[smem:$0x3FB3] =	sst s9;
	s0 =	simm.s32 @!p0 $0x0  }
0x12: {  	s1 =	sld [smem:$0x3F99];
	s0 =	simm.s32 @p0 $0x1  }
0x13: {  	[smem:$0x3FB4] =	sst s0;
	s0 =	simm.s32 @!p1 $0x0  }
0x14: {  	s2 =	sld [smem:$0x3F98];
	s0 =	simm.s32 @p1 $0x1  }
0x15: {  	[smem:$0x3FB5] =	sst s0;
	s0 =	simm.s32 @!p2 $0x0  }
0x16: {  	s3 =	sld [smem:$0x3FDB];
	s0 =	simm.s32 @p2 $0x1  }
0x17: {  	s4 =	simm.s32 $0x1BF5;
	[smem:$0x3FB7] =	sst s0  }
0x18: {  	s0 =	sld [smem:$0x3F9A];
	_ =	swait.ge [sflag:s4], $0x0  }
0x19: {  	s7 =	sld [smem:$0x3F9B]  }
0x1a: {  	s8 =	sadd.s32 $0xFFFFE003, lr  }
0x1b: {  	s9 =	sadd.s32 $0xFFFFFEF7, lr;
	s5 =	simm.s32 $0xFFFFFFFF;
	p2 =	slt.u32 s8, $0xFFFFF086  }
0x1c: {  	p1 =	slt.u32 s9, $0xF7A;
	s5 =	simm.s32 @!p2 $0x0  }
0x1d: {  	s5 =	simm.s32 @p1 $0x1;
	p0 =	seq.s32 s7, s2  }
0x1e: {  	s7 =	smul.u32 @!p0 $0xF7A, s2;
	p2 =	seq.s32 @!p0 s5, $0x0  }
0x1f: {  	s9 =	smul.u32 $0xF7A, s1;
	s8 =	simm.s32 @!p0 $0x1BF5;
	p2 =	por !p2, p0  }
0x20: {  	[sflag:s8] =	ssyncset.s32 @!p0 $0xFFFFF086;
	s6 =	sadd.s32 @!p0 s3, s7;
	s7 =	simm.s32 @!p0 $0x108  }
0x21: {  	s3 =	sadd.s32 s3, s9;
	s6 =	sadd.s32 @!p0 $0x88, s6;
	s7 =	simm.s32 @p2 $0x1082  }
0x22: {  	[simem:s7], [sflag:s8] =	dma.local @!p0 [hbm:s6], $0xF7A  }
0x23: {  	s9 =	sor.u32 $0xD0000000, s2;
	s6 =	simm.s32 $0x108;
	_ =	swait.ge @!p0 [sflag:s8], $0x0  }
0x24: {  	s3 =	sadd.s32 $0x88, s3;
	s6 =	simm.s32 @!p1 $0x1082;
	[sflag:s4] =	ssyncset.s32 $0xFFFFF086  }
0x25: {  	[simem:s6], [sflag:s4] =	dma.local [hbm:s3], $0xF7A  }
0x26: {  	[smem:$0x3F9B] =	sst s1;
	(tag) =	ssettag s2;
	_ =	strace s9  }
0x27: {  	s1 =	sld [smem:$0x3FAB]  }
0x28: {  	s2 =	sld [smem:$0x3FAC]  }
0x29: {  	s4 =	sld [smem:$0x3FAE]  }
0x2a: {  	p0 =	seq.s32 s5, $0x0;
	s5 =	sld [smem:$0x3FAF]  }
0x2b: {  	s6 =	sld [smem:$0x3FB0]  }
0x2c: {  	s7 =	sld [smem:$0x3FB1]  }
0x2d: {  	s3 =	simm.s32 $0x108;
	s8 =	sld [smem:$0x3FB2]  }
0x2e: {  	s3 =	simm.s32 @!p0 $0x1082;
	s9 =	sld [smem:$0x3FB3]  }
0x2f: {  	lr =	sadd.s32 s0, s3;
	s0 =	sld [smem:$0x3FAA]  }
0x30: {  	s3 =	sld [smem:$0x3FAD]  }
0x31: {  	[smem:$0x3FB6] =	sst s10  }
0x32: {  	s10 =	sld [smem:$0x3FB4];
	_ =	sdelay $0x3  }
0x33: {  	p0 =	seq.s32 s10, $0x1;
	s10 =	sld [smem:$0x3FB6];
	_ =	sdelay $0x3  }
0x34: {  	[smem:$0x3FB6] =	sst s10  }
0x35: {  	s10 =	sld [smem:$0x3FB5];
	_ =	sdelay $0x3  }
0x36: {  	p1 =	seq.s32 s10, $0x1;
	s10 =	sld [smem:$0x3FB6];
	_ =	sdelay $0x3  }
0x37: {  	[smem:$0x3FB6] =	sst s10  }
0x38: {  	s10 =	sld [smem:$0x3FB7]  }
0x39: {  	_ = 	snop;
	(pc) =	sbr.ind lr, $3  }
0x3a: {  	_ = 	snop  }
0x3b: {  	_ = 	snop  }
0x3c: {  	p2 =	seq.s32 s10, $0x1;
	s10 =	sld [smem:$0x3FB6]  }
0x3d: {  	_ =	shalt  }
0x3e: {  	_ =	shalt  }
0x3f: {  	_ =	shalt  }
0x40: {  	_ =	shalt  }
0x41: {  	_ =	shalt  }
0x42: {  	_ =	shalt  }
0x43: {  	_ =	shalt  }
0x44: {  	_ =	shalt  }
0x45: {  	_ =	shalt  }
0x46: {  	_ =	shalt  }
0x47: {  	_ =	shalt  }
0x48: {  	_ =	shalt  }
0x49: {  	_ =	shalt  }
0x4a: {  	_ =	shalt  }
0x4b: {  	_ =	shalt  }
0x4c: {  	_ =	shalt  }
0x4d: {  	_ =	shalt  }
0x4e: {  	_ =	shalt  }
0x4f: {  	_ =	shalt  }
0x50: {  	_ =	shalt  }
0x51: {  	_ =	shalt  }
0x52: {  	_ =	shalt  }
0x53: {  	_ =	shalt  }
0x54: {  	_ =	shalt  }
0x55: {  	_ =	shalt  }
0x56: {  	_ =	shalt  }
0x57: {  	_ =	shalt  }
0x58: {  	_ =	shalt  }
0x59: {  	_ =	shalt  }
0x5a: {  	_ =	shalt  }
0x5b: {  	_ =	shalt  }
0x5c: {  	_ =	shalt  }
0x5d: {  	_ =	shalt  }
0x5e: {  	_ =	shalt  }
0x5f: {  	_ =	shalt  }
0x60: {  	_ =	shalt  }
0x61: {  	_ =	shalt  }
0x62: {  	_ =	shalt  }
0x63: {  	_ =	shalt  }
0x64: {  	_ =	shalt  }
0x65: {  	_ =	shalt  }
0x66: {  	_ =	shalt  }
0x67: {  	_ =	shalt  }
0x68: {  	_ =	shalt  }
0x69: {  	_ =	shalt  }
0x6a: {  	_ =	shalt  }
0x6b: {  	_ =	shalt  }
0x6c: {  	_ =	shalt  }
0x6d: {  	_ =	shalt  }
0x6e: {  	_ =	shalt  }
0x6f: {  	_ =	shalt  }
0x70: {  	_ =	shalt  }
0x71: {  	_ =	shalt  }
0x72: {  	_ =	shalt  }
0x73: {  	_ =	shalt  }
0x74: {  	_ =	shalt  }
0x75: {  	_ =	shalt  }
0x76: {  	_ =	shalt  }
0x77: {  	_ =	shalt  }
0x78: {  	_ =	shalt  }
0x79: {  	_ =	shalt  }
0x7a: {  	_ =	shalt  }
0x7b: {  	_ =	shalt  }
0x7c: {  	_ =	shalt  }
0x7d: {  	_ =	shalt  }
0x7e: {  	_ =	shalt  }
0x7f: {  	_ =	shalt  }
0x80: {  	_ =	shalt  }
0x81: {  	_ =	shalt  }
0x82: {  	_ =	shalt  }
0x83: {  	_ =	shalt  }
0x84: {  	_ =	shalt  }
0x85: {  	_ =	shalt  }
0x86: {  	_ =	shalt  }
0x87: {  	_ =	shalt  }
.Lfunc_end0:
.L_simem_size_0:
called_computation.2_lowered:
.L_overlay_start_0:
0x88: {  	s2 =	sld [smem:$0x3FD9]  }
0x89: {  	s3 =	sld [smem:$0x3FFE];
	_ =	sdelay $0x1  }
0x8a: {  	s1 =	srdreg.scid  }
0x8b: {  	s0 =	sand.u32 $0x1, s1  }
0x8c: {  	s17 =	sshll.u32 s0, $0xA;
	s2 =	sadd.s32 s3, s2  }
0x8d: {  	s2 =	sadd.s32 s2, s17  }
0x8e: {  	[smem:$0x3FC2] =	sst s2  }
0x8f: {  	_ = 	snop  }
0x90: {  	s2 =	sld [smem:$0x3FD0];
	(tm) =	ssettm $0x1  }
0x91: {  	s18 =	sld [smem:$0x3FFB];
	_ =	sdelay $0x3  }
0x92: {  	_ =	strace s18  }
0x93: {  	s3 =	sld [smem:$0x3FFC];
	_ =	sdelay $0x3  }
0x94: {  	_ =	strace s3  }
0x95: {  	s3 =	sld [smem:$0x3FFD];
	_ =	sdelay $0x3  }
0x96: {  	_ =	strace s3  }
0x97: {  	_ =	strace $0x8FFFFFFF  }
0x98: {  	s19 =	sld [smem:$0x3FDB];
	_ =	sdelay $0x1  }
0x99: {  	s4 =	simm.s32 $_scs_section_size  }
0x9a: {  	s5 =	simm.s32 $_size__tile_overlayer_lowered;
	s6 =	simm.s32 $_tile_overlayer_lowered  }
0x9b: {  	s22 =	simm.s32 $0x1BFF;
	s21 =	sshll.u32 s6, $0x1;
	s3 =	sadd.s32 s4, s19  }
0x9c: {  	s7 =	simm.s32 $0x0;
	s20 =	sshll.u32 s5, $0x1;
	s5 =	sadd.s32 s21, s3  }
0x9d: {  	[timem:s7], [sflag:s22] =	dma.local [hbm:s5], s20  }
0x9e: {  	_ =	swait.ge [sflag:s22], s20  }
0x9f: {  	s4 =	ssub.s32 $0x0, s20;
	[sflag:s22] =	ssyncset.done $0x0  }
0xa0: {  	[sflag:s22] =	ssyncadd.s32 s4;
	_ =	sdelay $0x1  }
0xa1: {  	s23 =	simm.s32 $0x1B8B  }
0xa2: {  	_ =	swait.ge [sflag:s23], $0x1  }
0xa3: {  	[sflag:s23] =	ssyncset.done $0x0  }
0xa4: {  	s25 =	simm.s32 $0x1B8E;
	s24 =	sld [smem:$0x3FFE];
	[sflag:s23] =	ssyncadd.s32 $0xFFFFFFFF  }
0xa5: {  	s26 =	simm.s32 $execute0_lowered;
	[smem:$0x3FD2] =	sst s25  }
0xa6: {  	s5 =	sshll.u32 s26, $0x1;
	_ =	strace $0x8000004C;
	[dreg:$0x1] =	wrdreg $0xFFFFFFFF  }
0xa7: {  	s28 =	simm.s32 $_size_execute0_lowered;
	s3 =	sadd.s32 s3, s5;
	[dreg:$0x0] =	wrdreg $0x0  }
0xa8: {  	s5 =	sshll.u32 s28, $0x1;
	[dreg:$0x2] =	wrdreg s3  }
0xa9: {  	[dreg:$0x3] =	wrdreg s5  }
0xaa: {  	[dreg:$0x4] =	wrdreg $0xC0  }
0xab: {  	_ =	task [dreg:s7], $0x5FFFF  }
0xac: {  	[dreg:$0x1] =	wrdreg $0xFFFFFFFF  }
0xad: {  	[dreg:$0x0] =	wrdreg $0x60  }
0xae: {  	[dreg:$0x2] =	wrdreg s2  }
0xaf: {  	[dreg:$0x3] =	wrdreg s24  }
0xb0: {  	[dreg:$0x4] =	wrdreg $0x90000  }
0xb1: {  	[dreg:$0x5] =	wrdreg $0x9  }
0xb2: {  	_ =	task.clear_ibuf [dreg:s7], $0x6FFFF;
	_ =	strace $0x9000004C  }
0xb3: {  	s29 =	simm.s32 $0x9;
	_ =	strace $0x8000004E  }
0xb4: {  	_ =	swait.ge [sflag:s29], $0x1  }
0xb5: {  	[sflag:s29] =	ssyncadd.s32 $0xFFFFFFFF  }
0xb6: {  	_ =	strace $0x9000004E  }
0xb7: {  	_ =	sfence  }
0xb8: {  	s30 =	sld [smem:$0x0];
	_ =	sdelay $0x2  }
0xb9: {  	s31 =	sshll.u32 s1, $0xD;
	s1 =	sshrl.u32 s1, $0x2  }
0xba: {  	s3 =	sand.u32 $0x4000, s31;
	s1 =	sadd.s32 s1, s30  }
0xbb: {  	s0 =	sor.u32 s3, s0;
	s1 =	sshll.u32 s1, $0x11  }
0xbc: {  	s0 =	sor.u32 s1, s0  }
0xbd: {  	s0 =	sadd.s32 $0x8F2B, s0  }
0xbe: {  	[sflag:s0] =	ssyncadd.remote.s32 $0x1  }
0xbf: {  	_ =	sfence.sel $0xFFFF  }
0xc0: {  	[dreg:$0x0] =	wrdreg $0xFFFFFFFF;
	(pc) =	sbr.abs _section_cstart, $3  }
0xc1: {  	[dreg:$0x1] =	wrdreg $0xFFFFFFFF  }
0xc2: {  	_ =	task.clear_ibuf [dreg:s7], $0x2FFFF;
	_ =	strace $0x9FFFFFFF  }
0xc3: {  	(tm) =	ssettm $0x7FFFFFFF  }
tec
execute0_lowered:
.L_overlay_start_1:
0x0: {  	(tag) =	ssettag $0x1  }
0x1: {  	s0 =	rddreg [dreg:$0x0]  }
0x2: {  	s1 =	rddreg [dreg:$0x1]  }
0x3: {  	s2 =	rddreg [dreg:$0x2]  }
0x4: {  	s3 =	simm.s32 $0x0;
	s4 =	srdreg.scid;
	s14 =	stileid.u32  }
0x5: {  	s28 =	simm.s32 $0x5;
	s29 =	simm.s32 $0x2000;
	s30 =	simm.s32 $0x50  }
0x6: {  	s31 =	simm.s32 $0x80;
	[smem:$0x7FF] =	sst s3;
	s5 =	smul.u32 $0x4F000, s14  }
0x7: {  	s4 =	sand.u32 $0x1, s4;
	s6 =	sadd.s32 $0x2000, s1;
	s8 =	smul.u32 $0x13C00, s14  }
0x8: {  	s9 =	sadd.s32 $0x1BE00, s1;
	s1 =	sadd.s32 $0x2BE00, s1;
	s14 =	sshll.u32 s14, $0xC  }
0x9: {  	s7 =	ssub.s32 $0x2, s4;
	s13 =	smul.u32 $0x13C000, s4;
	s4 =	sshll.u32 s4, $0xB  }
0xa: {  	s10 =	sshrl.u32 s7, $0x1;
	s5 =	sshrl.u32 s5, $0x2;
	s11 =	sadd.s32 $0x5000, s8  }
0xb: {  	s12 =	sadd.s32 $0x7800, s8;
	s21 =	sadd.s32 $0xA000, s8;
	s22 =	sadd.s32 $0xC800, s8  }
0xc: {  	s23 =	sadd.s32 $0xF000, s8;
	s24 =	sadd.s32 $0x11800, s8;
	s4 =	sor.u32 s4, s14  }
0xd: {  	s7 =	ssub.s32 s7, s10;
	s10 =	sadd.s32 $0x2800, s8;
	s8 =	sadd.s32 s8, s13  }
0xe: {  	s20 =	sadd.s32 s13, s11;
	s25 =	sadd.s32 s13, s12;
	s26 =	sadd.s32 s13, s21  }
0xf: {  	s17 =	sadd.s32 s13, s22;
	s18 =	sadd.s32 s13, s23;
	s21 =	sadd.s32 s21, s2  }
0x10: {  	s22 =	sadd.s32 s22, s2;
	s23 =	sadd.s32 s23, s2;
	s8 =	sshrl.u32 s8, $0x3  }
0x11: {  	s15 =	sadd.s32 s13, s10;
	s14 =	sshrl.u32 s25, $0x3;
	s16 =	sshrl.u32 s26, $0x3  }
0x12: {  	s13 =	sadd.s32 s13, s24;
	s25 =	sadd.s32 s6, s4;
	s26 =	sor.u32 $0x400, s4  }
0x13: {  	s4 =	sadd.s32 s9, s4;
	s24 =	sadd.s32 s24, s2;
	s8 =	sadd.s32 s1, s8  }
0x14: {  	s19 =	sshrl.u32 s15, $0x3;
	s14 =	sadd.s32 s1, s14;
	[dreg:$0xc] =	wrdreg s25  }
0x15: {  	[dreg:$0xd] =	wrdreg s4;
	s15 =	sadd.s32 s6, s26;
	s25 =	smax.u32 s7, $0x1  }
0x16: {  	s4 =	simm.s32 $0x2;
	s6 =	simm.s32 $0x4;
	[dreg:$0x4] =	wrdreg s8  }
0x17: {  	s7 =	simm.s32 $0x3F00;
	s8 =	sadd.s32 s1, s19;
	[dreg:$0x7] =	wrdreg s14  }
0x18: {  	s14 =	sshrl.u32 s18, $0x3;
	s18 =	sadd.s32 s10, s2;
	[dreg:$0x5] =	wrdreg s8  }
0x19: {  	s8 =	sshrl.u32 s20, $0x3;
	s19 =	sadd.s32 s1, s14;
	s20 =	sshrl.u32 s13, $0x3  }
0x1a: {  	s8 =	sadd.s32 s1, s8;
	[dreg:$0xa] =	wrdreg s19;
	s19 =	sadd.s32 s11, s2  }
0x1b: {  	s11 =	simm.s32 $0x6800;
	[dreg:$0x6] =	wrdreg s8;
	s8 =	sadd.s32 s1, s16  }
0x1c: {  	s16 =	sadd.s32 s9, s26;
	[dreg:$0x8] =	wrdreg s8;
	s8 =	sshrl.u32 s17, $0x3  }
0x1d: {  	s26 =	simm.s32 $0x4000;
	s9 =	simm.s32 $0x0;
	s8 =	sadd.s32 s1, s8  }
0x1e: {  	s17 =	sadd.s32 s5, s2;
	s1 =	sadd.s32 s1, s20;
	[dreg:$0x9] =	wrdreg s8  }
0x1f: {  	s5 =	simm.s32 $0x3;
	s20 =	sadd.s32 s12, s2;
	[dreg:$0xb] =	wrdreg s1  }
0x20: {  	v0 =	vimm.f32 $0.0e+00;
	s1 =	simm.s32 $0x1;
	s8 =	simm.s32 $0x3F80;
	_ =	strace $0x8000004D  }
.LBB2_1:
0x21: {  	s10 =	sand.u32 $0xFE00, s3  }
0x22: {  	s12 =	sand.u32 $0x70, s3;
	s13 =	sshrl.u32 s10, $0x2  }
0x23: {  	s10 =	simm.s32 $0x40;
	s13 =	sor.u32 s12, s13;
	s12 =	simm.s32 $0x0  }
.LBB2_2:
0x24: {  	p0 =	sne.s32 s10, $0x9FC0  }
0x25: {  	[tilespmem:s13+$0x4000] =	vst v0;
	s12 =	sadd.s32 $0x10, s12;
	s13 =	smov.u32 s10;
	s10 =	sadd.s32 $0x40, s10  }
.Ltmp0:
0x26: {  	(pc) =	sbr.rel @p0 .LBB2_2-.Ltmp0, $4  }
0x27: {  	_ = 	snop  }
0x28: {  	s13 =	sand.u32 $0xFE00, s13  }
0x29: {  	s14 =	sand.u32 $0x70, s12;
	s13 =	sshrl.u32 s13, $0x2  }
0x2a: {  	s13 =	sor.u32 s14, s13  }
0x2b: {  	[tilespmem:s13+$0x4000] =	vst v0  }
0x2c: {  	[spmem:s17] =	stream.linear.scatter [tilespmem:s26], [sflag:$0x5], $0x2800, $0x38;
	[tilespmem:$0x1CC00] =	vst v63  }
0x2d: {  	_ =	swait.ge [sflag:s28], $0x2800  }
0x2e: {  	[sflag:s28] =	ssyncset.done $0x0  }
0x2f: {  	[sflag:s28] =	ssyncadd.s32 $0xFFFFD800  }
0x30: {  	[spmem:s18] =	stream.linear.scatter [tilespmem:s26], [sflag:$0x5], $0x2800, $0x38;
	[tilespmem:$0x1CC00] =	vst v63  }
0x31: {  	_ =	swait.ge [sflag:s28], $0x2800  }
0x32: {  	[sflag:s28] =	ssyncset.done $0x0  }
0x33: {  	[sflag:s28] =	ssyncadd.s32 $0xFFFFD800  }
0x34: {  	[spmem:s19] =	stream.linear.scatter [tilespmem:s26], [sflag:$0x5], $0x2800, $0x38;
	[tilespmem:$0x1CC00] =	vst v63  }
0x35: {  	_ =	swait.ge [sflag:s28], $0x2800  }
0x36: {  	[sflag:s28] =	ssyncset.done $0x0  }
0x37: {  	[sflag:s28] =	ssyncadd.s32 $0xFFFFD800  }
0x38: {  	[spmem:s20] =	stream.linear.scatter [tilespmem:s26], [sflag:$0x5], $0x2800, $0x38;
	[tilespmem:$0x1CC00] =	vst v63  }
0x39: {  	_ =	swait.ge [sflag:s28], $0x2800  }
0x3a: {  	[sflag:s28] =	ssyncset.done $0x0  }
0x3b: {  	[sflag:s28] =	ssyncadd.s32 $0xFFFFD800  }
0x3c: {  	[spmem:s21] =	stream.linear.scatter [tilespmem:s26], [sflag:$0x5], $0x2800, $0x38;
	[tilespmem:$0x1CC00] =	vst v63  }
0x3d: {  	_ =	swait.ge [sflag:s28], $0x2800  }
0x3e: {  	[sflag:s28] =	ssyncset.done $0x0  }
0x3f: {  	[sflag:s28] =	ssyncadd.s32 $0xFFFFD800  }
0x40: {  	[spmem:s22] =	stream.linear.scatter [tilespmem:s26], [sflag:$0x5], $0x2800, $0x38;
	[tilespmem:$0x1CC00] =	vst v63  }
0x41: {  	_ =	swait.ge [sflag:s28], $0x2800  }
0x42: {  	[sflag:s28] =	ssyncset.done $0x0  }
0x43: {  	[sflag:s28] =	ssyncadd.s32 $0xFFFFD800  }
0x44: {  	[spmem:s23] =	stream.linear.scatter [tilespmem:s26], [sflag:$0x5], $0x2800, $0x38;
	[tilespmem:$0x1CC00] =	vst v63  }
0x45: {  	_ =	swait.ge [sflag:s28], $0x2800  }
0x46: {  	[sflag:s28] =	ssyncset.done $0x0  }
0x47: {  	[sflag:s28] =	ssyncadd.s32 $0xFFFFD800  }
0x48: {  	[spmem:s24] =	stream.linear.scatter [tilespmem:s26], [sflag:$0x5], $0x2400, $0x38;
	[tilespmem:$0x1CC00] =	vst v63  }
0x49: {  	_ =	swait.ge [sflag:s28], $0x2400  }
0x4a: {  	[sflag:s28] =	ssyncset.done $0x0  }
0x4b: {  	[sflag:s28] =	ssyncadd.s32 $0xFFFFDC00  }
0x4c: {  	[bflag:$0x0] =	sbarrier.arrive $0xFFFF  }
0x4d: {  	s10 =	simm.s32 $0x0;
	s12 =	rddreg [dreg:$0xc]  }
0x4e: {  	[tilespmem:s10], [sflag:$0x5] =	stream.linear.gather [hbm4b:s12+s10], $0x2000, $0x38;
	[tilespmem:$0x1CC00] =	vst v63  }
0x4f: {  	_ =	swait.ge [sflag:s28], $0x2000  }
0x50: {  	[sflag:s28] =	ssyncset.done $0x0  }
0x51: {  	s14 =	rddreg [dreg:$0xd];
	[sflag:s28] =	ssyncadd.s32 $0xFFFFE000  }
0x52: {  	[tilespmem:s29], [sflag:$0x5] =	stream.linear.gather [hbm4b:s14+s10], $0x2000, $0x38;
	[tilespmem:$0x1CC00] =	vst v63  }
0x53: {  	_ =	swait.ge [sflag:s28], $0x2000  }
0x54: {  	[sflag:s28] =	ssyncset.done $0x0  }
0x55: {  	[sflag:s28] =	ssyncadd.s32 $0xFFFFE000  }
0x56: {  	[tilespmem:s26], [sflag:$0x1] =	stream.indirect.gather [hbm4b:s0+s30], $0x80, s10, s30, $0xb8;
	[tilespmem:$0x1CC00] =	vst v63  }
0x57: {  	_ = 	snop  }
0x58: {  	[tilespmem:s11], [sflag:$0x2] =	stream.indirect.gather [hbm4b:s0+s30], $0x80, s31, s30, $0xb8;
	[tilespmem:$0x1CC00] =	vst v63  }
0x59: {  	_ =	swait.ge [sflag:s1], $0x2800  }
0x5a: {  	[sflag:s1] =	ssyncset.done $0x0  }
0x5b: {  	s12 =	simm.s32 $0x2000;
	[sflag:s1] =	ssyncadd.s32 $0xFFFFD800  }
0x5c: {  	[spmem:s2] =	stream.indirect.scatter.add.f32 [tilespmem:s26], [sflag:$0x3], $0x80, s12, s30, $0xb8;
	[tilespmem:$0x1CC00] =	vst v63  }
0x5d: {  	_ =	swait.ge [sflag:s4], $0x2800  }
0x5e: {  	[sflag:s4] =	ssyncset.done $0x0  }
0x5f: {  	[sflag:s4] =	ssyncadd.s32 $0xFFFFD800  }
0x60: {  	_ =	swait.ge [sflag:s5], $0x2800  }
0x61: {  	[sflag:s5] =	ssyncset.done $0x0  }
0x62: {  	s13 =	simm.s32 $0x100;
	[sflag:s5] =	ssyncadd.s32 $0xFFFFD800  }
0x63: {  	[tilespmem:s26], [sflag:$0x1] =	stream.indirect.gather [hbm4b:s0+s30], $0x80, s13, s30, $0xb8;
	[tilespmem:$0x1CC00] =	vst v63  }
0x64: {  	s14 =	simm.s32 $0x2080  }
0x65: {  	[spmem:s2] =	stream.indirect.scatter.add.f32 [tilespmem:s11], [sflag:$0x4], $0x80, s14, s30, $0xb8;
	[tilespmem:$0x1CC00] =	vst v63  }
0x66: {  	_ =	swait.ge [sflag:s6], $0x2800  }
0x67: {  	[sflag:s6] =	ssyncset.done $0x0  }
0x68: {  	s10 =	simm.s32 $0x400;
	s12 =	simm.s32 $0x180;
	[sflag:s6] =	ssyncadd.s32 $0xFFFFD800  }
.LBB2_4:
0x69: {  	[tilespmem:s11], [sflag:$0x2] =	stream.indirect.gather [hbm4b:s0+s30], $0x80, s12, s30, $0xb8;
	[tilespmem:$0x1CC00] =	vst v63  }
0x6a: {  	s12 =	smov.u32 s10  }
0x6b: {  	p0 =	sne.s32 s10, $0x7800;
	s10 =	sadd.s32 $0x400, s10;
	_ =	swait.ge [sflag:s1], $0x2800  }
0x6c: {  	s12 =	sshra.s32 s12, $0x2;
	[sflag:s1] =	ssyncset.done $0x0  }
0x6d: {  	s13 =	sadd.s32 $0x2000, s12;
	[sflag:s1] =	ssyncadd.s32 $0xFFFFD800  }
0x6e: {  	[spmem:s2] =	stream.indirect.scatter.add.f32 [tilespmem:s26], [sflag:$0x3], $0x80, s13, s30, $0xb8;
	[tilespmem:$0x1CC00] =	vst v63  }
0x6f: {  	_ =	swait.ge [sflag:s4], $0x2800  }
0x70: {  	[sflag:s4] =	ssyncset.done $0x0  }
0x71: {  	[sflag:s4] =	ssyncadd.s32 $0xFFFFD800  }
0x72: {  	_ =	swait.ge [sflag:s5], $0x2800  }
0x73: {  	[sflag:s5] =	ssyncset.done $0x0  }
0x74: {  	s13 =	sadd.s32 $0x100, s12;
	[sflag:s5] =	ssyncadd.s32 $0xFFFFD800  }
0x75: {  	[tilespmem:s26], [sflag:$0x1] =	stream.indirect.gather [hbm4b:s0+s30], $0x80, s13, s30, $0xb8;
	[tilespmem:$0x1CC00] =	vst v63  }
.Ltmp1:
0x76: {  	s13 =	sadd.s32 $0x2080, s12;
	(pc) =	sbr.rel @p0 .LBB2_4-.Ltmp1, $4  }
0x77: {  	[spmem:s2] =	stream.indirect.scatter.add.f32 [tilespmem:s11], [sflag:$0x4], $0x80, s13, s30, $0xb8;
	[tilespmem:$0x1CC00] =	vst v63  }
0x78: {  	_ =	swait.ge [sflag:s6], $0x2800  }
0x79: {  	[sflag:s6] =	ssyncset.done $0x0  }
0x7a: {  	s12 =	sadd.s32 $0x180, s12;
	[sflag:s6] =	ssyncadd.s32 $0xFFFFD800  }
0x7b: {  	[tilespmem:s11], [sflag:$0x2] =	stream.indirect.gather [hbm4b:s0+s30], $0x80, s12, s30, $0xb8;
	[tilespmem:$0x1CC00] =	vst v63  }
0x7c: {  	_ =	swait.ge [sflag:s1], $0x2800  }
0x7d: {  	[sflag:s1] =	ssyncset.done $0x0  }
0x7e: {  	[sflag:s1] =	ssyncadd.s32 $0xFFFFD800  }
0x7f: {  	[spmem:s2] =	stream.indirect.scatter.add.f32 [tilespmem:s26], [sflag:$0x3], $0x80, s7, s30, $0xb8;
	[tilespmem:$0x1CC00] =	vst v63  }
0x80: {  	_ =	swait.ge [sflag:s4], $0x2800  }
0x81: {  	[sflag:s4] =	ssyncset.done $0x0  }
0x82: {  	[sflag:s4] =	ssyncadd.s32 $0xFFFFD800  }
0x83: {  	_ =	swait.ge [sflag:s5], $0x2800  }
0x84: {  	[sflag:s5] =	ssyncset.done $0x0  }
0x85: {  	[sflag:s5] =	ssyncadd.s32 $0xFFFFD800  }
0x86: {  	[spmem:s2] =	stream.indirect.scatter.add.f32 [tilespmem:s11], [sflag:$0x4], $0x80, s8, s30, $0xb8;
	[tilespmem:$0x1CC00] =	vst v63  }
0x87: {  	_ =	swait.ge [sflag:s6], $0x2800  }
0x88: {  	[sflag:s6] =	ssyncset.done $0x0  }
0x89: {  	s10 =	simm.s32 $0x0;
	[sflag:s6] =	ssyncadd.s32 $0xFFFFD800  }
0x8a: {  	[tilespmem:s10], [sflag:$0x5] =	stream.linear.gather [hbm4b:s15+s10], $0x2000, $0x38;
	[tilespmem:$0x1CC00] =	vst v63  }
0x8b: {  	_ =	swait.ge [sflag:s28], $0x2000  }
0x8c: {  	[sflag:s28] =	ssyncset.done $0x0  }
0x8d: {  	[sflag:s28] =	ssyncadd.s32 $0xFFFFE000  }
0x8e: {  	[tilespmem:s29], [sflag:$0x5] =	stream.linear.gather [hbm4b:s16+s10], $0x2000, $0x38;
	[tilespmem:$0x1CC00] =	vst v63  }
0x8f: {  	_ =	swait.ge [sflag:s28], $0x2000  }
0x90: {  	[sflag:s28] =	ssyncset.done $0x0  }
0x91: {  	[sflag:s28] =	ssyncadd.s32 $0xFFFFE000  }
0x92: {  	[tilespmem:s26], [sflag:$0x1] =	stream.indirect.gather [hbm4b:s0+s30], $0x80, s10, s30, $0xb8;
	[tilespmem:$0x1CC00] =	vst v63  }
0x93: {  	_ = 	snop  }
0x94: {  	[tilespmem:s11], [sflag:$0x2] =	stream.indirect.gather [hbm4b:s0+s30], $0x80, s31, s30, $0xb8;
	[tilespmem:$0x1CC00] =	vst v63  }
0x95: {  	_ =	swait.ge [sflag:s1], $0x2800  }
0x96: {  	[sflag:s1] =	ssyncset.done $0x0  }
0x97: {  	s12 =	simm.s32 $0x2000;
	[sflag:s1] =	ssyncadd.s32 $0xFFFFD800  }
0x98: {  	[spmem:s2] =	stream.indirect.scatter.add.f32 [tilespmem:s26], [sflag:$0x3], $0x80, s12, s30, $0xb8;
	[tilespmem:$0x1CC00] =	vst v63  }
0x99: {  	_ =	swait.ge [sflag:s4], $0x2800  }
0x9a: {  	[sflag:s4] =	ssyncset.done $0x0  }
0x9b: {  	[sflag:s4] =	ssyncadd.s32 $0xFFFFD800  }
0x9c: {  	_ =	swait.ge [sflag:s5], $0x2800  }
0x9d: {  	[sflag:s5] =	ssyncset.done $0x0  }
0x9e: {  	s13 =	simm.s32 $0x100;
	[sflag:s5] =	ssyncadd.s32 $0xFFFFD800  }
0x9f: {  	[tilespmem:s26], [sflag:$0x1] =	stream.indirect.gather [hbm4b:s0+s30], $0x80, s13, s30, $0xb8;
	[tilespmem:$0x1CC00] =	vst v63  }
0xa0: {  	s14 =	simm.s32 $0x2080  }
0xa1: {  	[spmem:s2] =	stream.indirect.scatter.add.f32 [tilespmem:s11], [sflag:$0x4], $0x80, s14, s30, $0xb8;
	[tilespmem:$0x1CC00] =	vst v63  }
0xa2: {  	_ =	swait.ge [sflag:s6], $0x2800  }
0xa3: {  	[sflag:s6] =	ssyncset.done $0x0  }
0xa4: {  	s10 =	simm.s32 $0x400;
	s12 =	simm.s32 $0x180;
	[sflag:s6] =	ssyncadd.s32 $0xFFFFD800  }
.LBB2_6:
0xa5: {  	[tilespmem:s11], [sflag:$0x2] =	stream.indirect.gather [hbm4b:s0+s30], $0x80, s12, s30, $0xb8;
	[tilespmem:$0x1CC00] =	vst v63  }
0xa6: {  	s12 =	smov.u32 s10  }
0xa7: {  	p0 =	sne.s32 s10, $0x7800;
	s10 =	sadd.s32 $0x400, s10;
	_ =	swait.ge [sflag:s1], $0x2800  }
0xa8: {  	s12 =	sshra.s32 s12, $0x2;
	[sflag:s1] =	ssyncset.done $0x0  }
0xa9: {  	s13 =	sadd.s32 $0x2000, s12;
	[sflag:s1] =	ssyncadd.s32 $0xFFFFD800  }
0xaa: {  	[spmem:s2] =	stream.indirect.scatter.add.f32 [tilespmem:s26], [sflag:$0x3], $0x80, s13, s30, $0xb8;
	[tilespmem:$0x1CC00] =	vst v63  }
0xab: {  	_ =	swait.ge [sflag:s4], $0x2800  }
0xac: {  	[sflag:s4] =	ssyncset.done $0x0  }
0xad: {  	[sflag:s4] =	ssyncadd.s32 $0xFFFFD800  }
0xae: {  	_ =	swait.ge [sflag:s5], $0x2800  }
0xaf: {  	[sflag:s5] =	ssyncset.done $0x0  }
0xb0: {  	s13 =	sadd.s32 $0x100, s12;
	[sflag:s5] =	ssyncadd.s32 $0xFFFFD800  }
0xb1: {  	[tilespmem:s26], [sflag:$0x1] =	stream.indirect.gather [hbm4b:s0+s30], $0x80, s13, s30, $0xb8;
	[tilespmem:$0x1CC00] =	vst v63  }
.Ltmp2:
0xb2: {  	s13 =	sadd.s32 $0x2080, s12;
	(pc) =	sbr.rel @p0 .LBB2_6-.Ltmp2, $4  }
0xb3: {  	[spmem:s2] =	stream.indirect.scatter.add.f32 [tilespmem:s11], [sflag:$0x4], $0x80, s13, s30, $0xb8;
	[tilespmem:$0x1CC00] =	vst v63  }
0xb4: {  	_ =	swait.ge [sflag:s6], $0x2800  }
0xb5: {  	[sflag:s6] =	ssyncset.done $0x0  }
0xb6: {  	s12 =	sadd.s32 $0x180, s12;
	[sflag:s6] =	ssyncadd.s32 $0xFFFFD800  }
0xb7: {  	[tilespmem:s11], [sflag:$0x2] =	stream.indirect.gather [hbm4b:s0+s30], $0x80, s12, s30, $0xb8;
	[tilespmem:$0x1CC00] =	vst v63  }
0xb8: {  	_ =	swait.ge [sflag:s1], $0x2800  }
0xb9: {  	[sflag:s1] =	ssyncset.done $0x0  }
0xba: {  	[sflag:s1] =	ssyncadd.s32 $0xFFFFD800  }
0xbb: {  	[spmem:s2] =	stream.indirect.scatter.add.f32 [tilespmem:s26], [sflag:$0x3], $0x80, s7, s30, $0xb8;
	[tilespmem:$0x1CC00] =	vst v63  }
0xbc: {  	_ =	swait.ge [sflag:s4], $0x2800  }
0xbd: {  	[sflag:s4] =	ssyncset.done $0x0  }
0xbe: {  	[sflag:s4] =	ssyncadd.s32 $0xFFFFD800  }
0xbf: {  	_ =	swait.ge [sflag:s5], $0x2800  }
0xc0: {  	[sflag:s5] =	ssyncset.done $0x0  }
0xc1: {  	[sflag:s5] =	ssyncadd.s32 $0xFFFFD800  }
0xc2: {  	[spmem:s2] =	stream.indirect.scatter.add.f32 [tilespmem:s11], [sflag:$0x4], $0x80, s8, s30, $0xb8;
	[tilespmem:$0x1CC00] =	vst v63  }
0xc3: {  	_ =	swait.ge [sflag:s6], $0x2800  }
0xc4: {  	[sflag:s6] =	ssyncset.done $0x0  }
0xc5: {  	[sflag:s6] =	ssyncadd.s32 $0xFFFFD800  }
0xc6: {  	[bflag:$0x0] =	sbarrier.arrive $0xFFFF  }
0xc7: {  	[tilespmem:s26], [sflag:$0x5] =	stream.linear.gather [spmem:s17], $0x2800, $0x38;
	[tilespmem:$0x1CC00] =	vst v63  }
0xc8: {  	_ =	swait.ge [sflag:s28], $0x2800  }
0xc9: {  	[sflag:s28] =	ssyncset.done $0x0  }
0xca: {  	s10 =	rddreg [dreg:$0x4];
	[sflag:s28] =	ssyncadd.s32 $0xFFFFD800  }
0xcb: {  	[hbm4b:s10+s3] =	stream.linear.scatter [tilespmem:s26], [sflag:$0x5], $0x2800, $0x38;
	[tilespmem:$0x1CC00] =	vst v63  }
0xcc: {  	_ =	swait.ge [sflag:s28], $0x2800  }
0xcd: {  	[sflag:s28] =	ssyncset.done $0x0  }
0xce: {  	[sflag:s28] =	ssyncadd.s32 $0xFFFFD800  }
0xcf: {  	[tilespmem:s26], [sflag:$0x5] =	stream.linear.gather [spmem:s18], $0x2800, $0x38;
	[tilespmem:$0x1CC00] =	vst v63  }
0xd0: {  	_ =	swait.ge [sflag:s28], $0x2800  }
0xd1: {  	[sflag:s28] =	ssyncset.done $0x0  }
0xd2: {  	s14 =	rddreg [dreg:$0x5];
	[sflag:s28] =	ssyncadd.s32 $0xFFFFD800  }
0xd3: {  	[hbm4b:s14+s3] =	stream.linear.scatter [tilespmem:s26], [sflag:$0x5], $0x2800, $0x38;
	[tilespmem:$0x1CC00] =	vst v63  }
0xd4: {  	_ =	swait.ge [sflag:s28], $0x2800  }
0xd5: {  	[sflag:s28] =	ssyncset.done $0x0  }
0xd6: {  	[sflag:s28] =	ssyncadd.s32 $0xFFFFD800  }
0xd7: {  	[tilespmem:s26], [sflag:$0x5] =	stream.linear.gather [spmem:s19], $0x2800, $0x38;
	[tilespmem:$0x1CC00] =	vst v63  }
0xd8: {  	_ =	swait.ge [sflag:s28], $0x2800  }
0xd9: {  	[sflag:s28] =	ssyncset.done $0x0  }
0xda: {  	s12 =	rddreg [dreg:$0x6];
	[sflag:s28] =	ssyncadd.s32 $0xFFFFD800  }
0xdb: {  	[hbm4b:s12+s3] =	stream.linear.scatter [tilespmem:s26], [sflag:$0x5], $0x2800, $0x38;
	[tilespmem:$0x1CC00] =	vst v63  }
0xdc: {  	_ =	swait.ge [sflag:s28], $0x2800  }
0xdd: {  	[sflag:s28] =	ssyncset.done $0x0  }
0xde: {  	[sflag:s28] =	ssyncadd.s32 $0xFFFFD800  }
0xdf: {  	[tilespmem:s26], [sflag:$0x5] =	stream.linear.gather [spmem:s20], $0x2800, $0x38;
	[tilespmem:$0x1CC00] =	vst v63  }
0xe0: {  	_ =	swait.ge [sflag:s28], $0x2800  }
0xe1: {  	[sflag:s28] =	ssyncset.done $0x0  }
0xe2: {  	s13 =	rddreg [dreg:$0x7];
	[sflag:s28] =	ssyncadd.s32 $0xFFFFD800  }
0xe3: {  	[hbm4b:s13+s3] =	stream.linear.scatter [tilespmem:s26], [sflag:$0x5], $0x2800, $0x38;
	[tilespmem:$0x1CC00] =	vst v63  }
0xe4: {  	_ =	swait.ge [sflag:s28], $0x2800  }
0xe5: {  	[sflag:s28] =	ssyncset.done $0x0  }
0xe6: {  	[sflag:s28] =	ssyncadd.s32 $0xFFFFD800  }
0xe7: {  	[tilespmem:s26], [sflag:$0x5] =	stream.linear.gather [spmem:s21], $0x2800, $0x38;
	[tilespmem:$0x1CC00] =	vst v63  }
0xe8: {  	_ =	swait.ge [sflag:s28], $0x2800  }
0xe9: {  	[sflag:s28] =	ssyncset.done $0x0  }
0xea: {  	s14 =	rddreg [dreg:$0x8];
	[sflag:s28] =	ssyncadd.s32 $0xFFFFD800  }
0xeb: {  	[hbm4b:s14+s3] =	stream.linear.scatter [tilespmem:s26], [sflag:$0x5], $0x2800, $0x38;
	[tilespmem:$0x1CC00] =	vst v63  }
0xec: {  	_ =	swait.ge [sflag:s28], $0x2800  }
0xed: {  	[sflag:s28] =	ssyncset.done $0x0  }
0xee: {  	[sflag:s28] =	ssyncadd.s32 $0xFFFFD800  }
0xef: {  	[tilespmem:s26], [sflag:$0x5] =	stream.linear.gather [spmem:s22], $0x2800, $0x38;
	[tilespmem:$0x1CC00] =	vst v63  }
0xf0: {  	_ =	swait.ge [sflag:s28], $0x2800  }
0xf1: {  	[sflag:s28] =	ssyncset.done $0x0  }
0xf2: {  	s12 =	rddreg [dreg:$0x9];
	[sflag:s28] =	ssyncadd.s32 $0xFFFFD800  }
0xf3: {  	[hbm4b:s12+s3] =	stream.linear.scatter [tilespmem:s26], [sflag:$0x5], $0x2800, $0x38;
	[tilespmem:$0x1CC00] =	vst v63  }
0xf4: {  	_ =	swait.ge [sflag:s28], $0x2800  }
0xf5: {  	[sflag:s28] =	ssyncset.done $0x0  }
0xf6: {  	[sflag:s28] =	ssyncadd.s32 $0xFFFFD800  }
0xf7: {  	[tilespmem:s26], [sflag:$0x5] =	stream.linear.gather [spmem:s23], $0x2800, $0x38;
	[tilespmem:$0x1CC00] =	vst v63  }
0xf8: {  	_ =	swait.ge [sflag:s28], $0x2800  }
0xf9: {  	[sflag:s28] =	ssyncset.done $0x0  }
0xfa: {  	s13 =	rddreg [dreg:$0xa];
	[sflag:s28] =	ssyncadd.s32 $0xFFFFD800  }
0xfb: {  	[hbm4b:s13+s3] =	stream.linear.scatter [tilespmem:s26], [sflag:$0x5], $0x2800, $0x38;
	[tilespmem:$0x1CC00] =	vst v63  }
0xfc: {  	_ =	swait.ge [sflag:s28], $0x2800  }
0xfd: {  	[sflag:s28] =	ssyncset.done $0x0  }
0xfe: {  	[sflag:s28] =	ssyncadd.s32 $0xFFFFD800  }
0xff: {  	[tilespmem:s26], [sflag:$0x5] =	stream.linear.gather [spmem:s24], $0x2400, $0x38;
	[tilespmem:$0x1CC00] =	vst v63  }
0x100: {  	s9 =	sadd.s32 $0x1, s9;
	_ =	swait.ge [sflag:s28], $0x2400  }
0x101: {  	p0 =	sne.s32 s9, s25;
	[sflag:s28] =	ssyncset.done $0x0  }
.Ltmp3:
0x102: {  	s14 =	rddreg [dreg:$0xb];
	[sflag:s28] =	ssyncadd.s32 $0xFFFFDC00;
	(pc) =	sbr.rel @p0 .LBB2_1-.Ltmp3, $4  }
0x103: {  	[hbm4b:s14+s3] =	stream.linear.scatter [tilespmem:s26], [sflag:$0x5], $0x2400, $0x38;
	[tilespmem:$0x1CC00] =	vst v63  }
0x104: {  	_ =	swait.ge [sflag:s28], $0x2400  }
0x105: {  	[sflag:s28] =	ssyncset.done $0x0  }
0x106: {  	[sflag:s28] =	ssyncadd.s32 $0xFFFFDC00  }
0x107: {  	_ =	sfence.sel $0x180000  }
0x108: {  	[bflag:$0x0] =	sbarrier.arrive $0xFFFF  }
0x109: {  	_ =	strace $0x9000004D  }
0x10a: {  	s0 =	stileid.u32;
	[bflag:$0x2] =	sbarrier.arrive $0xFFFF  }
0x10b: {  	p0 =	sne.s32 s0, $0x0;
	s0 =	rddreg [dreg:$0x3]  }
0x10c: {  	s0 =	sadd.s32 @!p0 $0x100000, s0  }
0x10d: {  	[sflag:s0] =	ssyncadd.tile.s32 @!p0 $0x1;
	_ =	shalt  }
.Lfunc_end2:
_tile_overlayer_lowered:
.L_overlay_start_2:
0x10e: {  	(tag) =	ssettag $0x2  }
0x10f: {  	s0 =	rddreg [dreg:$0x0];
	s2 =	stileid.u32  }
0x110: {  	s1 =	rddreg [dreg:$0x1];
	p0 =	sne.s32 s2, $0x0  }
0x111: {  	s3 =	rddreg [dreg:$0x2];
	[bflag:$0x3] =	sbarrier.arrive $0xFFFF;
	s2 =	simm.s32 @!p0 $0x1C05  }
0x112: {  	[timem:s3], [sflag:s2] =	dma.local @!p0 [hbm:s0], s1  }
0x113: {  	s0 =	simm.s32 @!p0 $0x5  }
0x114: {  	_ =	swait.ge @!p0 [sflag:s0], s1  }
0x115: {  	s1 =	ssub.s32 @!p0 $0x0, s1;
	[sflag:s0] =	ssyncset.done @!p0 $0x0  }
0x116: {  	[sflag:s0] =	ssyncadd.s32 @!p0 s1  }
0x117: {  	[bflag:$0x3] =	sbarrier.arrive $0xFFFF  }
0x118: {  	_ =	shalt  }

// kernel: kernel.8.cloned.1.call-start
scs
__scs_entry_jumppad:
0x0: {  	(pc) =	sbr.rel $0x88, $3  }
0x1: {  	(tag) =	ssettag $0x0;
	lr =	simm.s32 $0x1  }
0x2: {  	[smem:$0x3F9B] =	sst lr;
	_ =	strace $0xD0000000  }
0x3: {  	_ = 	snop  }
0x4: {  	_ = 	snop  }
0x5: {  	_ = 	snop  }
0x6: {  	_ = 	snop  }
0x7: {  	_ = 	snop  }
__scs_overlays_trampoline_lowered:
0x8: {  	[smem:$0x3FAA] =	sst s0  }
0x9: {  	[smem:$0x3FAB] =	sst s1  }
0xa: {  	[smem:$0x3FAC] =	sst s2  }
0xb: {  	[smem:$0x3FAD] =	sst s3  }
0xc: {  	[smem:$0x3FAE] =	sst s4  }
0xd: {  	[smem:$0x3FAF] =	sst s5  }
0xe: {  	[smem:$0x3FB0] =	sst s6  }
0xf: {  	[smem:$0x3FB1] =	sst s7  }
0x10: {  	[smem:$0x3FB2] =	sst s8  }
0x11: {  	[smem:$0x3FB3] =	sst s9;
	s0 =	simm.s32 @!p0 $0x0  }
0x12: {  	s1 =	sld [smem:$0x3F99];
	s0 =	simm.s32 @p0 $0x1  }
0x13: {  	[smem:$0x3FB4] =	sst s0;
	s0 =	simm.s32 @!p1 $0x0  }
0x14: {  	s2 =	sld [smem:$0x3F98];
	s0 =	simm.s32 @p1 $0x1  }
0x15: {  	[smem:$0x3FB5] =	sst s0;
	s0 =	simm.s32 @!p2 $0x0  }
0x16: {  	s3 =	sld [smem:$0x3FDB];
	s0 =	simm.s32 @p2 $0x1  }
0x17: {  	s4 =	simm.s32 $0x1BF5;
	[smem:$0x3FB7] =	sst s0  }
0x18: {  	s0 =	sld [smem:$0x3F9A];
	_ =	swait.ge [sflag:s4], $0x0  }
0x19: {  	s7 =	sld [smem:$0x3F9B]  }
0x1a: {  	s8 =	sadd.s32 $0xFFFFE003, lr  }
0x1b: {  	s9 =	sadd.s32 $0xFFFFFEF7, lr;
	s5 =	simm.s32 $0xFFFFFFFF;
	p2 =	slt.u32 s8, $0xFFFFF086  }
0x1c: {  	p1 =	slt.u32 s9, $0xF7A;
	s5 =	simm.s32 @!p2 $0x0  }
0x1d: {  	s5 =	simm.s32 @p1 $0x1;
	p0 =	seq.s32 s7, s2  }
0x1e: {  	s7 =	smul.u32 @!p0 $0xF7A, s2;
	p2 =	seq.s32 @!p0 s5, $0x0  }
0x1f: {  	s9 =	smul.u32 $0xF7A, s1;
	s8 =	simm.s32 @!p0 $0x1BF5;
	p2 =	por !p2, p0  }
0x20: {  	[sflag:s8] =	ssyncset.s32 @!p0 $0xFFFFF086;
	s6 =	sadd.s32 @!p0 s3, s7;
	s7 =	simm.s32 @!p0 $0x108  }
0x21: {  	s3 =	sadd.s32 s3, s9;
	s6 =	sadd.s32 @!p0 $0x88, s6;
	s7 =	simm.s32 @p2 $0x1082  }
0x22: {  	[simem:s7], [sflag:s8] =	dma.local @!p0 [hbm:s6], $0xF7A  }
0x23: {  	s9 =	sor.u32 $0xD0000000, s2;
	s6 =	simm.s32 $0x108;
	_ =	swait.ge @!p0 [sflag:s8], $0x0  }
0x24: {  	s3 =	sadd.s32 $0x88, s3;
	s6 =	simm.s32 @!p1 $0x1082;
	[sflag:s4] =	ssyncset.s32 $0xFFFFF086  }
0x25: {  	[simem:s6], [sflag:s4] =	dma.local [hbm:s3], $0xF7A  }
0x26: {  	[smem:$0x3F9B] =	sst s1;
	(tag) =	ssettag s2;
	_ =	strace s9  }
0x27: {  	s1 =	sld [smem:$0x3FAB]  }
0x28: {  	s2 =	sld [smem:$0x3FAC]  }
0x29: {  	s4 =	sld [smem:$0x3FAE]  }
0x2a: {  	p0 =	seq.s32 s5, $0x0;
	s5 =	sld [smem:$0x3FAF]  }
0x2b: {  	s6 =	sld [smem:$0x3FB0]  }
0x2c: {  	s7 =	sld [smem:$0x3FB1]  }
0x2d: {  	s3 =	simm.s32 $0x108;
	s8 =	sld [smem:$0x3FB2]  }
0x2e: {  	s3 =	simm.s32 @!p0 $0x1082;
	s9 =	sld [smem:$0x3FB3]  }
0x2f: {  	lr =	sadd.s32 s0, s3;
	s0 =	sld [smem:$0x3FAA]  }
0x30: {  	s3 =	sld [smem:$0x3FAD]  }
0x31: {  	[smem:$0x3FB6] =	sst s10  }
0x32: {  	s10 =	sld [smem:$0x3FB4];
	_ =	sdelay $0x3  }
0x33: {  	p0 =	seq.s32 s10, $0x1;
	s10 =	sld [smem:$0x3FB6];
	_ =	sdelay $0x3  }
0x34: {  	[smem:$0x3FB6] =	sst s10  }
0x35: {  	s10 =	sld [smem:$0x3FB5];
	_ =	sdelay $0x3  }
0x36: {  	p1 =	seq.s32 s10, $0x1;
	s10 =	sld [smem:$0x3FB6];
	_ =	sdelay $0x3  }
0x37: {  	[smem:$0x3FB6] =	sst s10  }
0x38: {  	s10 =	sld [smem:$0x3FB7]  }
0x39: {  	_ = 	snop;
	(pc) =	sbr.ind lr, $3  }
0x3a: {  	_ = 	snop  }
0x3b: {  	_ = 	snop  }
0x3c: {  	p2 =	seq.s32 s10, $0x1;
	s10 =	sld [smem:$0x3FB6]  }
0x3d: {  	_ =	shalt  }
0x3e: {  	_ =	shalt  }
0x3f: {  	_ =	shalt  }
0x40: {  	_ =	shalt  }
0x41: {  	_ =	shalt  }
0x42: {  	_ =	shalt  }
0x43: {  	_ =	shalt  }
0x44: {  	_ =	shalt  }
0x45: {  	_ =	shalt  }
0x46: {  	_ =	shalt  }
0x47: {  	_ =	shalt  }
0x48: {  	_ =	shalt  }
0x49: {  	_ =	shalt  }
0x4a: {  	_ =	shalt  }
0x4b: {  	_ =	shalt  }
0x4c: {  	_ =	shalt  }
0x4d: {  	_ =	shalt  }
0x4e: {  	_ =	shalt  }
0x4f: {  	_ =	shalt  }
0x50: {  	_ =	shalt  }
0x51: {  	_ =	shalt  }
0x52: {  	_ =	shalt  }
0x53: {  	_ =	shalt  }
0x54: {  	_ =	shalt  }
0x55: {  	_ =	shalt  }
0x56: {  	_ =	shalt  }
0x57: {  	_ =	shalt  }
0x58: {  	_ =	shalt  }
0x59: {  	_ =	shalt  }
0x5a: {  	_ =	shalt  }
0x5b: {  	_ =	shalt  }
0x5c: {  	_ =	shalt  }
0x5d: {  	_ =	shalt  }
0x5e: {  	_ =	shalt  }
0x5f: {  	_ =	shalt  }
0x60: {  	_ =	shalt  }
0x61: {  	_ =	shalt  }
0x62: {  	_ =	shalt  }
0x63: {  	_ =	shalt  }
0x64: {  	_ =	shalt  }
0x65: {  	_ =	shalt  }
0x66: {  	_ =	shalt  }
0x67: {  	_ =	shalt  }
0x68: {  	_ =	shalt  }
0x69: {  	_ =	shalt  }
0x6a: {  	_ =	shalt  }
0x6b: {  	_ =	shalt  }
0x6c: {  	_ =	shalt  }
0x6d: {  	_ =	shalt  }
0x6e: {  	_ =	shalt  }
0x6f: {  	_ =	shalt  }
0x70: {  	_ =	shalt  }
0x71: {  	_ =	shalt  }
0x72: {  	_ =	shalt  }
0x73: {  	_ =	shalt  }
0x74: {  	_ =	shalt  }
0x75: {  	_ =	shalt  }
0x76: {  	_ =	shalt  }
0x77: {  	_ =	shalt  }
0x78: {  	_ =	shalt  }
0x79: {  	_ =	shalt  }
0x7a: {  	_ =	shalt  }
0x7b: {  	_ =	shalt  }
0x7c: {  	_ =	shalt  }
0x7d: {  	_ =	shalt  }
0x7e: {  	_ =	shalt  }
0x7f: {  	_ =	shalt  }
0x80: {  	_ =	shalt  }
0x81: {  	_ =	shalt  }
0x82: {  	_ =	shalt  }
0x83: {  	_ =	shalt  }
0x84: {  	_ =	shalt  }
0x85: {  	_ =	shalt  }
0x86: {  	_ =	shalt  }
0x87: {  	_ =	shalt  }
.Lfunc_end0:
.L_simem_size_0:
called_computation_lowered:
.L_overlay_start_0:
0x88: {  	s2 =	sld [smem:$0x3FD9]  }
0x89: {  	s3 =	sld [smem:$0x3FFE];
	_ =	sdelay $0x1  }
0x8a: {  	s1 =	srdreg.scid  }
0x8b: {  	s0 =	sand.u32 $0x1, s1  }
0x8c: {  	s17 =	sshll.u32 s0, $0xA;
	s2 =	sadd.s32 s3, s2  }
0x8d: {  	s2 =	sadd.s32 s2, s17  }
0x8e: {  	[smem:$0x3FC2] =	sst s2  }
0x8f: {  	_ = 	snop  }
0x90: {  	s2 =	sld [smem:$0x3FD0];
	(tm) =	ssettm $0x1  }
0x91: {  	s18 =	sld [smem:$0x3FFB];
	_ =	sdelay $0x3  }
0x92: {  	_ =	strace s18  }
0x93: {  	s3 =	sld [smem:$0x3FFC];
	_ =	sdelay $0x3  }
0x94: {  	_ =	strace s3  }
0x95: {  	s3 =	sld [smem:$0x3FFD];
	_ =	sdelay $0x3  }
0x96: {  	_ =	strace s3  }
0x97: {  	_ =	strace $0x8FFFFFFF  }
0x98: {  	s19 =	sld [smem:$0x3FDB];
	_ =	sdelay $0x1  }
0x99: {  	s4 =	simm.s32 $_scs_section_size  }
0x9a: {  	s5 =	simm.s32 $_size__tile_overlayer_lowered;
	s6 =	simm.s32 $_tile_overlayer_lowered  }
0x9b: {  	s22 =	simm.s32 $0x1BFF;
	s21 =	sshll.u32 s6, $0x1;
	s3 =	sadd.s32 s4, s19  }
0x9c: {  	s7 =	simm.s32 $0x0;
	s20 =	sshll.u32 s5, $0x1;
	s5 =	sadd.s32 s21, s3  }
0x9d: {  	[timem:s7], [sflag:s22] =	dma.local [hbm:s5], s20  }
0x9e: {  	_ =	swait.ge [sflag:s22], s20  }
0x9f: {  	s4 =	ssub.s32 $0x0, s20;
	[sflag:s22] =	ssyncset.done $0x0  }
0xa0: {  	[sflag:s22] =	ssyncadd.s32 s4;
	_ =	sdelay $0x1  }
0xa1: {  	s23 =	simm.s32 $0x1B8B  }
0xa2: {  	_ =	swait.ge [sflag:s23], $0x1  }
0xa3: {  	[sflag:s23] =	ssyncset.done $0x0  }
0xa4: {  	s25 =	simm.s32 $0x1B8E;
	s24 =	sld [smem:$0x3FFE];
	[sflag:s23] =	ssyncadd.s32 $0xFFFFFFFF  }
0xa5: {  	s26 =	simm.s32 $execute0_lowered;
	[smem:$0x3FD2] =	sst s25  }
0xa6: {  	s5 =	sshll.u32 s26, $0x1;
	_ =	strace $0x80000046;
	[dreg:$0x1] =	wrdreg $0xFFFFFFFF  }
0xa7: {  	s28 =	simm.s32 $_size_execute0_lowered;
	s3 =	sadd.s32 s3, s5;
	[dreg:$0x0] =	wrdreg $0x0  }
0xa8: {  	s5 =	sshll.u32 s28, $0x1;
	[dreg:$0x2] =	wrdreg s3  }
0xa9: {  	[dreg:$0x3] =	wrdreg s5  }
0xaa: {  	[dreg:$0x4] =	wrdreg $0xC0  }
0xab: {  	_ =	task [dreg:s7], $0x5FFFF  }
0xac: {  	[dreg:$0x1] =	wrdreg $0xFFFFFFFF  }
0xad: {  	[dreg:$0x0] =	wrdreg $0x60  }
0xae: {  	[dreg:$0x2] =	wrdreg s24  }
0xaf: {  	[dreg:$0x3] =	wrdreg s2  }
0xb0: {  	[dreg:$0x4] =	wrdreg $0x9  }
0xb1: {  	_ =	task.clear_ibuf [dreg:s7], $0x5FFFF;
	_ =	strace $0x90000046  }
0xb2: {  	s29 =	simm.s32 $0x9;
	_ =	strace $0x80000048  }
0xb3: {  	_ =	swait.ge [sflag:s29], $0x1  }
0xb4: {  	[sflag:s29] =	ssyncadd.s32 $0xFFFFFFFF  }
0xb5: {  	_ =	strace $0x90000048  }
0xb6: {  	_ =	sfence  }
0xb7: {  	s30 =	sld [smem:$0x0];
	_ =	sdelay $0x2  }
0xb8: {  	s31 =	sshll.u32 s1, $0xD;
	s1 =	sshrl.u32 s1, $0x2  }
0xb9: {  	s3 =	sand.u32 $0x4000, s31;
	s1 =	sadd.s32 s1, s30  }
0xba: {  	s0 =	sor.u32 s3, s0;
	s1 =	sshll.u32 s1, $0x11  }
0xbb: {  	s0 =	sor.u32 s1, s0  }
0xbc: {  	s0 =	sadd.s32 $0x8F2B, s0  }
0xbd: {  	[sflag:s0] =	ssyncadd.remote.s32 $0x1  }
0xbe: {  	_ =	sfence.sel $0xFFFF  }
0xbf: {  	[dreg:$0x0] =	wrdreg $0xFFFFFFFF;
	(pc) =	sbr.abs _section_cstart, $3  }
0xc0: {  	[dreg:$0x1] =	wrdreg $0xFFFFFFFF  }
0xc1: {  	_ =	task.clear_ibuf [dreg:s7], $0x2FFFF;
	_ =	strace $0x9FFFFFFF  }
0xc2: {  	(tm) =	ssettm $0x7FFFFFFF  }
0xc3: {  	_ =	shalt  }
tec
execute0_lowered:
.L_overlay_start_1:
0x0: {  	(tag) =	ssettag $0x1  }
0x1: {  	s0 =	srdreg.scid;
	s3 =	rddreg [dreg:$0x0]  }
0x2: {  	s13 =	rddreg [dreg:$0x1];
	s1 =	stileid.u32;
	s2 =	simm.s32 $0x0  }
0x3: {  	s18 =	simm.s32 $0x1000;
	s19 =	simm.s32 $0x3000;
	s20 =	simm.s32 $0x2000  }
0x4: {  	s21 =	simm.s32 $0x0;
	s4 =	sand.u32 $0x1, s0;
	s0 =	rddreg [dreg:$0x2]  }
0x5: {  	[smem:$0x7FF] =	sst s2;
	s12 =	sadd.s32 $0x2000, s3;
	s5 =	sshll.u32 s4, $0x4  }
0x6: {  	s14 =	sadd.s32 $0x1BE00, s3;
	s4 =	ssub.s32 $0x2, s4;
	s5 =	sor.u32 s1, s5  }
0x7: {  	_ =	strace $0x80000047;
	s31 =	sshrl.u32 s4, $0x1;
	s10 =	sshll.u32 s5, $0xB  }
0x8: {  	s6 =	smul.u32 $0x4E2, s5;
	s16 =	ssub.s32 s4, s31;
	s4 =	sadd.s32 s13, s10  }
0x9: {  	s5 =	sadd.s32 s14, s10;
	s8 =	sor.u32 $0x200, s10;
	s11 =	sor.u32 $0x400, s10  }
0xa: {  	s17 =	sor.u32 $0x600, s10;
	s16 =	smax.u32 s16, $0x1;
	s15 =	sadd.s32 s6, s3  }
0xb: {  	s3 =	sadd.s32 s12, s10;
	s6 =	sadd.s32 s12, s8;
	s7 =	sadd.s32 s13, s8  }
0xc: {  	s8 =	sadd.s32 s14, s8;
	s9 =	sadd.s32 s12, s11;
	s10 =	sadd.s32 s13, s11  }
0xd: {  	s11 =	sadd.s32 s14, s11;
	s12 =	sadd.s32 s12, s17;
	s13 =	sadd.s32 s13, s17  }
0xe: {  	v0 =	vimm.f32 $0.0e+00;
	v1 =	vimm.f32 $1.000000000e+00;
	s14 =	sadd.s32 s14, s17;
	s17 =	simm.s32 $0x1;
	s15 =	sadd.s32 $0x12000, s15  }
.LBB2_1:
0xf: {  	s22 =	simm.s32 $0x40;
	s23 =	simm.s32 $0x0  }
.LBB2_2:
0x10: {  	p0 =	sne.s32 s22, $0x9C00;
	[tilespmem:s23+$0x3000] =	vst v0;
	s23 =	smov.u32 s22;
	s22 =	sadd.s32 $0x40, s22  }
.Ltmp0:
0x11: {  	(pc) =	sbr.rel @p0 .LBB2_2-.Ltmp0, $2  }
0x12: {  	_ =	sdelay $0x2  }
0x13: {  	s23 =	sshra.s32 s23, $0x2  }
0x14: {  	[tilespmem:s23+$0x3000] =	vst v0;
	s22 =	simm.s32 $0x0  }
0x15: {  	[tilespmem:s22], [sflag:$0x1] =	stream.linear.gather [hbm4b:s3+s22], $0x1000, $0x38;
	[tilespmem:$0x5780] =	vst v63  }
0x16: {  	s30 =	smul.u32 $0xCD, s22  }
0x17: {  	_ =	swait.ge [sflag:s17], $0x1000  }
0x18: {  	[sflag:s17] =	ssyncset.done $0x0;
	s24 =	sshrl.u32 s30, $0xA  }
0x19: {  	[sflag:s17] =	ssyncadd.s32 $0xFFFFF000;
	s24 =	smul.u32 $0x5, s24  }
0x1a: {  	[tilespmem:s18], [sflag:$0x1] =	stream.linear.gather [hbm4b:s4+s22], $0x1000, $0x38;
	[tilespmem:$0x5780] =	vst v63  }
0x1b: {  	s31 =	ssub.s32 $0x0, s24  }
0x1c: {  	s23 =	sshrl.u32 s30, $0x3;
	_ =	swait.ge [sflag:s17], $0x1000;
	s22 =	sshll.u32 s31, $0x4  }
0x1d: {  	s23 =	sand.u32 $0x1F80, s23;
	[sflag:s17] =	ssyncset.done $0x0;
	s22 =	sand.u32 $0xF0, s22  }
0x1e: {  	[sflag:s17] =	ssyncadd.s32 $0xFFFFF000;
	s22 =	sor.u32 s22, s23  }
0x1f: {  	v2 =	vld [tilespmem:s22+$0x1000]  }
0x20: {  	v3 =	vld [tilespmem:s22+$0x0];
	_ =	sdelay $0x1  }
0x21: {  	s23 =	simm.s32 $0x1  }
0x22: {  	s25 =	smul.u32 $0xCD, s23;
	_ =	sdelay $0x1  }
0x23: {  	s24 =	simm.s32 $0x2;
	s26 =	sshrl.u32 s25, $0xA;
	vm0 =	vne.s32 v3, v2  }
.LBB2_4:
0x24: {  	p0 =	sne.s32 s24, $0x9F;
	s26 =	smul.u32 $0x5, s26;
	_ =	sdelay $0x1  }
0x25: {  	s26 =	ssub.s32 s23, s26;
	s23 =	smov.u32 s24  }
0x26: {  	s25 =	sshrl.u32 s25, $0x3;
	s26 =	sshll.u32 s26, $0x4  }
0x27: {  	s25 =	sand.u32 $0x1F80, s25;
	s26 =	sand.u32 $0xF0, s26  }
0x28: {  	s25 =	sor.u32 s26, s25;
	[tilespmem:v3+s19+$0x0] =	vst.idx.add.f32.msk vm0, v1;
	v3 =	vnsel vm0, $0x2710, v2  }
0x29: {  	v2 =	vld [tilespmem:s25+$0x1000];
	[tilespmem:s22+$0x2000] =	vst v3;
	s22 =	smov.u32 s25  }
0x2a: {  	v3 =	vld [tilespmem:s22+$0x0]  }
.Ltmp1:
0x2b: {  	(pc) =	sbr.rel @p0 .LBB2_4-.Ltmp1, $3  }
0x2c: {  	_ = 	snop  }
0x2d: {  	s25 =	smul.u32 $0xCD, s24;
	_ =	sdelay $0x1  }
0x2e: {  	s24 =	sadd.s32 $0x1, s24;
	s26 =	sshrl.u32 s25, $0xA;
	vm0 =	vne.s32 v3, v2  }
0x2f: {  	s24 =	smul.u32 $0x5, s26;
	_ =	sdelay $0x1  }
0x30: {  	s23 =	ssub.s32 s23, s24  }
0x31: {  	s26 =	sshrl.u32 s25, $0x3;
	s23 =	sshll.u32 s23, $0x4  }
0x32: {  	s24 =	sand.u32 $0x1F80, s26;
	s23 =	sand.u32 $0xF0, s23  }
0x33: {  	[tilespmem:v3+s19+$0x0] =	vst.idx.add.f32.msk vm0, v1;
	v2 =	vnsel vm0, $0x2710, v2;
	s23 =	sor.u32 s23, s24  }
0x34: {  	v3 =	vld [tilespmem:s23+$0x1000];
	[tilespmem:s22+$0x2000] =	vst v2  }
0x35: {  	v2 =	vld [tilespmem:s23+$0x0];
	_ =	sdelay $0x4  }
0x36: {  	vm0 =	vne.s32 v2, v3;
	_ =	sdelay $0x5  }
0x37: {  	[tilespmem:v2+s19+$0x0] =	vst.idx.add.f32.msk vm0, v1;
	v2 =	vnsel vm0, $0x2710, v3  }
0x38: {  	s28 =	simm.s32 $0x0;
	[tilespmem:s23+$0x2000] =	vst v2  }
0x39: {  	[hbm4b:s5+s28] =	stream.linear.scatter [tilespmem:s20], [sflag:$0x1], $0x1000, $0x38;
	[tilespmem:$0x5780] =	vst v63  }
0x3a: {  	s29 =	smul.u32 $0xCD, s28;
	_ =	swait.ge [sflag:s17], $0x1000  }
0x3b: {  	[sflag:s17] =	ssyncset.done $0x0  }
0x3c: {  	s30 =	sshrl.u32 s29, $0xA;
	[sflag:s17] =	ssyncadd.s32 $0xFFFFF000  }
0x3d: {  	[tilespmem:s28], [sflag:$0x1] =	stream.linear.gather [hbm4b:s6+s28], $0x1000, $0x38;
	[tilespmem:$0x5780] =	vst v63  }
0x3e: {  	s24 =	smul.u32 $0x5, s30;
	_ =	swait.ge [sflag:s17], $0x1000  }
0x3f: {  	[sflag:s17] =	ssyncset.done $0x0  }
0x40: {  	s31 =	ssub.s32 $0x0, s24;
	[sflag:s17] =	ssyncadd.s32 $0xFFFFF000  }
0x41: {  	[tilespmem:s18], [sflag:$0x1] =	stream.linear.gather [hbm4b:s7+s28], $0x1000, $0x38;
	[tilespmem:$0x5780] =	vst v63  }
0x42: {  	s22 =	sshll.u32 s31, $0x4;
	s23 =	sshrl.u32 s29, $0x3;
	_ =	swait.ge [sflag:s17], $0x1000  }
0x43: {  	s22 =	sand.u32 $0xF0, s22;
	s23 =	sand.u32 $0x1F80, s23;
	[sflag:s17] =	ssyncset.done $0x0  }
0x44: {  	s22 =	sor.u32 s22, s23;
	[sflag:s17] =	ssyncadd.s32 $0xFFFFF000  }
0x45: {  	v2 =	vld [tilespmem:s22+$0x1000]  }
0x46: {  	v3 =	vld [tilespmem:s22+$0x0];
	_ =	sdelay $0x1  }
0x47: {  	s23 =	simm.s32 $0x1  }
0x48: {  	s25 =	smul.u32 $0xCD, s23;
	_ =	sdelay $0x1  }
0x49: {  	s24 =	simm.s32 $0x2;
	s26 =	sshrl.u32 s25, $0xA;
	vm0 =	vne.s32 v3, v2  }
.LBB2_6:
0x4a: {  	p0 =	sne.s32 s24, $0x9F;
	s26 =	smul.u32 $0x5, s26;
	_ =	sdelay $0x1  }
0x4b: {  	s26 =	ssub.s32 s23, s26;
	s23 =	smov.u32 s24  }
0x4c: {  	s25 =	sshrl.u32 s25, $0x3;
	s26 =	sshll.u32 s26, $0x4  }
0x4d: {  	s25 =	sand.u32 $0x1F80, s25;
	s26 =	sand.u32 $0xF0, s26  }
0x4e: {  	s25 =	sor.u32 s26, s25;
	[tilespmem:v3+s19+$0x0] =	vst.idx.add.f32.msk vm0, v1;
	v3 =	vnsel vm0, $0x2710, v2  }
0x4f: {  	v2 =	vld [tilespmem:s25+$0x1000];
	[tilespmem:s22+$0x2000] =	vst v3;
	s22 =	smov.u32 s25  }
0x50: {  	v3 =	vld [tilespmem:s22+$0x0]  }
.Ltmp2:
0x51: {  	(pc) =	sbr.rel @p0 .LBB2_6-.Ltmp2, $3  }
0x52: {  	_ = 	snop  }
0x53: {  	s25 =	smul.u32 $0xCD, s24;
	_ =	sdelay $0x1  }
0x54: {  	s24 =	sadd.s32 $0x1, s24;
	s26 =	sshrl.u32 s25, $0xA;
	vm0 =	vne.s32 v3, v2  }
0x55: {  	s24 =	smul.u32 $0x5, s26;
	_ =	sdelay $0x1  }
0x56: {  	s23 =	ssub.s32 s23, s24  }
0x57: {  	s26 =	sshrl.u32 s25, $0x3;
	s23 =	sshll.u32 s23, $0x4  }
0x58: {  	s24 =	sand.u32 $0x1F80, s26;
	s23 =	sand.u32 $0xF0, s23  }
0x59: {  	[tilespmem:v3+s19+$0x0] =	vst.idx.add.f32.msk vm0, v1;
	v2 =	vnsel vm0, $0x2710, v2;
	s23 =	sor.u32 s23, s24  }
0x5a: {  	v3 =	vld [tilespmem:s23+$0x1000];
	[tilespmem:s22+$0x2000] =	vst v2  }
0x5b: {  	v2 =	vld [tilespmem:s23+$0x0];
	_ =	sdelay $0x4  }
0x5c: {  	vm0 =	vne.s32 v2, v3;
	_ =	sdelay $0x5  }
0x5d: {  	[tilespmem:v2+s19+$0x0] =	vst.idx.add.f32.msk vm0, v1;
	v2 =	vnsel vm0, $0x2710, v3  }
0x5e: {  	s28 =	simm.s32 $0x0;
	[tilespmem:s23+$0x2000] =	vst v2  }
0x5f: {  	[hbm4b:s8+s28] =	stream.linear.scatter [tilespmem:s20], [sflag:$0x1], $0x1000, $0x38;
	[tilespmem:$0x5780] =	vst v63  }
0x60: {  	s29 =	smul.u32 $0xCD, s28;
	_ =	swait.ge [sflag:s17], $0x1000  }
0x61: {  	[sflag:s17] =	ssyncset.done $0x0  }
0x62: {  	s30 =	sshrl.u32 s29, $0xA;
	[sflag:s17] =	ssyncadd.s32 $0xFFFFF000  }
0x63: {  	[tilespmem:s28], [sflag:$0x1] =	stream.linear.gather [hbm4b:s9+s28], $0x1000, $0x38;
	[tilespmem:$0x5780] =	vst v63  }
0x64: {  	s24 =	smul.u32 $0x5, s30;
	_ =	swait.ge [sflag:s17], $0x1000  }
0x65: {  	[sflag:s17] =	ssyncset.done $0x0  }
0x66: {  	s31 =	ssub.s32 $0x0, s24;
	[sflag:s17] =	ssyncadd.s32 $0xFFFFF000  }
0x67: {  	[tilespmem:s18], [sflag:$0x1] =	stream.linear.gather [hbm4b:s10+s28], $0x1000, $0x38;
	[tilespmem:$0x5780] =	vst v63  }
0x68: {  	s22 =	sshll.u32 s31, $0x4;
	s23 =	sshrl.u32 s29, $0x3;
	_ =	swait.ge [sflag:s17], $0x1000  }
0x69: {  	s22 =	sand.u32 $0xF0, s22;
	s23 =	sand.u32 $0x1F80, s23;
	[sflag:s17] =	ssyncset.done $0x0  }
0x6a: {  	s22 =	sor.u32 s22, s23;
	[sflag:s17] =	ssyncadd.s32 $0xFFFFF000  }
0x6b: {  	v2 =	vld [tilespmem:s22+$0x1000]  }
0x6c: {  	v3 =	vld [tilespmem:s22+$0x0];
	_ =	sdelay $0x1  }
0x6d: {  	s23 =	simm.s32 $0x1  }
0x6e: {  	s25 =	smul.u32 $0xCD, s23;
	_ =	sdelay $0x1  }
0x6f: {  	s24 =	simm.s32 $0x2;
	s26 =	sshrl.u32 s25, $0xA;
	vm0 =	vne.s32 v3, v2  }
.LBB2_8:
0x70: {  	p0 =	sne.s32 s24, $0x9F;
	s26 =	smul.u32 $0x5, s26;
	_ =	sdelay $0x1  }
0x71: {  	s26 =	ssub.s32 s23, s26;
	s23 =	smov.u32 s24  }
0x72: {  	s25 =	sshrl.u32 s25, $0x3;
	s26 =	sshll.u32 s26, $0x4  }
0x73: {  	s25 =	sand.u32 $0x1F80, s25;
	s26 =	sand.u32 $0xF0, s26  }
0x74: {  	s25 =	sor.u32 s26, s25;
	[tilespmem:v3+s19+$0x0] =	vst.idx.add.f32.msk vm0, v1;
	v3 =	vnsel vm0, $0x2710, v2  }
0x75: {  	v2 =	vld [tilespmem:s25+$0x1000];
	[tilespmem:s22+$0x2000] =	vst v3;
	s22 =	smov.u32 s25  }
0x76: {  	v3 =	vld [tilespmem:s22+$0x0]  }
.Ltmp3:
0x77: {  	(pc) =	sbr.rel @p0 .LBB2_8-.Ltmp3, $3  }
0x78: {  	_ = 	snop  }
0x79: {  	s25 =	smul.u32 $0xCD, s24;
	_ =	sdelay $0x1  }
0x7a: {  	s24 =	sadd.s32 $0x1, s24;
	s26 =	sshrl.u32 s25, $0xA;
	vm0 =	vne.s32 v3, v2  }
0x7b: {  	s24 =	smul.u32 $0x5, s26;
	_ =	sdelay $0x1  }
0x7c: {  	s23 =	ssub.s32 s23, s24  }
0x7d: {  	s26 =	sshrl.u32 s25, $0x3;
	s23 =	sshll.u32 s23, $0x4  }
0x7e: {  	s24 =	sand.u32 $0x1F80, s26;
	s23 =	sand.u32 $0xF0, s23  }
0x7f: {  	[tilespmem:v3+s19+$0x0] =	vst.idx.add.f32.msk vm0, v1;
	v2 =	vnsel vm0, $0x2710, v2;
	s23 =	sor.u32 s23, s24  }
0x80: {  	v3 =	vld [tilespmem:s23+$0x1000];
	[tilespmem:s22+$0x2000] =	vst v2  }
0x81: {  	v2 =	vld [tilespmem:s23+$0x0];
	_ =	sdelay $0x4  }
0x82: {  	vm0 =	vne.s32 v2, v3;
	_ =	sdelay $0x5  }
0x83: {  	[tilespmem:v2+s19+$0x0] =	vst.idx.add.f32.msk vm0, v1;
	v2 =	vnsel vm0, $0x2710, v3  }
0x84: {  	s28 =	simm.s32 $0x0;
	[tilespmem:s23+$0x2000] =	vst v2  }
0x85: {  	[hbm4b:s11+s28] =	stream.linear.scatter [tilespmem:s20], [sflag:$0x1], $0x1000, $0x38;
	[tilespmem:$0x5780] =	vst v63  }
0x86: {  	s29 =	smul.u32 $0xCD, s28;
	_ =	swait.ge [sflag:s17], $0x1000  }
0x87: {  	[sflag:s17] =	ssyncset.done $0x0  }
0x88: {  	s30 =	sshrl.u32 s29, $0xA;
	[sflag:s17] =	ssyncadd.s32 $0xFFFFF000  }
0x89: {  	[tilespmem:s28], [sflag:$0x1] =	stream.linear.gather [hbm4b:s12+s28], $0x1000, $0x38;
	[tilespmem:$0x5780] =	vst v63  }
0x8a: {  	s24 =	smul.u32 $0x5, s30;
	_ =	swait.ge [sflag:s17], $0x1000  }
0x8b: {  	[sflag:s17] =	ssyncset.done $0x0  }
0x8c: {  	s31 =	ssub.s32 $0x0, s24;
	[sflag:s17] =	ssyncadd.s32 $0xFFFFF000  }
0x8d: {  	[tilespmem:s18], [sflag:$0x1] =	stream.linear.gather [hbm4b:s13+s28], $0x1000, $0x38;
	[tilespmem:$0x5780] =	vst v63  }
0x8e: {  	s22 =	sshll.u32 s31, $0x4;
	s23 =	sshrl.u32 s29, $0x3;
	_ =	swait.ge [sflag:s17], $0x1000  }
0x8f: {  	s22 =	sand.u32 $0xF0, s22;
	s23 =	sand.u32 $0x1F80, s23;
	[sflag:s17] =	ssyncset.done $0x0  }
0x90: {  	s22 =	sor.u32 s22, s23;
	[sflag:s17] =	ssyncadd.s32 $0xFFFFF000  }
0x91: {  	v2 =	vld [tilespmem:s22+$0x1000]  }
0x92: {  	v3 =	vld [tilespmem:s22+$0x0];
	_ =	sdelay $0x1  }
0x93: {  	s23 =	simm.s32 $0x1  }
0x94: {  	s25 =	smul.u32 $0xCD, s23;
	_ =	sdelay $0x1  }
0x95: {  	s24 =	simm.s32 $0x2;
	s26 =	sshrl.u32 s25, $0xA;
	vm0 =	vne.s32 v3, v2  }
.LBB2_10:
0x96: {  	p0 =	sne.s32 s24, $0x9F;
	s26 =	smul.u32 $0x5, s26;
	_ =	sdelay $0x1  }
0x97: {  	s26 =	ssub.s32 s23, s26;
	s23 =	smov.u32 s24  }
0x98: {  	s25 =	sshrl.u32 s25, $0x3;
	s26 =	sshll.u32 s26, $0x4  }
0x99: {  	s25 =	sand.u32 $0x1F80, s25;
	s26 =	sand.u32 $0xF0, s26  }
0x9a: {  	s25 =	sor.u32 s26, s25;
	[tilespmem:v3+s19+$0x0] =	vst.idx.add.f32.msk vm0, v1;
	v3 =	vnsel vm0, $0x2710, v2  }
0x9b: {  	v2 =	vld [tilespmem:s25+$0x1000];
	[tilespmem:s22+$0x2000] =	vst v3;
	s22 =	smov.u32 s25  }
0x9c: {  	v3 =	vld [tilespmem:s22+$0x0]  }
.Ltmp4:
0x9d: {  	(pc) =	sbr.rel @p0 .LBB2_10-.Ltmp4, $3  }
0x9e: {  	_ = 	snop  }
0x9f: {  	s25 =	smul.u32 $0xCD, s24;
	_ =	sdelay $0x1  }
0xa0: {  	s24 =	sadd.s32 $0x1, s24;
	s26 =	sshrl.u32 s25, $0xA;
	vm0 =	vne.s32 v3, v2  }
0xa1: {  	s24 =	smul.u32 $0x5, s26;
	_ =	sdelay $0x1  }
0xa2: {  	s23 =	ssub.s32 s23, s24  }
0xa3: {  	s31 =	sshrl.u32 s25, $0x3;
	s23 =	sshll.u32 s23, $0x4  }
0xa4: {  	s24 =	sand.u32 $0x1F80, s31;
	s23 =	sand.u32 $0xF0, s23  }
0xa5: {  	[tilespmem:v3+s19+$0x0] =	vst.idx.add.f32.msk vm0, v1;
	v2 =	vnsel vm0, $0x2710, v2;
	s23 =	sor.u32 s23, s24  }
0xa6: {  	v3 =	vld [tilespmem:s23+$0x1000];
	[tilespmem:s22+$0x2000] =	vst v2  }
0xa7: {  	v2 =	vld [tilespmem:s23+$0x0];
	_ =	sdelay $0x4  }
0xa8: {  	vm15 =	vne.s32 v2, v3;
	_ =	sdelay $0x5  }
0xa9: {  	[tilespmem:v2+s19+$0x0] =	vst.idx.add.f32.msk vm15, v1;
	v2 =	vnsel vm15, $0x2710, v3  }
0xaa: {  	[tilespmem:s23+$0x2000] =	vst v2  }
0xab: {  	[hbm4b:s14+s2] =	stream.linear.scatter [tilespmem:s20], [sflag:$0x1], $0x1000, $0x38;
	[tilespmem:$0x5780] =	vst v63  }
0xac: {  	s21 =	sadd.s32 $0x1, s21;
	_ =	swait.ge [sflag:s17], $0x1000  }
0xad: {  	p0 =	sne.s32 s21, s16;
	[sflag:s17] =	ssyncset.done $0x0  }
.Ltmp5:
0xae: {  	[sflag:s17] =	ssyncadd.s32 $0xFFFFF000;
	(pc) =	sbr.rel @p0 .LBB2_1-.Ltmp5, $4  }
0xaf: {  	[hbm4b:s15+s2] =	stream.linear.scatter [tilespmem:s19], [sflag:$0x1], $0x2710, $0x38;
	[tilespmem:$0x5780] =	vst v63  }
0xb0: {  	_ =	swait.ge [sflag:s17], $0x2710  }
0xb1: {  	[sflag:s17] =	ssyncset.done $0x0  }
0xb2: {  	[sflag:s17] =	ssyncadd.s32 $0xFFFFD8F0  }
0xb3: {  	_ =	sfence.sel $0x180000  }
0xb4: {  	[bflag:$0x0] =	sbarrier.arrive $0xFFFF  }
0xb5: {  	p0 =	sne.s32 s1, $0x0;
	_ =	strace $0x90000047  }
0xb6: {  	s0 =	sadd.s32 @!p0 $0x100000, s0;
	[bflag:$0x2] =	sbarrier.arrive $0xFFFF  }
0xb7: {  	[sflag:s0] =	ssyncadd.tile.s32 @!p0 $0x1;
	_ =	shalt  }
.Lfunc_end2:
_tile_overlayer_lowered:
.L_overlay_start_2:
0xb8: {  	(tag) =	ssettag $0x2  }
0xb9: {  	s0 =	rddreg [dreg:$0x0];
	s2 =	stileid.u32  }
0xba: {  	s1 =	rddreg [dreg:$0x1];
	p0 =	sne.s32 s2, $0x0  }
0xbb: {  	s3 =	rddreg [dreg:$0x2];
	[bflag:$0x3] =	sbarrier.arrive $0xFFFF;
	s2 =	simm.s32 @!p0 $0x1C01  }
0xbc: {  	[timem:s3], [sflag:s2] =	dma.local @!p0 [hbm:s0], s1  }
0xbd: {  	s0 =	simm.s32 @!p0 $0x1  }
0xbe: {  	_ =	swait.ge @!p0 [sflag:s0], s1  }
0xbf: {  	s1 =	ssub.s32 @!p0 $0x0, s1;
	[sflag:s0] =	ssyncset.done @!p0 $0x0  }
0xc0: {  	[sflag:s0] =	ssyncadd.s32 @!p0 s1  }
0xc1: {  	[bflag:$0x3] =	sbarrier.arrive $0xFFFF  }
0xc2: {  	_ =	shalt  }

</sc_bundles>
